<compile_context>
chip_gen: v7x
topology: tpu7x:2x2x1
jax: 0.10.2.dev20260603
libtpu: 0.0.44.dev20260713+nightly
codegen_flags: <defaults>
</compile_context>

<pallas_src>
import functools

import jax
import jax.numpy as jnp
from jax import lax
from jax.experimental import pallas as pl
from jax.experimental.pallas import tpu as pltpu, tpu_sc as plsc

N = 10000
E = 320000
D = 128
NC = 2
NS = 16
NW = NC * NS
EPW = E // NW
CH = 100
NCHUNK = EPW // CH
CHC = 125
NCHUNKC = EPW // CHC
RPS = 624
REM = N - NS * RPS
BS = 1000

_HI = jax.lax.Precision.DEFAULT


def _dot_t(a, w):
    return jax.lax.dot_general(a, w, (((1,), (1,)), ((), ())),
                               preferred_element_type=jnp.float32,
                               precision=_HI)



def _stripe_copy(src_fn, dst_fn, s):
    pltpu.sync_copy(src_fn(0, RPS, s * RPS), dst_fn(0, RPS, s * RPS))

    @pl.when(s == NS - 1)
    def _rem():
        pltpu.sync_copy(src_fn(1, REM, NS * RPS), dst_fn(1, REM, NS * RPS))


def _sc_agg_body(x_hbm, src_hbm, dst_hbm, zf_hbm, p_hbm,
                 sidx_v, dbuf0_v, dbuf1_v, rows0_v, rows1_v,
                 sem0, sem1, isem0, isem1, zsem, acc_sh):
    c = lax.axis_index("c")
    s = lax.axis_index("s")
    wid = c * NS + s

    pltpu.async_copy(zf_hbm.at[pl.ds(0, RPS)],
                     acc_sh.at[pl.ds(s * RPS, RPS)], zsem)

    @pl.when(s == NS - 1)
    def _zero_rem():
        pltpu.async_copy(zf_hbm.at[pl.ds(0, REM)],
                         acc_sh.at[pl.ds(NS * RPS, REM)], zsem)

    pltpu.sync_copy(src_hbm.at[wid], sidx_v)

    def _g_start(j, buf, sem):
        pltpu.async_copy(x_hbm.at[sidx_v.at[j]], buf, sem)

    def _g_wait(j, buf, sem):
        pltpu.make_async_copy(x_hbm.at[sidx_v.at[j]], buf, sem).wait()

    def _i_start(j, buf, sem):
        pltpu.async_copy(dst_hbm.at[wid, j], buf, sem)

    def _i_wait(j, buf, sem):
        pltpu.make_async_copy(dst_hbm.at[wid, j], buf, sem).wait()

    pltpu.sync_copy(dst_hbm.at[wid, 0], dbuf0_v)
    _g_start(0, rows0_v, sem0)

    pltpu.make_async_copy(zf_hbm.at[pl.ds(0, RPS)],
                          acc_sh.at[pl.ds(s * RPS, RPS)], zsem).wait()

    @pl.when(s == NS - 1)
    def _zero_rem_wait():
        pltpu.make_async_copy(zf_hbm.at[pl.ds(0, REM)],
                              acc_sh.at[pl.ds(NS * RPS, REM)], zsem).wait()
    plsc.subcore_barrier()

    def _scatter(rows, dbuf):
        pltpu.sync_copy(rows, acc_sh.at[dbuf.at[0]], add=True)

    def _pair(j2, carry):
        e = 2 * j2
        _g_start(e + 1, rows1_v, sem1)
        _i_start(e + 1, dbuf1_v, isem1)
        _g_wait(e, rows0_v, sem0)
        _scatter(rows0_v, dbuf0_v)
        _g_start(e + 2, rows0_v, sem0)
        _i_start(e + 2, dbuf0_v, isem0)
        _g_wait(e + 1, rows1_v, sem1)
        _i_wait(e + 1, dbuf1_v, isem1)
        _scatter(rows1_v, dbuf1_v)
        _i_wait(e + 2, dbuf0_v, isem0)
        return carry
    lax.fori_loop(0, NCHUNK // 2 - 1, _pair, 0)

    e = NCHUNK - 2
    _g_start(e + 1, rows1_v, sem1)
    _i_start(e + 1, dbuf1_v, isem1)
    _g_wait(e, rows0_v, sem0)
    _scatter(rows0_v, dbuf0_v)
    _g_wait(e + 1, rows1_v, sem1)
    _i_wait(e + 1, dbuf1_v, isem1)
    _scatter(rows1_v, dbuf1_v)
    plsc.subcore_barrier()

    _stripe_copy(lambda r, n, o: acc_sh.at[pl.ds(o, n)],
                 lambda r, n, o: p_hbm.at[pl.ds(c * N + o, n)], s)


def _sc_cnt_body(dst_hbm, zc_hbm, ones_hbm, cp_hbm, didx_v, ones_v, cacc_sh):
    c = lax.axis_index("c")
    s = lax.axis_index("s")
    wid = c * NS + s

    _stripe_copy(lambda r, n, o: zc_hbm.at[pl.ds(0, n)],
                 lambda r, n, o: cacc_sh.at[pl.ds(o, n)], s)
    pltpu.sync_copy(ones_hbm, ones_v)
    plsc.subcore_barrier()

    pltpu.sync_copy(dst_hbm.at[wid], didx_v)

    def _chunk(j, carry):
        pltpu.sync_copy(ones_v, cacc_sh.at[didx_v.at[j, 0]], add=True)
        return carry
    lax.fori_loop(0, NCHUNKC, _chunk, 0)
    plsc.subcore_barrier()

    _stripe_copy(lambda r, n, o: cacc_sh.at[pl.ds(o, n)],
                 lambda r, n, o: cp_hbm.at[pl.ds(c * N + o, n)], s)


@functools.lru_cache(maxsize=None)
def _sc_kernels():
    mesh = plsc.VectorSubcoreMesh(core_axis_name="c", subcore_axis_name="s",
                                  num_cores=NC, num_subcores=NS)
    sc_pass = pl.kernel(
        _sc_agg_body,
        out_type=jax.ShapeDtypeStruct((NC * N, D), jnp.float32),
        mesh=mesh,
        scratch_types=[
            pltpu.VMEM((NCHUNK, CH), jnp.int32),
            pltpu.VMEM((1, CH), jnp.int32),
            pltpu.VMEM((1, CH), jnp.int32),
            pltpu.VMEM((CH, D), jnp.float32),
            pltpu.VMEM((CH, D), jnp.float32),
            pltpu.SemaphoreType.DMA,
            pltpu.SemaphoreType.DMA,
            pltpu.SemaphoreType.DMA,
            pltpu.SemaphoreType.DMA,
            pltpu.SemaphoreType.DMA,
            pltpu.VMEM_SHARED((N, D), jnp.float32),
        ])
    sc_cnt = pl.kernel(
        _sc_cnt_body,
        out_type=jax.ShapeDtypeStruct((NC * N, D), jnp.float32),
        mesh=mesh,
        scratch_types=[
            pltpu.VMEM((NCHUNKC, 1, CHC), jnp.int32),
            pltpu.VMEM((CHC, D), jnp.float32),
            pltpu.VMEM_SHARED((N, D), jnp.float32),
        ])
    return sc_pass, sc_cnt


def _sc_pass(x, src2d, dst2d, zf):
    return _sc_kernels()[0](x, src2d, dst2d, zf)


def _sc_cnt(dst2d, zc, ones):
    return _sc_kernels()[1](dst2d, zc, ones)



def _layer1_body(h_ref, pt_ref, pb_ref, ct_ref, cb_ref, wl_ref, bl_ref,
                 wr_ref, out_ref, inv_ref):
    cnt = ct_ref[:, 0:1] + cb_ref[:, 0:1]
    inv = 1.0 / jnp.maximum(cnt, 1.0)
    inv_ref[...] = jnp.broadcast_to(inv, (BS, 16))
    agg = (pt_ref[...] + pb_ref[...]) * inv
    acc = _dot_t(agg, wl_ref[...]) + _dot_t(h_ref[...], wr_ref[...])
    acc = acc + bl_ref[...]
    out_ref[...] = jnp.maximum(acc, 0.0)


def _layerN_body(relu, h_ref, pt_ref, pb_ref, inv_ref, wl_ref, bl_ref,
                 wr_ref, out_ref):
    inv = inv_ref[:, 0:1]
    agg = (pt_ref[...] + pb_ref[...]) * inv
    acc = _dot_t(agg, wl_ref[...]) + _dot_t(h_ref[...], wr_ref[...])
    acc = acc + bl_ref[...]
    out_ref[...] = jnp.maximum(acc, 0.0) if relu else acc


def _row_spec(w):
    return pl.BlockSpec((BS, w), lambda i: (i, 0))


def _half_spec(w, lo):
    off = (lo * N) // BS
    return pl.BlockSpec((BS, w), lambda i, o=off: (i + o, 0))


def _w_spec(r, c):
    return pl.BlockSpec((r, c), lambda i: (0, 0))


def _tc_layer1(h, p, cp, wl, bl, wr):
    grid = (N // BS,)
    return pl.pallas_call(
        _layer1_body,
        grid=grid,
        in_specs=[
            _row_spec(D), _half_spec(D, 0), _half_spec(D, 1),
            _half_spec(D, 0), _half_spec(D, 1),
            _w_spec(D, D), _w_spec(1, D), _w_spec(D, D),
        ],
        out_specs=[_row_spec(D), _row_spec(16)],
        out_shape=[jax.ShapeDtypeStruct((N, D), jnp.float32),
                   jax.ShapeDtypeStruct((N, 16), jnp.float32)],
    )(h, p, p, cp, cp, wl, bl.reshape(1, D), wr)


def _tc_layerN(h, p, inv, wl, bl, wr, relu):
    grid = (N // BS,)
    return pl.pallas_call(
        functools.partial(_layerN_body, relu),
        grid=grid,
        in_specs=[
            _row_spec(D), _half_spec(D, 0), _half_spec(D, 1), _row_spec(16),
            _w_spec(D, D), _w_spec(1, D), _w_spec(D, D),
        ],
        out_specs=_row_spec(D),
        out_shape=jax.ShapeDtypeStruct((N, D), jnp.float32),
    )(h, p, p, inv, wl, bl.reshape(1, D), wr)


def _heads_body(h_ref, p1w_ref, p1b_ref, p2w_ref, p2b_ref, n1h_ref, n1z_ref,
                n1b_ref, n2w_ref, n2b_ref, hn_ref, zn_ref, l_ref):
    h = h_ref[...]
    z1 = jnp.maximum(_dot_t(h, p1w_ref[...]) + p1b_ref[...], 0.0)
    z = _dot_t(z1, p2w_ref[...]) + p2b_ref[...]
    zn = z / jnp.maximum(
        jnp.sqrt(jnp.sum(z * z, axis=1, keepdims=True)), 1e-12)
    u = jnp.maximum(
        _dot_t(h, n1h_ref[...]) + _dot_t(zn, n1z_ref[...]) + n1b_ref[...],
        0.0)
    l_ref[...] = (jnp.sum(u * n2w_ref[...], axis=1, keepdims=True)
                  + n2b_ref[0, 0])
    hn_ref[...] = h / jnp.maximum(
        jnp.sqrt(jnp.sum(h * h, axis=1, keepdims=True)), 1e-12)
    zn_ref[...] = zn


def _tc_heads(hcat, p1_W, p1_b, p2_W, p2_b, n1_W, n1_b, n2_W, n2_b):
    P = p1_W.shape[0]
    grid = ((2 * N) // BS,)
    n1h = n1_W[:, :D]
    n1z = n1_W[:, D:]
    return pl.pallas_call(
        _heads_body,
        grid=grid,
        in_specs=[
            _row_spec(D),
            _w_spec(P, D), _w_spec(1, P), _w_spec(P, P), _w_spec(1, P),
            _w_spec(P, D), _w_spec(P, P), _w_spec(1, P),
            _w_spec(1, P), _w_spec(1, 1),
        ],
        out_specs=[_row_spec(D), _row_spec(P), _row_spec(1)],
        out_shape=[jax.ShapeDtypeStruct((2 * N, D), jnp.float32),
                   jax.ShapeDtypeStruct((2 * N, P), jnp.float32),
                   jax.ShapeDtypeStruct((2 * N, 1), jnp.float32)],
    )(hcat, p1_W, p1_b.reshape(1, P), p2_W, p2_b.reshape(1, P),
      n1h, n1z, n1_b.reshape(1, P), n2_W, n2_b.reshape(1, 1))



def _encode2(xA, eA, xB, eB, zf, ones, g1_Wl, g1_bl, g1_Wr, g2_Wl, g2_bl,
             g2_Wr, g3_Wl, g3_bl, g3_Wr):
    srcA, dstA, dstcA = eA
    srcB, dstB, dstcB = eB
    cpA = _sc_cnt(dstcA, zf, ones)
    cpB = _sc_cnt(dstcB, zf, ones)
    p1A = _sc_pass(xA, srcA, dstA, zf)
    h1A, invA = _tc_layer1(xA, p1A, cpA, g1_Wl, g1_bl, g1_Wr)
    p1B = _sc_pass(xB, srcB, dstB, zf)
    h1B, invB = _tc_layer1(xB, p1B, cpB, g1_Wl, g1_bl, g1_Wr)
    p2A = _sc_pass(h1A, srcA, dstA, zf)
    h2A = _tc_layerN(h1A, p2A, invA, g2_Wl, g2_bl, g2_Wr, relu=True)
    p2B = _sc_pass(h1B, srcB, dstB, zf)
    h2B = _tc_layerN(h1B, p2B, invB, g2_Wl, g2_bl, g2_Wr, relu=True)
    p3A = _sc_pass(h2A, srcA, dstA, zf)
    hA = _tc_layerN(h2A, p3A, invA, g3_Wl, g3_bl, g3_Wr, relu=False)
    p3B = _sc_pass(h2B, srcB, dstB, zf)
    hB = _tc_layerN(h2B, p3B, invB, g3_Wl, g3_bl, g3_Wr, relu=False)
    return hA, hB


def kernel(xA, xB, edge_index_A, edge_index_B, g1_Wl, g1_bl, g1_Wr,
           g2_Wl, g2_bl, g2_Wr, g3_Wl, g3_bl, g3_Wr,
           p1_W, p1_b, p2_W, p2_b, n1_W, n1_b, n2_W, n2_b):
    srcA = edge_index_A[0].reshape(NW, NCHUNK, CH)
    dstA = edge_index_A[1].reshape(NW, NCHUNK, 1, CH)
    dstcA = edge_index_A[1].reshape(NW, NCHUNKC, 1, CHC)
    srcB = edge_index_B[0].reshape(NW, NCHUNK, CH)
    dstB = edge_index_B[1].reshape(NW, NCHUNK, 1, CH)
    dstcB = edge_index_B[1].reshape(NW, NCHUNKC, 1, CHC)
    zf = jnp.zeros((RPS, D), jnp.float32)
    ones = jnp.ones((CHC, D), jnp.float32)

    g = (g1_Wl, g1_bl, g1_Wr, g2_Wl, g2_bl, g2_Wr, g3_Wl, g3_bl, g3_Wr)
    hA, hB = _encode2(xA, (srcA, dstA, dstcA), xB, (srcB, dstB, dstcB),
                      zf, ones, *g)

    hcat = jnp.concatenate([hA, hB], axis=0)
    hn, zn, l = _tc_heads(hcat, p1_W, p1_b, p2_W, p2_b, n1_W, n1_b,
                          n2_W, n2_b)
    return (hn[:N], hn[N:], zn[:N], zn[N:], l[:N, 0], l[N:, 0])

# --- scband reference (transcript-rebuilt; emitter-appended) ---
"""Pipeline reference for scband-siamese-gnn-14937896255716 (READ-ONLY COPY).

The authoritative reference and input builder live on the scoring server;
editing this copy changes nothing except your own understanding.
"""

import jax, jax.numpy as jnp
import numpy as np

N = 10000
E = 320000
D = 128
H = 128
O = 128
P = 64

def _sage(x, src, dst, Wl, bl, Wr, n):
    msg = jnp.take(x, src, axis=0)
    agg = jax.ops.segment_sum(msg, dst, num_segments=n)
    cnt = jax.ops.segment_sum(jnp.ones((src.shape[0],), dtype=x.dtype), dst, num_segments=n)
    agg = agg / jnp.maximum(cnt, 1.0)[:, None]
    return agg @ Wl.T + bl + x @ Wr.T

def _normalize(x):
    return x / jnp.maximum(jnp.linalg.norm(x, axis=1, keepdims=True), 1e-12)

def setup_inputs(seed: int = 0):
    key = jax.random.key(seed)
    ks = jax.random.split(key, 32)
    s = 0.05
    inp = {}
    inp['xA'] = jax.random.normal(ks[0], (N, D), dtype=jnp.float32)
    inp['xB'] = jax.random.normal(ks[1], (N, D), dtype=jnp.float32)
    inp['edge_index_A'] = jax.random.randint(ks[2], (2, E), 0, N, dtype=jnp.int32)
    inp['edge_index_B'] = jax.random.randint(ks[3], (2, E), 0, N, dtype=jnp.int32)
    inp['g1_Wl'] = jax.random.normal(ks[4], (H, D), dtype=jnp.float32) * s
    inp['g1_bl'] = jnp.zeros((H,), dtype=jnp.float32)
    inp['g1_Wr'] = jax.random.normal(ks[5], (H, D), dtype=jnp.float32) * s
    inp['g2_Wl'] = jax.random.normal(ks[6], (H, H), dtype=jnp.float32) * s
    inp['g2_bl'] = jnp.zeros((H,), dtype=jnp.float32)
    inp['g2_Wr'] = jax.random.normal(ks[7], (H, H), dtype=jnp.float32) * s
    inp['g3_Wl'] = jax.random.normal(ks[8], (O, H), dtype=jnp.float32) * s
    inp['g3_bl'] = jnp.zeros((O,), dtype=jnp.float32)
    inp['g3_Wr'] = jax.random.normal(ks[9], (O, H), dtype=jnp.float32) * s
    inp['p1_W'] = jax.random.normal(ks[10], (P, O), dtype=jnp.float32) * s
    inp['p1_b'] = jnp.zeros((P,), dtype=jnp.float32)
    inp['p2_W'] = jax.random.normal(ks[11], (P, P), dtype=jnp.float32) * s
    inp['p2_b'] = jnp.zeros((P,), dtype=jnp.float32)
    inp['n1_W'] = jax.random.normal(ks[12], (64, O + P), dtype=jnp.float32) * s
    inp['n1_b'] = jnp.zeros((64,), dtype=jnp.float32)
    inp['n2_W'] = jax.random.normal(ks[13], (1, 64), dtype=jnp.float32) * s
    inp['n2_b'] = jnp.zeros((1,), dtype=jnp.float32)
    return inp

def reference(xA, xB, edge_index_A, edge_index_B, g1_Wl, g1_bl, g1_Wr, g2_Wl, g2_bl, g2_Wr, g3_Wl, g3_bl, g3_Wr, p1_W, p1_b, p2_W, p2_b, n1_W, n1_b, n2_W, n2_b):
    def encoder(x, ei):
        src, dst = ei[0], ei[1]
        n = x.shape[0]
        h = jax.nn.relu(_sage(x, src, dst, g1_Wl, g1_bl, g1_Wr, n))
        h = jax.nn.relu(_sage(h, src, dst, g2_Wl, g2_bl, g2_Wr, n))
        h = _sage(h, src, dst, g3_Wl, g3_bl, g3_Wr, n)
        return h
    def proj(h):
        z = jax.nn.relu(h @ p1_W.T + p1_b)
        return z @ p2_W.T + p2_b
    def null_head(f):
        u = jax.nn.relu(f @ n1_W.T + n1_b)
        return (u @ n2_W.T + n2_b)[:, 0]
    hA = encoder(xA, edge_index_A)
    hB = encoder(xB, edge_index_B)
    zA = _normalize(proj(hA))
    zB = _normalize(proj(hB))
    lA = null_head(jnp.concatenate([hA, zA], axis=1))
    lB = null_head(jnp.concatenate([hB, zB], axis=1))
    return (_normalize(hA), _normalize(hB), zA, zB, lA, lB)

if __name__ == "__main__":
    import jax
    _d = setup_inputs()
    print(jax.jit(kernel)(*tuple(_d.values())))

</pallas_src>

<mosaic_0001>
#map = affine_map<(d0, d1) -> (0, 0)>
#map1 = affine_map<(d0, d1) -> (0, 0, 0)>
#map2 = affine_map<(d0, d1) -> (0, 0, 0, 0)>
module attributes {stable_mosaic.version = 14 : i64} {
  func.func @_sc_agg_body(%arg0: i32, %arg1: i32, %arg2: memref<10000x128xf32, #tpu.memory_space<hbm>>, %arg3: memref<32x100x100xi32, #tpu.memory_space<hbm>>, %arg4: memref<32x100x1x100xi32, #tpu.memory_space<hbm>>, %arg5: memref<624x128xf32, #tpu.memory_space<hbm>>, %arg6: memref<20000x128xf32, #tpu.memory_space<hbm>>, %arg7: memref<100x100xi32, #tpu.memory_space<vmem>>, %arg8: memref<1x100xi32, #tpu.memory_space<vmem>>, %arg9: memref<1x100xi32, #tpu.memory_space<vmem>>, %arg10: memref<100x128xf32, #tpu.memory_space<vmem>>, %arg11: memref<100x128xf32, #tpu.memory_space<vmem>>, %arg12: memref<!tpu.dma_semaphore, #tpu.memory_space<semaphore_mem>>, %arg13: memref<!tpu.dma_semaphore, #tpu.memory_space<semaphore_mem>>, %arg14: memref<!tpu.dma_semaphore, #tpu.memory_space<semaphore_mem>>, %arg15: memref<!tpu.dma_semaphore, #tpu.memory_space<semaphore_mem>>, %arg16: memref<!tpu.dma_semaphore, #tpu.memory_space<semaphore_mem>>, %arg17: memref<10000x128xf32, #tpu.memory_space<vmem_shared>>) attributes {dimension_semantics = [#tpu.dimension_semantics<core_parallel>, #tpu.dimension_semantics<subcore_parallel>], iteration_bounds = array<i64: 2, 16>, scalar_prefetch = 0 : i64, scratch_operands = 11 : i64, tpu.core_type = #tpu.core_type<sc_vector_subcore>, window_params = [{transform_indices = #map}, {transform_indices = #map1}, {transform_indices = #map2}, {transform_indices = #map}, {transform_indices = #map}]} {
    %mul3A = arith.constant 16 : i32
    %mul3A_0 = arith.muli %arg0, %mul3A : i32
    %add3A = arith.addi %mul3A_0, %arg1 : i32
    %mul3A_1 = arith.constant 624 : i32
    %mul3A_2 = arith.muli %arg1, %mul3A_1 : i32
    %dma_start3A = arith.constant 0 : i32
    %dma_start3A_3 = tpu.memref_slice %arg17[%mul3A_2, %dma_start3A] : memref<10000x128xf32, #tpu.memory_space<vmem_shared>> -> memref<624x128xf32, #tpu.memory_space<vmem_shared>>
    %dma_start3A_4 = arith.constant 0 : i32
    %dma_start3A_5 = arith.constant 0 : i32
    %dma_start3A_6 = tpu.memref_slice %arg5[%dma_start3A_4, %dma_start3A_5] : memref<624x128xf32, #tpu.memory_space<hbm>> -> memref<624x128xf32, #tpu.memory_space<hbm>>
    tpu.enqueue_dma source(%dma_start3A_6 : memref<624x128xf32, #tpu.memory_space<hbm>>) target(%dma_start3A_3 : memref<624x128xf32, #tpu.memory_space<vmem_shared>>) target_semaphore(%arg16 : memref<!tpu.dma_semaphore, #tpu.memory_space<semaphore_mem>>)
    %eq3A = arith.constant 15 : i32
    %eq3A_7 = arith.cmpi eq, %arg1, %eq3A : i32
    %convert_element_type3A = arith.extui %eq3A_7 : i1 to i32
    %cond3A = arith.constant 0 : i32
    %cond3A_8 = arith.cmpi ne, %convert_element_type3A, %cond3A : i32
    scf.if %cond3A_8 {
      %dma_start3A_86 = arith.constant 9984 : i32
      %dma_start3A_87 = arith.constant 0 : i32
      %dma_start3A_88 = tpu.memref_slice %arg17[%dma_start3A_86, %dma_start3A_87] : memref<10000x128xf32, #tpu.memory_space<vmem_shared>> -> memref<16x128xf32, #tpu.memory_space<vmem_shared>>
      %dma_start3A_89 = arith.constant 0 : i32
      %dma_start3A_90 = arith.constant 0 : i32
      %dma_start3A_91 = tpu.memref_slice %arg5[%dma_start3A_89, %dma_start3A_90] : memref<624x128xf32, #tpu.memory_space<hbm>> -> memref<16x128xf32, #tpu.memory_space<hbm>>
      tpu.enqueue_dma source(%dma_start3A_91 : memref<16x128xf32, #tpu.memory_space<hbm>>) target(%dma_start3A_88 : memref<16x128xf32, #tpu.memory_space<vmem_shared>>) target_semaphore(%arg16 : memref<!tpu.dma_semaphore, #tpu.memory_space<semaphore_mem>>)
    } else {
    }
    "tpu.region"() ({
      %run_scoped3A_86 = tpu.sem_alloc : memref<!tpu.dma_semaphore, #tpu.memory_space<semaphore_mem>>
      %dma_start3A_87 = arith.constant 0 : i32
      %dma_start3A_88 = arith.constant 0 : i32
      %dma_start3A_89 = tpu.memref_slice %arg3[%add3A, %dma_start3A_87, %dma_start3A_88] : memref<32x100x100xi32, #tpu.memory_space<hbm>> -> memref<1x100x100xi32, #tpu.memory_space<hbm>>
      %dma_start3A_90 = tpu.memref_squeeze %dma_start3A_89 : memref<1x100x100xi32, #tpu.memory_space<hbm>> -> memref<100x100xi32, #tpu.memory_space<hbm>>
      %dma_start3A_91 = arith.constant 0 : i32
      %dma_start3A_92 = arith.constant 0 : i32
      %dma_start3A_93 = tpu.memref_slice %arg3[%add3A, %dma_start3A_91, %dma_start3A_92] : memref<32x100x100xi32, #tpu.memory_space<hbm>> -> memref<1x100x100xi32, #tpu.memory_space<hbm>>
      %dma_start3A_94 = tpu.memref_squeeze %dma_start3A_93 : memref<1x100x100xi32, #tpu.memory_space<hbm>> -> memref<100x100xi32, #tpu.memory_space<hbm>>
      tpu.enqueue_dma source(%dma_start3A_94 : memref<100x100xi32, #tpu.memory_space<hbm>>) target(%arg7 : memref<100x100xi32, #tpu.memory_space<vmem>>) target_semaphore(%run_scoped3A_86 : memref<!tpu.dma_semaphore, #tpu.memory_space<semaphore_mem>>)
      %dma_wait3A_95 = arith.constant 0 : i32
      %dma_wait3A_96 = arith.constant 0 : i32
      %dma_wait3A_97 = tpu.memref_slice %arg3[%add3A, %dma_wait3A_95, %dma_wait3A_96] : memref<32x100x100xi32, #tpu.memory_space<hbm>> -> memref<1x100x100xi32, #tpu.memory_space<hbm>>
      %dma_wait3A_98 = tpu.memref_squeeze %dma_wait3A_97 : memref<1x100x100xi32, #tpu.memory_space<hbm>> -> memref<100x100xi32, #tpu.memory_space<hbm>>
      %dma_wait3A_99 = arith.constant 0 : i32
      %dma_wait3A_100 = arith.constant 0 : i32
      %dma_wait3A_101 = tpu.memref_slice %arg3[%add3A, %dma_wait3A_99, %dma_wait3A_100] : memref<32x100x100xi32, #tpu.memory_space<hbm>> -> memref<1x100x100xi32, #tpu.memory_space<hbm>>
      %dma_wait3A_102 = tpu.memref_squeeze %dma_wait3A_101 : memref<1x100x100xi32, #tpu.memory_space<hbm>> -> memref<100x100xi32, #tpu.memory_space<hbm>>
      tpu.wait_dma2 semaphore(%run_scoped3A_86 : memref<!tpu.dma_semaphore, #tpu.memory_space<semaphore_mem>>) src(%dma_wait3A_102 : memref<100x100xi32, #tpu.memory_space<hbm>>) dst(%arg7 : memref<100x100xi32, #tpu.memory_space<vmem>>)
      tpu.yield
    }) : () -> ()
    %run_scoped3A = arith.constant 0 : i32
    "tpu.region"() ({
      %run_scoped3A_86 = tpu.sem_alloc : memref<!tpu.dma_semaphore, #tpu.memory_space<semaphore_mem>>
      %dma_start3A_87 = arith.constant 0 : i32
      %dma_start3A_88 = arith.constant 0 : i32
      %dma_start3A_89 = tpu.memref_slice %arg4[%add3A, %run_scoped3A, %dma_start3A_87, %dma_start3A_88] : memref<32x100x1x100xi32, #tpu.memory_space<hbm>> -> memref<1x1x1x100xi32, #tpu.memory_space<hbm>>
      %dma_start3A_90 = tpu.memref_squeeze %dma_start3A_89 : memref<1x1x1x100xi32, #tpu.memory_space<hbm>> -> memref<1x100xi32, #tpu.memory_space<hbm>>
      %dma_start3A_91 = arith.constant 0 : i32
      %dma_start3A_92 = arith.constant 0 : i32
      %dma_start3A_93 = tpu.memref_slice %arg4[%add3A, %run_scoped3A, %dma_start3A_91, %dma_start3A_92] : memref<32x100x1x100xi32, #tpu.memory_space<hbm>> -> memref<1x1x1x100xi32, #tpu.memory_space<hbm>>
      %dma_start3A_94 = tpu.memref_squeeze %dma_start3A_93 : memref<1x1x1x100xi32, #tpu.memory_space<hbm>> -> memref<1x100xi32, #tpu.memory_space<hbm>>
      tpu.enqueue_dma source(%dma_start3A_94 : memref<1x100xi32, #tpu.memory_space<hbm>>) target(%arg8 : memref<1x100xi32, #tpu.memory_space<vmem>>) target_semaphore(%run_scoped3A_86 : memref<!tpu.dma_semaphore, #tpu.memory_space<semaphore_mem>>)
      %dma_wait3A_95 = arith.constant 0 : i32
      %dma_wait3A_96 = arith.constant 0 : i32
      %dma_wait3A_97 = tpu.memref_slice %arg4[%add3A, %run_scoped3A, %dma_wait3A_95, %dma_wait3A_96] : memref<32x100x1x100xi32, #tpu.memory_space<hbm>> -> memref<1x1x1x100xi32, #tpu.memory_space<hbm>>
      %dma_wait3A_98 = tpu.memref_squeeze %dma_wait3A_97 : memref<1x1x1x100xi32, #tpu.memory_space<hbm>> -> memref<1x100xi32, #tpu.memory_space<hbm>>
      %dma_wait3A_99 = arith.constant 0 : i32
      %dma_wait3A_100 = arith.constant 0 : i32
      %dma_wait3A_101 = tpu.memref_slice %arg4[%add3A, %run_scoped3A, %dma_wait3A_99, %dma_wait3A_100] : memref<32x100x1x100xi32, #tpu.memory_space<hbm>> -> memref<1x1x1x100xi32, #tpu.memory_space<hbm>>
      %dma_wait3A_102 = tpu.memref_squeeze %dma_wait3A_101 : memref<1x1x1x100xi32, #tpu.memory_space<hbm>> -> memref<1x100xi32, #tpu.memory_space<hbm>>
      tpu.wait_dma2 semaphore(%run_scoped3A_86 : memref<!tpu.dma_semaphore, #tpu.memory_space<semaphore_mem>>) src(%dma_wait3A_102 : memref<1x100xi32, #tpu.memory_space<hbm>>) dst(%arg8 : memref<1x100xi32, #tpu.memory_space<vmem>>)
      tpu.yield
    }) : () -> ()
    %dma_start3A_9 = arith.constant 0 : i32
    %dma_start3A_10 = arith.constant 0 : i32
    %dma_start3A_11 = tpu.memref_slice %arg7[%dma_start3A_9, %dma_start3A_10] : memref<100x100xi32, #tpu.memory_space<vmem>> -> memref<1x100xi32, #tpu.memory_space<vmem>>
    %dma_start3A_12 = tpu.memref_squeeze %dma_start3A_11 : memref<1x100xi32, #tpu.memory_space<vmem>> -> memref<100xi32, #tpu.memory_space<vmem>>
    %dma_start3A_13 = arith.constant 0 : i32
    %dma_start3A_14 = arith.constant 0 : i32
    %dma_start3A_15 = tpu.memref_slice %arg2[%dma_start3A_13, %dma_start3A_14] : memref<10000x128xf32, #tpu.memory_space<hbm>> -> memref<10000x128xf32, #tpu.memory_space<hbm>>
    tpu.enqueue_indirect_dma source(%dma_start3A_15 : memref<10000x128xf32, #tpu.memory_space<hbm>>) target(%arg10 : memref<100x128xf32, #tpu.memory_space<vmem>>) offsets(%dma_start3A_12 : memref<100xi32, #tpu.memory_space<vmem>>) semaphore(%arg12 : memref<!tpu.dma_semaphore, #tpu.memory_space<semaphore_mem>>)
    %mul3A_16 = arith.constant 624 : i32
    %mul3A_17 = arith.muli %arg1, %mul3A_16 : i32
    %dma_wait3A = arith.constant 0 : i32
    %dma_wait3A_18 = tpu.memref_slice %arg17[%mul3A_17, %dma_wait3A] : memref<10000x128xf32, #tpu.memory_space<vmem_shared>> -> memref<624x128xf32, #tpu.memory_space<vmem_shared>>
    %dma_wait3A_19 = arith.constant 0 : i32
    %dma_wait3A_20 = arith.constant 0 : i32
    %dma_wait3A_21 = tpu.memref_slice %arg5[%dma_wait3A_19, %dma_wait3A_20] : memref<624x128xf32, #tpu.memory_space<hbm>> -> memref<624x128xf32, #tpu.memory_space<hbm>>
    tpu.wait_dma2 semaphore(%arg16 : memref<!tpu.dma_semaphore, #tpu.memory_space<semaphore_mem>>) src(%dma_wait3A_21 : memref<624x128xf32, #tpu.memory_space<hbm>>) dst(%dma_wait3A_18 : memref<624x128xf32, #tpu.memory_space<vmem_shared>>)
    %eq3A_22 = arith.constant 15 : i32
    %eq3A_23 = arith.cmpi eq, %arg1, %eq3A_22 : i32
    %convert_element_type3A_24 = arith.extui %eq3A_23 : i1 to i32
    %cond3A_25 = arith.constant 0 : i32
    %cond3A_26 = arith.cmpi ne, %convert_element_type3A_24, %cond3A_25 : i32
    scf.if %cond3A_26 {
      %dma_wait3A_86 = arith.constant 9984 : i32
      %dma_wait3A_87 = arith.constant 0 : i32
      %dma_wait3A_88 = tpu.memref_slice %arg17[%dma_wait3A_86, %dma_wait3A_87] : memref<10000x128xf32, #tpu.memory_space<vmem_shared>> -> memref<16x128xf32, #tpu.memory_space<vmem_shared>>
      %dma_wait3A_89 = arith.constant 0 : i32
      %dma_wait3A_90 = arith.constant 0 : i32
      %dma_wait3A_91 = tpu.memref_slice %arg5[%dma_wait3A_89, %dma_wait3A_90] : memref<624x128xf32, #tpu.memory_space<hbm>> -> memref<16x128xf32, #tpu.memory_space<hbm>>
      tpu.wait_dma2 semaphore(%arg16 : memref<!tpu.dma_semaphore, #tpu.memory_space<semaphore_mem>>) src(%dma_wait3A_91 : memref<16x128xf32, #tpu.memory_space<hbm>>) dst(%dma_wait3A_88 : memref<16x128xf32, #tpu.memory_space<vmem_shared>>)
    } else {
    }
    %barrier3A = arith.constant 0 : index
    tpu.barrier barrier_id(%barrier3A)
    %scan3A = arith.constant 0 : i32
    %scan3A_27 = arith.constant 0 : i32
    %scan3A_28 = arith.constant 49 : i32
    %scan3A_29 = arith.addi %scan3A_27, %scan3A_28 : i32
    %scan3A_30 = arith.constant 1 : i32
    scf.for %scan3A_86 = %scan3A_27 to %scan3A_29 step %scan3A_30  : i32 {
      %mul3A_87 = arith.constant 2 : i32
      %mul3A_88 = arith.muli %mul3A_87, %scan3A_86 : i32
      %add3A_89 = arith.constant 1 : i32
      %add3A_90 = arith.addi %mul3A_88, %add3A_89 : i32
      %dma_start3A_91 = arith.constant 0 : i32
      %dma_start3A_92 = tpu.memref_slice %arg7[%add3A_90, %dma_start3A_91] : memref<100x100xi32, #tpu.memory_space<vmem>> -> memref<1x100xi32, #tpu.memory_space<vmem>>
      %dma_start3A_93 = tpu.memref_squeeze %dma_start3A_92 : memref<1x100xi32, #tpu.memory_space<vmem>> -> memref<100xi32, #tpu.memory_space<vmem>>
      %dma_start3A_94 = arith.constant 0 : i32
      %dma_start3A_95 = arith.constant 0 : i32
      %dma_start3A_96 = tpu.memref_slice %arg2[%dma_start3A_94, %dma_start3A_95] : memref<10000x128xf32, #tpu.memory_space<hbm>> -> memref<10000x128xf32, #tpu.memory_space<hbm>>
      tpu.enqueue_indirect_dma source(%dma_start3A_96 : memref<10000x128xf32, #tpu.memory_space<hbm>>) target(%arg11 : memref<100x128xf32, #tpu.memory_space<vmem>>) offsets(%dma_start3A_93 : memref<100xi32, #tpu.memory_space<vmem>>) semaphore(%arg13 : memref<!tpu.dma_semaphore, #tpu.memory_space<semaphore_mem>>)
      %add3A_97 = arith.constant 1 : i32
      %add3A_98 = arith.addi %mul3A_88, %add3A_97 : i32
      %dma_start3A_99 = arith.constant 0 : i32
      %dma_start3A_100 = arith.constant 0 : i32
      %dma_start3A_101 = tpu.memref_slice %arg4[%add3A, %add3A_98, %dma_start3A_99, %dma_start3A_100] : memref<32x100x1x100xi32, #tpu.memory_space<hbm>> -> memref<1x1x1x100xi32, #tpu.memory_space<hbm>>
      %dma_start3A_102 = tpu.memref_squeeze %dma_start3A_101 : memref<1x1x1x100xi32, #tpu.memory_space<hbm>> -> memref<1x100xi32, #tpu.memory_space<hbm>>
      %dma_start3A_103 = arith.constant 0 : i32
      %dma_start3A_104 = arith.constant 0 : i32
      %dma_start3A_105 = tpu.memref_slice %arg4[%add3A, %add3A_98, %dma_start3A_103, %dma_start3A_104] : memref<32x100x1x100xi32, #tpu.memory_space<hbm>> -> memref<1x1x1x100xi32, #tpu.memory_space<hbm>>
      %dma_start3A_106 = tpu.memref_squeeze %dma_start3A_105 : memref<1x1x1x100xi32, #tpu.memory_space<hbm>> -> memref<1x100xi32, #tpu.memory_space<hbm>>
      tpu.enqueue_dma source(%dma_start3A_106 : memref<1x100xi32, #tpu.memory_space<hbm>>) target(%arg9 : memref<1x100xi32, #tpu.memory_space<vmem>>) target_semaphore(%arg15 : memref<!tpu.dma_semaphore, #tpu.memory_space<semaphore_mem>>)
      %dma_wait3A_107 = arith.constant 0 : i32
      %dma_wait3A_108 = tpu.memref_slice %arg7[%mul3A_88, %dma_wait3A_107] : memref<100x100xi32, #tpu.memory_space<vmem>> -> memref<1x100xi32, #tpu.memory_space<vmem>>
      %dma_wait3A_109 = tpu.memref_squeeze %dma_wait3A_108 : memref<1x100xi32, #tpu.memory_space<vmem>> -> memref<100xi32, #tpu.memory_space<vmem>>
      %dma_wait3A_110 = arith.constant 0 : i32
      %dma_wait3A_111 = arith.constant 0 : i32
      %dma_wait3A_112 = tpu.memref_slice %arg2[%dma_wait3A_110, %dma_wait3A_111] : memref<10000x128xf32, #tpu.memory_space<hbm>> -> memref<10000x128xf32, #tpu.memory_space<hbm>>
      tpu.wait_indirect_dma semaphore(%arg12 : memref<!tpu.dma_semaphore, #tpu.memory_space<semaphore_mem>>) src(%dma_wait3A_112 : memref<10000x128xf32, #tpu.memory_space<hbm>>) dst(%arg10 : memref<100x128xf32, #tpu.memory_space<vmem>>)
      %run_scoped3A_113 = arith.constant 0 : i32
      "tpu.region"() ({
        %run_scoped3A_161 = tpu.sem_alloc : memref<!tpu.dma_semaphore, #tpu.memory_space<semaphore_mem>>
        %dma_start3A_162 = arith.constant 0 : i32
        %dma_start3A_163 = tpu.memref_slice %arg8[%run_scoped3A_113, %dma_start3A_162] : memref<1x100xi32, #tpu.memory_space<vmem>> -> memref<1x100xi32, #tpu.memory_space<vmem>>
        %dma_start3A_164 = tpu.memref_squeeze %dma_start3A_163 : memref<1x100xi32, #tpu.memory_space<vmem>> -> memref<100xi32, #tpu.memory_space<vmem>>
        %dma_start3A_165 = arith.constant 0 : i32
        %dma_start3A_166 = arith.constant 0 : i32
        %dma_start3A_167 = tpu.memref_slice %arg17[%dma_start3A_165, %dma_start3A_166] : memref<10000x128xf32, #tpu.memory_space<vmem_shared>> -> memref<10000x128xf32, #tpu.memory_space<vmem_shared>>
        tpu.enqueue_indirect_dma source(%arg10 : memref<100x128xf32, #tpu.memory_space<vmem>>) target(%dma_start3A_167 : memref<10000x128xf32, #tpu.memory_space<vmem_shared>>) offsets(%dma_start3A_164 : memref<100xi32, #tpu.memory_space<vmem>>) semaphore(%run_scoped3A_161 : memref<!tpu.dma_semaphore, #tpu.memory_space<semaphore_mem>>) {add = true}
        %dma_wait3A_168 = arith.constant 0 : i32
        %dma_wait3A_169 = tpu.memref_slice %arg8[%run_scoped3A_113, %dma_wait3A_168] : memref<1x100xi32, #tpu.memory_space<vmem>> -> memref<1x100xi32, #tpu.memory_space<vmem>>
        %dma_wait3A_170 = tpu.memref_squeeze %dma_wait3A_169 : memref<1x100xi32, #tpu.memory_space<vmem>> -> memref<100xi32, #tpu.memory_space<vmem>>
        %dma_wait3A_171 = arith.constant 0 : i32
        %dma_wait3A_172 = arith.constant 0 : i32
        %dma_wait3A_173 = tpu.memref_slice %arg17[%dma_wait3A_171, %dma_wait3A_172] : memref<10000x128xf32, #tpu.memory_space<vmem_shared>> -> memref<10000x128xf32, #tpu.memory_space<vmem_shared>>
        tpu.wait_indirect_dma semaphore(%run_scoped3A_161 : memref<!tpu.dma_semaphore, #tpu.memory_space<semaphore_mem>>) src(%arg10 : memref<100x128xf32, #tpu.memory_space<vmem>>) dst(%dma_wait3A_173 : memref<10000x128xf32, #tpu.memory_space<vmem_shared>>)
        tpu.yield
      }) : () -> ()
      %add3A_114 = arith.constant 2 : i32
      %add3A_115 = arith.addi %mul3A_88, %add3A_114 : i32
      %dma_start3A_116 = arith.constant 0 : i32
      %dma_start3A_117 = tpu.memref_slice %arg7[%add3A_115, %dma_start3A_116] : memref<100x100xi32, #tpu.memory_space<vmem>> -> memref<1x100xi32, #tpu.memory_space<vmem>>
      %dma_start3A_118 = tpu.memref_squeeze %dma_start3A_117 : memref<1x100xi32, #tpu.memory_space<vmem>> -> memref<100xi32, #tpu.memory_space<vmem>>
      %dma_start3A_119 = arith.constant 0 : i32
      %dma_start3A_120 = arith.constant 0 : i32
      %dma_start3A_121 = tpu.memref_slice %arg2[%dma_start3A_119, %dma_start3A_120] : memref<10000x128xf32, #tpu.memory_space<hbm>> -> memref<10000x128xf32, #tpu.memory_space<hbm>>
      tpu.enqueue_indirect_dma source(%dma_start3A_121 : memref<10000x128xf32, #tpu.memory_space<hbm>>) target(%arg10 : memref<100x128xf32, #tpu.memory_space<vmem>>) offsets(%dma_start3A_118 : memref<100xi32, #tpu.memory_space<vmem>>) semaphore(%arg12 : memref<!tpu.dma_semaphore, #tpu.memory_space<semaphore_mem>>)
      %add3A_122 = arith.constant 2 : i32
      %add3A_123 = arith.addi %mul3A_88, %add3A_122 : i32
      %dma_start3A_124 = arith.constant 0 : i32
      %dma_start3A_125 = arith.constant 0 : i32
      %dma_start3A_126 = tpu.memref_slice %arg4[%add3A, %add3A_123, %dma_start3A_124, %dma_start3A_125] : memref<32x100x1x100xi32, #tpu.memory_space<hbm>> -> memref<1x1x1x100xi32, #tpu.memory_space<hbm>>
      %dma_start3A_127 = tpu.memref_squeeze %dma_start3A_126 : memref<1x1x1x100xi32, #tpu.memory_space<hbm>> -> memref<1x100xi32, #tpu.memory_space<hbm>>
      %dma_start3A_128 = arith.constant 0 : i32
      %dma_start3A_129 = arith.constant 0 : i32
      %dma_start3A_130 = tpu.memref_slice %arg4[%add3A, %add3A_123, %dma_start3A_128, %dma_start3A_129] : memref<32x100x1x100xi32, #tpu.memory_space<hbm>> -> memref<1x1x1x100xi32, #tpu.memory_space<hbm>>
      %dma_start3A_131 = tpu.memref_squeeze %dma_start3A_130 : memref<1x1x1x100xi32, #tpu.memory_space<hbm>> -> memref<1x100xi32, #tpu.memory_space<hbm>>
      tpu.enqueue_dma source(%dma_start3A_131 : memref<1x100xi32, #tpu.memory_space<hbm>>) target(%arg8 : memref<1x100xi32, #tpu.memory_space<vmem>>) target_semaphore(%arg14 : memref<!tpu.dma_semaphore, #tpu.memory_space<semaphore_mem>>)
      %add3A_132 = arith.constant 1 : i32
      %add3A_133 = arith.addi %mul3A_88, %add3A_132 : i32
      %dma_wait3A_134 = arith.constant 0 : i32
      %dma_wait3A_135 = tpu.memref_slice %arg7[%add3A_133, %dma_wait3A_134] : memref<100x100xi32, #tpu.memory_space<vmem>> -> memref<1x100xi32, #tpu.memory_space<vmem>>
      %dma_wait3A_136 = tpu.memref_squeeze %dma_wait3A_135 : memref<1x100xi32, #tpu.memory_space<vmem>> -> memref<100xi32, #tpu.memory_space<vmem>>
      %dma_wait3A_137 = arith.constant 0 : i32
      %dma_wait3A_138 = arith.constant 0 : i32
      %dma_wait3A_139 = tpu.memref_slice %arg2[%dma_wait3A_137, %dma_wait3A_138] : memref<10000x128xf32, #tpu.memory_space<hbm>> -> memref<10000x128xf32, #tpu.memory_space<hbm>>
      tpu.wait_indirect_dma semaphore(%arg13 : memref<!tpu.dma_semaphore, #tpu.memory_space<semaphore_mem>>) src(%dma_wait3A_139 : memref<10000x128xf32, #tpu.memory_space<hbm>>) dst(%arg11 : memref<100x128xf32, #tpu.memory_space<vmem>>)
      %add3A_140 = arith.constant 1 : i32
      %add3A_141 = arith.addi %mul3A_88, %add3A_140 : i32
      %dma_wait3A_142 = arith.constant 0 : i32
      %dma_wait3A_143 = arith.constant 0 : i32
      %dma_wait3A_144 = tpu.memref_slice %arg4[%add3A, %add3A_141, %dma_wait3A_142, %dma_wait3A_143] : memref<32x100x1x100xi32, #tpu.memory_space<hbm>> -> memref<1x1x1x100xi32, #tpu.memory_space<hbm>>
      %dma_wait3A_145 = tpu.memref_squeeze %dma_wait3A_144 : memref<1x1x1x100xi32, #tpu.memory_space<hbm>> -> memref<1x100xi32, #tpu.memory_space<hbm>>
      %dma_wait3A_146 = arith.constant 0 : i32
      %dma_wait3A_147 = arith.constant 0 : i32
      %dma_wait3A_148 = tpu.memref_slice %arg4[%add3A, %add3A_141, %dma_wait3A_146, %dma_wait3A_147] : memref<32x100x1x100xi32, #tpu.memory_space<hbm>> -> memref<1x1x1x100xi32, #tpu.memory_space<hbm>>
      %dma_wait3A_149 = tpu.memref_squeeze %dma_wait3A_148 : memref<1x1x1x100xi32, #tpu.memory_space<hbm>> -> memref<1x100xi32, #tpu.memory_space<hbm>>
      tpu.wait_dma2 semaphore(%arg15 : memref<!tpu.dma_semaphore, #tpu.memory_space<semaphore_mem>>) src(%dma_wait3A_149 : memref<1x100xi32, #tpu.memory_space<hbm>>) dst(%arg9 : memref<1x100xi32, #tpu.memory_space<vmem>>)
      %run_scoped3A_150 = arith.constant 0 : i32
      "tpu.region"() ({
        %run_scoped3A_161 = tpu.sem_alloc : memref<!tpu.dma_semaphore, #tpu.memory_space<semaphore_mem>>
        %dma_start3A_162 = arith.constant 0 : i32
        %dma_start3A_163 = tpu.memref_slice %arg9[%run_scoped3A_150, %dma_start3A_162] : memref<1x100xi32, #tpu.memory_space<vmem>> -> memref<1x100xi32, #tpu.memory_space<vmem>>
        %dma_start3A_164 = tpu.memref_squeeze %dma_start3A_163 : memref<1x100xi32, #tpu.memory_space<vmem>> -> memref<100xi32, #tpu.memory_space<vmem>>
        %dma_start3A_165 = arith.constant 0 : i32
        %dma_start3A_166 = arith.constant 0 : i32
        %dma_start3A_167 = tpu.memref_slice %arg17[%dma_start3A_165, %dma_start3A_166] : memref<10000x128xf32, #tpu.memory_space<vmem_shared>> -> memref<10000x128xf32, #tpu.memory_space<vmem_shared>>
        tpu.enqueue_indirect_dma source(%arg11 : memref<100x128xf32, #tpu.memory_space<vmem>>) target(%dma_start3A_167 : memref<10000x128xf32, #tpu.memory_space<vmem_shared>>) offsets(%dma_start3A_164 : memref<100xi32, #tpu.memory_space<vmem>>) semaphore(%run_scoped3A_161 : memref<!tpu.dma_semaphore, #tpu.memory_space<semaphore_mem>>) {add = true}
        %dma_wait3A_168 = arith.constant 0 : i32
        %dma_wait3A_169 = tpu.memref_slice %arg9[%run_scoped3A_150, %dma_wait3A_168] : memref<1x100xi32, #tpu.memory_space<vmem>> -> memref<1x100xi32, #tpu.memory_space<vmem>>
        %dma_wait3A_170 = tpu.memref_squeeze %dma_wait3A_169 : memref<1x100xi32, #tpu.memory_space<vmem>> -> memref<100xi32, #tpu.memory_space<vmem>>
        %dma_wait3A_171 = arith.constant 0 : i32
        %dma_wait3A_172 = arith.constant 0 : i32
        %dma_wait3A_173 = tpu.memref_slice %arg17[%dma_wait3A_171, %dma_wait3A_172] : memref<10000x128xf32, #tpu.memory_space<vmem_shared>> -> memref<10000x128xf32, #tpu.memory_space<vmem_shared>>
        tpu.wait_indirect_dma semaphore(%run_scoped3A_161 : memref<!tpu.dma_semaphore, #tpu.memory_space<semaphore_mem>>) src(%arg11 : memref<100x128xf32, #tpu.memory_space<vmem>>) dst(%dma_wait3A_173 : memref<10000x128xf32, #tpu.memory_space<vmem_shared>>)
        tpu.yield
      }) : () -> ()
      %add3A_151 = arith.constant 2 : i32
      %add3A_152 = arith.addi %mul3A_88, %add3A_151 : i32
      %dma_wait3A_153 = arith.constant 0 : i32
      %dma_wait3A_154 = arith.constant 0 : i32
      %dma_wait3A_155 = tpu.memref_slice %arg4[%add3A, %add3A_152, %dma_wait3A_153, %dma_wait3A_154] : memref<32x100x1x100xi32, #tpu.memory_space<hbm>> -> memref<1x1x1x100xi32, #tpu.memory_space<hbm>>
      %dma_wait3A_156 = tpu.memref_squeeze %dma_wait3A_155 : memref<1x1x1x100xi32, #tpu.memory_space<hbm>> -> memref<1x100xi32, #tpu.memory_space<hbm>>
      %dma_wait3A_157 = arith.constant 0 : i32
      %dma_wait3A_158 = arith.constant 0 : i32
      %dma_wait3A_159 = tpu.memref_slice %arg4[%add3A, %add3A_152, %dma_wait3A_157, %dma_wait3A_158] : memref<32x100x1x100xi32, #tpu.memory_space<hbm>> -> memref<1x1x1x100xi32, #tpu.memory_space<hbm>>
      %dma_wait3A_160 = tpu.memref_squeeze %dma_wait3A_159 : memref<1x1x1x100xi32, #tpu.memory_space<hbm>> -> memref<1x100xi32, #tpu.memory_space<hbm>>
      tpu.wait_dma2 semaphore(%arg14 : memref<!tpu.dma_semaphore, #tpu.memory_space<semaphore_mem>>) src(%dma_wait3A_160 : memref<1x100xi32, #tpu.memory_space<hbm>>) dst(%arg8 : memref<1x100xi32, #tpu.memory_space<vmem>>)
    }
    %scan3A_31 = arith.constant 49 : i32
    %dma_start3A_32 = arith.constant 99 : i32
    %dma_start3A_33 = arith.constant 0 : i32
    %dma_start3A_34 = tpu.memref_slice %arg7[%dma_start3A_32, %dma_start3A_33] : memref<100x100xi32, #tpu.memory_space<vmem>> -> memref<1x100xi32, #tpu.memory_space<vmem>>
    %dma_start3A_35 = tpu.memref_squeeze %dma_start3A_34 : memref<1x100xi32, #tpu.memory_space<vmem>> -> memref<100xi32, #tpu.memory_space<vmem>>
    %dma_start3A_36 = arith.constant 0 : i32
    %dma_start3A_37 = arith.constant 0 : i32
    %dma_start3A_38 = tpu.memref_slice %arg2[%dma_start3A_36, %dma_start3A_37] : memref<10000x128xf32, #tpu.memory_space<hbm>> -> memref<10000x128xf32, #tpu.memory_space<hbm>>
    tpu.enqueue_indirect_dma source(%dma_start3A_38 : memref<10000x128xf32, #tpu.memory_space<hbm>>) target(%arg11 : memref<100x128xf32, #tpu.memory_space<vmem>>) offsets(%dma_start3A_35 : memref<100xi32, #tpu.memory_space<vmem>>) semaphore(%arg13 : memref<!tpu.dma_semaphore, #tpu.memory_space<semaphore_mem>>)
    %dma_start3A_39 = arith.constant 99 : i32
    %dma_start3A_40 = arith.constant 0 : i32
    %dma_start3A_41 = arith.constant 0 : i32
    %dma_start3A_42 = tpu.memref_slice %arg4[%add3A, %dma_start3A_39, %dma_start3A_40, %dma_start3A_41] : memref<32x100x1x100xi32, #tpu.memory_space<hbm>> -> memref<1x1x1x100xi32, #tpu.memory_space<hbm>>
    %dma_start3A_43 = tpu.memref_squeeze %dma_start3A_42 : memref<1x1x1x100xi32, #tpu.memory_space<hbm>> -> memref<1x100xi32, #tpu.memory_space<hbm>>
    %dma_start3A_44 = arith.constant 0 : i32
    %dma_start3A_45 = arith.constant 0 : i32
    %dma_start3A_46 = tpu.memref_slice %arg4[%add3A, %dma_start3A_39, %dma_start3A_44, %dma_start3A_45] : memref<32x100x1x100xi32, #tpu.memory_space<hbm>> -> memref<1x1x1x100xi32, #tpu.memory_space<hbm>>
    %dma_start3A_47 = tpu.memref_squeeze %dma_start3A_46 : memref<1x1x1x100xi32, #tpu.memory_space<hbm>> -> memref<1x100xi32, #tpu.memory_space<hbm>>
    tpu.enqueue_dma source(%dma_start3A_47 : memref<1x100xi32, #tpu.memory_space<hbm>>) target(%arg9 : memref<1x100xi32, #tpu.memory_space<vmem>>) target_semaphore(%arg15 : memref<!tpu.dma_semaphore, #tpu.memory_space<semaphore_mem>>)
    %dma_wait3A_48 = arith.constant 98 : i32
    %dma_wait3A_49 = arith.constant 0 : i32
    %dma_wait3A_50 = tpu.memref_slice %arg7[%dma_wait3A_48, %dma_wait3A_49] : memref<100x100xi32, #tpu.memory_space<vmem>> -> memref<1x100xi32, #tpu.memory_space<vmem>>
    %dma_wait3A_51 = tpu.memref_squeeze %dma_wait3A_50 : memref<1x100xi32, #tpu.memory_space<vmem>> -> memref<100xi32, #tpu.memory_space<vmem>>
    %dma_wait3A_52 = arith.constant 0 : i32
    %dma_wait3A_53 = arith.constant 0 : i32
    %dma_wait3A_54 = tpu.memref_slice %arg2[%dma_wait3A_52, %dma_wait3A_53] : memref<10000x128xf32, #tpu.memory_space<hbm>> -> memref<10000x128xf32, #tpu.memory_space<hbm>>
    tpu.wait_indirect_dma semaphore(%arg12 : memref<!tpu.dma_semaphore, #tpu.memory_space<semaphore_mem>>) src(%dma_wait3A_54 : memref<10000x128xf32, #tpu.memory_space<hbm>>) dst(%arg10 : memref<100x128xf32, #tpu.memory_space<vmem>>)
    %run_scoped3A_55 = arith.constant 0 : i32
    "tpu.region"() ({
      %run_scoped3A_86 = tpu.sem_alloc : memref<!tpu.dma_semaphore, #tpu.memory_space<semaphore_mem>>
      %dma_start3A_87 = arith.constant 0 : i32
      %dma_start3A_88 = tpu.memref_slice %arg8[%run_scoped3A_55, %dma_start3A_87] : memref<1x100xi32, #tpu.memory_space<vmem>> -> memref<1x100xi32, #tpu.memory_space<vmem>>
      %dma_start3A_89 = tpu.memref_squeeze %dma_start3A_88 : memref<1x100xi32, #tpu.memory_space<vmem>> -> memref<100xi32, #tpu.memory_space<vmem>>
      %dma_start3A_90 = arith.constant 0 : i32
      %dma_start3A_91 = arith.constant 0 : i32
      %dma_start3A_92 = tpu.memref_slice %arg17[%dma_start3A_90, %dma_start3A_91] : memref<10000x128xf32, #tpu.memory_space<vmem_shared>> -> memref<10000x128xf32, #tpu.memory_space<vmem_shared>>
      tpu.enqueue_indirect_dma source(%arg10 : memref<100x128xf32, #tpu.memory_space<vmem>>) target(%dma_start3A_92 : memref<10000x128xf32, #tpu.memory_space<vmem_shared>>) offsets(%dma_start3A_89 : memref<100xi32, #tpu.memory_space<vmem>>) semaphore(%run_scoped3A_86 : memref<!tpu.dma_semaphore, #tpu.memory_space<semaphore_mem>>) {add = true}
      %dma_wait3A_93 = arith.constant 0 : i32
      %dma_wait3A_94 = tpu.memref_slice %arg8[%run_scoped3A_55, %dma_wait3A_93] : memref<1x100xi32, #tpu.memory_space<vmem>> -> memref<1x100xi32, #tpu.memory_space<vmem>>
      %dma_wait3A_95 = tpu.memref_squeeze %dma_wait3A_94 : memref<1x100xi32, #tpu.memory_space<vmem>> -> memref<100xi32, #tpu.memory_space<vmem>>
      %dma_wait3A_96 = arith.constant 0 : i32
      %dma_wait3A_97 = arith.constant 0 : i32
      %dma_wait3A_98 = tpu.memref_slice %arg17[%dma_wait3A_96, %dma_wait3A_97] : memref<10000x128xf32, #tpu.memory_space<vmem_shared>> -> memref<10000x128xf32, #tpu.memory_space<vmem_shared>>
      tpu.wait_indirect_dma semaphore(%run_scoped3A_86 : memref<!tpu.dma_semaphore, #tpu.memory_space<semaphore_mem>>) src(%arg10 : memref<100x128xf32, #tpu.memory_space<vmem>>) dst(%dma_wait3A_98 : memref<10000x128xf32, #tpu.memory_space<vmem_shared>>)
      tpu.yield
    }) : () -> ()
    %dma_wait3A_56 = arith.constant 99 : i32
    %dma_wait3A_57 = arith.constant 0 : i32
    %dma_wait3A_58 = tpu.memref_slice %arg7[%dma_wait3A_56, %dma_wait3A_57] : memref<100x100xi32, #tpu.memory_space<vmem>> -> memref<1x100xi32, #tpu.memory_space<vmem>>
    %dma_wait3A_59 = tpu.memref_squeeze %dma_wait3A_58 : memref<1x100xi32, #tpu.memory_space<vmem>> -> memref<100xi32, #tpu.memory_space<vmem>>
    %dma_wait3A_60 = arith.constant 0 : i32
    %dma_wait3A_61 = arith.constant 0 : i32
    %dma_wait3A_62 = tpu.memref_slice %arg2[%dma_wait3A_60, %dma_wait3A_61] : memref<10000x128xf32, #tpu.memory_space<hbm>> -> memref<10000x128xf32, #tpu.memory_space<hbm>>
    tpu.wait_indirect_dma semaphore(%arg13 : memref<!tpu.dma_semaphore, #tpu.memory_space<semaphore_mem>>) src(%dma_wait3A_62 : memref<10000x128xf32, #tpu.memory_space<hbm>>) dst(%arg11 : memref<100x128xf32, #tpu.memory_space<vmem>>)
    %dma_wait3A_63 = arith.constant 99 : i32
    %dma_wait3A_64 = arith.constant 0 : i32
    %dma_wait3A_65 = arith.constant 0 : i32
    %dma_wait3A_66 = tpu.memref_slice %arg4[%add3A, %dma_wait3A_63, %dma_wait3A_64, %dma_wait3A_65] : memref<32x100x1x100xi32, #tpu.memory_space<hbm>> -> memref<1x1x1x100xi32, #tpu.memory_space<hbm>>
    %dma_wait3A_67 = tpu.memref_squeeze %dma_wait3A_66 : memref<1x1x1x100xi32, #tpu.memory_space<hbm>> -> memref<1x100xi32, #tpu.memory_space<hbm>>
    %dma_wait3A_68 = arith.constant 0 : i32
    %dma_wait3A_69 = arith.constant 0 : i32
    %dma_wait3A_70 = tpu.memref_slice %arg4[%add3A, %dma_wait3A_63, %dma_wait3A_68, %dma_wait3A_69] : memref<32x100x1x100xi32, #tpu.memory_space<hbm>> -> memref<1x1x1x100xi32, #tpu.memory_space<hbm>>
    %dma_wait3A_71 = tpu.memref_squeeze %dma_wait3A_70 : memref<1x1x1x100xi32, #tpu.memory_space<hbm>> -> memref<1x100xi32, #tpu.memory_space<hbm>>
    tpu.wait_dma2 semaphore(%arg15 : memref<!tpu.dma_semaphore, #tpu.memory_space<semaphore_mem>>) src(%dma_wait3A_71 : memref<1x100xi32, #tpu.memory_space<hbm>>) dst(%arg9 : memref<1x100xi32, #tpu.memory_space<vmem>>)
    %run_scoped3A_72 = arith.constant 0 : i32
    "tpu.region"() ({
      %run_scoped3A_86 = tpu.sem_alloc : memref<!tpu.dma_semaphore, #tpu.memory_space<semaphore_mem>>
      %dma_start3A_87 = arith.constant 0 : i32
      %dma_start3A_88 = tpu.memref_slice %arg9[%run_scoped3A_72, %dma_start3A_87] : memref<1x100xi32, #tpu.memory_space<vmem>> -> memref<1x100xi32, #tpu.memory_space<vmem>>
      %dma_start3A_89 = tpu.memref_squeeze %dma_start3A_88 : memref<1x100xi32, #tpu.memory_space<vmem>> -> memref<100xi32, #tpu.memory_space<vmem>>
      %dma_start3A_90 = arith.constant 0 : i32
      %dma_start3A_91 = arith.constant 0 : i32
      %dma_start3A_92 = tpu.memref_slice %arg17[%dma_start3A_90, %dma_start3A_91] : memref<10000x128xf32, #tpu.memory_space<vmem_shared>> -> memref<10000x128xf32, #tpu.memory_space<vmem_shared>>
      tpu.enqueue_indirect_dma source(%arg11 : memref<100x128xf32, #tpu.memory_space<vmem>>) target(%dma_start3A_92 : memref<10000x128xf32, #tpu.memory_space<vmem_shared>>) offsets(%dma_start3A_89 : memref<100xi32, #tpu.memory_space<vmem>>) semaphore(%run_scoped3A_86 : memref<!tpu.dma_semaphore, #tpu.memory_space<semaphore_mem>>) {add = true}
      %dma_wait3A_93 = arith.constant 0 : i32
      %dma_wait3A_94 = tpu.memref_slice %arg9[%run_scoped3A_72, %dma_wait3A_93] : memref<1x100xi32, #tpu.memory_space<vmem>> -> memref<1x100xi32, #tpu.memory_space<vmem>>
      %dma_wait3A_95 = tpu.memref_squeeze %dma_wait3A_94 : memref<1x100xi32, #tpu.memory_space<vmem>> -> memref<100xi32, #tpu.memory_space<vmem>>
      %dma_wait3A_96 = arith.constant 0 : i32
      %dma_wait3A_97 = arith.constant 0 : i32
      %dma_wait3A_98 = tpu.memref_slice %arg17[%dma_wait3A_96, %dma_wait3A_97] : memref<10000x128xf32, #tpu.memory_space<vmem_shared>> -> memref<10000x128xf32, #tpu.memory_space<vmem_shared>>
      tpu.wait_indirect_dma semaphore(%run_scoped3A_86 : memref<!tpu.dma_semaphore, #tpu.memory_space<semaphore_mem>>) src(%arg11 : memref<100x128xf32, #tpu.memory_space<vmem>>) dst(%dma_wait3A_98 : memref<10000x128xf32, #tpu.memory_space<vmem_shared>>)
      tpu.yield
    }) : () -> ()
    %barrier3A_73 = arith.constant 0 : index
    tpu.barrier barrier_id(%barrier3A_73)
    %mul3A_74 = arith.constant 624 : i32
    %mul3A_75 = arith.muli %arg1, %mul3A_74 : i32
    %mul3A_76 = arith.constant 624 : i32
    %mul3A_77 = arith.muli %arg1, %mul3A_76 : i32
    %mul3A_78 = arith.constant 10000 : i32
    %mul3A_79 = arith.muli %arg0, %mul3A_78 : i32
    %add3A_80 = arith.addi %mul3A_79, %mul3A_77 : i32
    "tpu.region"() ({
      %run_scoped3A_86 = tpu.sem_alloc : memref<!tpu.dma_semaphore, #tpu.memory_space<semaphore_mem>>
      %dma_start3A_87 = arith.constant 0 : i32
      %dma_start3A_88 = tpu.memref_slice %arg6[%add3A_80, %dma_start3A_87] : memref<20000x128xf32, #tpu.memory_space<hbm>> -> memref<624x128xf32, #tpu.memory_space<hbm>>
      %dma_start3A_89 = arith.constant 0 : i32
      %dma_start3A_90 = tpu.memref_slice %arg17[%mul3A_75, %dma_start3A_89] : memref<10000x128xf32, #tpu.memory_space<vmem_shared>> -> memref<624x128xf32, #tpu.memory_space<vmem_shared>>
      tpu.enqueue_dma source(%dma_start3A_90 : memref<624x128xf32, #tpu.memory_space<vmem_shared>>) target(%dma_start3A_88 : memref<624x128xf32, #tpu.memory_space<hbm>>) target_semaphore(%run_scoped3A_86 : memref<!tpu.dma_semaphore, #tpu.memory_space<semaphore_mem>>)
      %dma_wait3A_91 = arith.constant 0 : i32
      %dma_wait3A_92 = tpu.memref_slice %arg6[%add3A_80, %dma_wait3A_91] : memref<20000x128xf32, #tpu.memory_space<hbm>> -> memref<624x128xf32, #tpu.memory_space<hbm>>
      %dma_wait3A_93 = arith.constant 0 : i32
      %dma_wait3A_94 = tpu.memref_slice %arg17[%mul3A_75, %dma_wait3A_93] : memref<10000x128xf32, #tpu.memory_space<vmem_shared>> -> memref<624x128xf32, #tpu.memory_space<vmem_shared>>
      tpu.wait_dma2 semaphore(%run_scoped3A_86 : memref<!tpu.dma_semaphore, #tpu.memory_space<semaphore_mem>>) src(%dma_wait3A_94 : memref<624x128xf32, #tpu.memory_space<vmem_shared>>) dst(%dma_wait3A_92 : memref<624x128xf32, #tpu.memory_space<hbm>>)
      tpu.yield
    }) : () -> ()
    %eq3A_81 = arith.constant 15 : i32
    %eq3A_82 = arith.cmpi eq, %arg1, %eq3A_81 : i32
    %convert_element_type3A_83 = arith.extui %eq3A_82 : i1 to i32
    %cond3A_84 = arith.constant 0 : i32
    %cond3A_85 = arith.cmpi ne, %convert_element_type3A_83, %cond3A_84 : i32
    scf.if %cond3A_85 {
      %mul3A_86 = arith.constant 10000 : i32
      %mul3A_87 = arith.muli %arg0, %mul3A_86 : i32
      %add3A_88 = arith.constant 9984 : i32
      %add3A_89 = arith.addi %mul3A_87, %add3A_88 : i32
      "tpu.region"() ({
        %run_scoped3A_90 = tpu.sem_alloc : memref<!tpu.dma_semaphore, #tpu.memory_space<semaphore_mem>>
        %dma_start3A_91 = arith.constant 0 : i32
        %dma_start3A_92 = tpu.memref_slice %arg6[%add3A_89, %dma_start3A_91] : memref<20000x128xf32, #tpu.memory_space<hbm>> -> memref<16x128xf32, #tpu.memory_space<hbm>>
        %dma_start3A_93 = arith.constant 9984 : i32
        %dma_start3A_94 = arith.constant 0 : i32
        %dma_start3A_95 = tpu.memref_slice %arg17[%dma_start3A_93, %dma_start3A_94] : memref<10000x128xf32, #tpu.memory_space<vmem_shared>> -> memref<16x128xf32, #tpu.memory_space<vmem_shared>>
        tpu.enqueue_dma source(%dma_start3A_95 : memref<16x128xf32, #tpu.memory_space<vmem_shared>>) target(%dma_start3A_92 : memref<16x128xf32, #tpu.memory_space<hbm>>) target_semaphore(%run_scoped3A_90 : memref<!tpu.dma_semaphore, #tpu.memory_space<semaphore_mem>>)
        %dma_wait3A_96 = arith.constant 0 : i32
        %dma_wait3A_97 = tpu.memref_slice %arg6[%add3A_89, %dma_wait3A_96] : memref<20000x128xf32, #tpu.memory_space<hbm>> -> memref<16x128xf32, #tpu.memory_space<hbm>>
        %dma_wait3A_98 = arith.constant 9984 : i32
        %dma_wait3A_99 = arith.constant 0 : i32
        %dma_wait3A_100 = tpu.memref_slice %arg17[%dma_wait3A_98, %dma_wait3A_99] : memref<10000x128xf32, #tpu.memory_space<vmem_shared>> -> memref<16x128xf32, #tpu.memory_space<vmem_shared>>
        tpu.wait_dma2 semaphore(%run_scoped3A_90 : memref<!tpu.dma_semaphore, #tpu.memory_space<semaphore_mem>>) src(%dma_wait3A_100 : memref<16x128xf32, #tpu.memory_space<vmem_shared>>) dst(%dma_wait3A_97 : memref<16x128xf32, #tpu.memory_space<hbm>>)
        tpu.yield
      }) : () -> ()
    } else {
    }
    return
  }
}

#map = affine_map<(d0, d1) -> (0, 0)>
#map1 = affine_map<(d0, d1) -> (0, 0, 0)>
#map2 = affine_map<(d0, d1) -> (0, 0, 0, 0)>
module attributes {stable_mosaic.version = 14 : i64} {
  func.func @_sc_agg_body(%arg0: i32, %arg1: i32, %arg2: memref<10000x128xf32, #tpu.memory_space<hbm>>, %arg3: memref<32x100x100xi32, #tpu.memory_space<hbm>>, %arg4: memref<32x100x1x100xi32, #tpu.memory_space<hbm>>, %arg5: memref<624x128xf32, #tpu.memory_space<hbm>>, %arg6: memref<20000x128xf32, #tpu.memory_space<hbm>>, %arg7: memref<100x100xi32, #tpu.memory_space<vmem>>, %arg8: memref<1x100xi32, #tpu.memory_space<vmem>>, %arg9: memref<1x100xi32, #tpu.memory_space<vmem>>, %arg10: memref<100x128xf32, #tpu.memory_space<vmem>>, %arg11: memref<100x128xf32, #tpu.memory_space<vmem>>, %arg12: memref<!tpu.dma_semaphore, #tpu.memory_space<semaphore_mem>>, %arg13: memref<!tpu.dma_semaphore, #tpu.memory_space<semaphore_mem>>, %arg14: memref<!tpu.dma_semaphore, #tpu.memory_space<semaphore_mem>>, %arg15: memref<!tpu.dma_semaphore, #tpu.memory_space<semaphore_mem>>, %arg16: memref<!tpu.dma_semaphore, #tpu.memory_space<semaphore_mem>>, %arg17: memref<10000x128xf32, #tpu.memory_space<vmem_shared>>) attributes {dimension_semantics = [#tpu.dimension_semantics<core_parallel>, #tpu.dimension_semantics<subcore_parallel>], iteration_bounds = array<i64: 2, 16>, scalar_prefetch = 0 : i64, scratch_operands = 11 : i64, tpu.core_type = #tpu.core_type<sc_vector_subcore>, window_params = [{transform_indices = #map}, {transform_indices = #map1}, {transform_indices = #map2}, {transform_indices = #map}, {transform_indices = #map}]} {
    %mul3A = arith.constant 16 : i32
    %mul3A_0 = arith.muli %arg0, %mul3A : i32
    %add3A = arith.addi %mul3A_0, %arg1 : i32
    %mul3A_1 = arith.constant 624 : i32
    %mul3A_2 = arith.muli %arg1, %mul3A_1 : i32
    %dma_start3A = arith.constant 0 : i32
    %dma_start3A_3 = tpu.memref_slice %arg17[%mul3A_2, %dma_start3A] : memref<10000x128xf32, #tpu.memory_space<vmem_shared>> -> memref<624x128xf32, #tpu.memory_space<vmem_shared>>
    %dma_start3A_4 = arith.constant 0 : i32
    %dma_start3A_5 = arith.constant 0 : i32
    %dma_start3A_6 = tpu.memref_slice %arg5[%dma_start3A_4, %dma_start3A_5] : memref<624x128xf32, #tpu.memory_space<hbm>> -> memref<624x128xf32, #tpu.memory_space<hbm>>
    tpu.enqueue_dma source(%dma_start3A_6 : memref<624x128xf32, #tpu.memory_space<hbm>>) target(%dma_start3A_3 : memref<624x128xf32, #tpu.memory_space<vmem_shared>>) target_semaphore(%arg16 : memref<!tpu.dma_semaphore, #tpu.memory_space<semaphore_mem>>)
    %eq3A = arith.constant 15 : i32
    %eq3A_7 = arith.cmpi eq, %arg1, %eq3A : i32
    %convert_element_type3A = arith.extui %eq3A_7 : i1 to i32
    %cond3A = arith.constant 0 : i32
    %cond3A_8 = arith.cmpi ne, %convert_element_type3A, %cond3A : i32
    scf.if %cond3A_8 {
      %dma_start3A_86 = arith.constant 9984 : i32
      %dma_start3A_87 = arith.constant 0 : i32
      %dma_start3A_88 = tpu.memref_slice %arg17[%dma_start3A_86, %dma_start3A_87] : memref<10000x128xf32, #tpu.memory_space<vmem_shared>> -> memref<16x128xf32, #tpu.memory_space<vmem_shared>>
      %dma_start3A_89 = arith.constant 0 : i32
      %dma_start3A_90 = arith.constant 0 : i32
      %dma_start3A_91 = tpu.memref_slice %arg5[%dma_start3A_89, %dma_start3A_90] : memref<624x128xf32, #tpu.memory_space<hbm>> -> memref<16x128xf32, #tpu.memory_space<hbm>>
      tpu.enqueue_dma source(%dma_start3A_91 : memref<16x128xf32, #tpu.memory_space<hbm>>) target(%dma_start3A_88 : memref<16x128xf32, #tpu.memory_space<vmem_shared>>) target_semaphore(%arg16 : memref<!tpu.dma_semaphore, #tpu.memory_space<semaphore_mem>>)
    } else {
    }
    "tpu.region"() ({
      %run_scoped3A_86 = tpu.sem_alloc : memref<!tpu.dma_semaphore, #tpu.memory_space<semaphore_mem>>
      %dma_start3A_87 = arith.constant 0 : i32
      %dma_start3A_88 = arith.constant 0 : i32
      %dma_start3A_89 = tpu.memref_slice %arg3[%add3A, %dma_start3A_87, %dma_start3A_88] : memref<32x100x100xi32, #tpu.memory_space<hbm>> -> memref<1x100x100xi32, #tpu.memory_space<hbm>>
      %dma_start3A_90 = tpu.memref_squeeze %dma_start3A_89 : memref<1x100x100xi32, #tpu.memory_space<hbm>> -> memref<100x100xi32, #tpu.memory_space<hbm>>
      %dma_start3A_91 = arith.constant 0 : i32
      %dma_start3A_92 = arith.constant 0 : i32
      %dma_start3A_93 = tpu.memref_slice %arg3[%add3A, %dma_start3A_91, %dma_start3A_92] : memref<32x100x100xi32, #tpu.memory_space<hbm>> -> memref<1x100x100xi32, #tpu.memory_space<hbm>>
      %dma_start3A_94 = tpu.memref_squeeze %dma_start3A_93 : memref<1x100x100xi32, #tpu.memory_space<hbm>> -> memref<100x100xi32, #tpu.memory_space<hbm>>
      tpu.enqueue_dma source(%dma_start3A_94 : memref<100x100xi32, #tpu.memory_space<hbm>>) target(%arg7 : memref<100x100xi32, #tpu.memory_space<vmem>>) target_semaphore(%run_scoped3A_86 : memref<!tpu.dma_semaphore, #tpu.memory_space<semaphore_mem>>)
      %dma_wait3A_95 = arith.constant 0 : i32
      %dma_wait3A_96 = arith.constant 0 : i32
      %dma_wait3A_97 = tpu.memref_slice %arg3[%add3A, %dma_wait3A_95, %dma_wait3A_96] : memref<32x100x100xi32, #tpu.memory_space<hbm>> -> memref<1x100x100xi32, #tpu.memory_space<hbm>>
      %dma_wait3A_98 = tpu.memref_squeeze %dma_wait3A_97 : memref<1x100x100xi32, #tpu.memory_space<hbm>> -> memref<100x100xi32, #tpu.memory_space<hbm>>
      %dma_wait3A_99 = arith.constant 0 : i32
      %dma_wait3A_100 = arith.constant 0 : i32
      %dma_wait3A_101 = tpu.memref_slice %arg3[%add3A, %dma_wait3A_99, %dma_wait3A_100] : memref<32x100x100xi32, #tpu.memory_space<hbm>> -> memref<1x100x100xi32, #tpu.memory_space<hbm>>
      %dma_wait3A_102 = tpu.memref_squeeze %dma_wait3A_101 : memref<1x100x100xi32, #tpu.memory_space<hbm>> -> memref<100x100xi32, #tpu.memory_space<hbm>>
      tpu.wait_dma2 semaphore(%run_scoped3A_86 : memref<!tpu.dma_semaphore, #tpu.memory_space<semaphore_mem>>) src(%dma_wait3A_102 : memref<100x100xi32, #tpu.memory_space<hbm>>) dst(%arg7 : memref<100x100xi32, #tpu.memory_space<vmem>>)
      tpu.yield
    }) : () -> ()
    %run_scoped3A = arith.constant 0 : i32
    "tpu.region"() ({
      %run_scoped3A_86 = tpu.sem_alloc : memref<!tpu.dma_semaphore, #tpu.memory_space<semaphore_mem>>
      %dma_start3A_87 = arith.constant 0 : i32
      %dma_start3A_88 = arith.constant 0 : i32
      %dma_start3A_89 = tpu.memref_slice %arg4[%add3A, %run_scoped3A, %dma_start3A_87, %dma_start3A_88] : memref<32x100x1x100xi32, #tpu.memory_space<hbm>> -> memref<1x1x1x100xi32, #tpu.memory_space<hbm>>
      %dma_start3A_90 = tpu.memref_squeeze %dma_start3A_89 : memref<1x1x1x100xi32, #tpu.memory_space<hbm>> -> memref<1x100xi32, #tpu.memory_space<hbm>>
      %dma_start3A_91 = arith.constant 0 : i32
      %dma_start3A_92 = arith.constant 0 : i32
      %dma_start3A_93 = tpu.memref_slice %arg4[%add3A, %run_scoped3A, %dma_start3A_91, %dma_start3A_92] : memref<32x100x1x100xi32, #tpu.memory_space<hbm>> -> memref<1x1x1x100xi32, #tpu.memory_space<hbm>>
      %dma_start3A_94 = tpu.memref_squeeze %dma_start3A_93 : memref<1x1x1x100xi32, #tpu.memory_space<hbm>> -> memref<1x100xi32, #tpu.memory_space<hbm>>
      tpu.enqueue_dma source(%dma_start3A_94 : memref<1x100xi32, #tpu.memory_space<hbm>>) target(%arg8 : memref<1x100xi32, #tpu.memory_space<vmem>>) target_semaphore(%run_scoped3A_86 : memref<!tpu.dma_semaphore, #tpu.memory_space<semaphore_mem>>)
      %dma_wait3A_95 = arith.constant 0 : i32
      %dma_wait3A_96 = arith.constant 0 : i32
      %dma_wait3A_97 = tpu.memref_slice %arg4[%add3A, %run_scoped3A, %dma_wait3A_95, %dma_wait3A_96] : memref<32x100x1x100xi32, #tpu.memory_space<hbm>> -> memref<1x1x1x100xi32, #tpu.memory_space<hbm>>
      %dma_wait3A_98 = tpu.memref_squeeze %dma_wait3A_97 : memref<1x1x1x100xi32, #tpu.memory_space<hbm>> -> memref<1x100xi32, #tpu.memory_space<hbm>>
      %dma_wait3A_99 = arith.constant 0 : i32
      %dma_wait3A_100 = arith.constant 0 : i32
      %dma_wait3A_101 = tpu.memref_slice %arg4[%add3A, %run_scoped3A, %dma_wait3A_99, %dma_wait3A_100] : memref<32x100x1x100xi32, #tpu.memory_space<hbm>> -> memref<1x1x1x100xi32, #tpu.memory_space<hbm>>
      %dma_wait3A_102 = tpu.memref_squeeze %dma_wait3A_101 : memref<1x1x1x100xi32, #tpu.memory_space<hbm>> -> memref<1x100xi32, #tpu.memory_space<hbm>>
      tpu.wait_dma2 semaphore(%run_scoped3A_86 : memref<!tpu.dma_semaphore, #tpu.memory_space<semaphore_mem>>) src(%dma_wait3A_102 : memref<1x100xi32, #tpu.memory_space<hbm>>) dst(%arg8 : memref<1x100xi32, #tpu.memory_space<vmem>>)
      tpu.yield
    }) : () -> ()
    %dma_start3A_9 = arith.constant 0 : i32
    %dma_start3A_10 = arith.constant 0 : i32
    %dma_start3A_11 = tpu.memref_slice %arg7[%dma_start3A_9, %dma_start3A_10] : memref<100x100xi32, #tpu.memory_space<vmem>> -> memref<1x100xi32, #tpu.memory_space<vmem>>
    %dma_start3A_12 = tpu.memref_squeeze %dma_start3A_11 : memref<1x100xi32, #tpu.memory_space<vmem>> -> memref<100xi32, #tpu.memory_space<vmem>>
    %dma_start3A_13 = arith.constant 0 : i32
    %dma_start3A_14 = arith.constant 0 : i32
    %dma_start3A_15 = tpu.memref_slice %arg2[%dma_start3A_13, %dma_start3A_14] : memref<10000x128xf32, #tpu.memory_space<hbm>> -> memref<10000x128xf32, #tpu.memory_space<hbm>>
    tpu.enqueue_indirect_dma source(%dma_start3A_15 : memref<10000x128xf32, #tpu.memory_space<hbm>>) target(%arg10 : memref<100x128xf32, #tpu.memory_space<vmem>>) offsets(%dma_start3A_12 : memref<100xi32, #tpu.memory_space<vmem>>) semaphore(%arg12 : memref<!tpu.dma_semaphore, #tpu.memory_space<semaphore_mem>>)
    %mul3A_16 = arith.constant 624 : i32
    %mul3A_17 = arith.muli %arg1, %mul3A_16 : i32
    %dma_wait3A = arith.constant 0 : i32
    %dma_wait3A_18 = tpu.memref_slice %arg17[%mul3A_17, %dma_wait3A] : memref<10000x128xf32, #tpu.memory_space<vmem_shared>> -> memref<624x128xf32, #tpu.memory_space<vmem_shared>>
    %dma_wait3A_19 = arith.constant 0 : i32
    %dma_wait3A_20 = arith.constant 0 : i32
    %dma_wait3A_21 = tpu.memref_slice %arg5[%dma_wait3A_19, %dma_wait3A_20] : memref<624x128xf32, #tpu.memory_space<hbm>> -> memref<624x128xf32, #tpu.memory_space<hbm>>
    tpu.wait_dma2 semaphore(%arg16 : memref<!tpu.dma_semaphore, #tpu.memory_space<semaphore_mem>>) src(%dma_wait3A_21 : memref<624x128xf32, #tpu.memory_space<hbm>>) dst(%dma_wait3A_18 : memref<624x128xf32, #tpu.memory_space<vmem_shared>>)
    %eq3A_22 = arith.constant 15 : i32
    %eq3A_23 = arith.cmpi eq, %arg1, %eq3A_22 : i32
    %convert_element_type3A_24 = arith.extui %eq3A_23 : i1 to i32
    %cond3A_25 = arith.constant 0 : i32
    %cond3A_26 = arith.cmpi ne, %convert_element_type3A_24, %cond3A_25 : i32
    scf.if %cond3A_26 {
      %dma_wait3A_86 = arith.constant 9984 : i32
      %dma_wait3A_87 = arith.constant 0 : i32
      %dma_wait3A_88 = tpu.memref_slice %arg17[%dma_wait3A_86, %dma_wait3A_87] : memref<10000x128xf32, #tpu.memory_space<vmem_shared>> -> memref<16x128xf32, #tpu.memory_space<vmem_shared>>
      %dma_wait3A_89 = arith.constant 0 : i32
      %dma_wait3A_90 = arith.constant 0 : i32
      %dma_wait3A_91 = tpu.memref_slice %arg5[%dma_wait3A_89, %dma_wait3A_90] : memref<624x128xf32, #tpu.memory_space<hbm>> -> memref<16x128xf32, #tpu.memory_space<hbm>>
      tpu.wait_dma2 semaphore(%arg16 : memref<!tpu.dma_semaphore, #tpu.memory_space<semaphore_mem>>) src(%dma_wait3A_91 : memref<16x128xf32, #tpu.memory_space<hbm>>) dst(%dma_wait3A_88 : memref<16x128xf32, #tpu.memory_space<vmem_shared>>)
    } else {
    }
    %barrier3A = arith.constant 0 : index
    tpu.barrier barrier_id(%barrier3A)
    %scan3A = arith.constant 0 : i32
    %scan3A_27 = arith.constant 0 : i32
    %scan3A_28 = arith.constant 49 : i32
    %scan3A_29 = arith.addi %scan3A_27, %scan3A_28 : i32
    %scan3A_30 = arith.constant 1 : i32
    scf.for %scan3A_86 = %scan3A_27 to %scan3A_29 step %scan3A_30  : i32 {
      %mul3A_87 = arith.constant 2 : i32
      %mul3A_88 = arith.muli %mul3A_87, %scan3A_86 : i32
      %add3A_89 = arith.constant 1 : i32
      %add3A_90 = arith.addi %mul3A_88, %add3A_89 : i32
      %dma_start3A_91 = arith.constant 0 : i32
      %dma_start3A_92 = tpu.memref_slice %arg7[%add3A_90, %dma_start3A_91] : memref<100x100xi32, #tpu.memory_space<vmem>> -> memref<1x100xi32, #tpu.memory_space<vmem>>
      %dma_start3A_93 = tpu.memref_squeeze %dma_start3A_92 : memref<1x100xi32, #tpu.memory_space<vmem>> -> memref<100xi32, #tpu.memory_space<vmem>>
      %dma_start3A_94 = arith.constant 0 : i32
      %dma_start3A_95 = arith.constant 0 : i32
      %dma_start3A_96 = tpu.memref_slice %arg2[%dma_start3A_94, %dma_start3A_95] : memref<10000x128xf32, #tpu.memory_space<hbm>> -> memref<10000x128xf32, #tpu.memory_space<hbm>>
      tpu.enqueue_indirect_dma source(%dma_start3A_96 : memref<10000x128xf32, #tpu.memory_space<hbm>>) target(%arg11 : memref<100x128xf32, #tpu.memory_space<vmem>>) offsets(%dma_start3A_93 : memref<100xi32, #tpu.memory_space<vmem>>) semaphore(%arg13 : memref<!tpu.dma_semaphore, #tpu.memory_space<semaphore_mem>>)
      %add3A_97 = arith.constant 1 : i32
      %add3A_98 = arith.addi %mul3A_88, %add3A_97 : i32
      %dma_start3A_99 = arith.constant 0 : i32
      %dma_start3A_100 = arith.constant 0 : i32
      %dma_start3A_101 = tpu.memref_slice %arg4[%add3A, %add3A_98, %dma_start3A_99, %dma_start3A_100] : memref<32x100x1x100xi32, #tpu.memory_space<hbm>> -> memref<1x1x1x100xi32, #tpu.memory_space<hbm>>
      %dma_start3A_102 = tpu.memref_squeeze %dma_start3A_101 : memref<1x1x1x100xi32, #tpu.memory_space<hbm>> -> memref<1x100xi32, #tpu.memory_space<hbm>>
      %dma_start3A_103 = arith.constant 0 : i32
      %dma_start3A_104 = arith.constant 0 : i32
      %dma_start3A_105 = tpu.memref_slice %arg4[%add3A, %add3A_98, %dma_start3A_103, %dma_start3A_104] : memref<32x100x1x100xi32, #tpu.memory_space<hbm>> -> memref<1x1x1x100xi32, #tpu.memory_space<hbm>>
      %dma_start3A_106 = tpu.memref_squeeze %dma_start3A_105 : memref<1x1x1x100xi32, #tpu.memory_space<hbm>> -> memref<1x100xi32, #tpu.memory_space<hbm>>
      tpu.enqueue_dma source(%dma_start3A_106 : memref<1x100xi32, #tpu.memory_space<hbm>>) target(%arg9 : memref<1x100xi32, #tpu.memory_space<vmem>>) target_semaphore(%arg15 : memref<!tpu.dma_semaphore, #tpu.memory_space<semaphore_mem>>)
      %dma_wait3A_107 = arith.constant 0 : i32
      %dma_wait3A_108 = tpu.memref_slice %arg7[%mul3A_88, %dma_wait3A_107] : memref<100x100xi32, #tpu.memory_space<vmem>> -> memref<1x100xi32, #tpu.memory_space<vmem>>
      %dma_wait3A_109 = tpu.memref_squeeze %dma_wait3A_108 : memref<1x100xi32, #tpu.memory_space<vmem>> -> memref<100xi32, #tpu.memory_space<vmem>>
      %dma_wait3A_110 = arith.constant 0 : i32
      %dma_wait3A_111 = arith.constant 0 : i32
      %dma_wait3A_112 = tpu.memref_slice %arg2[%dma_wait3A_110, %dma_wait3A_111] : memref<10000x128xf32, #tpu.memory_space<hbm>> -> memref<10000x128xf32, #tpu.memory_space<hbm>>
      tpu.wait_indirect_dma semaphore(%arg12 : memref<!tpu.dma_semaphore, #tpu.memory_space<semaphore_mem>>) src(%dma_wait3A_112 : memref<10000x128xf32, #tpu.memory_space<hbm>>) dst(%arg10 : memref<100x128xf32, #tpu.memory_space<vmem>>)
      %run_scoped3A_113 = arith.constant 0 : i32
      "tpu.region"() ({
        %run_scoped3A_161 = tpu.sem_alloc : memref<!tpu.dma_semaphore, #tpu.memory_space<semaphore_mem>>
        %dma_start3A_162 = arith.constant 0 : i32
        %dma_start3A_163 = tpu.memref_slice %arg8[%run_scoped3A_113, %dma_start3A_162] : memref<1x100xi32, #tpu.memory_space<vmem>> -> memref<1x100xi32, #tpu.memory_space<vmem>>
        %dma_start3A_164 = tpu.memref_squeeze %dma_start3A_163 : memref<1x100xi32, #tpu.memory_space<vmem>> -> memref<100xi32, #tpu.memory_space<vmem>>
        %dma_start3A_165 = arith.constant 0 : i32
        %dma_start3A_166 = arith.constant 0 : i32
        %dma_start3A_167 = tpu.memref_slice %arg17[%dma_start3A_165, %dma_start3A_166] : memref<10000x128xf32, #tpu.memory_space<vmem_shared>> -> memref<10000x128xf32, #tpu.memory_space<vmem_shared>>
        tpu.enqueue_indirect_dma source(%arg10 : memref<100x128xf32, #tpu.memory_space<vmem>>) target(%dma_start3A_167 : memref<10000x128xf32, #tpu.memory_space<vmem_shared>>) offsets(%dma_start3A_164 : memref<100xi32, #tpu.memory_space<vmem>>) semaphore(%run_scoped3A_161 : memref<!tpu.dma_semaphore, #tpu.memory_space<semaphore_mem>>) {add = true}
        %dma_wait3A_168 = arith.constant 0 : i32
        %dma_wait3A_169 = tpu.memref_slice %arg8[%run_scoped3A_113, %dma_wait3A_168] : memref<1x100xi32, #tpu.memory_space<vmem>> -> memref<1x100xi32, #tpu.memory_space<vmem>>
        %dma_wait3A_170 = tpu.memref_squeeze %dma_wait3A_169 : memref<1x100xi32, #tpu.memory_space<vmem>> -> memref<100xi32, #tpu.memory_space<vmem>>
        %dma_wait3A_171 = arith.constant 0 : i32
        %dma_wait3A_172 = arith.constant 0 : i32
        %dma_wait3A_173 = tpu.memref_slice %arg17[%dma_wait3A_171, %dma_wait3A_172] : memref<10000x128xf32, #tpu.memory_space<vmem_shared>> -> memref<10000x128xf32, #tpu.memory_space<vmem_shared>>
        tpu.wait_indirect_dma semaphore(%run_scoped3A_161 : memref<!tpu.dma_semaphore, #tpu.memory_space<semaphore_mem>>) src(%arg10 : memref<100x128xf32, #tpu.memory_space<vmem>>) dst(%dma_wait3A_173 : memref<10000x128xf32, #tpu.memory_space<vmem_shared>>)
        tpu.yield
      }) : () -> ()
      %add3A_114 = arith.constant 2 : i32
      %add3A_115 = arith.addi %mul3A_88, %add3A_114 : i32
      %dma_start3A_116 = arith.constant 0 : i32
      %dma_start3A_117 = tpu.memref_slice %arg7[%add3A_115, %dma_start3A_116] : memref<100x100xi32, #tpu.memory_space<vmem>> -> memref<1x100xi32, #tpu.memory_space<vmem>>
      %dma_start3A_118 = tpu.memref_squeeze %dma_start3A_117 : memref<1x100xi32, #tpu.memory_space<vmem>> -> memref<100xi32, #tpu.memory_space<vmem>>
      %dma_start3A_119 = arith.constant 0 : i32
      %dma_start3A_120 = arith.constant 0 : i32
      %dma_start3A_121 = tpu.memref_slice %arg2[%dma_start3A_119, %dma_start3A_120] : memref<10000x128xf32, #tpu.memory_space<hbm>> -> memref<10000x128xf32, #tpu.memory_space<hbm>>
      tpu.enqueue_indirect_dma source(%dma_start3A_121 : memref<10000x128xf32, #tpu.memory_space<hbm>>) target(%arg10 : memref<100x128xf32, #tpu.memory_space<vmem>>) offsets(%dma_start3A_118 : memref<100xi32, #tpu.memory_space<vmem>>) semaphore(%arg12 : memref<!tpu.dma_semaphore, #tpu.memory_space<semaphore_mem>>)
      %add3A_122 = arith.constant 2 : i32
      %add3A_123 = arith.addi %mul3A_88, %add3A_122 : i32
      %dma_start3A_124 = arith.constant 0 : i32
      %dma_start3A_125 = arith.constant 0 : i32
      %dma_start3A_126 = tpu.memref_slice %arg4[%add3A, %add3A_123, %dma_start3A_124, %dma_start3A_125] : memref<32x100x1x100xi32, #tpu.memory_space<hbm>> -> memref<1x1x1x100xi32, #tpu.memory_space<hbm>>
      %dma_start3A_127 = tpu.memref_squeeze %dma_start3A_126 : memref<1x1x1x100xi32, #tpu.memory_space<hbm>> -> memref<1x100xi32, #tpu.memory_space<hbm>>
      %dma_start3A_128 = arith.constant 0 : i32
      %dma_start3A_129 = arith.constant 0 : i32
      %dma_start3A_130 = tpu.memref_slice %arg4[%add3A, %add3A_123, %dma_start3A_128, %dma_start3A_129] : memref<32x100x1x100xi32, #tpu.memory_space<hbm>> -> memref<1x1x1x100xi32, #tpu.memory_space<hbm>>
      %dma_start3A_131 = tpu.memref_squeeze %dma_start3A_130 : memref<1x1x1x100xi32, #tpu.memory_space<hbm>> -> memref<1x100xi32, #tpu.memory_space<hbm>>
      tpu.enqueue_dma source(%dma_start3A_131 : memref<1x100xi32, #tpu.memory_space<hbm>>) target(%arg8 : memref<1x100xi32, #tpu.memory_space<vmem>>) target_semaphore(%arg14 : memref<!tpu.dma_semaphore, #tpu.memory_space<semaphore_mem>>)
      %add3A_132 = arith.constant 1 : i32
      %add3A_133 = arith.addi %mul3A_88, %add3A_132 : i32
      %dma_wait3A_134 = arith.constant 0 : i32
      %dma_wait3A_135 = tpu.memref_slice %arg7[%add3A_133, %dma_wait3A_134] : memref<100x100xi32, #tpu.memory_space<vmem>> -> memref<1x100xi32, #tpu.memory_space<vmem>>
      %dma_wait3A_136 = tpu.memref_squeeze %dma_wait3A_135 : memref<1x100xi32, #tpu.memory_space<vmem>> -> memref<100xi32, #tpu.memory_space<vmem>>
      %dma_wait3A_137 = arith.constant 0 : i32
      %dma_wait3A_138 = arith.constant 0 : i32
      %dma_wait3A_139 = tpu.memref_slice %arg2[%dma_wait3A_137, %dma_wait3A_138] : memref<10000x128xf32, #tpu.memory_space<hbm>> -> memref<10000x128xf32, #tpu.memory_space<hbm>>
      tpu.wait_indirect_dma semaphore(%arg13 : memref<!tpu.dma_semaphore, #tpu.memory_space<semaphore_mem>>) src(%dma_wait3A_139 : memref<10000x128xf32, #tpu.memory_space<hbm>>) dst(%arg11 : memref<100x128xf32, #tpu.memory_space<vmem>>)
      %add3A_140 = arith.constant 1 : i32
      %add3A_141 = arith.addi %mul3A_88, %add3A_140 : i32
      %dma_wait3A_142 = arith.constant 0 : i32
      %dma_wait3A_143 = arith.constant 0 : i32
      %dma_wait3A_144 = tpu.memref_slice %arg4[%add3A, %add3A_141, %dma_wait3A_142, %dma_wait3A_143] : memref<32x100x1x100xi32, #tpu.memory_space<hbm>> -> memref<1x1x1x100xi32, #tpu.memory_space<hbm>>
      %dma_wait3A_145 = tpu.memref_squeeze %dma_wait3A_144 : memref<1x1x1x100xi32, #tpu.memory_space<hbm>> -> memref<1x100xi32, #tpu.memory_space<hbm>>
      %dma_wait3A_146 = arith.constant 0 : i32
      %dma_wait3A_147 = arith.constant 0 : i32
      %dma_wait3A_148 = tpu.memref_slice %arg4[%add3A, %add3A_141, %dma_wait3A_146, %dma_wait3A_147] : memref<32x100x1x100xi32, #tpu.memory_space<hbm>> -> memref<1x1x1x100xi32, #tpu.memory_space<hbm>>
      %dma_wait3A_149 = tpu.memref_squeeze %dma_wait3A_148 : memref<1x1x1x100xi32, #tpu.memory_space<hbm>> -> memref<1x100xi32, #tpu.memory_space<hbm>>
      tpu.wait_dma2 semaphore(%arg15 : memref<!tpu.dma_semaphore, #tpu.memory_space<semaphore_mem>>) src(%dma_wait3A_149 : memref<1x100xi32, #tpu.memory_space<hbm>>) dst(%arg9 : memref<1x100xi32, #tpu.memory_space<vmem>>)
      %run_scoped3A_150 = arith.constant 0 : i32
      "tpu.region"() ({
        %run_scoped3A_161 = tpu.sem_alloc : memref<!tpu.dma_semaphore, #tpu.memory_space<semaphore_mem>>
        %dma_start3A_162 = arith.constant 0 : i32
        %dma_start3A_163 = tpu.memref_slice %arg9[%run_scoped3A_150, %dma_start3A_162] : memref<1x100xi32, #tpu.memory_space<vmem>> -> memref<1x100xi32, #tpu.memory_space<vmem>>
        %dma_start3A_164 = tpu.memref_squeeze %dma_start3A_163 : memref<1x100xi32, #tpu.memory_space<vmem>> -> memref<100xi32, #tpu.memory_space<vmem>>
        %dma_start3A_165 = arith.constant 0 : i32
        %dma_start3A_166 = arith.constant 0 : i32
        %dma_start3A_167 = tpu.memref_slice %arg17[%dma_start3A_165, %dma_start3A_166] : memref<10000x128xf32, #tpu.memory_space<vmem_shared>> -> memref<10000x128xf32, #tpu.memory_space<vmem_shared>>
        tpu.enqueue_indirect_dma source(%arg11 : memref<100x128xf32, #tpu.memory_space<vmem>>) target(%dma_start3A_167 : memref<10000x128xf32, #tpu.memory_space<vmem_shared>>) offsets(%dma_start3A_164 : memref<100xi32, #tpu.memory_space<vmem>>) semaphore(%run_scoped3A_161 : memref<!tpu.dma_semaphore, #tpu.memory_space<semaphore_mem>>) {add = true}
        %dma_wait3A_168 = arith.constant 0 : i32
        %dma_wait3A_169 = tpu.memref_slice %arg9[%run_scoped3A_150, %dma_wait3A_168] : memref<1x100xi32, #tpu.memory_space<vmem>> -> memref<1x100xi32, #tpu.memory_space<vmem>>
        %dma_wait3A_170 = tpu.memref_squeeze %dma_wait3A_169 : memref<1x100xi32, #tpu.memory_space<vmem>> -> memref<100xi32, #tpu.memory_space<vmem>>
        %dma_wait3A_171 = arith.constant 0 : i32
        %dma_wait3A_172 = arith.constant 0 : i32
        %dma_wait3A_173 = tpu.memref_slice %arg17[%dma_wait3A_171, %dma_wait3A_172] : memref<10000x128xf32, #tpu.memory_space<vmem_shared>> -> memref<10000x128xf32, #tpu.memory_space<vmem_shared>>
        tpu.wait_indirect_dma semaphore(%run_scoped3A_161 : memref<!tpu.dma_semaphore, #tpu.memory_space<semaphore_mem>>) src(%arg11 : memref<100x128xf32, #tpu.memory_space<vmem>>) dst(%dma_wait3A_173 : memref<10000x128xf32, #tpu.memory_space<vmem_shared>>)
        tpu.yield
      }) : () -> ()
      %add3A_151 = arith.constant 2 : i32
      %add3A_152 = arith.addi %mul3A_88, %add3A_151 : i32
      %dma_wait3A_153 = arith.constant 0 : i32
      %dma_wait3A_154 = arith.constant 0 : i32
      %dma_wait3A_155 = tpu.memref_slice %arg4[%add3A, %add3A_152, %dma_wait3A_153, %dma_wait3A_154] : memref<32x100x1x100xi32, #tpu.memory_space<hbm>> -> memref<1x1x1x100xi32, #tpu.memory_space<hbm>>
      %dma_wait3A_156 = tpu.memref_squeeze %dma_wait3A_155 : memref<1x1x1x100xi32, #tpu.memory_space<hbm>> -> memref<1x100xi32, #tpu.memory_space<hbm>>
      %dma_wait3A_157 = arith.constant 0 : i32
      %dma_wait3A_158 = arith.constant 0 : i32
      %dma_wait3A_159 = tpu.memref_slice %arg4[%add3A, %add3A_152, %dma_wait3A_157, %dma_wait3A_158] : memref<32x100x1x100xi32, #tpu.memory_space<hbm>> -> memref<1x1x1x100xi32, #tpu.memory_space<hbm>>
      %dma_wait3A_160 = tpu.memref_squeeze %dma_wait3A_159 : memref<1x1x1x100xi32, #tpu.memory_space<hbm>> -> memref<1x100xi32, #tpu.memory_space<hbm>>
      tpu.wait_dma2 semaphore(%arg14 : memref<!tpu.dma_semaphore, #tpu.memory_space<semaphore_mem>>) src(%dma_wait3A_160 : memref<1x100xi32, #tpu.memory_space<hbm>>) dst(%arg8 : memref<1x100xi32, #tpu.memory_space<vmem>>)
    }
    %scan3A_31 = arith.constant 49 : i32
    %dma_start3A_32 = arith.constant 99 : i32
    %dma_start3A_33 = arith.constant 0 : i32
    %dma_start3A_34 = tpu.memref_slice %arg7[%dma_start3A_32, %dma_start3A_33] : memref<100x100xi32, #tpu.memory_space<vmem>> -> memref<1x100xi32, #tpu.memory_space<vmem>>
    %dma_start3A_35 = tpu.memref_squeeze %dma_start3A_34 : memref<1x100xi32, #tpu.memory_space<vmem>> -> memref<100xi32, #tpu.memory_space<vmem>>
    %dma_start3A_36 = arith.constant 0 : i32
    %dma_start3A_37 = arith.constant 0 : i32
    %dma_start3A_38 = tpu.memref_slice %arg2[%dma_start3A_36, %dma_start3A_37] : memref<10000x128xf32, #tpu.memory_space<hbm>> -> memref<10000x128xf32, #tpu.memory_space<hbm>>
    tpu.enqueue_indirect_dma source(%dma_start3A_38 : memref<10000x128xf32, #tpu.memory_space<hbm>>) target(%arg11 : memref<100x128xf32, #tpu.memory_space<vmem>>) offsets(%dma_start3A_35 : memref<100xi32, #tpu.memory_space<vmem>>) semaphore(%arg13 : memref<!tpu.dma_semaphore, #tpu.memory_space<semaphore_mem>>)
    %dma_start3A_39 = arith.constant 99 : i32
    %dma_start3A_40 = arith.constant 0 : i32
    %dma_start3A_41 = arith.constant 0 : i32
    %dma_start3A_42 = tpu.memref_slice %arg4[%add3A, %dma_start3A_39, %dma_start3A_40, %dma_start3A_41] : memref<32x100x1x100xi32, #tpu.memory_space<hbm>> -> memref<1x1x1x100xi32, #tpu.memory_space<hbm>>
    %dma_start3A_43 = tpu.memref_squeeze %dma_start3A_42 : memref<1x1x1x100xi32, #tpu.memory_space<hbm>> -> memref<1x100xi32, #tpu.memory_space<hbm>>
    %dma_start3A_44 = arith.constant 0 : i32
    %dma_start3A_45 = arith.constant 0 : i32
    %dma_start3A_46 = tpu.memref_slice %arg4[%add3A, %dma_start3A_39, %dma_start3A_44, %dma_start3A_45] : memref<32x100x1x100xi32, #tpu.memory_space<hbm>> -> memref<1x1x1x100xi32, #tpu.memory_space<hbm>>
    %dma_start3A_47 = tpu.memref_squeeze %dma_start3A_46 : memref<1x1x1x100xi32, #tpu.memory_space<hbm>> -> memref<1x100xi32, #tpu.memory_space<hbm>>
    tpu.enqueue_dma source(%dma_start3A_47 : memref<1x100xi32, #tpu.memory_space<hbm>>) target(%arg9 : memref<1x100xi32, #tpu.memory_space<vmem>>) target_semaphore(%arg15 : memref<!tpu.dma_semaphore, #tpu.memory_space<semaphore_mem>>)
    %dma_wait3A_48 = arith.constant 98 : i32
    %dma_wait3A_49 = arith.constant 0 : i32
    %dma_wait3A_50 = tpu.memref_slice %arg7[%dma_wait3A_48, %dma_wait3A_49] : memref<100x100xi32, #tpu.memory_space<vmem>> -> memref<1x100xi32, #tpu.memory_space<vmem>>
    %dma_wait3A_51 = tpu.memref_squeeze %dma_wait3A_50 : memref<1x100xi32, #tpu.memory_space<vmem>> -> memref<100xi32, #tpu.memory_space<vmem>>
    %dma_wait3A_52 = arith.constant 0 : i32
    %dma_wait3A_53 = arith.constant 0 : i32
    %dma_wait3A_54 = tpu.memref_slice %arg2[%dma_wait3A_52, %dma_wait3A_53] : memref<10000x128xf32, #tpu.memory_space<hbm>> -> memref<10000x128xf32, #tpu.memory_space<hbm>>
    tpu.wait_indirect_dma semaphore(%arg12 : memref<!tpu.dma_semaphore, #tpu.memory_space<semaphore_mem>>) src(%dma_wait3A_54 : memref<10000x128xf32, #tpu.memory_space<hbm>>) dst(%arg10 : memref<100x128xf32, #tpu.memory_space<vmem>>)
    %run_scoped3A_55 = arith.constant 0 : i32
    "tpu.region"() ({
      %run_scoped3A_86 = tpu.sem_alloc : memref<!tpu.dma_semaphore, #tpu.memory_space<semaphore_mem>>
      %dma_start3A_87 = arith.constant 0 : i32
      %dma_start3A_88 = tpu.memref_slice %arg8[%run_scoped3A_55, %dma_start3A_87] : memref<1x100xi32, #tpu.memory_space<vmem>> -> memref<1x100xi32, #tpu.memory_space<vmem>>
      %dma_start3A_89 = tpu.memref_squeeze %dma_start3A_88 : memref<1x100xi32, #tpu.memory_space<vmem>> -> memref<100xi32, #tpu.memory_space<vmem>>
      %dma_start3A_90 = arith.constant 0 : i32
      %dma_start3A_91 = arith.constant 0 : i32
      %dma_start3A_92 = tpu.memref_slice %arg17[%dma_start3A_90, %dma_start3A_91] : memref<10000x128xf32, #tpu.memory_space<vmem_shared>> -> memref<10000x128xf32, #tpu.memory_space<vmem_shared>>
      tpu.enqueue_indirect_dma source(%arg10 : memref<100x128xf32, #tpu.memory_space<vmem>>) target(%dma_start3A_92 : memref<10000x128xf32, #tpu.memory_space<vmem_shared>>) offsets(%dma_start3A_89 : memref<100xi32, #tpu.memory_space<vmem>>) semaphore(%run_scoped3A_86 : memref<!tpu.dma_semaphore, #tpu.memory_space<semaphore_mem>>) {add = true}
      %dma_wait3A_93 = arith.constant 0 : i32
      %dma_wait3A_94 = tpu.memref_slice %arg8[%run_scoped3A_55, %dma_wait3A_93] : memref<1x100xi32, #tpu.memory_space<vmem>> -> memref<1x100xi32, #tpu.memory_space<vmem>>
      %dma_wait3A_95 = tpu.memref_squeeze %dma_wait3A_94 : memref<1x100xi32, #tpu.memory_space<vmem>> -> memref<100xi32, #tpu.memory_space<vmem>>
      %dma_wait3A_96 = arith.constant 0 : i32
      %dma_wait3A_97 = arith.constant 0 : i32
      %dma_wait3A_98 = tpu.memref_slice %arg17[%dma_wait3A_96, %dma_wait3A_97] : memref<10000x128xf32, #tpu.memory_space<vmem_shared>> -> memref<10000x128xf32, #tpu.memory_space<vmem_shared>>
      tpu.wait_indirect_dma semaphore(%run_scoped3A_86 : memref<!tpu.dma_semaphore, #tpu.memory_space<semaphore_mem>>) src(%arg10 : memref<100x128xf32, #tpu.memory_space<vmem>>) dst(%dma_wait3A_98 : memref<10000x128xf32, #tpu.memory_space<vmem_shared>>)
      tpu.yield
    }) : () -> ()
    %dma_wait3A_56 = arith.constant 99 : i32
    %dma_wait3A_57 = arith.constant 0 : i32
    %dma_wait3A_58 = tpu.memref_slice %arg7[%dma_wait3A_56, %dma_wait3A_57] : memref<100x100xi32, #tpu.memory_space<vmem>> -> memref<1x100xi32, #tpu.memory_space<vmem>>
    %dma_wait3A_59 = tpu.memref_squeeze %dma_wait3A_58 : memref<1x100xi32, #tpu.memory_space<vmem>> -> memref<100xi32, #tpu.memory_space<vmem>>
    %dma_wait3A_60 = arith.constant 0 : i32
    %dma_wait3A_61 = arith.constant 0 : i32
    %dma_wait3A_62 = tpu.memref_slice %arg2[%dma_wait3A_60, %dma_wait3A_61] : memref<10000x128xf32, #tpu.memory_space<hbm>> -> memref<10000x128xf32, #tpu.memory_space<hbm>>
    tpu.wait_indirect_dma semaphore(%arg13 : memref<!tpu.dma_semaphore, #tpu.memory_space<semaphore_mem>>) src(%dma_wait3A_62 : memref<10000x128xf32, #tpu.memory_space<hbm>>) dst(%arg11 : memref<100x128xf32, #tpu.memory_space<vmem>>)
    %dma_wait3A_63 = arith.constant 99 : i32
    %dma_wait3A_64 = arith.constant 0 : i32
    %dma_wait3A_65 = arith.constant 0 : i32
    %dma_wait3A_66 = tpu.memref_slice %arg4[%add3A, %dma_wait3A_63, %dma_wait3A_64, %dma_wait3A_65] : memref<32x100x1x100xi32, #tpu.memory_space<hbm>> -> memref<1x1x1x100xi32, #tpu.memory_space<hbm>>
    %dma_wait3A_67 = tpu.memref_squeeze %dma_wait3A_66 : memref<1x1x1x100xi32, #tpu.memory_space<hbm>> -> memref<1x100xi32, #tpu.memory_space<hbm>>
    %dma_wait3A_68 = arith.constant 0 : i32
    %dma_wait3A_69 = arith.constant 0 : i32
    %dma_wait3A_70 = tpu.memref_slice %arg4[%add3A, %dma_wait3A_63, %dma_wait3A_68, %dma_wait3A_69] : memref<32x100x1x100xi32, #tpu.memory_space<hbm>> -> memref<1x1x1x100xi32, #tpu.memory_space<hbm>>
    %dma_wait3A_71 = tpu.memref_squeeze %dma_wait3A_70 : memref<1x1x1x100xi32, #tpu.memory_space<hbm>> -> memref<1x100xi32, #tpu.memory_space<hbm>>
    tpu.wait_dma2 semaphore(%arg15 : memref<!tpu.dma_semaphore, #tpu.memory_space<semaphore_mem>>) src(%dma_wait3A_71 : memref<1x100xi32, #tpu.memory_space<hbm>>) dst(%arg9 : memref<1x100xi32, #tpu.memory_space<vmem>>)
    %run_scoped3A_72 = arith.constant 0 : i32
    "tpu.region"() ({
      %run_scoped3A_86 = tpu.sem_alloc : memref<!tpu.dma_semaphore, #tpu.memory_space<semaphore_mem>>
      %dma_start3A_87 = arith.constant 0 : i32
      %dma_start3A_88 = tpu.memref_slice %arg9[%run_scoped3A_72, %dma_start3A_87] : memref<1x100xi32, #tpu.memory_space<vmem>> -> memref<1x100xi32, #tpu.memory_space<vmem>>
      %dma_start3A_89 = tpu.memref_squeeze %dma_start3A_88 : memref<1x100xi32, #tpu.memory_space<vmem>> -> memref<100xi32, #tpu.memory_space<vmem>>
      %dma_start3A_90 = arith.constant 0 : i32
      %dma_start3A_91 = arith.constant 0 : i32
      %dma_start3A_92 = tpu.memref_slice %arg17[%dma_start3A_90, %dma_start3A_91] : memref<10000x128xf32, #tpu.memory_space<vmem_shared>> -> memref<10000x128xf32, #tpu.memory_space<vmem_shared>>
      tpu.enqueue_indirect_dma source(%arg11 : memref<100x128xf32, #tpu.memory_space<vmem>>) target(%dma_start3A_92 : memref<10000x128xf32, #tpu.memory_space<vmem_shared>>) offsets(%dma_start3A_89 : memref<100xi32, #tpu.memory_space<vmem>>) semaphore(%run_scoped3A_86 : memref<!tpu.dma_semaphore, #tpu.memory_space<semaphore_mem>>) {add = true}
      %dma_wait3A_93 = arith.constant 0 : i32
      %dma_wait3A_94 = tpu.memref_slice %arg9[%run_scoped3A_72, %dma_wait3A_93] : memref<1x100xi32, #tpu.memory_space<vmem>> -> memref<1x100xi32, #tpu.memory_space<vmem>>
      %dma_wait3A_95 = tpu.memref_squeeze %dma_wait3A_94 : memref<1x100xi32, #tpu.memory_space<vmem>> -> memref<100xi32, #tpu.memory_space<vmem>>
      %dma_wait3A_96 = arith.constant 0 : i32
      %dma_wait3A_97 = arith.constant 0 : i32
      %dma_wait3A_98 = tpu.memref_slice %arg17[%dma_wait3A_96, %dma_wait3A_97] : memref<10000x128xf32, #tpu.memory_space<vmem_shared>> -> memref<10000x128xf32, #tpu.memory_space<vmem_shared>>
      tpu.wait_indirect_dma semaphore(%run_scoped3A_86 : memref<!tpu.dma_semaphore, #tpu.memory_space<semaphore_mem>>) src(%arg11 : memref<100x128xf32, #tpu.memory_space<vmem>>) dst(%dma_wait3A_98 : memref<10000x128xf32, #tpu.memory_space<vmem_shared>>)
      tpu.yield
    }) : () -> ()
    %barrier3A_73 = arith.constant 0 : index
    tpu.barrier barrier_id(%barrier3A_73)
    %mul3A_74 = arith.constant 624 : i32
    %mul3A_75 = arith.muli %arg1, %mul3A_74 : i32
    %mul3A_76 = arith.constant 624 : i32
    %mul3A_77 = arith.muli %arg1, %mul3A_76 : i32
    %mul3A_78 = arith.constant 10000 : i32
    %mul3A_79 = arith.muli %arg0, %mul3A_78 : i32
    %add3A_80 = arith.addi %mul3A_79, %mul3A_77 : i32
    "tpu.region"() ({
      %run_scoped3A_86 = tpu.sem_alloc : memref<!tpu.dma_semaphore, #tpu.memory_space<semaphore_mem>>
      %dma_start3A_87 = arith.constant 0 : i32
      %dma_start3A_88 = tpu.memref_slice %arg6[%add3A_80, %dma_start3A_87] : memref<20000x128xf32, #tpu.memory_space<hbm>> -> memref<624x128xf32, #tpu.memory_space<hbm>>
      %dma_start3A_89 = arith.constant 0 : i32
      %dma_start3A_90 = tpu.memref_slice %arg17[%mul3A_75, %dma_start3A_89] : memref<10000x128xf32, #tpu.memory_space<vmem_shared>> -> memref<624x128xf32, #tpu.memory_space<vmem_shared>>
      tpu.enqueue_dma source(%dma_start3A_90 : memref<624x128xf32, #tpu.memory_space<vmem_shared>>) target(%dma_start3A_88 : memref<624x128xf32, #tpu.memory_space<hbm>>) target_semaphore(%run_scoped3A_86 : memref<!tpu.dma_semaphore, #tpu.memory_space<semaphore_mem>>)
      %dma_wait3A_91 = arith.constant 0 : i32
      %dma_wait3A_92 = tpu.memref_slice %arg6[%add3A_80, %dma_wait3A_91] : memref<20000x128xf32, #tpu.memory_space<hbm>> -> memref<624x128xf32, #tpu.memory_space<hbm>>
      %dma_wait3A_93 = arith.constant 0 : i32
      %dma_wait3A_94 = tpu.memref_slice %arg17[%mul3A_75, %dma_wait3A_93] : memref<10000x128xf32, #tpu.memory_space<vmem_shared>> -> memref<624x128xf32, #tpu.memory_space<vmem_shared>>
      tpu.wait_dma2 semaphore(%run_scoped3A_86 : memref<!tpu.dma_semaphore, #tpu.memory_space<semaphore_mem>>) src(%dma_wait3A_94 : memref<624x128xf32, #tpu.memory_space<vmem_shared>>) dst(%dma_wait3A_92 : memref<624x128xf32, #tpu.memory_space<hbm>>)
      tpu.yield
    }) : () -> ()
    %eq3A_81 = arith.constant 15 : i32
    %eq3A_82 = arith.cmpi eq, %arg1, %eq3A_81 : i32
    %convert_element_type3A_83 = arith.extui %eq3A_82 : i1 to i32
    %cond3A_84 = arith.constant 0 : i32
    %cond3A_85 = arith.cmpi ne, %convert_element_type3A_83, %cond3A_84 : i32
    scf.if %cond3A_85 {
      %mul3A_86 = arith.constant 10000 : i32
      %mul3A_87 = arith.muli %arg0, %mul3A_86 : i32
      %add3A_88 = arith.constant 9984 : i32
      %add3A_89 = arith.addi %mul3A_87, %add3A_88 : i32
      "tpu.region"() ({
        %run_scoped3A_90 = tpu.sem_alloc : memref<!tpu.dma_semaphore, #tpu.memory_space<semaphore_mem>>
        %dma_start3A_91 = arith.constant 0 : i32
        %dma_start3A_92 = tpu.memref_slice %arg6[%add3A_89, %dma_start3A_91] : memref<20000x128xf32, #tpu.memory_space<hbm>> -> memref<16x128xf32, #tpu.memory_space<hbm>>
        %dma_start3A_93 = arith.constant 9984 : i32
        %dma_start3A_94 = arith.constant 0 : i32
        %dma_start3A_95 = tpu.memref_slice %arg17[%dma_start3A_93, %dma_start3A_94] : memref<10000x128xf32, #tpu.memory_space<vmem_shared>> -> memref<16x128xf32, #tpu.memory_space<vmem_shared>>
        tpu.enqueue_dma source(%dma_start3A_95 : memref<16x128xf32, #tpu.memory_space<vmem_shared>>) target(%dma_start3A_92 : memref<16x128xf32, #tpu.memory_space<hbm>>) target_semaphore(%run_scoped3A_90 : memref<!tpu.dma_semaphore, #tpu.memory_space<semaphore_mem>>)
        %dma_wait3A_96 = arith.constant 0 : i32
        %dma_wait3A_97 = tpu.memref_slice %arg6[%add3A_89, %dma_wait3A_96] : memref<20000x128xf32, #tpu.memory_space<hbm>> -> memref<16x128xf32, #tpu.memory_space<hbm>>
        %dma_wait3A_98 = arith.constant 9984 : i32
        %dma_wait3A_99 = arith.constant 0 : i32
        %dma_wait3A_100 = tpu.memref_slice %arg17[%dma_wait3A_98, %dma_wait3A_99] : memref<10000x128xf32, #tpu.memory_space<vmem_shared>> -> memref<16x128xf32, #tpu.memory_space<vmem_shared>>
        tpu.wait_dma2 semaphore(%run_scoped3A_90 : memref<!tpu.dma_semaphore, #tpu.memory_space<semaphore_mem>>) src(%dma_wait3A_100 : memref<16x128xf32, #tpu.memory_space<vmem_shared>>) dst(%dma_wait3A_97 : memref<16x128xf32, #tpu.memory_space<hbm>>)
        tpu.yield
      }) : () -> ()
    } else {
    }
    return
  }
}

#map = affine_map<(d0, d1) -> (0, 0, 0, 0)>
#map1 = affine_map<(d0, d1) -> (0, 0)>
module attributes {stable_mosaic.version = 14 : i64} {
  func.func @_sc_cnt_body(%arg0: i32, %arg1: i32, %arg2: memref<32x80x1x125xi32, #tpu.memory_space<hbm>>, %arg3: memref<624x128xf32, #tpu.memory_space<hbm>>, %arg4: memref<125x128xf32, #tpu.memory_space<hbm>>, %arg5: memref<20000x128xf32, #tpu.memory_space<hbm>>, %arg6: memref<80x1x125xi32, #tpu.memory_space<vmem>>, %arg7: memref<125x128xf32, #tpu.memory_space<vmem>>, %arg8: memref<10000x128xf32, #tpu.memory_space<vmem_shared>>) attributes {dimension_semantics = [#tpu.dimension_semantics<core_parallel>, #tpu.dimension_semantics<subcore_parallel>], iteration_bounds = array<i64: 2, 16>, scalar_prefetch = 0 : i64, scratch_operands = 3 : i64, tpu.core_type = #tpu.core_type<sc_vector_subcore>, window_params = [{transform_indices = #map}, {transform_indices = #map1}, {transform_indices = #map1}, {transform_indices = #map1}]} {
    %mul3A = arith.constant 16 : i32
    %mul3A_0 = arith.muli %arg0, %mul3A : i32
    %add3A = arith.addi %mul3A_0, %arg1 : i32
    %mul3A_1 = arith.constant 624 : i32
    %mul3A_2 = arith.muli %arg1, %mul3A_1 : i32
    %mul3A_3 = arith.constant 624 : i32
    %mul3A_4 = arith.muli %arg1, %mul3A_3 : i32
    "tpu.region"() ({
      %run_scoped3A = tpu.sem_alloc : memref<!tpu.dma_semaphore, #tpu.memory_space<semaphore_mem>>
      %dma_start3A = arith.constant 0 : i32
      %dma_start3A_25 = tpu.memref_slice %arg8[%mul3A_4, %dma_start3A] : memref<10000x128xf32, #tpu.memory_space<vmem_shared>> -> memref<624x128xf32, #tpu.memory_space<vmem_shared>>
      %dma_start3A_26 = arith.constant 0 : i32
      %dma_start3A_27 = arith.constant 0 : i32
      %dma_start3A_28 = tpu.memref_slice %arg3[%dma_start3A_26, %dma_start3A_27] : memref<624x128xf32, #tpu.memory_space<hbm>> -> memref<624x128xf32, #tpu.memory_space<hbm>>
      tpu.enqueue_dma source(%dma_start3A_28 : memref<624x128xf32, #tpu.memory_space<hbm>>) target(%dma_start3A_25 : memref<624x128xf32, #tpu.memory_space<vmem_shared>>) target_semaphore(%run_scoped3A : memref<!tpu.dma_semaphore, #tpu.memory_space<semaphore_mem>>)
      %dma_wait3A = arith.constant 0 : i32
      %dma_wait3A_29 = tpu.memref_slice %arg8[%mul3A_4, %dma_wait3A] : memref<10000x128xf32, #tpu.memory_space<vmem_shared>> -> memref<624x128xf32, #tpu.memory_space<vmem_shared>>
      %dma_wait3A_30 = arith.constant 0 : i32
      %dma_wait3A_31 = arith.constant 0 : i32
      %dma_wait3A_32 = tpu.memref_slice %arg3[%dma_wait3A_30, %dma_wait3A_31] : memref<624x128xf32, #tpu.memory_space<hbm>> -> memref<624x128xf32, #tpu.memory_space<hbm>>
      tpu.wait_dma2 semaphore(%run_scoped3A : memref<!tpu.dma_semaphore, #tpu.memory_space<semaphore_mem>>) src(%dma_wait3A_32 : memref<624x128xf32, #tpu.memory_space<hbm>>) dst(%dma_wait3A_29 : memref<624x128xf32, #tpu.memory_space<vmem_shared>>)
      tpu.yield
    }) : () -> ()
    %eq3A = arith.constant 15 : i32
    %eq3A_5 = arith.cmpi eq, %arg1, %eq3A : i32
    %convert_element_type3A = arith.extui %eq3A_5 : i1 to i32
    %cond3A = arith.constant 0 : i32
    %cond3A_6 = arith.cmpi ne, %convert_element_type3A, %cond3A : i32
    scf.if %cond3A_6 {
      "tpu.region"() ({
        %run_scoped3A = tpu.sem_alloc : memref<!tpu.dma_semaphore, #tpu.memory_space<semaphore_mem>>
        %dma_start3A = arith.constant 9984 : i32
        %dma_start3A_25 = arith.constant 0 : i32
        %dma_start3A_26 = tpu.memref_slice %arg8[%dma_start3A, %dma_start3A_25] : memref<10000x128xf32, #tpu.memory_space<vmem_shared>> -> memref<16x128xf32, #tpu.memory_space<vmem_shared>>
        %dma_start3A_27 = arith.constant 0 : i32
        %dma_start3A_28 = arith.constant 0 : i32
        %dma_start3A_29 = tpu.memref_slice %arg3[%dma_start3A_27, %dma_start3A_28] : memref<624x128xf32, #tpu.memory_space<hbm>> -> memref<16x128xf32, #tpu.memory_space<hbm>>
        tpu.enqueue_dma source(%dma_start3A_29 : memref<16x128xf32, #tpu.memory_space<hbm>>) target(%dma_start3A_26 : memref<16x128xf32, #tpu.memory_space<vmem_shared>>) target_semaphore(%run_scoped3A : memref<!tpu.dma_semaphore, #tpu.memory_space<semaphore_mem>>)
        %dma_wait3A = arith.constant 9984 : i32
        %dma_wait3A_30 = arith.constant 0 : i32
        %dma_wait3A_31 = tpu.memref_slice %arg8[%dma_wait3A, %dma_wait3A_30] : memref<10000x128xf32, #tpu.memory_space<vmem_shared>> -> memref<16x128xf32, #tpu.memory_space<vmem_shared>>
        %dma_wait3A_32 = arith.constant 0 : i32
        %dma_wait3A_33 = arith.constant 0 : i32
        %dma_wait3A_34 = tpu.memref_slice %arg3[%dma_wait3A_32, %dma_wait3A_33] : memref<624x128xf32, #tpu.memory_space<hbm>> -> memref<16x128xf32, #tpu.memory_space<hbm>>
        tpu.wait_dma2 semaphore(%run_scoped3A : memref<!tpu.dma_semaphore, #tpu.memory_space<semaphore_mem>>) src(%dma_wait3A_34 : memref<16x128xf32, #tpu.memory_space<hbm>>) dst(%dma_wait3A_31 : memref<16x128xf32, #tpu.memory_space<vmem_shared>>)
        tpu.yield
      }) : () -> ()
    } else {
    }
    "tpu.region"() ({
      %run_scoped3A = tpu.sem_alloc : memref<!tpu.dma_semaphore, #tpu.memory_space<semaphore_mem>>
      tpu.enqueue_dma source(%arg4 : memref<125x128xf32, #tpu.memory_space<hbm>>) target(%arg7 : memref<125x128xf32, #tpu.memory_space<vmem>>) target_semaphore(%run_scoped3A : memref<!tpu.dma_semaphore, #tpu.memory_space<semaphore_mem>>)
      tpu.wait_dma2 semaphore(%run_scoped3A : memref<!tpu.dma_semaphore, #tpu.memory_space<semaphore_mem>>) src(%arg4 : memref<125x128xf32, #tpu.memory_space<hbm>>) dst(%arg7 : memref<125x128xf32, #tpu.memory_space<vmem>>)
      tpu.yield
    }) : () -> ()
    %barrier3A = arith.constant 0 : index
    tpu.barrier barrier_id(%barrier3A)
    "tpu.region"() ({
      %run_scoped3A = tpu.sem_alloc : memref<!tpu.dma_semaphore, #tpu.memory_space<semaphore_mem>>
      %dma_start3A = arith.constant 0 : i32
      %dma_start3A_25 = arith.constant 0 : i32
      %dma_start3A_26 = arith.constant 0 : i32
      %dma_start3A_27 = tpu.memref_slice %arg2[%add3A, %dma_start3A, %dma_start3A_25, %dma_start3A_26] : memref<32x80x1x125xi32, #tpu.memory_space<hbm>> -> memref<1x80x1x125xi32, #tpu.memory_space<hbm>>
      %dma_start3A_28 = tpu.memref_squeeze %dma_start3A_27 : memref<1x80x1x125xi32, #tpu.memory_space<hbm>> -> memref<80x1x125xi32, #tpu.memory_space<hbm>>
      %dma_start3A_29 = arith.constant 0 : i32
      %dma_start3A_30 = arith.constant 0 : i32
      %dma_start3A_31 = arith.constant 0 : i32
      %dma_start3A_32 = tpu.memref_slice %arg2[%add3A, %dma_start3A_29, %dma_start3A_30, %dma_start3A_31] : memref<32x80x1x125xi32, #tpu.memory_space<hbm>> -> memref<1x80x1x125xi32, #tpu.memory_space<hbm>>
      %dma_start3A_33 = tpu.memref_squeeze %dma_start3A_32 : memref<1x80x1x125xi32, #tpu.memory_space<hbm>> -> memref<80x1x125xi32, #tpu.memory_space<hbm>>
      tpu.enqueue_dma source(%dma_start3A_33 : memref<80x1x125xi32, #tpu.memory_space<hbm>>) target(%arg6 : memref<80x1x125xi32, #tpu.memory_space<vmem>>) target_semaphore(%run_scoped3A : memref<!tpu.dma_semaphore, #tpu.memory_space<semaphore_mem>>)
      %dma_wait3A = arith.constant 0 : i32
      %dma_wait3A_34 = arith.constant 0 : i32
      %dma_wait3A_35 = arith.constant 0 : i32
      %dma_wait3A_36 = tpu.memref_slice %arg2[%add3A, %dma_wait3A, %dma_wait3A_34, %dma_wait3A_35] : memref<32x80x1x125xi32, #tpu.memory_space<hbm>> -> memref<1x80x1x125xi32, #tpu.memory_space<hbm>>
      %dma_wait3A_37 = tpu.memref_squeeze %dma_wait3A_36 : memref<1x80x1x125xi32, #tpu.memory_space<hbm>> -> memref<80x1x125xi32, #tpu.memory_space<hbm>>
      %dma_wait3A_38 = arith.constant 0 : i32
      %dma_wait3A_39 = arith.constant 0 : i32
      %dma_wait3A_40 = arith.constant 0 : i32
      %dma_wait3A_41 = tpu.memref_slice %arg2[%add3A, %dma_wait3A_38, %dma_wait3A_39, %dma_wait3A_40] : memref<32x80x1x125xi32, #tpu.memory_space<hbm>> -> memref<1x80x1x125xi32, #tpu.memory_space<hbm>>
      %dma_wait3A_42 = tpu.memref_squeeze %dma_wait3A_41 : memref<1x80x1x125xi32, #tpu.memory_space<hbm>> -> memref<80x1x125xi32, #tpu.memory_space<hbm>>
      tpu.wait_dma2 semaphore(%run_scoped3A : memref<!tpu.dma_semaphore, #tpu.memory_space<semaphore_mem>>) src(%dma_wait3A_42 : memref<80x1x125xi32, #tpu.memory_space<hbm>>) dst(%arg6 : memref<80x1x125xi32, #tpu.memory_space<vmem>>)
      tpu.yield
    }) : () -> ()
    %scan3A = arith.constant 0 : i32
    %scan3A_7 = arith.constant 0 : i32
    %scan3A_8 = arith.constant 80 : i32
    %scan3A_9 = arith.addi %scan3A_7, %scan3A_8 : i32
    %scan3A_10 = arith.constant 1 : i32
    scf.for %scan3A_25 = %scan3A_7 to %scan3A_9 step %scan3A_10  : i32 {
      %run_scoped3A = arith.constant 0 : i32
      "tpu.region"() ({
        %run_scoped3A_26 = tpu.sem_alloc : memref<!tpu.dma_semaphore, #tpu.memory_space<semaphore_mem>>
        %dma_start3A = arith.constant 0 : i32
        %dma_start3A_27 = tpu.memref_slice %arg6[%scan3A_25, %run_scoped3A, %dma_start3A] : memref<80x1x125xi32, #tpu.memory_space<vmem>> -> memref<1x1x125xi32, #tpu.memory_space<vmem>>
        %dma_start3A_28 = tpu.memref_squeeze %dma_start3A_27 : memref<1x1x125xi32, #tpu.memory_space<vmem>> -> memref<125xi32, #tpu.memory_space<vmem>>
        %dma_start3A_29 = arith.constant 0 : i32
        %dma_start3A_30 = arith.constant 0 : i32
        %dma_start3A_31 = tpu.memref_slice %arg8[%dma_start3A_29, %dma_start3A_30] : memref<10000x128xf32, #tpu.memory_space<vmem_shared>> -> memref<10000x128xf32, #tpu.memory_space<vmem_shared>>
        tpu.enqueue_indirect_dma source(%arg7 : memref<125x128xf32, #tpu.memory_space<vmem>>) target(%dma_start3A_31 : memref<10000x128xf32, #tpu.memory_space<vmem_shared>>) offsets(%dma_start3A_28 : memref<125xi32, #tpu.memory_space<vmem>>) semaphore(%run_scoped3A_26 : memref<!tpu.dma_semaphore, #tpu.memory_space<semaphore_mem>>) {add = true}
        %dma_wait3A = arith.constant 0 : i32
        %dma_wait3A_32 = tpu.memref_slice %arg6[%scan3A_25, %run_scoped3A, %dma_wait3A] : memref<80x1x125xi32, #tpu.memory_space<vmem>> -> memref<1x1x125xi32, #tpu.memory_space<vmem>>
        %dma_wait3A_33 = tpu.memref_squeeze %dma_wait3A_32 : memref<1x1x125xi32, #tpu.memory_space<vmem>> -> memref<125xi32, #tpu.memory_space<vmem>>
        %dma_wait3A_34 = arith.constant 0 : i32
        %dma_wait3A_35 = arith.constant 0 : i32
        %dma_wait3A_36 = tpu.memref_slice %arg8[%dma_wait3A_34, %dma_wait3A_35] : memref<10000x128xf32, #tpu.memory_space<vmem_shared>> -> memref<10000x128xf32, #tpu.memory_space<vmem_shared>>
        tpu.wait_indirect_dma semaphore(%run_scoped3A_26 : memref<!tpu.dma_semaphore, #tpu.memory_space<semaphore_mem>>) src(%arg7 : memref<125x128xf32, #tpu.memory_space<vmem>>) dst(%dma_wait3A_36 : memref<10000x128xf32, #tpu.memory_space<vmem_shared>>)
        tpu.yield
      }) : () -> ()
    }
    %scan3A_11 = arith.constant 80 : i32
    %barrier3A_12 = arith.constant 0 : index
    tpu.barrier barrier_id(%barrier3A_12)
    %mul3A_13 = arith.constant 624 : i32
    %mul3A_14 = arith.muli %arg1, %mul3A_13 : i32
    %mul3A_15 = arith.constant 624 : i32
    %mul3A_16 = arith.muli %arg1, %mul3A_15 : i32
    %mul3A_17 = arith.constant 10000 : i32
    %mul3A_18 = arith.muli %arg0, %mul3A_17 : i32
    %add3A_19 = arith.addi %mul3A_18, %mul3A_16 : i32
    "tpu.region"() ({
      %run_scoped3A = tpu.sem_alloc : memref<!tpu.dma_semaphore, #tpu.memory_space<semaphore_mem>>
      %dma_start3A = arith.constant 0 : i32
      %dma_start3A_25 = tpu.memref_slice %arg5[%add3A_19, %dma_start3A] : memref<20000x128xf32, #tpu.memory_space<hbm>> -> memref<624x128xf32, #tpu.memory_space<hbm>>
      %dma_start3A_26 = arith.constant 0 : i32
      %dma_start3A_27 = tpu.memref_slice %arg8[%mul3A_14, %dma_start3A_26] : memref<10000x128xf32, #tpu.memory_space<vmem_shared>> -> memref<624x128xf32, #tpu.memory_space<vmem_shared>>
      tpu.enqueue_dma source(%dma_start3A_27 : memref<624x128xf32, #tpu.memory_space<vmem_shared>>) target(%dma_start3A_25 : memref<624x128xf32, #tpu.memory_space<hbm>>) target_semaphore(%run_scoped3A : memref<!tpu.dma_semaphore, #tpu.memory_space<semaphore_mem>>)
      %dma_wait3A = arith.constant 0 : i32
      %dma_wait3A_28 = tpu.memref_slice %arg5[%add3A_19, %dma_wait3A] : memref<20000x128xf32, #tpu.memory_space<hbm>> -> memref<624x128xf32, #tpu.memory_space<hbm>>
      %dma_wait3A_29 = arith.constant 0 : i32
      %dma_wait3A_30 = tpu.memref_slice %arg8[%mul3A_14, %dma_wait3A_29] : memref<10000x128xf32, #tpu.memory_space<vmem_shared>> -> memref<624x128xf32, #tpu.memory_space<vmem_shared>>
      tpu.wait_dma2 semaphore(%run_scoped3A : memref<!tpu.dma_semaphore, #tpu.memory_space<semaphore_mem>>) src(%dma_wait3A_30 : memref<624x128xf32, #tpu.memory_space<vmem_shared>>) dst(%dma_wait3A_28 : memref<624x128xf32, #tpu.memory_space<hbm>>)
      tpu.yield
    }) : () -> ()
    %eq3A_20 = arith.constant 15 : i32
    %eq3A_21 = arith.cmpi eq, %arg1, %eq3A_20 : i32
    %convert_element_type3A_22 = arith.extui %eq3A_21 : i1 to i32
    %cond3A_23 = arith.constant 0 : i32
    %cond3A_24 = arith.cmpi ne, %convert_element_type3A_22, %cond3A_23 : i32
    scf.if %cond3A_24 {
      %mul3A_25 = arith.constant 10000 : i32
      %mul3A_26 = arith.muli %arg0, %mul3A_25 : i32
      %add3A_27 = arith.constant 9984 : i32
      %add3A_28 = arith.addi %mul3A_26, %add3A_27 : i32
      "tpu.region"() ({
        %run_scoped3A = tpu.sem_alloc : memref<!tpu.dma_semaphore, #tpu.memory_space<semaphore_mem>>
        %dma_start3A = arith.constant 0 : i32
        %dma_start3A_29 = tpu.memref_slice %arg5[%add3A_28, %dma_start3A] : memref<20000x128xf32, #tpu.memory_space<hbm>> -> memref<16x128xf32, #tpu.memory_space<hbm>>
        %dma_start3A_30 = arith.constant 9984 : i32
        %dma_start3A_31 = arith.constant 0 : i32
        %dma_start3A_32 = tpu.memref_slice %arg8[%dma_start3A_30, %dma_start3A_31] : memref<10000x128xf32, #tpu.memory_space<vmem_shared>> -> memref<16x128xf32, #tpu.memory_space<vmem_shared>>
        tpu.enqueue_dma source(%dma_start3A_32 : memref<16x128xf32, #tpu.memory_space<vmem_shared>>) target(%dma_start3A_29 : memref<16x128xf32, #tpu.memory_space<hbm>>) target_semaphore(%run_scoped3A : memref<!tpu.dma_semaphore, #tpu.memory_space<semaphore_mem>>)
        %dma_wait3A = arith.constant 0 : i32
        %dma_wait3A_33 = tpu.memref_slice %arg5[%add3A_28, %dma_wait3A] : memref<20000x128xf32, #tpu.memory_space<hbm>> -> memref<16x128xf32, #tpu.memory_space<hbm>>
        %dma_wait3A_34 = arith.constant 9984 : i32
        %dma_wait3A_35 = arith.constant 0 : i32
        %dma_wait3A_36 = tpu.memref_slice %arg8[%dma_wait3A_34, %dma_wait3A_35] : memref<10000x128xf32, #tpu.memory_space<vmem_shared>> -> memref<16x128xf32, #tpu.memory_space<vmem_shared>>
        tpu.wait_dma2 semaphore(%run_scoped3A : memref<!tpu.dma_semaphore, #tpu.memory_space<semaphore_mem>>) src(%dma_wait3A_36 : memref<16x128xf32, #tpu.memory_space<vmem_shared>>) dst(%dma_wait3A_33 : memref<16x128xf32, #tpu.memory_space<hbm>>)
        tpu.yield
      }) : () -> ()
    } else {
    }
    return
  }
}

#map = affine_map<(d0, d1) -> (0, 0, 0, 0)>
#map1 = affine_map<(d0, d1) -> (0, 0)>
module attributes {stable_mosaic.version = 14 : i64} {
  func.func @_sc_cnt_body(%arg0: i32, %arg1: i32, %arg2: memref<32x80x1x125xi32, #tpu.memory_space<hbm>>, %arg3: memref<624x128xf32, #tpu.memory_space<hbm>>, %arg4: memref<125x128xf32, #tpu.memory_space<hbm>>, %arg5: memref<20000x128xf32, #tpu.memory_space<hbm>>, %arg6: memref<80x1x125xi32, #tpu.memory_space<vmem>>, %arg7: memref<125x128xf32, #tpu.memory_space<vmem>>, %arg8: memref<10000x128xf32, #tpu.memory_space<vmem_shared>>) attributes {dimension_semantics = [#tpu.dimension_semantics<core_parallel>, #tpu.dimension_semantics<subcore_parallel>], iteration_bounds = array<i64: 2, 16>, scalar_prefetch = 0 : i64, scratch_operands = 3 : i64, tpu.core_type = #tpu.core_type<sc_vector_subcore>, window_params = [{transform_indices = #map}, {transform_indices = #map1}, {transform_indices = #map1}, {transform_indices = #map1}]} {
    %mul3A = arith.constant 16 : i32
    %mul3A_0 = arith.muli %arg0, %mul3A : i32
    %add3A = arith.addi %mul3A_0, %arg1 : i32
    %mul3A_1 = arith.constant 624 : i32
    %mul3A_2 = arith.muli %arg1, %mul3A_1 : i32
    %mul3A_3 = arith.constant 624 : i32
    %mul3A_4 = arith.muli %arg1, %mul3A_3 : i32
    "tpu.region"() ({
      %run_scoped3A = tpu.sem_alloc : memref<!tpu.dma_semaphore, #tpu.memory_space<semaphore_mem>>
      %dma_start3A = arith.constant 0 : i32
      %dma_start3A_25 = tpu.memref_slice %arg8[%mul3A_4, %dma_start3A] : memref<10000x128xf32, #tpu.memory_space<vmem_shared>> -> memref<624x128xf32, #tpu.memory_space<vmem_shared>>
      %dma_start3A_26 = arith.constant 0 : i32
      %dma_start3A_27 = arith.constant 0 : i32
      %dma_start3A_28 = tpu.memref_slice %arg3[%dma_start3A_26, %dma_start3A_27] : memref<624x128xf32, #tpu.memory_space<hbm>> -> memref<624x128xf32, #tpu.memory_space<hbm>>
      tpu.enqueue_dma source(%dma_start3A_28 : memref<624x128xf32, #tpu.memory_space<hbm>>) target(%dma_start3A_25 : memref<624x128xf32, #tpu.memory_space<vmem_shared>>) target_semaphore(%run_scoped3A : memref<!tpu.dma_semaphore, #tpu.memory_space<semaphore_mem>>)
      %dma_wait3A = arith.constant 0 : i32
      %dma_wait3A_29 = tpu.memref_slice %arg8[%mul3A_4, %dma_wait3A] : memref<10000x128xf32, #tpu.memory_space<vmem_shared>> -> memref<624x128xf32, #tpu.memory_space<vmem_shared>>
      %dma_wait3A_30 = arith.constant 0 : i32
      %dma_wait3A_31 = arith.constant 0 : i32
      %dma_wait3A_32 = tpu.memref_slice %arg3[%dma_wait3A_30, %dma_wait3A_31] : memref<624x128xf32, #tpu.memory_space<hbm>> -> memref<624x128xf32, #tpu.memory_space<hbm>>
      tpu.wait_dma2 semaphore(%run_scoped3A : memref<!tpu.dma_semaphore, #tpu.memory_space<semaphore_mem>>) src(%dma_wait3A_32 : memref<624x128xf32, #tpu.memory_space<hbm>>) dst(%dma_wait3A_29 : memref<624x128xf32, #tpu.memory_space<vmem_shared>>)
      tpu.yield
    }) : () -> ()
    %eq3A = arith.constant 15 : i32
    %eq3A_5 = arith.cmpi eq, %arg1, %eq3A : i32
    %convert_element_type3A = arith.extui %eq3A_5 : i1 to i32
    %cond3A = arith.constant 0 : i32
    %cond3A_6 = arith.cmpi ne, %convert_element_type3A, %cond3A : i32
    scf.if %cond3A_6 {
      "tpu.region"() ({
        %run_scoped3A = tpu.sem_alloc : memref<!tpu.dma_semaphore, #tpu.memory_space<semaphore_mem>>
        %dma_start3A = arith.constant 9984 : i32
        %dma_start3A_25 = arith.constant 0 : i32
        %dma_start3A_26 = tpu.memref_slice %arg8[%dma_start3A, %dma_start3A_25] : memref<10000x128xf32, #tpu.memory_space<vmem_shared>> -> memref<16x128xf32, #tpu.memory_space<vmem_shared>>
        %dma_start3A_27 = arith.constant 0 : i32
        %dma_start3A_28 = arith.constant 0 : i32
        %dma_start3A_29 = tpu.memref_slice %arg3[%dma_start3A_27, %dma_start3A_28] : memref<624x128xf32, #tpu.memory_space<hbm>> -> memref<16x128xf32, #tpu.memory_space<hbm>>
        tpu.enqueue_dma source(%dma_start3A_29 : memref<16x128xf32, #tpu.memory_space<hbm>>) target(%dma_start3A_26 : memref<16x128xf32, #tpu.memory_space<vmem_shared>>) target_semaphore(%run_scoped3A : memref<!tpu.dma_semaphore, #tpu.memory_space<semaphore_mem>>)
        %dma_wait3A = arith.constant 9984 : i32
        %dma_wait3A_30 = arith.constant 0 : i32
        %dma_wait3A_31 = tpu.memref_slice %arg8[%dma_wait3A, %dma_wait3A_30] : memref<10000x128xf32, #tpu.memory_space<vmem_shared>> -> memref<16x128xf32, #tpu.memory_space<vmem_shared>>
        %dma_wait3A_32 = arith.constant 0 : i32
        %dma_wait3A_33 = arith.constant 0 : i32
        %dma_wait3A_34 = tpu.memref_slice %arg3[%dma_wait3A_32, %dma_wait3A_33] : memref<624x128xf32, #tpu.memory_space<hbm>> -> memref<16x128xf32, #tpu.memory_space<hbm>>
        tpu.wait_dma2 semaphore(%run_scoped3A : memref<!tpu.dma_semaphore, #tpu.memory_space<semaphore_mem>>) src(%dma_wait3A_34 : memref<16x128xf32, #tpu.memory_space<hbm>>) dst(%dma_wait3A_31 : memref<16x128xf32, #tpu.memory_space<vmem_shared>>)
        tpu.yield
      }) : () -> ()
    } else {
    }
    "tpu.region"() ({
      %run_scoped3A = tpu.sem_alloc : memref<!tpu.dma_semaphore, #tpu.memory_space<semaphore_mem>>
      tpu.enqueue_dma source(%arg4 : memref<125x128xf32, #tpu.memory_space<hbm>>) target(%arg7 : memref<125x128xf32, #tpu.memory_space<vmem>>) target_semaphore(%run_scoped3A : memref<!tpu.dma_semaphore, #tpu.memory_space<semaphore_mem>>)
      tpu.wait_dma2 semaphore(%run_scoped3A : memref<!tpu.dma_semaphore, #tpu.memory_space<semaphore_mem>>) src(%arg4 : memref<125x128xf32, #tpu.memory_space<hbm>>) dst(%arg7 : memref<125x128xf32, #tpu.memory_space<vmem>>)
      tpu.yield
    }) : () -> ()
    %barrier3A = arith.constant 0 : index
    tpu.barrier barrier_id(%barrier3A)
    "tpu.region"() ({
      %run_scoped3A = tpu.sem_alloc : memref<!tpu.dma_semaphore, #tpu.memory_space<semaphore_mem>>
      %dma_start3A = arith.constant 0 : i32
      %dma_start3A_25 = arith.constant 0 : i32
      %dma_start3A_26 = arith.constant 0 : i32
      %dma_start3A_27 = tpu.memref_slice %arg2[%add3A, %dma_start3A, %dma_start3A_25, %dma_start3A_26] : memref<32x80x1x125xi32, #tpu.memory_space<hbm>> -> memref<1x80x1x125xi32, #tpu.memory_space<hbm>>
      %dma_start3A_28 = tpu.memref_squeeze %dma_start3A_27 : memref<1x80x1x125xi32, #tpu.memory_space<hbm>> -> memref<80x1x125xi32, #tpu.memory_space<hbm>>
      %dma_start3A_29 = arith.constant 0 : i32
      %dma_start3A_30 = arith.constant 0 : i32
      %dma_start3A_31 = arith.constant 0 : i32
      %dma_start3A_32 = tpu.memref_slice %arg2[%add3A, %dma_start3A_29, %dma_start3A_30, %dma_start3A_31] : memref<32x80x1x125xi32, #tpu.memory_space<hbm>> -> memref<1x80x1x125xi32, #tpu.memory_space<hbm>>
      %dma_start3A_33 = tpu.memref_squeeze %dma_start3A_32 : memref<1x80x1x125xi32, #tpu.memory_space<hbm>> -> memref<80x1x125xi32, #tpu.memory_space<hbm>>
      tpu.enqueue_dma source(%dma_start3A_33 : memref<80x1x125xi32, #tpu.memory_space<hbm>>) target(%arg6 : memref<80x1x125xi32, #tpu.memory_space<vmem>>) target_semaphore(%run_scoped3A : memref<!tpu.dma_semaphore, #tpu.memory_space<semaphore_mem>>)
      %dma_wait3A = arith.constant 0 : i32
      %dma_wait3A_34 = arith.constant 0 : i32
      %dma_wait3A_35 = arith.constant 0 : i32
      %dma_wait3A_36 = tpu.memref_slice %arg2[%add3A, %dma_wait3A, %dma_wait3A_34, %dma_wait3A_35] : memref<32x80x1x125xi32, #tpu.memory_space<hbm>> -> memref<1x80x1x125xi32, #tpu.memory_space<hbm>>
      %dma_wait3A_37 = tpu.memref_squeeze %dma_wait3A_36 : memref<1x80x1x125xi32, #tpu.memory_space<hbm>> -> memref<80x1x125xi32, #tpu.memory_space<hbm>>
      %dma_wait3A_38 = arith.constant 0 : i32
      %dma_wait3A_39 = arith.constant 0 : i32
      %dma_wait3A_40 = arith.constant 0 : i32
      %dma_wait3A_41 = tpu.memref_slice %arg2[%add3A, %dma_wait3A_38, %dma_wait3A_39, %dma_wait3A_40] : memref<32x80x1x125xi32, #tpu.memory_space<hbm>> -> memref<1x80x1x125xi32, #tpu.memory_space<hbm>>
      %dma_wait3A_42 = tpu.memref_squeeze %dma_wait3A_41 : memref<1x80x1x125xi32, #tpu.memory_space<hbm>> -> memref<80x1x125xi32, #tpu.memory_space<hbm>>
      tpu.wait_dma2 semaphore(%run_scoped3A : memref<!tpu.dma_semaphore, #tpu.memory_space<semaphore_mem>>) src(%dma_wait3A_42 : memref<80x1x125xi32, #tpu.memory_space<hbm>>) dst(%arg6 : memref<80x1x125xi32, #tpu.memory_space<vmem>>)
      tpu.yield
    }) : () -> ()
    %scan3A = arith.constant 0 : i32
    %scan3A_7 = arith.constant 0 : i32
    %scan3A_8 = arith.constant 80 : i32
    %scan3A_9 = arith.addi %scan3A_7, %scan3A_8 : i32
    %scan3A_10 = arith.constant 1 : i32
    scf.for %scan3A_25 = %scan3A_7 to %scan3A_9 step %scan3A_10  : i32 {
      %run_scoped3A = arith.constant 0 : i32
      "tpu.region"() ({
        %run_scoped3A_26 = tpu.sem_alloc : memref<!tpu.dma_semaphore, #tpu.memory_space<semaphore_mem>>
        %dma_start3A = arith.constant 0 : i32
        %dma_start3A_27 = tpu.memref_slice %arg6[%scan3A_25, %run_scoped3A, %dma_start3A] : memref<80x1x125xi32, #tpu.memory_space<vmem>> -> memref<1x1x125xi32, #tpu.memory_space<vmem>>
        %dma_start3A_28 = tpu.memref_squeeze %dma_start3A_27 : memref<1x1x125xi32, #tpu.memory_space<vmem>> -> memref<125xi32, #tpu.memory_space<vmem>>
        %dma_start3A_29 = arith.constant 0 : i32
        %dma_start3A_30 = arith.constant 0 : i32
        %dma_start3A_31 = tpu.memref_slice %arg8[%dma_start3A_29, %dma_start3A_30] : memref<10000x128xf32, #tpu.memory_space<vmem_shared>> -> memref<10000x128xf32, #tpu.memory_space<vmem_shared>>
        tpu.enqueue_indirect_dma source(%arg7 : memref<125x128xf32, #tpu.memory_space<vmem>>) target(%dma_start3A_31 : memref<10000x128xf32, #tpu.memory_space<vmem_shared>>) offsets(%dma_start3A_28 : memref<125xi32, #tpu.memory_space<vmem>>) semaphore(%run_scoped3A_26 : memref<!tpu.dma_semaphore, #tpu.memory_space<semaphore_mem>>) {add = true}
        %dma_wait3A = arith.constant 0 : i32
        %dma_wait3A_32 = tpu.memref_slice %arg6[%scan3A_25, %run_scoped3A, %dma_wait3A] : memref<80x1x125xi32, #tpu.memory_space<vmem>> -> memref<1x1x125xi32, #tpu.memory_space<vmem>>
        %dma_wait3A_33 = tpu.memref_squeeze %dma_wait3A_32 : memref<1x1x125xi32, #tpu.memory_space<vmem>> -> memref<125xi32, #tpu.memory_space<vmem>>
        %dma_wait3A_34 = arith.constant 0 : i32
        %dma_wait3A_35 = arith.constant 0 : i32
        %dma_wait3A_36 = tpu.memref_slice %arg8[%dma_wait3A_34, %dma_wait3A_35] : memref<10000x128xf32, #tpu.memory_space<vmem_shared>> -> memref<10000x128xf32, #tpu.memory_space<vmem_shared>>
        tpu.wait_indirect_dma semaphore(%run_scoped3A_26 : memref<!tpu.dma_semaphore, #tpu.memory_space<semaphore_mem>>) src(%arg7 : memref<125x128xf32, #tpu.memory_space<vmem>>) dst(%dma_wait3A_36 : memref<10000x128xf32, #tpu.memory_space<vmem_shared>>)
        tpu.yield
      }) : () -> ()
    }
    %scan3A_11 = arith.constant 80 : i32
    %barrier3A_12 = arith.constant 0 : index
    tpu.barrier barrier_id(%barrier3A_12)
    %mul3A_13 = arith.constant 624 : i32
    %mul3A_14 = arith.muli %arg1, %mul3A_13 : i32
    %mul3A_15 = arith.constant 624 : i32
    %mul3A_16 = arith.muli %arg1, %mul3A_15 : i32
    %mul3A_17 = arith.constant 10000 : i32
    %mul3A_18 = arith.muli %arg0, %mul3A_17 : i32
    %add3A_19 = arith.addi %mul3A_18, %mul3A_16 : i32
    "tpu.region"() ({
      %run_scoped3A = tpu.sem_alloc : memref<!tpu.dma_semaphore, #tpu.memory_space<semaphore_mem>>
      %dma_start3A = arith.constant 0 : i32
      %dma_start3A_25 = tpu.memref_slice %arg5[%add3A_19, %dma_start3A] : memref<20000x128xf32, #tpu.memory_space<hbm>> -> memref<624x128xf32, #tpu.memory_space<hbm>>
      %dma_start3A_26 = arith.constant 0 : i32
      %dma_start3A_27 = tpu.memref_slice %arg8[%mul3A_14, %dma_start3A_26] : memref<10000x128xf32, #tpu.memory_space<vmem_shared>> -> memref<624x128xf32, #tpu.memory_space<vmem_shared>>
      tpu.enqueue_dma source(%dma_start3A_27 : memref<624x128xf32, #tpu.memory_space<vmem_shared>>) target(%dma_start3A_25 : memref<624x128xf32, #tpu.memory_space<hbm>>) target_semaphore(%run_scoped3A : memref<!tpu.dma_semaphore, #tpu.memory_space<semaphore_mem>>)
      %dma_wait3A = arith.constant 0 : i32
      %dma_wait3A_28 = tpu.memref_slice %arg5[%add3A_19, %dma_wait3A] : memref<20000x128xf32, #tpu.memory_space<hbm>> -> memref<624x128xf32, #tpu.memory_space<hbm>>
      %dma_wait3A_29 = arith.constant 0 : i32
      %dma_wait3A_30 = tpu.memref_slice %arg8[%mul3A_14, %dma_wait3A_29] : memref<10000x128xf32, #tpu.memory_space<vmem_shared>> -> memref<624x128xf32, #tpu.memory_space<vmem_shared>>
      tpu.wait_dma2 semaphore(%run_scoped3A : memref<!tpu.dma_semaphore, #tpu.memory_space<semaphore_mem>>) src(%dma_wait3A_30 : memref<624x128xf32, #tpu.memory_space<vmem_shared>>) dst(%dma_wait3A_28 : memref<624x128xf32, #tpu.memory_space<hbm>>)
      tpu.yield
    }) : () -> ()
    %eq3A_20 = arith.constant 15 : i32
    %eq3A_21 = arith.cmpi eq, %arg1, %eq3A_20 : i32
    %convert_element_type3A_22 = arith.extui %eq3A_21 : i1 to i32
    %cond3A_23 = arith.constant 0 : i32
    %cond3A_24 = arith.cmpi ne, %convert_element_type3A_22, %cond3A_23 : i32
    scf.if %cond3A_24 {
      %mul3A_25 = arith.constant 10000 : i32
      %mul3A_26 = arith.muli %arg0, %mul3A_25 : i32
      %add3A_27 = arith.constant 9984 : i32
      %add3A_28 = arith.addi %mul3A_26, %add3A_27 : i32
      "tpu.region"() ({
        %run_scoped3A = tpu.sem_alloc : memref<!tpu.dma_semaphore, #tpu.memory_space<semaphore_mem>>
        %dma_start3A = arith.constant 0 : i32
        %dma_start3A_29 = tpu.memref_slice %arg5[%add3A_28, %dma_start3A] : memref<20000x128xf32, #tpu.memory_space<hbm>> -> memref<16x128xf32, #tpu.memory_space<hbm>>
        %dma_start3A_30 = arith.constant 9984 : i32
        %dma_start3A_31 = arith.constant 0 : i32
        %dma_start3A_32 = tpu.memref_slice %arg8[%dma_start3A_30, %dma_start3A_31] : memref<10000x128xf32, #tpu.memory_space<vmem_shared>> -> memref<16x128xf32, #tpu.memory_space<vmem_shared>>
        tpu.enqueue_dma source(%dma_start3A_32 : memref<16x128xf32, #tpu.memory_space<vmem_shared>>) target(%dma_start3A_29 : memref<16x128xf32, #tpu.memory_space<hbm>>) target_semaphore(%run_scoped3A : memref<!tpu.dma_semaphore, #tpu.memory_space<semaphore_mem>>)
        %dma_wait3A = arith.constant 0 : i32
        %dma_wait3A_33 = tpu.memref_slice %arg5[%add3A_28, %dma_wait3A] : memref<20000x128xf32, #tpu.memory_space<hbm>> -> memref<16x128xf32, #tpu.memory_space<hbm>>
        %dma_wait3A_34 = arith.constant 9984 : i32
        %dma_wait3A_35 = arith.constant 0 : i32
        %dma_wait3A_36 = tpu.memref_slice %arg8[%dma_wait3A_34, %dma_wait3A_35] : memref<10000x128xf32, #tpu.memory_space<vmem_shared>> -> memref<16x128xf32, #tpu.memory_space<vmem_shared>>
        tpu.wait_dma2 semaphore(%run_scoped3A : memref<!tpu.dma_semaphore, #tpu.memory_space<semaphore_mem>>) src(%dma_wait3A_36 : memref<16x128xf32, #tpu.memory_space<vmem_shared>>) dst(%dma_wait3A_33 : memref<16x128xf32, #tpu.memory_space<hbm>>)
        tpu.yield
      }) : () -> ()
    } else {
    }
    return
  }
}

#map = affine_map<(d0, d1) -> (0, 0)>
#map1 = affine_map<(d0, d1) -> (0, 0, 0)>
#map2 = affine_map<(d0, d1) -> (0, 0, 0, 0)>
module attributes {stable_mosaic.version = 14 : i64} {
  func.func @_sc_agg_body(%arg0: i32, %arg1: i32, %arg2: memref<10000x128xf32, #tpu.memory_space<hbm>>, %arg3: memref<32x100x100xi32, #tpu.memory_space<hbm>>, %arg4: memref<32x100x1x100xi32, #tpu.memory_space<hbm>>, %arg5: memref<624x128xf32, #tpu.memory_space<hbm>>, %arg6: memref<20000x128xf32, #tpu.memory_space<hbm>>, %arg7: memref<100x100xi32, #tpu.memory_space<vmem>>, %arg8: memref<1x100xi32, #tpu.memory_space<vmem>>, %arg9: memref<1x100xi32, #tpu.memory_space<vmem>>, %arg10: memref<100x128xf32, #tpu.memory_space<vmem>>, %arg11: memref<100x128xf32, #tpu.memory_space<vmem>>, %arg12: memref<!tpu.dma_semaphore, #tpu.memory_space<semaphore_mem>>, %arg13: memref<!tpu.dma_semaphore, #tpu.memory_space<semaphore_mem>>, %arg14: memref<!tpu.dma_semaphore, #tpu.memory_space<semaphore_mem>>, %arg15: memref<!tpu.dma_semaphore, #tpu.memory_space<semaphore_mem>>, %arg16: memref<!tpu.dma_semaphore, #tpu.memory_space<semaphore_mem>>, %arg17: memref<10000x128xf32, #tpu.memory_space<vmem_shared>>) attributes {dimension_semantics = [#tpu.dimension_semantics<core_parallel>, #tpu.dimension_semantics<subcore_parallel>], iteration_bounds = array<i64: 2, 16>, scalar_prefetch = 0 : i64, scratch_operands = 11 : i64, tpu.core_type = #tpu.core_type<sc_vector_subcore>, window_params = [{transform_indices = #map}, {transform_indices = #map1}, {transform_indices = #map2}, {transform_indices = #map}, {transform_indices = #map}]} {
    %mul3A = arith.constant 16 : i32
    %mul3A_0 = arith.muli %arg0, %mul3A : i32
    %add3A = arith.addi %mul3A_0, %arg1 : i32
    %mul3A_1 = arith.constant 624 : i32
    %mul3A_2 = arith.muli %arg1, %mul3A_1 : i32
    %dma_start3A = arith.constant 0 : i32
    %dma_start3A_3 = tpu.memref_slice %arg17[%mul3A_2, %dma_start3A] : memref<10000x128xf32, #tpu.memory_space<vmem_shared>> -> memref<624x128xf32, #tpu.memory_space<vmem_shared>>
    %dma_start3A_4 = arith.constant 0 : i32
    %dma_start3A_5 = arith.constant 0 : i32
    %dma_start3A_6 = tpu.memref_slice %arg5[%dma_start3A_4, %dma_start3A_5] : memref<624x128xf32, #tpu.memory_space<hbm>> -> memref<624x128xf32, #tpu.memory_space<hbm>>
    tpu.enqueue_dma source(%dma_start3A_6 : memref<624x128xf32, #tpu.memory_space<hbm>>) target(%dma_start3A_3 : memref<624x128xf32, #tpu.memory_space<vmem_shared>>) target_semaphore(%arg16 : memref<!tpu.dma_semaphore, #tpu.memory_space<semaphore_mem>>)
    %eq3A = arith.constant 15 : i32
    %eq3A_7 = arith.cmpi eq, %arg1, %eq3A : i32
    %convert_element_type3A = arith.extui %eq3A_7 : i1 to i32
    %cond3A = arith.constant 0 : i32
    %cond3A_8 = arith.cmpi ne, %convert_element_type3A, %cond3A : i32
    scf.if %cond3A_8 {
      %dma_start3A_86 = arith.constant 9984 : i32
      %dma_start3A_87 = arith.constant 0 : i32
      %dma_start3A_88 = tpu.memref_slice %arg17[%dma_start3A_86, %dma_start3A_87] : memref<10000x128xf32, #tpu.memory_space<vmem_shared>> -> memref<16x128xf32, #tpu.memory_space<vmem_shared>>
      %dma_start3A_89 = arith.constant 0 : i32
      %dma_start3A_90 = arith.constant 0 : i32
      %dma_start3A_91 = tpu.memref_slice %arg5[%dma_start3A_89, %dma_start3A_90] : memref<624x128xf32, #tpu.memory_space<hbm>> -> memref<16x128xf32, #tpu.memory_space<hbm>>
      tpu.enqueue_dma source(%dma_start3A_91 : memref<16x128xf32, #tpu.memory_space<hbm>>) target(%dma_start3A_88 : memref<16x128xf32, #tpu.memory_space<vmem_shared>>) target_semaphore(%arg16 : memref<!tpu.dma_semaphore, #tpu.memory_space<semaphore_mem>>)
    } else {
    }
    "tpu.region"() ({
      %run_scoped3A_86 = tpu.sem_alloc : memref<!tpu.dma_semaphore, #tpu.memory_space<semaphore_mem>>
      %dma_start3A_87 = arith.constant 0 : i32
      %dma_start3A_88 = arith.constant 0 : i32
      %dma_start3A_89 = tpu.memref_slice %arg3[%add3A, %dma_start3A_87, %dma_start3A_88] : memref<32x100x100xi32, #tpu.memory_space<hbm>> -> memref<1x100x100xi32, #tpu.memory_space<hbm>>
      %dma_start3A_90 = tpu.memref_squeeze %dma_start3A_89 : memref<1x100x100xi32, #tpu.memory_space<hbm>> -> memref<100x100xi32, #tpu.memory_space<hbm>>
      %dma_start3A_91 = arith.constant 0 : i32
      %dma_start3A_92 = arith.constant 0 : i32
      %dma_start3A_93 = tpu.memref_slice %arg3[%add3A, %dma_start3A_91, %dma_start3A_92] : memref<32x100x100xi32, #tpu.memory_space<hbm>> -> memref<1x100x100xi32, #tpu.memory_space<hbm>>
      %dma_start3A_94 = tpu.memref_squeeze %dma_start3A_93 : memref<1x100x100xi32, #tpu.memory_space<hbm>> -> memref<100x100xi32, #tpu.memory_space<hbm>>
      tpu.enqueue_dma source(%dma_start3A_94 : memref<100x100xi32, #tpu.memory_space<hbm>>) target(%arg7 : memref<100x100xi32, #tpu.memory_space<vmem>>) target_semaphore(%run_scoped3A_86 : memref<!tpu.dma_semaphore, #tpu.memory_space<semaphore_mem>>)
      %dma_wait3A_95 = arith.constant 0 : i32
      %dma_wait3A_96 = arith.constant 0 : i32
      %dma_wait3A_97 = tpu.memref_slice %arg3[%add3A, %dma_wait3A_95, %dma_wait3A_96] : memref<32x100x100xi32, #tpu.memory_space<hbm>> -> memref<1x100x100xi32, #tpu.memory_space<hbm>>
      %dma_wait3A_98 = tpu.memref_squeeze %dma_wait3A_97 : memref<1x100x100xi32, #tpu.memory_space<hbm>> -> memref<100x100xi32, #tpu.memory_space<hbm>>
      %dma_wait3A_99 = arith.constant 0 : i32
      %dma_wait3A_100 = arith.constant 0 : i32
      %dma_wait3A_101 = tpu.memref_slice %arg3[%add3A, %dma_wait3A_99, %dma_wait3A_100] : memref<32x100x100xi32, #tpu.memory_space<hbm>> -> memref<1x100x100xi32, #tpu.memory_space<hbm>>
      %dma_wait3A_102 = tpu.memref_squeeze %dma_wait3A_101 : memref<1x100x100xi32, #tpu.memory_space<hbm>> -> memref<100x100xi32, #tpu.memory_space<hbm>>
      tpu.wait_dma2 semaphore(%run_scoped3A_86 : memref<!tpu.dma_semaphore, #tpu.memory_space<semaphore_mem>>) src(%dma_wait3A_102 : memref<100x100xi32, #tpu.memory_space<hbm>>) dst(%arg7 : memref<100x100xi32, #tpu.memory_space<vmem>>)
      tpu.yield
    }) : () -> ()
    %run_scoped3A = arith.constant 0 : i32
    "tpu.region"() ({
      %run_scoped3A_86 = tpu.sem_alloc : memref<!tpu.dma_semaphore, #tpu.memory_space<semaphore_mem>>
      %dma_start3A_87 = arith.constant 0 : i32
      %dma_start3A_88 = arith.constant 0 : i32
      %dma_start3A_89 = tpu.memref_slice %arg4[%add3A, %run_scoped3A, %dma_start3A_87, %dma_start3A_88] : memref<32x100x1x100xi32, #tpu.memory_space<hbm>> -> memref<1x1x1x100xi32, #tpu.memory_space<hbm>>
      %dma_start3A_90 = tpu.memref_squeeze %dma_start3A_89 : memref<1x1x1x100xi32, #tpu.memory_space<hbm>> -> memref<1x100xi32, #tpu.memory_space<hbm>>
      %dma_start3A_91 = arith.constant 0 : i32
      %dma_start3A_92 = arith.constant 0 : i32
      %dma_start3A_93 = tpu.memref_slice %arg4[%add3A, %run_scoped3A, %dma_start3A_91, %dma_start3A_92] : memref<32x100x1x100xi32, #tpu.memory_space<hbm>> -> memref<1x1x1x100xi32, #tpu.memory_space<hbm>>
      %dma_start3A_94 = tpu.memref_squeeze %dma_start3A_93 : memref<1x1x1x100xi32, #tpu.memory_space<hbm>> -> memref<1x100xi32, #tpu.memory_space<hbm>>
      tpu.enqueue_dma source(%dma_start3A_94 : memref<1x100xi32, #tpu.memory_space<hbm>>) target(%arg8 : memref<1x100xi32, #tpu.memory_space<vmem>>) target_semaphore(%run_scoped3A_86 : memref<!tpu.dma_semaphore, #tpu.memory_space<semaphore_mem>>)
      %dma_wait3A_95 = arith.constant 0 : i32
      %dma_wait3A_96 = arith.constant 0 : i32
      %dma_wait3A_97 = tpu.memref_slice %arg4[%add3A, %run_scoped3A, %dma_wait3A_95, %dma_wait3A_96] : memref<32x100x1x100xi32, #tpu.memory_space<hbm>> -> memref<1x1x1x100xi32, #tpu.memory_space<hbm>>
      %dma_wait3A_98 = tpu.memref_squeeze %dma_wait3A_97 : memref<1x1x1x100xi32, #tpu.memory_space<hbm>> -> memref<1x100xi32, #tpu.memory_space<hbm>>
      %dma_wait3A_99 = arith.constant 0 : i32
      %dma_wait3A_100 = arith.constant 0 : i32
      %dma_wait3A_101 = tpu.memref_slice %arg4[%add3A, %run_scoped3A, %dma_wait3A_99, %dma_wait3A_100] : memref<32x100x1x100xi32, #tpu.memory_space<hbm>> -> memref<1x1x1x100xi32, #tpu.memory_space<hbm>>
      %dma_wait3A_102 = tpu.memref_squeeze %dma_wait3A_101 : memref<1x1x1x100xi32, #tpu.memory_space<hbm>> -> memref<1x100xi32, #tpu.memory_space<hbm>>
      tpu.wait_dma2 semaphore(%run_scoped3A_86 : memref<!tpu.dma_semaphore, #tpu.memory_space<semaphore_mem>>) src(%dma_wait3A_102 : memref<1x100xi32, #tpu.memory_space<hbm>>) dst(%arg8 : memref<1x100xi32, #tpu.memory_space<vmem>>)
      tpu.yield
    }) : () -> ()
    %dma_start3A_9 = arith.constant 0 : i32
    %dma_start3A_10 = arith.constant 0 : i32
    %dma_start3A_11 = tpu.memref_slice %arg7[%dma_start3A_9, %dma_start3A_10] : memref<100x100xi32, #tpu.memory_space<vmem>> -> memref<1x100xi32, #tpu.memory_space<vmem>>
    %dma_start3A_12 = tpu.memref_squeeze %dma_start3A_11 : memref<1x100xi32, #tpu.memory_space<vmem>> -> memref<100xi32, #tpu.memory_space<vmem>>
    %dma_start3A_13 = arith.constant 0 : i32
    %dma_start3A_14 = arith.constant 0 : i32
    %dma_start3A_15 = tpu.memref_slice %arg2[%dma_start3A_13, %dma_start3A_14] : memref<10000x128xf32, #tpu.memory_space<hbm>> -> memref<10000x128xf32, #tpu.memory_space<hbm>>
    tpu.enqueue_indirect_dma source(%dma_start3A_15 : memref<10000x128xf32, #tpu.memory_space<hbm>>) target(%arg10 : memref<100x128xf32, #tpu.memory_space<vmem>>) offsets(%dma_start3A_12 : memref<100xi32, #tpu.memory_space<vmem>>) semaphore(%arg12 : memref<!tpu.dma_semaphore, #tpu.memory_space<semaphore_mem>>)
    %mul3A_16 = arith.constant 624 : i32
    %mul3A_17 = arith.muli %arg1, %mul3A_16 : i32
    %dma_wait3A = arith.constant 0 : i32
    %dma_wait3A_18 = tpu.memref_slice %arg17[%mul3A_17, %dma_wait3A] : memref<10000x128xf32, #tpu.memory_space<vmem_shared>> -> memref<624x128xf32, #tpu.memory_space<vmem_shared>>
    %dma_wait3A_19 = arith.constant 0 : i32
    %dma_wait3A_20 = arith.constant 0 : i32
    %dma_wait3A_21 = tpu.memref_slice %arg5[%dma_wait3A_19, %dma_wait3A_20] : memref<624x128xf32, #tpu.memory_space<hbm>> -> memref<624x128xf32, #tpu.memory_space<hbm>>
    tpu.wait_dma2 semaphore(%arg16 : memref<!tpu.dma_semaphore, #tpu.memory_space<semaphore_mem>>) src(%dma_wait3A_21 : memref<624x128xf32, #tpu.memory_space<hbm>>) dst(%dma_wait3A_18 : memref<624x128xf32, #tpu.memory_space<vmem_shared>>)
    %eq3A_22 = arith.constant 15 : i32
    %eq3A_23 = arith.cmpi eq, %arg1, %eq3A_22 : i32
    %convert_element_type3A_24 = arith.extui %eq3A_23 : i1 to i32
    %cond3A_25 = arith.constant 0 : i32
    %cond3A_26 = arith.cmpi ne, %convert_element_type3A_24, %cond3A_25 : i32
    scf.if %cond3A_26 {
      %dma_wait3A_86 = arith.constant 9984 : i32
      %dma_wait3A_87 = arith.constant 0 : i32
      %dma_wait3A_88 = tpu.memref_slice %arg17[%dma_wait3A_86, %dma_wait3A_87] : memref<10000x128xf32, #tpu.memory_space<vmem_shared>> -> memref<16x128xf32, #tpu.memory_space<vmem_shared>>
      %dma_wait3A_89 = arith.constant 0 : i32
      %dma_wait3A_90 = arith.constant 0 : i32
      %dma_wait3A_91 = tpu.memref_slice %arg5[%dma_wait3A_89, %dma_wait3A_90] : memref<624x128xf32, #tpu.memory_space<hbm>> -> memref<16x128xf32, #tpu.memory_space<hbm>>
      tpu.wait_dma2 semaphore(%arg16 : memref<!tpu.dma_semaphore, #tpu.memory_space<semaphore_mem>>) src(%dma_wait3A_91 : memref<16x128xf32, #tpu.memory_space<hbm>>) dst(%dma_wait3A_88 : memref<16x128xf32, #tpu.memory_space<vmem_shared>>)
    } else {
    }
    %barrier3A = arith.constant 0 : index
    tpu.barrier barrier_id(%barrier3A)
    %scan3A = arith.constant 0 : i32
    %scan3A_27 = arith.constant 0 : i32
    %scan3A_28 = arith.constant 49 : i32
    %scan3A_29 = arith.addi %scan3A_27, %scan3A_28 : i32
    %scan3A_30 = arith.constant 1 : i32
    scf.for %scan3A_86 = %scan3A_27 to %scan3A_29 step %scan3A_30  : i32 {
      %mul3A_87 = arith.constant 2 : i32
      %mul3A_88 = arith.muli %mul3A_87, %scan3A_86 : i32
      %add3A_89 = arith.constant 1 : i32
      %add3A_90 = arith.addi %mul3A_88, %add3A_89 : i32
      %dma_start3A_91 = arith.constant 0 : i32
      %dma_start3A_92 = tpu.memref_slice %arg7[%add3A_90, %dma_start3A_91] : memref<100x100xi32, #tpu.memory_space<vmem>> -> memref<1x100xi32, #tpu.memory_space<vmem>>
      %dma_start3A_93 = tpu.memref_squeeze %dma_start3A_92 : memref<1x100xi32, #tpu.memory_space<vmem>> -> memref<100xi32, #tpu.memory_space<vmem>>
      %dma_start3A_94 = arith.constant 0 : i32
      %dma_start3A_95 = arith.constant 0 : i32
      %dma_start3A_96 = tpu.memref_slice %arg2[%dma_start3A_94, %dma_start3A_95] : memref<10000x128xf32, #tpu.memory_space<hbm>> -> memref<10000x128xf32, #tpu.memory_space<hbm>>
      tpu.enqueue_indirect_dma source(%dma_start3A_96 : memref<10000x128xf32, #tpu.memory_space<hbm>>) target(%arg11 : memref<100x128xf32, #tpu.memory_space<vmem>>) offsets(%dma_start3A_93 : memref<100xi32, #tpu.memory_space<vmem>>) semaphore(%arg13 : memref<!tpu.dma_semaphore, #tpu.memory_space<semaphore_mem>>)
      %add3A_97 = arith.constant 1 : i32
      %add3A_98 = arith.addi %mul3A_88, %add3A_97 : i32
      %dma_start3A_99 = arith.constant 0 : i32
      %dma_start3A_100 = arith.constant 0 : i32
      %dma_start3A_101 = tpu.memref_slice %arg4[%add3A, %add3A_98, %dma_start3A_99, %dma_start3A_100] : memref<32x100x1x100xi32, #tpu.memory_space<hbm>> -> memref<1x1x1x100xi32, #tpu.memory_space<hbm>>
      %dma_start3A_102 = tpu.memref_squeeze %dma_start3A_101 : memref<1x1x1x100xi32, #tpu.memory_space<hbm>> -> memref<1x100xi32, #tpu.memory_space<hbm>>
      %dma_start3A_103 = arith.constant 0 : i32
      %dma_start3A_104 = arith.constant 0 : i32
      %dma_start3A_105 = tpu.memref_slice %arg4[%add3A, %add3A_98, %dma_start3A_103, %dma_start3A_104] : memref<32x100x1x100xi32, #tpu.memory_space<hbm>> -> memref<1x1x1x100xi32, #tpu.memory_space<hbm>>
      %dma_start3A_106 = tpu.memref_squeeze %dma_start3A_105 : memref<1x1x1x100xi32, #tpu.memory_space<hbm>> -> memref<1x100xi32, #tpu.memory_space<hbm>>
      tpu.enqueue_dma source(%dma_start3A_106 : memref<1x100xi32, #tpu.memory_space<hbm>>) target(%arg9 : memref<1x100xi32, #tpu.memory_space<vmem>>) target_semaphore(%arg15 : memref<!tpu.dma_semaphore, #tpu.memory_space<semaphore_mem>>)
      %dma_wait3A_107 = arith.constant 0 : i32
      %dma_wait3A_108 = tpu.memref_slice %arg7[%mul3A_88, %dma_wait3A_107] : memref<100x100xi32, #tpu.memory_space<vmem>> -> memref<1x100xi32, #tpu.memory_space<vmem>>
      %dma_wait3A_109 = tpu.memref_squeeze %dma_wait3A_108 : memref<1x100xi32, #tpu.memory_space<vmem>> -> memref<100xi32, #tpu.memory_space<vmem>>
      %dma_wait3A_110 = arith.constant 0 : i32
      %dma_wait3A_111 = arith.constant 0 : i32
      %dma_wait3A_112 = tpu.memref_slice %arg2[%dma_wait3A_110, %dma_wait3A_111] : memref<10000x128xf32, #tpu.memory_space<hbm>> -> memref<10000x128xf32, #tpu.memory_space<hbm>>
      tpu.wait_indirect_dma semaphore(%arg12 : memref<!tpu.dma_semaphore, #tpu.memory_space<semaphore_mem>>) src(%dma_wait3A_112 : memref<10000x128xf32, #tpu.memory_space<hbm>>) dst(%arg10 : memref<100x128xf32, #tpu.memory_space<vmem>>)
      %run_scoped3A_113 = arith.constant 0 : i32
      "tpu.region"() ({
        %run_scoped3A_161 = tpu.sem_alloc : memref<!tpu.dma_semaphore, #tpu.memory_space<semaphore_mem>>
        %dma_start3A_162 = arith.constant 0 : i32
        %dma_start3A_163 = tpu.memref_slice %arg8[%run_scoped3A_113, %dma_start3A_162] : memref<1x100xi32, #tpu.memory_space<vmem>> -> memref<1x100xi32, #tpu.memory_space<vmem>>
        %dma_start3A_164 = tpu.memref_squeeze %dma_start3A_163 : memref<1x100xi32, #tpu.memory_space<vmem>> -> memref<100xi32, #tpu.memory_space<vmem>>
        %dma_start3A_165 = arith.constant 0 : i32
        %dma_start3A_166 = arith.constant 0 : i32
        %dma_start3A_167 = tpu.memref_slice %arg17[%dma_start3A_165, %dma_start3A_166] : memref<10000x128xf32, #tpu.memory_space<vmem_shared>> -> memref<10000x128xf32, #tpu.memory_space<vmem_shared>>
        tpu.enqueue_indirect_dma source(%arg10 : memref<100x128xf32, #tpu.memory_space<vmem>>) target(%dma_start3A_167 : memref<10000x128xf32, #tpu.memory_space<vmem_shared>>) offsets(%dma_start3A_164 : memref<100xi32, #tpu.memory_space<vmem>>) semaphore(%run_scoped3A_161 : memref<!tpu.dma_semaphore, #tpu.memory_space<semaphore_mem>>) {add = true}
        %dma_wait3A_168 = arith.constant 0 : i32
        %dma_wait3A_169 = tpu.memref_slice %arg8[%run_scoped3A_113, %dma_wait3A_168] : memref<1x100xi32, #tpu.memory_space<vmem>> -> memref<1x100xi32, #tpu.memory_space<vmem>>
        %dma_wait3A_170 = tpu.memref_squeeze %dma_wait3A_169 : memref<1x100xi32, #tpu.memory_space<vmem>> -> memref<100xi32, #tpu.memory_space<vmem>>
        %dma_wait3A_171 = arith.constant 0 : i32
        %dma_wait3A_172 = arith.constant 0 : i32
        %dma_wait3A_173 = tpu.memref_slice %arg17[%dma_wait3A_171, %dma_wait3A_172] : memref<10000x128xf32, #tpu.memory_space<vmem_shared>> -> memref<10000x128xf32, #tpu.memory_space<vmem_shared>>
        tpu.wait_indirect_dma semaphore(%run_scoped3A_161 : memref<!tpu.dma_semaphore, #tpu.memory_space<semaphore_mem>>) src(%arg10 : memref<100x128xf32, #tpu.memory_space<vmem>>) dst(%dma_wait3A_173 : memref<10000x128xf32, #tpu.memory_space<vmem_shared>>)
        tpu.yield
      }) : () -> ()
      %add3A_114 = arith.constant 2 : i32
      %add3A_115 = arith.addi %mul3A_88, %add3A_114 : i32
      %dma_start3A_116 = arith.constant 0 : i32
      %dma_start3A_117 = tpu.memref_slice %arg7[%add3A_115, %dma_start3A_116] : memref<100x100xi32, #tpu.memory_space<vmem>> -> memref<1x100xi32, #tpu.memory_space<vmem>>
      %dma_start3A_118 = tpu.memref_squeeze %dma_start3A_117 : memref<1x100xi32, #tpu.memory_space<vmem>> -> memref<100xi32, #tpu.memory_space<vmem>>
      %dma_start3A_119 = arith.constant 0 : i32
      %dma_start3A_120 = arith.constant 0 : i32
      %dma_start3A_121 = tpu.memref_slice %arg2[%dma_start3A_119, %dma_start3A_120] : memref<10000x128xf32, #tpu.memory_space<hbm>> -> memref<10000x128xf32, #tpu.memory_space<hbm>>
      tpu.enqueue_indirect_dma source(%dma_start3A_121 : memref<10000x128xf32, #tpu.memory_space<hbm>>) target(%arg10 : memref<100x128xf32, #tpu.memory_space<vmem>>) offsets(%dma_start3A_118 : memref<100xi32, #tpu.memory_space<vmem>>) semaphore(%arg12 : memref<!tpu.dma_semaphore, #tpu.memory_space<semaphore_mem>>)
      %add3A_122 = arith.constant 2 : i32
      %add3A_123 = arith.addi %mul3A_88, %add3A_122 : i32
      %dma_start3A_124 = arith.constant 0 : i32
      %dma_start3A_125 = arith.constant 0 : i32
      %dma_start3A_126 = tpu.memref_slice %arg4[%add3A, %add3A_123, %dma_start3A_124, %dma_start3A_125] : memref<32x100x1x100xi32, #tpu.memory_space<hbm>> -> memref<1x1x1x100xi32, #tpu.memory_space<hbm>>
      %dma_start3A_127 = tpu.memref_squeeze %dma_start3A_126 : memref<1x1x1x100xi32, #tpu.memory_space<hbm>> -> memref<1x100xi32, #tpu.memory_space<hbm>>
      %dma_start3A_128 = arith.constant 0 : i32
      %dma_start3A_129 = arith.constant 0 : i32
      %dma_start3A_130 = tpu.memref_slice %arg4[%add3A, %add3A_123, %dma_start3A_128, %dma_start3A_129] : memref<32x100x1x100xi32, #tpu.memory_space<hbm>> -> memref<1x1x1x100xi32, #tpu.memory_space<hbm>>
      %dma_start3A_131 = tpu.memref_squeeze %dma_start3A_130 : memref<1x1x1x100xi32, #tpu.memory_space<hbm>> -> memref<1x100xi32, #tpu.memory_space<hbm>>
      tpu.enqueue_dma source(%dma_start3A_131 : memref<1x100xi32, #tpu.memory_space<hbm>>) target(%arg8 : memref<1x100xi32, #tpu.memory_space<vmem>>) target_semaphore(%arg14 : memref<!tpu.dma_semaphore, #tpu.memory_space<semaphore_mem>>)
      %add3A_132 = arith.constant 1 : i32
      %add3A_133 = arith.addi %mul3A_88, %add3A_132 : i32
      %dma_wait3A_134 = arith.constant 0 : i32
      %dma_wait3A_135 = tpu.memref_slice %arg7[%add3A_133, %dma_wait3A_134] : memref<100x100xi32, #tpu.memory_space<vmem>> -> memref<1x100xi32, #tpu.memory_space<vmem>>
      %dma_wait3A_136 = tpu.memref_squeeze %dma_wait3A_135 : memref<1x100xi32, #tpu.memory_space<vmem>> -> memref<100xi32, #tpu.memory_space<vmem>>
      %dma_wait3A_137 = arith.constant 0 : i32
      %dma_wait3A_138 = arith.constant 0 : i32
      %dma_wait3A_139 = tpu.memref_slice %arg2[%dma_wait3A_137, %dma_wait3A_138] : memref<10000x128xf32, #tpu.memory_space<hbm>> -> memref<10000x128xf32, #tpu.memory_space<hbm>>
      tpu.wait_indirect_dma semaphore(%arg13 : memref<!tpu.dma_semaphore, #tpu.memory_space<semaphore_mem>>) src(%dma_wait3A_139 : memref<10000x128xf32, #tpu.memory_space<hbm>>) dst(%arg11 : memref<100x128xf32, #tpu.memory_space<vmem>>)
      %add3A_140 = arith.constant 1 : i32
      %add3A_141 = arith.addi %mul3A_88, %add3A_140 : i32
      %dma_wait3A_142 = arith.constant 0 : i32
      %dma_wait3A_143 = arith.constant 0 : i32
      %dma_wait3A_144 = tpu.memref_slice %arg4[%add3A, %add3A_141, %dma_wait3A_142, %dma_wait3A_143] : memref<32x100x1x100xi32, #tpu.memory_space<hbm>> -> memref<1x1x1x100xi32, #tpu.memory_space<hbm>>
      %dma_wait3A_145 = tpu.memref_squeeze %dma_wait3A_144 : memref<1x1x1x100xi32, #tpu.memory_space<hbm>> -> memref<1x100xi32, #tpu.memory_space<hbm>>
      %dma_wait3A_146 = arith.constant 0 : i32
      %dma_wait3A_147 = arith.constant 0 : i32
      %dma_wait3A_148 = tpu.memref_slice %arg4[%add3A, %add3A_141, %dma_wait3A_146, %dma_wait3A_147] : memref<32x100x1x100xi32, #tpu.memory_space<hbm>> -> memref<1x1x1x100xi32, #tpu.memory_space<hbm>>
      %dma_wait3A_149 = tpu.memref_squeeze %dma_wait3A_148 : memref<1x1x1x100xi32, #tpu.memory_space<hbm>> -> memref<1x100xi32, #tpu.memory_space<hbm>>
      tpu.wait_dma2 semaphore(%arg15 : memref<!tpu.dma_semaphore, #tpu.memory_space<semaphore_mem>>) src(%dma_wait3A_149 : memref<1x100xi32, #tpu.memory_space<hbm>>) dst(%arg9 : memref<1x100xi32, #tpu.memory_space<vmem>>)
      %run_scoped3A_150 = arith.constant 0 : i32
      "tpu.region"() ({
        %run_scoped3A_161 = tpu.sem_alloc : memref<!tpu.dma_semaphore, #tpu.memory_space<semaphore_mem>>
        %dma_start3A_162 = arith.constant 0 : i32
        %dma_start3A_163 = tpu.memref_slice %arg9[%run_scoped3A_150, %dma_start3A_162] : memref<1x100xi32, #tpu.memory_space<vmem>> -> memref<1x100xi32, #tpu.memory_space<vmem>>
        %dma_start3A_164 = tpu.memref_squeeze %dma_start3A_163 : memref<1x100xi32, #tpu.memory_space<vmem>> -> memref<100xi32, #tpu.memory_space<vmem>>
        %dma_start3A_165 = arith.constant 0 : i32
        %dma_start3A_166 = arith.constant 0 : i32
        %dma_start3A_167 = tpu.memref_slice %arg17[%dma_start3A_165, %dma_start3A_166] : memref<10000x128xf32, #tpu.memory_space<vmem_shared>> -> memref<10000x128xf32, #tpu.memory_space<vmem_shared>>
        tpu.enqueue_indirect_dma source(%arg11 : memref<100x128xf32, #tpu.memory_space<vmem>>) target(%dma_start3A_167 : memref<10000x128xf32, #tpu.memory_space<vmem_shared>>) offsets(%dma_start3A_164 : memref<100xi32, #tpu.memory_space<vmem>>) semaphore(%run_scoped3A_161 : memref<!tpu.dma_semaphore, #tpu.memory_space<semaphore_mem>>) {add = true}
        %dma_wait3A_168 = arith.constant 0 : i32
        %dma_wait3A_169 = tpu.memref_slice %arg9[%run_scoped3A_150, %dma_wait3A_168] : memref<1x100xi32, #tpu.memory_space<vmem>> -> memref<1x100xi32, #tpu.memory_space<vmem>>
        %dma_wait3A_170 = tpu.memref_squeeze %dma_wait3A_169 : memref<1x100xi32, #tpu.memory_space<vmem>> -> memref<100xi32, #tpu.memory_space<vmem>>
        %dma_wait3A_171 = arith.constant 0 : i32
        %dma_wait3A_172 = arith.constant 0 : i32
        %dma_wait3A_173 = tpu.memref_slice %arg17[%dma_wait3A_171, %dma_wait3A_172] : memref<10000x128xf32, #tpu.memory_space<vmem_shared>> -> memref<10000x128xf32, #tpu.memory_space<vmem_shared>>
        tpu.wait_indirect_dma semaphore(%run_scoped3A_161 : memref<!tpu.dma_semaphore, #tpu.memory_space<semaphore_mem>>) src(%arg11 : memref<100x128xf32, #tpu.memory_space<vmem>>) dst(%dma_wait3A_173 : memref<10000x128xf32, #tpu.memory_space<vmem_shared>>)
        tpu.yield
      }) : () -> ()
      %add3A_151 = arith.constant 2 : i32
      %add3A_152 = arith.addi %mul3A_88, %add3A_151 : i32
      %dma_wait3A_153 = arith.constant 0 : i32
      %dma_wait3A_154 = arith.constant 0 : i32
      %dma_wait3A_155 = tpu.memref_slice %arg4[%add3A, %add3A_152, %dma_wait3A_153, %dma_wait3A_154] : memref<32x100x1x100xi32, #tpu.memory_space<hbm>> -> memref<1x1x1x100xi32, #tpu.memory_space<hbm>>
      %dma_wait3A_156 = tpu.memref_squeeze %dma_wait3A_155 : memref<1x1x1x100xi32, #tpu.memory_space<hbm>> -> memref<1x100xi32, #tpu.memory_space<hbm>>
      %dma_wait3A_157 = arith.constant 0 : i32
      %dma_wait3A_158 = arith.constant 0 : i32
      %dma_wait3A_159 = tpu.memref_slice %arg4[%add3A, %add3A_152, %dma_wait3A_157, %dma_wait3A_158] : memref<32x100x1x100xi32, #tpu.memory_space<hbm>> -> memref<1x1x1x100xi32, #tpu.memory_space<hbm>>
      %dma_wait3A_160 = tpu.memref_squeeze %dma_wait3A_159 : memref<1x1x1x100xi32, #tpu.memory_space<hbm>> -> memref<1x100xi32, #tpu.memory_space<hbm>>
      tpu.wait_dma2 semaphore(%arg14 : memref<!tpu.dma_semaphore, #tpu.memory_space<semaphore_mem>>) src(%dma_wait3A_160 : memref<1x100xi32, #tpu.memory_space<hbm>>) dst(%arg8 : memref<1x100xi32, #tpu.memory_space<vmem>>)
    }
    %scan3A_31 = arith.constant 49 : i32
    %dma_start3A_32 = arith.constant 99 : i32
    %dma_start3A_33 = arith.constant 0 : i32
    %dma_start3A_34 = tpu.memref_slice %arg7[%dma_start3A_32, %dma_start3A_33] : memref<100x100xi32, #tpu.memory_space<vmem>> -> memref<1x100xi32, #tpu.memory_space<vmem>>
    %dma_start3A_35 = tpu.memref_squeeze %dma_start3A_34 : memref<1x100xi32, #tpu.memory_space<vmem>> -> memref<100xi32, #tpu.memory_space<vmem>>
    %dma_start3A_36 = arith.constant 0 : i32
    %dma_start3A_37 = arith.constant 0 : i32
    %dma_start3A_38 = tpu.memref_slice %arg2[%dma_start3A_36, %dma_start3A_37] : memref<10000x128xf32, #tpu.memory_space<hbm>> -> memref<10000x128xf32, #tpu.memory_space<hbm>>
    tpu.enqueue_indirect_dma source(%dma_start3A_38 : memref<10000x128xf32, #tpu.memory_space<hbm>>) target(%arg11 : memref<100x128xf32, #tpu.memory_space<vmem>>) offsets(%dma_start3A_35 : memref<100xi32, #tpu.memory_space<vmem>>) semaphore(%arg13 : memref<!tpu.dma_semaphore, #tpu.memory_space<semaphore_mem>>)
    %dma_start3A_39 = arith.constant 99 : i32
    %dma_start3A_40 = arith.constant 0 : i32
    %dma_start3A_41 = arith.constant 0 : i32
    %dma_start3A_42 = tpu.memref_slice %arg4[%add3A, %dma_start3A_39, %dma_start3A_40, %dma_start3A_41] : memref<32x100x1x100xi32, #tpu.memory_space<hbm>> -> memref<1x1x1x100xi32, #tpu.memory_space<hbm>>
    %dma_start3A_43 = tpu.memref_squeeze %dma_start3A_42 : memref<1x1x1x100xi32, #tpu.memory_space<hbm>> -> memref<1x100xi32, #tpu.memory_space<hbm>>
    %dma_start3A_44 = arith.constant 0 : i32
    %dma_start3A_45 = arith.constant 0 : i32
    %dma_start3A_46 = tpu.memref_slice %arg4[%add3A, %dma_start3A_39, %dma_start3A_44, %dma_start3A_45] : memref<32x100x1x100xi32, #tpu.memory_space<hbm>> -> memref<1x1x1x100xi32, #tpu.memory_space<hbm>>
    %dma_start3A_47 = tpu.memref_squeeze %dma_start3A_46 : memref<1x1x1x100xi32, #tpu.memory_space<hbm>> -> memref<1x100xi32, #tpu.memory_space<hbm>>
    tpu.enqueue_dma source(%dma_start3A_47 : memref<1x100xi32, #tpu.memory_space<hbm>>) target(%arg9 : memref<1x100xi32, #tpu.memory_space<vmem>>) target_semaphore(%arg15 : memref<!tpu.dma_semaphore, #tpu.memory_space<semaphore_mem>>)
    %dma_wait3A_48 = arith.constant 98 : i32
    %dma_wait3A_49 = arith.constant 0 : i32
    %dma_wait3A_50 = tpu.memref_slice %arg7[%dma_wait3A_48, %dma_wait3A_49] : memref<100x100xi32, #tpu.memory_space<vmem>> -> memref<1x100xi32, #tpu.memory_space<vmem>>
    %dma_wait3A_51 = tpu.memref_squeeze %dma_wait3A_50 : memref<1x100xi32, #tpu.memory_space<vmem>> -> memref<100xi32, #tpu.memory_space<vmem>>
    %dma_wait3A_52 = arith.constant 0 : i32
    %dma_wait3A_53 = arith.constant 0 : i32
    %dma_wait3A_54 = tpu.memref_slice %arg2[%dma_wait3A_52, %dma_wait3A_53] : memref<10000x128xf32, #tpu.memory_space<hbm>> -> memref<10000x128xf32, #tpu.memory_space<hbm>>
    tpu.wait_indirect_dma semaphore(%arg12 : memref<!tpu.dma_semaphore, #tpu.memory_space<semaphore_mem>>) src(%dma_wait3A_54 : memref<10000x128xf32, #tpu.memory_space<hbm>>) dst(%arg10 : memref<100x128xf32, #tpu.memory_space<vmem>>)
    %run_scoped3A_55 = arith.constant 0 : i32
    "tpu.region"() ({
      %run_scoped3A_86 = tpu.sem_alloc : memref<!tpu.dma_semaphore, #tpu.memory_space<semaphore_mem>>
      %dma_start3A_87 = arith.constant 0 : i32
      %dma_start3A_88 = tpu.memref_slice %arg8[%run_scoped3A_55, %dma_start3A_87] : memref<1x100xi32, #tpu.memory_space<vmem>> -> memref<1x100xi32, #tpu.memory_space<vmem>>
      %dma_start3A_89 = tpu.memref_squeeze %dma_start3A_88 : memref<1x100xi32, #tpu.memory_space<vmem>> -> memref<100xi32, #tpu.memory_space<vmem>>
      %dma_start3A_90 = arith.constant 0 : i32
      %dma_start3A_91 = arith.constant 0 : i32
      %dma_start3A_92 = tpu.memref_slice %arg17[%dma_start3A_90, %dma_start3A_91] : memref<10000x128xf32, #tpu.memory_space<vmem_shared>> -> memref<10000x128xf32, #tpu.memory_space<vmem_shared>>
      tpu.enqueue_indirect_dma source(%arg10 : memref<100x128xf32, #tpu.memory_space<vmem>>) target(%dma_start3A_92 : memref<10000x128xf32, #tpu.memory_space<vmem_shared>>) offsets(%dma_start3A_89 : memref<100xi32, #tpu.memory_space<vmem>>) semaphore(%run_scoped3A_86 : memref<!tpu.dma_semaphore, #tpu.memory_space<semaphore_mem>>) {add = true}
      %dma_wait3A_93 = arith.constant 0 : i32
      %dma_wait3A_94 = tpu.memref_slice %arg8[%run_scoped3A_55, %dma_wait3A_93] : memref<1x100xi32, #tpu.memory_space<vmem>> -> memref<1x100xi32, #tpu.memory_space<vmem>>
      %dma_wait3A_95 = tpu.memref_squeeze %dma_wait3A_94 : memref<1x100xi32, #tpu.memory_space<vmem>> -> memref<100xi32, #tpu.memory_space<vmem>>
      %dma_wait3A_96 = arith.constant 0 : i32
      %dma_wait3A_97 = arith.constant 0 : i32
      %dma_wait3A_98 = tpu.memref_slice %arg17[%dma_wait3A_96, %dma_wait3A_97] : memref<10000x128xf32, #tpu.memory_space<vmem_shared>> -> memref<10000x128xf32, #tpu.memory_space<vmem_shared>>
      tpu.wait_indirect_dma semaphore(%run_scoped3A_86 : memref<!tpu.dma_semaphore, #tpu.memory_space<semaphore_mem>>) src(%arg10 : memref<100x128xf32, #tpu.memory_space<vmem>>) dst(%dma_wait3A_98 : memref<10000x128xf32, #tpu.memory_space<vmem_shared>>)
      tpu.yield
    }) : () -> ()
    %dma_wait3A_56 = arith.constant 99 : i32
    %dma_wait3A_57 = arith.constant 0 : i32
    %dma_wait3A_58 = tpu.memref_slice %arg7[%dma_wait3A_56, %dma_wait3A_57] : memref<100x100xi32, #tpu.memory_space<vmem>> -> memref<1x100xi32, #tpu.memory_space<vmem>>
    %dma_wait3A_59 = tpu.memref_squeeze %dma_wait3A_58 : memref<1x100xi32, #tpu.memory_space<vmem>> -> memref<100xi32, #tpu.memory_space<vmem>>
    %dma_wait3A_60 = arith.constant 0 : i32
    %dma_wait3A_61 = arith.constant 0 : i32
    %dma_wait3A_62 = tpu.memref_slice %arg2[%dma_wait3A_60, %dma_wait3A_61] : memref<10000x128xf32, #tpu.memory_space<hbm>> -> memref<10000x128xf32, #tpu.memory_space<hbm>>
    tpu.wait_indirect_dma semaphore(%arg13 : memref<!tpu.dma_semaphore, #tpu.memory_space<semaphore_mem>>) src(%dma_wait3A_62 : memref<10000x128xf32, #tpu.memory_space<hbm>>) dst(%arg11 : memref<100x128xf32, #tpu.memory_space<vmem>>)
    %dma_wait3A_63 = arith.constant 99 : i32
    %dma_wait3A_64 = arith.constant 0 : i32
    %dma_wait3A_65 = arith.constant 0 : i32
    %dma_wait3A_66 = tpu.memref_slice %arg4[%add3A, %dma_wait3A_63, %dma_wait3A_64, %dma_wait3A_65] : memref<32x100x1x100xi32, #tpu.memory_space<hbm>> -> memref<1x1x1x100xi32, #tpu.memory_space<hbm>>
    %dma_wait3A_67 = tpu.memref_squeeze %dma_wait3A_66 : memref<1x1x1x100xi32, #tpu.memory_space<hbm>> -> memref<1x100xi32, #tpu.memory_space<hbm>>
    %dma_wait3A_68 = arith.constant 0 : i32
    %dma_wait3A_69 = arith.constant 0 : i32
    %dma_wait3A_70 = tpu.memref_slice %arg4[%add3A, %dma_wait3A_63, %dma_wait3A_68, %dma_wait3A_69] : memref<32x100x1x100xi32, #tpu.memory_space<hbm>> -> memref<1x1x1x100xi32, #tpu.memory_space<hbm>>
    %dma_wait3A_71 = tpu.memref_squeeze %dma_wait3A_70 : memref<1x1x1x100xi32, #tpu.memory_space<hbm>> -> memref<1x100xi32, #tpu.memory_space<hbm>>
    tpu.wait_dma2 semaphore(%arg15 : memref<!tpu.dma_semaphore, #tpu.memory_space<semaphore_mem>>) src(%dma_wait3A_71 : memref<1x100xi32, #tpu.memory_space<hbm>>) dst(%arg9 : memref<1x100xi32, #tpu.memory_space<vmem>>)
    %run_scoped3A_72 = arith.constant 0 : i32
    "tpu.region"() ({
      %run_scoped3A_86 = tpu.sem_alloc : memref<!tpu.dma_semaphore, #tpu.memory_space<semaphore_mem>>
      %dma_start3A_87 = arith.constant 0 : i32
      %dma_start3A_88 = tpu.memref_slice %arg9[%run_scoped3A_72, %dma_start3A_87] : memref<1x100xi32, #tpu.memory_space<vmem>> -> memref<1x100xi32, #tpu.memory_space<vmem>>
      %dma_start3A_89 = tpu.memref_squeeze %dma_start3A_88 : memref<1x100xi32, #tpu.memory_space<vmem>> -> memref<100xi32, #tpu.memory_space<vmem>>
      %dma_start3A_90 = arith.constant 0 : i32
      %dma_start3A_91 = arith.constant 0 : i32
      %dma_start3A_92 = tpu.memref_slice %arg17[%dma_start3A_90, %dma_start3A_91] : memref<10000x128xf32, #tpu.memory_space<vmem_shared>> -> memref<10000x128xf32, #tpu.memory_space<vmem_shared>>
      tpu.enqueue_indirect_dma source(%arg11 : memref<100x128xf32, #tpu.memory_space<vmem>>) target(%dma_start3A_92 : memref<10000x128xf32, #tpu.memory_space<vmem_shared>>) offsets(%dma_start3A_89 : memref<100xi32, #tpu.memory_space<vmem>>) semaphore(%run_scoped3A_86 : memref<!tpu.dma_semaphore, #tpu.memory_space<semaphore_mem>>) {add = true}
      %dma_wait3A_93 = arith.constant 0 : i32
      %dma_wait3A_94 = tpu.memref_slice %arg9[%run_scoped3A_72, %dma_wait3A_93] : memref<1x100xi32, #tpu.memory_space<vmem>> -> memref<1x100xi32, #tpu.memory_space<vmem>>
      %dma_wait3A_95 = tpu.memref_squeeze %dma_wait3A_94 : memref<1x100xi32, #tpu.memory_space<vmem>> -> memref<100xi32, #tpu.memory_space<vmem>>
      %dma_wait3A_96 = arith.constant 0 : i32
      %dma_wait3A_97 = arith.constant 0 : i32
      %dma_wait3A_98 = tpu.memref_slice %arg17[%dma_wait3A_96, %dma_wait3A_97] : memref<10000x128xf32, #tpu.memory_space<vmem_shared>> -> memref<10000x128xf32, #tpu.memory_space<vmem_shared>>
      tpu.wait_indirect_dma semaphore(%run_scoped3A_86 : memref<!tpu.dma_semaphore, #tpu.memory_space<semaphore_mem>>) src(%arg11 : memref<100x128xf32, #tpu.memory_space<vmem>>) dst(%dma_wait3A_98 : memref<10000x128xf32, #tpu.memory_space<vmem_shared>>)
      tpu.yield
    }) : () -> ()
    %barrier3A_73 = arith.constant 0 : index
    tpu.barrier barrier_id(%barrier3A_73)
    %mul3A_74 = arith.constant 624 : i32
    %mul3A_75 = arith.muli %arg1, %mul3A_74 : i32
    %mul3A_76 = arith.constant 624 : i32
    %mul3A_77 = arith.muli %arg1, %mul3A_76 : i32
    %mul3A_78 = arith.constant 10000 : i32
    %mul3A_79 = arith.muli %arg0, %mul3A_78 : i32
    %add3A_80 = arith.addi %mul3A_79, %mul3A_77 : i32
    "tpu.region"() ({
      %run_scoped3A_86 = tpu.sem_alloc : memref<!tpu.dma_semaphore, #tpu.memory_space<semaphore_mem>>
      %dma_start3A_87 = arith.constant 0 : i32
      %dma_start3A_88 = tpu.memref_slice %arg6[%add3A_80, %dma_start3A_87] : memref<20000x128xf32, #tpu.memory_space<hbm>> -> memref<624x128xf32, #tpu.memory_space<hbm>>
      %dma_start3A_89 = arith.constant 0 : i32
      %dma_start3A_90 = tpu.memref_slice %arg17[%mul3A_75, %dma_start3A_89] : memref<10000x128xf32, #tpu.memory_space<vmem_shared>> -> memref<624x128xf32, #tpu.memory_space<vmem_shared>>
      tpu.enqueue_dma source(%dma_start3A_90 : memref<624x128xf32, #tpu.memory_space<vmem_shared>>) target(%dma_start3A_88 : memref<624x128xf32, #tpu.memory_space<hbm>>) target_semaphore(%run_scoped3A_86 : memref<!tpu.dma_semaphore, #tpu.memory_space<semaphore_mem>>)
      %dma_wait3A_91 = arith.constant 0 : i32
      %dma_wait3A_92 = tpu.memref_slice %arg6[%add3A_80, %dma_wait3A_91] : memref<20000x128xf32, #tpu.memory_space<hbm>> -> memref<624x128xf32, #tpu.memory_space<hbm>>
      %dma_wait3A_93 = arith.constant 0 : i32
      %dma_wait3A_94 = tpu.memref_slice %arg17[%mul3A_75, %dma_wait3A_93] : memref<10000x128xf32, #tpu.memory_space<vmem_shared>> -> memref<624x128xf32, #tpu.memory_space<vmem_shared>>
      tpu.wait_dma2 semaphore(%run_scoped3A_86 : memref<!tpu.dma_semaphore, #tpu.memory_space<semaphore_mem>>) src(%dma_wait3A_94 : memref<624x128xf32, #tpu.memory_space<vmem_shared>>) dst(%dma_wait3A_92 : memref<624x128xf32, #tpu.memory_space<hbm>>)
      tpu.yield
    }) : () -> ()
    %eq3A_81 = arith.constant 15 : i32
    %eq3A_82 = arith.cmpi eq, %arg1, %eq3A_81 : i32
    %convert_element_type3A_83 = arith.extui %eq3A_82 : i1 to i32
    %cond3A_84 = arith.constant 0 : i32
    %cond3A_85 = arith.cmpi ne, %convert_element_type3A_83, %cond3A_84 : i32
    scf.if %cond3A_85 {
      %mul3A_86 = arith.constant 10000 : i32
      %mul3A_87 = arith.muli %arg0, %mul3A_86 : i32
      %add3A_88 = arith.constant 9984 : i32
      %add3A_89 = arith.addi %mul3A_87, %add3A_88 : i32
      "tpu.region"() ({
        %run_scoped3A_90 = tpu.sem_alloc : memref<!tpu.dma_semaphore, #tpu.memory_space<semaphore_mem>>
        %dma_start3A_91 = arith.constant 0 : i32
        %dma_start3A_92 = tpu.memref_slice %arg6[%add3A_89, %dma_start3A_91] : memref<20000x128xf32, #tpu.memory_space<hbm>> -> memref<16x128xf32, #tpu.memory_space<hbm>>
        %dma_start3A_93 = arith.constant 9984 : i32
        %dma_start3A_94 = arith.constant 0 : i32
        %dma_start3A_95 = tpu.memref_slice %arg17[%dma_start3A_93, %dma_start3A_94] : memref<10000x128xf32, #tpu.memory_space<vmem_shared>> -> memref<16x128xf32, #tpu.memory_space<vmem_shared>>
        tpu.enqueue_dma source(%dma_start3A_95 : memref<16x128xf32, #tpu.memory_space<vmem_shared>>) target(%dma_start3A_92 : memref<16x128xf32, #tpu.memory_space<hbm>>) target_semaphore(%run_scoped3A_90 : memref<!tpu.dma_semaphore, #tpu.memory_space<semaphore_mem>>)
        %dma_wait3A_96 = arith.constant 0 : i32
        %dma_wait3A_97 = tpu.memref_slice %arg6[%add3A_89, %dma_wait3A_96] : memref<20000x128xf32, #tpu.memory_space<hbm>> -> memref<16x128xf32, #tpu.memory_space<hbm>>
        %dma_wait3A_98 = arith.constant 9984 : i32
        %dma_wait3A_99 = arith.constant 0 : i32
        %dma_wait3A_100 = tpu.memref_slice %arg17[%dma_wait3A_98, %dma_wait3A_99] : memref<10000x128xf32, #tpu.memory_space<vmem_shared>> -> memref<16x128xf32, #tpu.memory_space<vmem_shared>>
        tpu.wait_dma2 semaphore(%run_scoped3A_90 : memref<!tpu.dma_semaphore, #tpu.memory_space<semaphore_mem>>) src(%dma_wait3A_100 : memref<16x128xf32, #tpu.memory_space<vmem_shared>>) dst(%dma_wait3A_97 : memref<16x128xf32, #tpu.memory_space<hbm>>)
        tpu.yield
      }) : () -> ()
    } else {
    }
    return
  }
}

#map = affine_map<(d0, d1) -> (0, 0)>
#map1 = affine_map<(d0, d1) -> (0, 0, 0)>
#map2 = affine_map<(d0, d1) -> (0, 0, 0, 0)>
module attributes {stable_mosaic.version = 14 : i64} {
  func.func @_sc_agg_body(%arg0: i32, %arg1: i32, %arg2: memref<10000x128xf32, #tpu.memory_space<hbm>>, %arg3: memref<32x100x100xi32, #tpu.memory_space<hbm>>, %arg4: memref<32x100x1x100xi32, #tpu.memory_space<hbm>>, %arg5: memref<624x128xf32, #tpu.memory_space<hbm>>, %arg6: memref<20000x128xf32, #tpu.memory_space<hbm>>, %arg7: memref<100x100xi32, #tpu.memory_space<vmem>>, %arg8: memref<1x100xi32, #tpu.memory_space<vmem>>, %arg9: memref<1x100xi32, #tpu.memory_space<vmem>>, %arg10: memref<100x128xf32, #tpu.memory_space<vmem>>, %arg11: memref<100x128xf32, #tpu.memory_space<vmem>>, %arg12: memref<!tpu.dma_semaphore, #tpu.memory_space<semaphore_mem>>, %arg13: memref<!tpu.dma_semaphore, #tpu.memory_space<semaphore_mem>>, %arg14: memref<!tpu.dma_semaphore, #tpu.memory_space<semaphore_mem>>, %arg15: memref<!tpu.dma_semaphore, #tpu.memory_space<semaphore_mem>>, %arg16: memref<!tpu.dma_semaphore, #tpu.memory_space<semaphore_mem>>, %arg17: memref<10000x128xf32, #tpu.memory_space<vmem_shared>>) attributes {dimension_semantics = [#tpu.dimension_semantics<core_parallel>, #tpu.dimension_semantics<subcore_parallel>], iteration_bounds = array<i64: 2, 16>, scalar_prefetch = 0 : i64, scratch_operands = 11 : i64, tpu.core_type = #tpu.core_type<sc_vector_subcore>, window_params = [{transform_indices = #map}, {transform_indices = #map1}, {transform_indices = #map2}, {transform_indices = #map}, {transform_indices = #map}]} {
    %mul3A = arith.constant 16 : i32
    %mul3A_0 = arith.muli %arg0, %mul3A : i32
    %add3A = arith.addi %mul3A_0, %arg1 : i32
    %mul3A_1 = arith.constant 624 : i32
    %mul3A_2 = arith.muli %arg1, %mul3A_1 : i32
    %dma_start3A = arith.constant 0 : i32
    %dma_start3A_3 = tpu.memref_slice %arg17[%mul3A_2, %dma_start3A] : memref<10000x128xf32, #tpu.memory_space<vmem_shared>> -> memref<624x128xf32, #tpu.memory_space<vmem_shared>>
    %dma_start3A_4 = arith.constant 0 : i32
    %dma_start3A_5 = arith.constant 0 : i32
    %dma_start3A_6 = tpu.memref_slice %arg5[%dma_start3A_4, %dma_start3A_5] : memref<624x128xf32, #tpu.memory_space<hbm>> -> memref<624x128xf32, #tpu.memory_space<hbm>>
    tpu.enqueue_dma source(%dma_start3A_6 : memref<624x128xf32, #tpu.memory_space<hbm>>) target(%dma_start3A_3 : memref<624x128xf32, #tpu.memory_space<vmem_shared>>) target_semaphore(%arg16 : memref<!tpu.dma_semaphore, #tpu.memory_space<semaphore_mem>>)
    %eq3A = arith.constant 15 : i32
    %eq3A_7 = arith.cmpi eq, %arg1, %eq3A : i32
    %convert_element_type3A = arith.extui %eq3A_7 : i1 to i32
    %cond3A = arith.constant 0 : i32
    %cond3A_8 = arith.cmpi ne, %convert_element_type3A, %cond3A : i32
    scf.if %cond3A_8 {
      %dma_start3A_86 = arith.constant 9984 : i32
      %dma_start3A_87 = arith.constant 0 : i32
      %dma_start3A_88 = tpu.memref_slice %arg17[%dma_start3A_86, %dma_start3A_87] : memref<10000x128xf32, #tpu.memory_space<vmem_shared>> -> memref<16x128xf32, #tpu.memory_space<vmem_shared>>
      %dma_start3A_89 = arith.constant 0 : i32
      %dma_start3A_90 = arith.constant 0 : i32
      %dma_start3A_91 = tpu.memref_slice %arg5[%dma_start3A_89, %dma_start3A_90] : memref<624x128xf32, #tpu.memory_space<hbm>> -> memref<16x128xf32, #tpu.memory_space<hbm>>
      tpu.enqueue_dma source(%dma_start3A_91 : memref<16x128xf32, #tpu.memory_space<hbm>>) target(%dma_start3A_88 : memref<16x128xf32, #tpu.memory_space<vmem_shared>>) target_semaphore(%arg16 : memref<!tpu.dma_semaphore, #tpu.memory_space<semaphore_mem>>)
    } else {
    }
    "tpu.region"() ({
      %run_scoped3A_86 = tpu.sem_alloc : memref<!tpu.dma_semaphore, #tpu.memory_space<semaphore_mem>>
      %dma_start3A_87 = arith.constant 0 : i32
      %dma_start3A_88 = arith.constant 0 : i32
      %dma_start3A_89 = tpu.memref_slice %arg3[%add3A, %dma_start3A_87, %dma_start3A_88] : memref<32x100x100xi32, #tpu.memory_space<hbm>> -> memref<1x100x100xi32, #tpu.memory_space<hbm>>
      %dma_start3A_90 = tpu.memref_squeeze %dma_start3A_89 : memref<1x100x100xi32, #tpu.memory_space<hbm>> -> memref<100x100xi32, #tpu.memory_space<hbm>>
      %dma_start3A_91 = arith.constant 0 : i32
      %dma_start3A_92 = arith.constant 0 : i32
      %dma_start3A_93 = tpu.memref_slice %arg3[%add3A, %dma_start3A_91, %dma_start3A_92] : memref<32x100x100xi32, #tpu.memory_space<hbm>> -> memref<1x100x100xi32, #tpu.memory_space<hbm>>
      %dma_start3A_94 = tpu.memref_squeeze %dma_start3A_93 : memref<1x100x100xi32, #tpu.memory_space<hbm>> -> memref<100x100xi32, #tpu.memory_space<hbm>>
      tpu.enqueue_dma source(%dma_start3A_94 : memref<100x100xi32, #tpu.memory_space<hbm>>) target(%arg7 : memref<100x100xi32, #tpu.memory_space<vmem>>) target_semaphore(%run_scoped3A_86 : memref<!tpu.dma_semaphore, #tpu.memory_space<semaphore_mem>>)
      %dma_wait3A_95 = arith.constant 0 : i32
      %dma_wait3A_96 = arith.constant 0 : i32
      %dma_wait3A_97 = tpu.memref_slice %arg3[%add3A, %dma_wait3A_95, %dma_wait3A_96] : memref<32x100x100xi32, #tpu.memory_space<hbm>> -> memref<1x100x100xi32, #tpu.memory_space<hbm>>
      %dma_wait3A_98 = tpu.memref_squeeze %dma_wait3A_97 : memref<1x100x100xi32, #tpu.memory_space<hbm>> -> memref<100x100xi32, #tpu.memory_space<hbm>>
      %dma_wait3A_99 = arith.constant 0 : i32
      %dma_wait3A_100 = arith.constant 0 : i32
      %dma_wait3A_101 = tpu.memref_slice %arg3[%add3A, %dma_wait3A_99, %dma_wait3A_100] : memref<32x100x100xi32, #tpu.memory_space<hbm>> -> memref<1x100x100xi32, #tpu.memory_space<hbm>>
      %dma_wait3A_102 = tpu.memref_squeeze %dma_wait3A_101 : memref<1x100x100xi32, #tpu.memory_space<hbm>> -> memref<100x100xi32, #tpu.memory_space<hbm>>
      tpu.wait_dma2 semaphore(%run_scoped3A_86 : memref<!tpu.dma_semaphore, #tpu.memory_space<semaphore_mem>>) src(%dma_wait3A_102 : memref<100x100xi32, #tpu.memory_space<hbm>>) dst(%arg7 : memref<100x100xi32, #tpu.memory_space<vmem>>)
      tpu.yield
    }) : () -> ()
    %run_scoped3A = arith.constant 0 : i32
    "tpu.region"() ({
      %run_scoped3A_86 = tpu.sem_alloc : memref<!tpu.dma_semaphore, #tpu.memory_space<semaphore_mem>>
      %dma_start3A_87 = arith.constant 0 : i32
      %dma_start3A_88 = arith.constant 0 : i32
      %dma_start3A_89 = tpu.memref_slice %arg4[%add3A, %run_scoped3A, %dma_start3A_87, %dma_start3A_88] : memref<32x100x1x100xi32, #tpu.memory_space<hbm>> -> memref<1x1x1x100xi32, #tpu.memory_space<hbm>>
      %dma_start3A_90 = tpu.memref_squeeze %dma_start3A_89 : memref<1x1x1x100xi32, #tpu.memory_space<hbm>> -> memref<1x100xi32, #tpu.memory_space<hbm>>
      %dma_start3A_91 = arith.constant 0 : i32
      %dma_start3A_92 = arith.constant 0 : i32
      %dma_start3A_93 = tpu.memref_slice %arg4[%add3A, %run_scoped3A, %dma_start3A_91, %dma_start3A_92] : memref<32x100x1x100xi32, #tpu.memory_space<hbm>> -> memref<1x1x1x100xi32, #tpu.memory_space<hbm>>
      %dma_start3A_94 = tpu.memref_squeeze %dma_start3A_93 : memref<1x1x1x100xi32, #tpu.memory_space<hbm>> -> memref<1x100xi32, #tpu.memory_space<hbm>>
      tpu.enqueue_dma source(%dma_start3A_94 : memref<1x100xi32, #tpu.memory_space<hbm>>) target(%arg8 : memref<1x100xi32, #tpu.memory_space<vmem>>) target_semaphore(%run_scoped3A_86 : memref<!tpu.dma_semaphore, #tpu.memory_space<semaphore_mem>>)
      %dma_wait3A_95 = arith.constant 0 : i32
      %dma_wait3A_96 = arith.constant 0 : i32
      %dma_wait3A_97 = tpu.memref_slice %arg4[%add3A, %run_scoped3A, %dma_wait3A_95, %dma_wait3A_96] : memref<32x100x1x100xi32, #tpu.memory_space<hbm>> -> memref<1x1x1x100xi32, #tpu.memory_space<hbm>>
      %dma_wait3A_98 = tpu.memref_squeeze %dma_wait3A_97 : memref<1x1x1x100xi32, #tpu.memory_space<hbm>> -> memref<1x100xi32, #tpu.memory_space<hbm>>
      %dma_wait3A_99 = arith.constant 0 : i32
      %dma_wait3A_100 = arith.constant 0 : i32
      %dma_wait3A_101 = tpu.memref_slice %arg4[%add3A, %run_scoped3A, %dma_wait3A_99, %dma_wait3A_100] : memref<32x100x1x100xi32, #tpu.memory_space<hbm>> -> memref<1x1x1x100xi32, #tpu.memory_space<hbm>>
      %dma_wait3A_102 = tpu.memref_squeeze %dma_wait3A_101 : memref<1x1x1x100xi32, #tpu.memory_space<hbm>> -> memref<1x100xi32, #tpu.memory_space<hbm>>
      tpu.wait_dma2 semaphore(%run_scoped3A_86 : memref<!tpu.dma_semaphore, #tpu.memory_space<semaphore_mem>>) src(%dma_wait3A_102 : memref<1x100xi32, #tpu.memory_space<hbm>>) dst(%arg8 : memref<1x100xi32, #tpu.memory_space<vmem>>)
      tpu.yield
    }) : () -> ()
    %dma_start3A_9 = arith.constant 0 : i32
    %dma_start3A_10 = arith.constant 0 : i32
    %dma_start3A_11 = tpu.memref_slice %arg7[%dma_start3A_9, %dma_start3A_10] : memref<100x100xi32, #tpu.memory_space<vmem>> -> memref<1x100xi32, #tpu.memory_space<vmem>>
    %dma_start3A_12 = tpu.memref_squeeze %dma_start3A_11 : memref<1x100xi32, #tpu.memory_space<vmem>> -> memref<100xi32, #tpu.memory_space<vmem>>
    %dma_start3A_13 = arith.constant 0 : i32
    %dma_start3A_14 = arith.constant 0 : i32
    %dma_start3A_15 = tpu.memref_slice %arg2[%dma_start3A_13, %dma_start3A_14] : memref<10000x128xf32, #tpu.memory_space<hbm>> -> memref<10000x128xf32, #tpu.memory_space<hbm>>
    tpu.enqueue_indirect_dma source(%dma_start3A_15 : memref<10000x128xf32, #tpu.memory_space<hbm>>) target(%arg10 : memref<100x128xf32, #tpu.memory_space<vmem>>) offsets(%dma_start3A_12 : memref<100xi32, #tpu.memory_space<vmem>>) semaphore(%arg12 : memref<!tpu.dma_semaphore, #tpu.memory_space<semaphore_mem>>)
    %mul3A_16 = arith.constant 624 : i32
    %mul3A_17 = arith.muli %arg1, %mul3A_16 : i32
    %dma_wait3A = arith.constant 0 : i32
    %dma_wait3A_18 = tpu.memref_slice %arg17[%mul3A_17, %dma_wait3A] : memref<10000x128xf32, #tpu.memory_space<vmem_shared>> -> memref<624x128xf32, #tpu.memory_space<vmem_shared>>
    %dma_wait3A_19 = arith.constant 0 : i32
    %dma_wait3A_20 = arith.constant 0 : i32
    %dma_wait3A_21 = tpu.memref_slice %arg5[%dma_wait3A_19, %dma_wait3A_20] : memref<624x128xf32, #tpu.memory_space<hbm>> -> memref<624x128xf32, #tpu.memory_space<hbm>>
    tpu.wait_dma2 semaphore(%arg16 : memref<!tpu.dma_semaphore, #tpu.memory_space<semaphore_mem>>) src(%dma_wait3A_21 : memref<624x128xf32, #tpu.memory_space<hbm>>) dst(%dma_wait3A_18 : memref<624x128xf32, #tpu.memory_space<vmem_shared>>)
    %eq3A_22 = arith.constant 15 : i32
    %eq3A_23 = arith.cmpi eq, %arg1, %eq3A_22 : i32
    %convert_element_type3A_24 = arith.extui %eq3A_23 : i1 to i32
    %cond3A_25 = arith.constant 0 : i32
    %cond3A_26 = arith.cmpi ne, %convert_element_type3A_24, %cond3A_25 : i32
    scf.if %cond3A_26 {
      %dma_wait3A_86 = arith.constant 9984 : i32
      %dma_wait3A_87 = arith.constant 0 : i32
      %dma_wait3A_88 = tpu.memref_slice %arg17[%dma_wait3A_86, %dma_wait3A_87] : memref<10000x128xf32, #tpu.memory_space<vmem_shared>> -> memref<16x128xf32, #tpu.memory_space<vmem_shared>>
      %dma_wait3A_89 = arith.constant 0 : i32
      %dma_wait3A_90 = arith.constant 0 : i32
      %dma_wait3A_91 = tpu.memref_slice %arg5[%dma_wait3A_89, %dma_wait3A_90] : memref<624x128xf32, #tpu.memory_space<hbm>> -> memref<16x128xf32, #tpu.memory_space<hbm>>
      tpu.wait_dma2 semaphore(%arg16 : memref<!tpu.dma_semaphore, #tpu.memory_space<semaphore_mem>>) src(%dma_wait3A_91 : memref<16x128xf32, #tpu.memory_space<hbm>>) dst(%dma_wait3A_88 : memref<16x128xf32, #tpu.memory_space<vmem_shared>>)
    } else {
    }
    %barrier3A = arith.constant 0 : index
    tpu.barrier barrier_id(%barrier3A)
    %scan3A = arith.constant 0 : i32
    %scan3A_27 = arith.constant 0 : i32
    %scan3A_28 = arith.constant 49 : i32
    %scan3A_29 = arith.addi %scan3A_27, %scan3A_28 : i32
    %scan3A_30 = arith.constant 1 : i32
    scf.for %scan3A_86 = %scan3A_27 to %scan3A_29 step %scan3A_30  : i32 {
      %mul3A_87 = arith.constant 2 : i32
      %mul3A_88 = arith.muli %mul3A_87, %scan3A_86 : i32
      %add3A_89 = arith.constant 1 : i32
      %add3A_90 = arith.addi %mul3A_88, %add3A_89 : i32
      %dma_start3A_91 = arith.constant 0 : i32
      %dma_start3A_92 = tpu.memref_slice %arg7[%add3A_90, %dma_start3A_91] : memref<100x100xi32, #tpu.memory_space<vmem>> -> memref<1x100xi32, #tpu.memory_space<vmem>>
      %dma_start3A_93 = tpu.memref_squeeze %dma_start3A_92 : memref<1x100xi32, #tpu.memory_space<vmem>> -> memref<100xi32, #tpu.memory_space<vmem>>
      %dma_start3A_94 = arith.constant 0 : i32
      %dma_start3A_95 = arith.constant 0 : i32
      %dma_start3A_96 = tpu.memref_slice %arg2[%dma_start3A_94, %dma_start3A_95] : memref<10000x128xf32, #tpu.memory_space<hbm>> -> memref<10000x128xf32, #tpu.memory_space<hbm>>
      tpu.enqueue_indirect_dma source(%dma_start3A_96 : memref<10000x128xf32, #tpu.memory_space<hbm>>) target(%arg11 : memref<100x128xf32, #tpu.memory_space<vmem>>) offsets(%dma_start3A_93 : memref<100xi32, #tpu.memory_space<vmem>>) semaphore(%arg13 : memref<!tpu.dma_semaphore, #tpu.memory_space<semaphore_mem>>)
      %add3A_97 = arith.constant 1 : i32
      %add3A_98 = arith.addi %mul3A_88, %add3A_97 : i32
      %dma_start3A_99 = arith.constant 0 : i32
      %dma_start3A_100 = arith.constant 0 : i32
      %dma_start3A_101 = tpu.memref_slice %arg4[%add3A, %add3A_98, %dma_start3A_99, %dma_start3A_100] : memref<32x100x1x100xi32, #tpu.memory_space<hbm>> -> memref<1x1x1x100xi32, #tpu.memory_space<hbm>>
      %dma_start3A_102 = tpu.memref_squeeze %dma_start3A_101 : memref<1x1x1x100xi32, #tpu.memory_space<hbm>> -> memref<1x100xi32, #tpu.memory_space<hbm>>
      %dma_start3A_103 = arith.constant 0 : i32
      %dma_start3A_104 = arith.constant 0 : i32
      %dma_start3A_105 = tpu.memref_slice %arg4[%add3A, %add3A_98, %dma_start3A_103, %dma_start3A_104] : memref<32x100x1x100xi32, #tpu.memory_space<hbm>> -> memref<1x1x1x100xi32, #tpu.memory_space<hbm>>
      %dma_start3A_106 = tpu.memref_squeeze %dma_start3A_105 : memref<1x1x1x100xi32, #tpu.memory_space<hbm>> -> memref<1x100xi32, #tpu.memory_space<hbm>>
      tpu.enqueue_dma source(%dma_start3A_106 : memref<1x100xi32, #tpu.memory_space<hbm>>) target(%arg9 : memref<1x100xi32, #tpu.memory_space<vmem>>) target_semaphore(%arg15 : memref<!tpu.dma_semaphore, #tpu.memory_space<semaphore_mem>>)
      %dma_wait3A_107 = arith.constant 0 : i32
      %dma_wait3A_108 = tpu.memref_slice %arg7[%mul3A_88, %dma_wait3A_107] : memref<100x100xi32, #tpu.memory_space<vmem>> -> memref<1x100xi32, #tpu.memory_space<vmem>>
      %dma_wait3A_109 = tpu.memref_squeeze %dma_wait3A_108 : memref<1x100xi32, #tpu.memory_space<vmem>> -> memref<100xi32, #tpu.memory_space<vmem>>
      %dma_wait3A_110 = arith.constant 0 : i32
      %dma_wait3A_111 = arith.constant 0 : i32
      %dma_wait3A_112 = tpu.memref_slice %arg2[%dma_wait3A_110, %dma_wait3A_111] : memref<10000x128xf32, #tpu.memory_space<hbm>> -> memref<10000x128xf32, #tpu.memory_space<hbm>>
      tpu.wait_indirect_dma semaphore(%arg12 : memref<!tpu.dma_semaphore, #tpu.memory_space<semaphore_mem>>) src(%dma_wait3A_112 : memref<10000x128xf32, #tpu.memory_space<hbm>>) dst(%arg10 : memref<100x128xf32, #tpu.memory_space<vmem>>)
      %run_scoped3A_113 = arith.constant 0 : i32
      "tpu.region"() ({
        %run_scoped3A_161 = tpu.sem_alloc : memref<!tpu.dma_semaphore, #tpu.memory_space<semaphore_mem>>
        %dma_start3A_162 = arith.constant 0 : i32
        %dma_start3A_163 = tpu.memref_slice %arg8[%run_scoped3A_113, %dma_start3A_162] : memref<1x100xi32, #tpu.memory_space<vmem>> -> memref<1x100xi32, #tpu.memory_space<vmem>>
        %dma_start3A_164 = tpu.memref_squeeze %dma_start3A_163 : memref<1x100xi32, #tpu.memory_space<vmem>> -> memref<100xi32, #tpu.memory_space<vmem>>
        %dma_start3A_165 = arith.constant 0 : i32
        %dma_start3A_166 = arith.constant 0 : i32
        %dma_start3A_167 = tpu.memref_slice %arg17[%dma_start3A_165, %dma_start3A_166] : memref<10000x128xf32, #tpu.memory_space<vmem_shared>> -> memref<10000x128xf32, #tpu.memory_space<vmem_shared>>
        tpu.enqueue_indirect_dma source(%arg10 : memref<100x128xf32, #tpu.memory_space<vmem>>) target(%dma_start3A_167 : memref<10000x128xf32, #tpu.memory_space<vmem_shared>>) offsets(%dma_start3A_164 : memref<100xi32, #tpu.memory_space<vmem>>) semaphore(%run_scoped3A_161 : memref<!tpu.dma_semaphore, #tpu.memory_space<semaphore_mem>>) {add = true}
        %dma_wait3A_168 = arith.constant 0 : i32
        %dma_wait3A_169 = tpu.memref_slice %arg8[%run_scoped3A_113, %dma_wait3A_168] : memref<1x100xi32, #tpu.memory_space<vmem>> -> memref<1x100xi32, #tpu.memory_space<vmem>>
        %dma_wait3A_170 = tpu.memref_squeeze %dma_wait3A_169 : memref<1x100xi32, #tpu.memory_space<vmem>> -> memref<100xi32, #tpu.memory_space<vmem>>
        %dma_wait3A_171 = arith.constant 0 : i32
        %dma_wait3A_172 = arith.constant 0 : i32
        %dma_wait3A_173 = tpu.memref_slice %arg17[%dma_wait3A_171, %dma_wait3A_172] : memref<10000x128xf32, #tpu.memory_space<vmem_shared>> -> memref<10000x128xf32, #tpu.memory_space<vmem_shared>>
        tpu.wait_indirect_dma semaphore(%run_scoped3A_161 : memref<!tpu.dma_semaphore, #tpu.memory_space<semaphore_mem>>) src(%arg10 : memref<100x128xf32, #tpu.memory_space<vmem>>) dst(%dma_wait3A_173 : memref<10000x128xf32, #tpu.memory_space<vmem_shared>>)
        tpu.yield
      }) : () -> ()
      %add3A_114 = arith.constant 2 : i32
      %add3A_115 = arith.addi %mul3A_88, %add3A_114 : i32
      %dma_start3A_116 = arith.constant 0 : i32
      %dma_start3A_117 = tpu.memref_slice %arg7[%add3A_115, %dma_start3A_116] : memref<100x100xi32, #tpu.memory_space<vmem>> -> memref<1x100xi32, #tpu.memory_space<vmem>>
      %dma_start3A_118 = tpu.memref_squeeze %dma_start3A_117 : memref<1x100xi32, #tpu.memory_space<vmem>> -> memref<100xi32, #tpu.memory_space<vmem>>
      %dma_start3A_119 = arith.constant 0 : i32
      %dma_start3A_120 = arith.constant 0 : i32
      %dma_start3A_121 = tpu.memref_slice %arg2[%dma_start3A_119, %dma_start3A_120] : memref<10000x128xf32, #tpu.memory_space<hbm>> -> memref<10000x128xf32, #tpu.memory_space<hbm>>
      tpu.enqueue_indirect_dma source(%dma_start3A_121 : memref<10000x128xf32, #tpu.memory_space<hbm>>) target(%arg10 : memref<100x128xf32, #tpu.memory_space<vmem>>) offsets(%dma_start3A_118 : memref<100xi32, #tpu.memory_space<vmem>>) semaphore(%arg12 : memref<!tpu.dma_semaphore, #tpu.memory_space<semaphore_mem>>)
      %add3A_122 = arith.constant 2 : i32
      %add3A_123 = arith.addi %mul3A_88, %add3A_122 : i32
      %dma_start3A_124 = arith.constant 0 : i32
      %dma_start3A_125 = arith.constant 0 : i32
      %dma_start3A_126 = tpu.memref_slice %arg4[%add3A, %add3A_123, %dma_start3A_124, %dma_start3A_125] : memref<32x100x1x100xi32, #tpu.memory_space<hbm>> -> memref<1x1x1x100xi32, #tpu.memory_space<hbm>>
      %dma_start3A_127 = tpu.memref_squeeze %dma_start3A_126 : memref<1x1x1x100xi32, #tpu.memory_space<hbm>> -> memref<1x100xi32, #tpu.memory_space<hbm>>
      %dma_start3A_128 = arith.constant 0 : i32
      %dma_start3A_129 = arith.constant 0 : i32
      %dma_start3A_130 = tpu.memref_slice %arg4[%add3A, %add3A_123, %dma_start3A_128, %dma_start3A_129] : memref<32x100x1x100xi32, #tpu.memory_space<hbm>> -> memref<1x1x1x100xi32, #tpu.memory_space<hbm>>
      %dma_start3A_131 = tpu.memref_squeeze %dma_start3A_130 : memref<1x1x1x100xi32, #tpu.memory_space<hbm>> -> memref<1x100xi32, #tpu.memory_space<hbm>>
      tpu.enqueue_dma source(%dma_start3A_131 : memref<1x100xi32, #tpu.memory_space<hbm>>) target(%arg8 : memref<1x100xi32, #tpu.memory_space<vmem>>) target_semaphore(%arg14 : memref<!tpu.dma_semaphore, #tpu.memory_space<semaphore_mem>>)
      %add3A_132 = arith.constant 1 : i32
      %add3A_133 = arith.addi %mul3A_88, %add3A_132 : i32
      %dma_wait3A_134 = arith.constant 0 : i32
      %dma_wait3A_135 = tpu.memref_slice %arg7[%add3A_133, %dma_wait3A_134] : memref<100x100xi32, #tpu.memory_space<vmem>> -> memref<1x100xi32, #tpu.memory_space<vmem>>
      %dma_wait3A_136 = tpu.memref_squeeze %dma_wait3A_135 : memref<1x100xi32, #tpu.memory_space<vmem>> -> memref<100xi32, #tpu.memory_space<vmem>>
      %dma_wait3A_137 = arith.constant 0 : i32
      %dma_wait3A_138 = arith.constant 0 : i32
      %dma_wait3A_139 = tpu.memref_slice %arg2[%dma_wait3A_137, %dma_wait3A_138] : memref<10000x128xf32, #tpu.memory_space<hbm>> -> memref<10000x128xf32, #tpu.memory_space<hbm>>
      tpu.wait_indirect_dma semaphore(%arg13 : memref<!tpu.dma_semaphore, #tpu.memory_space<semaphore_mem>>) src(%dma_wait3A_139 : memref<10000x128xf32, #tpu.memory_space<hbm>>) dst(%arg11 : memref<100x128xf32, #tpu.memory_space<vmem>>)
      %add3A_140 = arith.constant 1 : i32
      %add3A_141 = arith.addi %mul3A_88, %add3A_140 : i32
      %dma_wait3A_142 = arith.constant 0 : i32
      %dma_wait3A_143 = arith.constant 0 : i32
      %dma_wait3A_144 = tpu.memref_slice %arg4[%add3A, %add3A_141, %dma_wait3A_142, %dma_wait3A_143] : memref<32x100x1x100xi32, #tpu.memory_space<hbm>> -> memref<1x1x1x100xi32, #tpu.memory_space<hbm>>
      %dma_wait3A_145 = tpu.memref_squeeze %dma_wait3A_144 : memref<1x1x1x100xi32, #tpu.memory_space<hbm>> -> memref<1x100xi32, #tpu.memory_space<hbm>>
      %dma_wait3A_146 = arith.constant 0 : i32
      %dma_wait3A_147 = arith.constant 0 : i32
      %dma_wait3A_148 = tpu.memref_slice %arg4[%add3A, %add3A_141, %dma_wait3A_146, %dma_wait3A_147] : memref<32x100x1x100xi32, #tpu.memory_space<hbm>> -> memref<1x1x1x100xi32, #tpu.memory_space<hbm>>
      %dma_wait3A_149 = tpu.memref_squeeze %dma_wait3A_148 : memref<1x1x1x100xi32, #tpu.memory_space<hbm>> -> memref<1x100xi32, #tpu.memory_space<hbm>>
      tpu.wait_dma2 semaphore(%arg15 : memref<!tpu.dma_semaphore, #tpu.memory_space<semaphore_mem>>) src(%dma_wait3A_149 : memref<1x100xi32, #tpu.memory_space<hbm>>) dst(%arg9 : memref<1x100xi32, #tpu.memory_space<vmem>>)
      %run_scoped3A_150 = arith.constant 0 : i32
      "tpu.region"() ({
        %run_scoped3A_161 = tpu.sem_alloc : memref<!tpu.dma_semaphore, #tpu.memory_space<semaphore_mem>>
        %dma_start3A_162 = arith.constant 0 : i32
        %dma_start3A_163 = tpu.memref_slice %arg9[%run_scoped3A_150, %dma_start3A_162] : memref<1x100xi32, #tpu.memory_space<vmem>> -> memref<1x100xi32, #tpu.memory_space<vmem>>
        %dma_start3A_164 = tpu.memref_squeeze %dma_start3A_163 : memref<1x100xi32, #tpu.memory_space<vmem>> -> memref<100xi32, #tpu.memory_space<vmem>>
        %dma_start3A_165 = arith.constant 0 : i32
        %dma_start3A_166 = arith.constant 0 : i32
        %dma_start3A_167 = tpu.memref_slice %arg17[%dma_start3A_165, %dma_start3A_166] : memref<10000x128xf32, #tpu.memory_space<vmem_shared>> -> memref<10000x128xf32, #tpu.memory_space<vmem_shared>>
        tpu.enqueue_indirect_dma source(%arg11 : memref<100x128xf32, #tpu.memory_space<vmem>>) target(%dma_start3A_167 : memref<10000x128xf32, #tpu.memory_space<vmem_shared>>) offsets(%dma_start3A_164 : memref<100xi32, #tpu.memory_space<vmem>>) semaphore(%run_scoped3A_161 : memref<!tpu.dma_semaphore, #tpu.memory_space<semaphore_mem>>) {add = true}
        %dma_wait3A_168 = arith.constant 0 : i32
        %dma_wait3A_169 = tpu.memref_slice %arg9[%run_scoped3A_150, %dma_wait3A_168] : memref<1x100xi32, #tpu.memory_space<vmem>> -> memref<1x100xi32, #tpu.memory_space<vmem>>
        %dma_wait3A_170 = tpu.memref_squeeze %dma_wait3A_169 : memref<1x100xi32, #tpu.memory_space<vmem>> -> memref<100xi32, #tpu.memory_space<vmem>>
        %dma_wait3A_171 = arith.constant 0 : i32
        %dma_wait3A_172 = arith.constant 0 : i32
        %dma_wait3A_173 = tpu.memref_slice %arg17[%dma_wait3A_171, %dma_wait3A_172] : memref<10000x128xf32, #tpu.memory_space<vmem_shared>> -> memref<10000x128xf32, #tpu.memory_space<vmem_shared>>
        tpu.wait_indirect_dma semaphore(%run_scoped3A_161 : memref<!tpu.dma_semaphore, #tpu.memory_space<semaphore_mem>>) src(%arg11 : memref<100x128xf32, #tpu.memory_space<vmem>>) dst(%dma_wait3A_173 : memref<10000x128xf32, #tpu.memory_space<vmem_shared>>)
        tpu.yield
      }) : () -> ()
      %add3A_151 = arith.constant 2 : i32
      %add3A_152 = arith.addi %mul3A_88, %add3A_151 : i32
      %dma_wait3A_153 = arith.constant 0 : i32
      %dma_wait3A_154 = arith.constant 0 : i32
      %dma_wait3A_155 = tpu.memref_slice %arg4[%add3A, %add3A_152, %dma_wait3A_153, %dma_wait3A_154] : memref<32x100x1x100xi32, #tpu.memory_space<hbm>> -> memref<1x1x1x100xi32, #tpu.memory_space<hbm>>
      %dma_wait3A_156 = tpu.memref_squeeze %dma_wait3A_155 : memref<1x1x1x100xi32, #tpu.memory_space<hbm>> -> memref<1x100xi32, #tpu.memory_space<hbm>>
      %dma_wait3A_157 = arith.constant 0 : i32
      %dma_wait3A_158 = arith.constant 0 : i32
      %dma_wait3A_159 = tpu.memref_slice %arg4[%add3A, %add3A_152, %dma_wait3A_157, %dma_wait3A_158] : memref<32x100x1x100xi32, #tpu.memory_space<hbm>> -> memref<1x1x1x100xi32, #tpu.memory_space<hbm>>
      %dma_wait3A_160 = tpu.memref_squeeze %dma_wait3A_159 : memref<1x1x1x100xi32, #tpu.memory_space<hbm>> -> memref<1x100xi32, #tpu.memory_space<hbm>>
      tpu.wait_dma2 semaphore(%arg14 : memref<!tpu.dma_semaphore, #tpu.memory_space<semaphore_mem>>) src(%dma_wait3A_160 : memref<1x100xi32, #tpu.memory_space<hbm>>) dst(%arg8 : memref<1x100xi32, #tpu.memory_space<vmem>>)
    }
    %scan3A_31 = arith.constant 49 : i32
    %dma_start3A_32 = arith.constant 99 : i32
    %dma_start3A_33 = arith.constant 0 : i32
    %dma_start3A_34 = tpu.memref_slice %arg7[%dma_start3A_32, %dma_start3A_33] : memref<100x100xi32, #tpu.memory_space<vmem>> -> memref<1x100xi32, #tpu.memory_space<vmem>>
    %dma_start3A_35 = tpu.memref_squeeze %dma_start3A_34 : memref<1x100xi32, #tpu.memory_space<vmem>> -> memref<100xi32, #tpu.memory_space<vmem>>
    %dma_start3A_36 = arith.constant 0 : i32
    %dma_start3A_37 = arith.constant 0 : i32
    %dma_start3A_38 = tpu.memref_slice %arg2[%dma_start3A_36, %dma_start3A_37] : memref<10000x128xf32, #tpu.memory_space<hbm>> -> memref<10000x128xf32, #tpu.memory_space<hbm>>
    tpu.enqueue_indirect_dma source(%dma_start3A_38 : memref<10000x128xf32, #tpu.memory_space<hbm>>) target(%arg11 : memref<100x128xf32, #tpu.memory_space<vmem>>) offsets(%dma_start3A_35 : memref<100xi32, #tpu.memory_space<vmem>>) semaphore(%arg13 : memref<!tpu.dma_semaphore, #tpu.memory_space<semaphore_mem>>)
    %dma_start3A_39 = arith.constant 99 : i32
    %dma_start3A_40 = arith.constant 0 : i32
    %dma_start3A_41 = arith.constant 0 : i32
    %dma_start3A_42 = tpu.memref_slice %arg4[%add3A, %dma_start3A_39, %dma_start3A_40, %dma_start3A_41] : memref<32x100x1x100xi32, #tpu.memory_space<hbm>> -> memref<1x1x1x100xi32, #tpu.memory_space<hbm>>
    %dma_start3A_43 = tpu.memref_squeeze %dma_start3A_42 : memref<1x1x1x100xi32, #tpu.memory_space<hbm>> -> memref<1x100xi32, #tpu.memory_space<hbm>>
    %dma_start3A_44 = arith.constant 0 : i32
    %dma_start3A_45 = arith.constant 0 : i32
    %dma_start3A_46 = tpu.memref_slice %arg4[%add3A, %dma_start3A_39, %dma_start3A_44, %dma_start3A_45] : memref<32x100x1x100xi32, #tpu.memory_space<hbm>> -> memref<1x1x1x100xi32, #tpu.memory_space<hbm>>
    %dma_start3A_47 = tpu.memref_squeeze %dma_start3A_46 : memref<1x1x1x100xi32, #tpu.memory_space<hbm>> -> memref<1x100xi32, #tpu.memory_space<hbm>>
    tpu.enqueue_dma source(%dma_start3A_47 : memref<1x100xi32, #tpu.memory_space<hbm>>) target(%arg9 : memref<1x100xi32, #tpu.memory_space<vmem>>) target_semaphore(%arg15 : memref<!tpu.dma_semaphore, #tpu.memory_space<semaphore_mem>>)
    %dma_wait3A_48 = arith.constant 98 : i32
    %dma_wait3A_49 = arith.constant 0 : i32
    %dma_wait3A_50 = tpu.memref_slice %arg7[%dma_wait3A_48, %dma_wait3A_49] : memref<100x100xi32, #tpu.memory_space<vmem>> -> memref<1x100xi32, #tpu.memory_space<vmem>>
    %dma_wait3A_51 = tpu.memref_squeeze %dma_wait3A_50 : memref<1x100xi32, #tpu.memory_space<vmem>> -> memref<100xi32, #tpu.memory_space<vmem>>
    %dma_wait3A_52 = arith.constant 0 : i32
    %dma_wait3A_53 = arith.constant 0 : i32
    %dma_wait3A_54 = tpu.memref_slice %arg2[%dma_wait3A_52, %dma_wait3A_53] : memref<10000x128xf32, #tpu.memory_space<hbm>> -> memref<10000x128xf32, #tpu.memory_space<hbm>>
    tpu.wait_indirect_dma semaphore(%arg12 : memref<!tpu.dma_semaphore, #tpu.memory_space<semaphore_mem>>) src(%dma_wait3A_54 : memref<10000x128xf32, #tpu.memory_space<hbm>>) dst(%arg10 : memref<100x128xf32, #tpu.memory_space<vmem>>)
    %run_scoped3A_55 = arith.constant 0 : i32
    "tpu.region"() ({
      %run_scoped3A_86 = tpu.sem_alloc : memref<!tpu.dma_semaphore, #tpu.memory_space<semaphore_mem>>
      %dma_start3A_87 = arith.constant 0 : i32
      %dma_start3A_88 = tpu.memref_slice %arg8[%run_scoped3A_55, %dma_start3A_87] : memref<1x100xi32, #tpu.memory_space<vmem>> -> memref<1x100xi32, #tpu.memory_space<vmem>>
      %dma_start3A_89 = tpu.memref_squeeze %dma_start3A_88 : memref<1x100xi32, #tpu.memory_space<vmem>> -> memref<100xi32, #tpu.memory_space<vmem>>
      %dma_start3A_90 = arith.constant 0 : i32
      %dma_start3A_91 = arith.constant 0 : i32
      %dma_start3A_92 = tpu.memref_slice %arg17[%dma_start3A_90, %dma_start3A_91] : memref<10000x128xf32, #tpu.memory_space<vmem_shared>> -> memref<10000x128xf32, #tpu.memory_space<vmem_shared>>
      tpu.enqueue_indirect_dma source(%arg10 : memref<100x128xf32, #tpu.memory_space<vmem>>) target(%dma_start3A_92 : memref<10000x128xf32, #tpu.memory_space<vmem_shared>>) offsets(%dma_start3A_89 : memref<100xi32, #tpu.memory_space<vmem>>) semaphore(%run_scoped3A_86 : memref<!tpu.dma_semaphore, #tpu.memory_space<semaphore_mem>>) {add = true}
      %dma_wait3A_93 = arith.constant 0 : i32
      %dma_wait3A_94 = tpu.memref_slice %arg8[%run_scoped3A_55, %dma_wait3A_93] : memref<1x100xi32, #tpu.memory_space<vmem>> -> memref<1x100xi32, #tpu.memory_space<vmem>>
      %dma_wait3A_95 = tpu.memref_squeeze %dma_wait3A_94 : memref<1x100xi32, #tpu.memory_space<vmem>> -> memref<100xi32, #tpu.memory_space<vmem>>
      %dma_wait3A_96 = arith.constant 0 : i32
      %dma_wait3A_97 = arith.constant 0 : i32
      %dma_wait3A_98 = tpu.memref_slice %arg17[%dma_wait3A_96, %dma_wait3A_97] : memref<10000x128xf32, #tpu.memory_space<vmem_shared>> -> memref<10000x128xf32, #tpu.memory_space<vmem_shared>>
      tpu.wait_indirect_dma semaphore(%run_scoped3A_86 : memref<!tpu.dma_semaphore, #tpu.memory_space<semaphore_mem>>) src(%arg10 : memref<100x128xf32, #tpu.memory_space<vmem>>) dst(%dma_wait3A_98 : memref<10000x128xf32, #tpu.memory_space<vmem_shared>>)
      tpu.yield
    }) : () -> ()
    %dma_wait3A_56 = arith.constant 99 : i32
    %dma_wait3A_57 = arith.constant 0 : i32
    %dma_wait3A_58 = tpu.memref_slice %arg7[%dma_wait3A_56, %dma_wait3A_57] : memref<100x100xi32, #tpu.memory_space<vmem>> -> memref<1x100xi32, #tpu.memory_space<vmem>>
    %dma_wait3A_59 = tpu.memref_squeeze %dma_wait3A_58 : memref<1x100xi32, #tpu.memory_space<vmem>> -> memref<100xi32, #tpu.memory_space<vmem>>
    %dma_wait3A_60 = arith.constant 0 : i32
    %dma_wait3A_61 = arith.constant 0 : i32
    %dma_wait3A_62 = tpu.memref_slice %arg2[%dma_wait3A_60, %dma_wait3A_61] : memref<10000x128xf32, #tpu.memory_space<hbm>> -> memref<10000x128xf32, #tpu.memory_space<hbm>>
    tpu.wait_indirect_dma semaphore(%arg13 : memref<!tpu.dma_semaphore, #tpu.memory_space<semaphore_mem>>) src(%dma_wait3A_62 : memref<10000x128xf32, #tpu.memory_space<hbm>>) dst(%arg11 : memref<100x128xf32, #tpu.memory_space<vmem>>)
    %dma_wait3A_63 = arith.constant 99 : i32
    %dma_wait3A_64 = arith.constant 0 : i32
    %dma_wait3A_65 = arith.constant 0 : i32
    %dma_wait3A_66 = tpu.memref_slice %arg4[%add3A, %dma_wait3A_63, %dma_wait3A_64, %dma_wait3A_65] : memref<32x100x1x100xi32, #tpu.memory_space<hbm>> -> memref<1x1x1x100xi32, #tpu.memory_space<hbm>>
    %dma_wait3A_67 = tpu.memref_squeeze %dma_wait3A_66 : memref<1x1x1x100xi32, #tpu.memory_space<hbm>> -> memref<1x100xi32, #tpu.memory_space<hbm>>
    %dma_wait3A_68 = arith.constant 0 : i32
    %dma_wait3A_69 = arith.constant 0 : i32
    %dma_wait3A_70 = tpu.memref_slice %arg4[%add3A, %dma_wait3A_63, %dma_wait3A_68, %dma_wait3A_69] : memref<32x100x1x100xi32, #tpu.memory_space<hbm>> -> memref<1x1x1x100xi32, #tpu.memory_space<hbm>>
    %dma_wait3A_71 = tpu.memref_squeeze %dma_wait3A_70 : memref<1x1x1x100xi32, #tpu.memory_space<hbm>> -> memref<1x100xi32, #tpu.memory_space<hbm>>
    tpu.wait_dma2 semaphore(%arg15 : memref<!tpu.dma_semaphore, #tpu.memory_space<semaphore_mem>>) src(%dma_wait3A_71 : memref<1x100xi32, #tpu.memory_space<hbm>>) dst(%arg9 : memref<1x100xi32, #tpu.memory_space<vmem>>)
    %run_scoped3A_72 = arith.constant 0 : i32
    "tpu.region"() ({
      %run_scoped3A_86 = tpu.sem_alloc : memref<!tpu.dma_semaphore, #tpu.memory_space<semaphore_mem>>
      %dma_start3A_87 = arith.constant 0 : i32
      %dma_start3A_88 = tpu.memref_slice %arg9[%run_scoped3A_72, %dma_start3A_87] : memref<1x100xi32, #tpu.memory_space<vmem>> -> memref<1x100xi32, #tpu.memory_space<vmem>>
      %dma_start3A_89 = tpu.memref_squeeze %dma_start3A_88 : memref<1x100xi32, #tpu.memory_space<vmem>> -> memref<100xi32, #tpu.memory_space<vmem>>
      %dma_start3A_90 = arith.constant 0 : i32
      %dma_start3A_91 = arith.constant 0 : i32
      %dma_start3A_92 = tpu.memref_slice %arg17[%dma_start3A_90, %dma_start3A_91] : memref<10000x128xf32, #tpu.memory_space<vmem_shared>> -> memref<10000x128xf32, #tpu.memory_space<vmem_shared>>
      tpu.enqueue_indirect_dma source(%arg11 : memref<100x128xf32, #tpu.memory_space<vmem>>) target(%dma_start3A_92 : memref<10000x128xf32, #tpu.memory_space<vmem_shared>>) offsets(%dma_start3A_89 : memref<100xi32, #tpu.memory_space<vmem>>) semaphore(%run_scoped3A_86 : memref<!tpu.dma_semaphore, #tpu.memory_space<semaphore_mem>>) {add = true}
      %dma_wait3A_93 = arith.constant 0 : i32
      %dma_wait3A_94 = tpu.memref_slice %arg9[%run_scoped3A_72, %dma_wait3A_93] : memref<1x100xi32, #tpu.memory_space<vmem>> -> memref<1x100xi32, #tpu.memory_space<vmem>>
      %dma_wait3A_95 = tpu.memref_squeeze %dma_wait3A_94 : memref<1x100xi32, #tpu.memory_space<vmem>> -> memref<100xi32, #tpu.memory_space<vmem>>
      %dma_wait3A_96 = arith.constant 0 : i32
      %dma_wait3A_97 = arith.constant 0 : i32
      %dma_wait3A_98 = tpu.memref_slice %arg17[%dma_wait3A_96, %dma_wait3A_97] : memref<10000x128xf32, #tpu.memory_space<vmem_shared>> -> memref<10000x128xf32, #tpu.memory_space<vmem_shared>>
      tpu.wait_indirect_dma semaphore(%run_scoped3A_86 : memref<!tpu.dma_semaphore, #tpu.memory_space<semaphore_mem>>) src(%arg11 : memref<100x128xf32, #tpu.memory_space<vmem>>) dst(%dma_wait3A_98 : memref<10000x128xf32, #tpu.memory_space<vmem_shared>>)
      tpu.yield
    }) : () -> ()
    %barrier3A_73 = arith.constant 0 : index
    tpu.barrier barrier_id(%barrier3A_73)
    %mul3A_74 = arith.constant 624 : i32
    %mul3A_75 = arith.muli %arg1, %mul3A_74 : i32
    %mul3A_76 = arith.constant 624 : i32
    %mul3A_77 = arith.muli %arg1, %mul3A_76 : i32
    %mul3A_78 = arith.constant 10000 : i32
    %mul3A_79 = arith.muli %arg0, %mul3A_78 : i32
    %add3A_80 = arith.addi %mul3A_79, %mul3A_77 : i32
    "tpu.region"() ({
      %run_scoped3A_86 = tpu.sem_alloc : memref<!tpu.dma_semaphore, #tpu.memory_space<semaphore_mem>>
      %dma_start3A_87 = arith.constant 0 : i32
      %dma_start3A_88 = tpu.memref_slice %arg6[%add3A_80, %dma_start3A_87] : memref<20000x128xf32, #tpu.memory_space<hbm>> -> memref<624x128xf32, #tpu.memory_space<hbm>>
      %dma_start3A_89 = arith.constant 0 : i32
      %dma_start3A_90 = tpu.memref_slice %arg17[%mul3A_75, %dma_start3A_89] : memref<10000x128xf32, #tpu.memory_space<vmem_shared>> -> memref<624x128xf32, #tpu.memory_space<vmem_shared>>
      tpu.enqueue_dma source(%dma_start3A_90 : memref<624x128xf32, #tpu.memory_space<vmem_shared>>) target(%dma_start3A_88 : memref<624x128xf32, #tpu.memory_space<hbm>>) target_semaphore(%run_scoped3A_86 : memref<!tpu.dma_semaphore, #tpu.memory_space<semaphore_mem>>)
      %dma_wait3A_91 = arith.constant 0 : i32
      %dma_wait3A_92 = tpu.memref_slice %arg6[%add3A_80, %dma_wait3A_91] : memref<20000x128xf32, #tpu.memory_space<hbm>> -> memref<624x128xf32, #tpu.memory_space<hbm>>
      %dma_wait3A_93 = arith.constant 0 : i32
      %dma_wait3A_94 = tpu.memref_slice %arg17[%mul3A_75, %dma_wait3A_93] : memref<10000x128xf32, #tpu.memory_space<vmem_shared>> -> memref<624x128xf32, #tpu.memory_space<vmem_shared>>
      tpu.wait_dma2 semaphore(%run_scoped3A_86 : memref<!tpu.dma_semaphore, #tpu.memory_space<semaphore_mem>>) src(%dma_wait3A_94 : memref<624x128xf32, #tpu.memory_space<vmem_shared>>) dst(%dma_wait3A_92 : memref<624x128xf32, #tpu.memory_space<hbm>>)
      tpu.yield
    }) : () -> ()
    %eq3A_81 = arith.constant 15 : i32
    %eq3A_82 = arith.cmpi eq, %arg1, %eq3A_81 : i32
    %convert_element_type3A_83 = arith.extui %eq3A_82 : i1 to i32
    %cond3A_84 = arith.constant 0 : i32
    %cond3A_85 = arith.cmpi ne, %convert_element_type3A_83, %cond3A_84 : i32
    scf.if %cond3A_85 {
      %mul3A_86 = arith.constant 10000 : i32
      %mul3A_87 = arith.muli %arg0, %mul3A_86 : i32
      %add3A_88 = arith.constant 9984 : i32
      %add3A_89 = arith.addi %mul3A_87, %add3A_88 : i32
      "tpu.region"() ({
        %run_scoped3A_90 = tpu.sem_alloc : memref<!tpu.dma_semaphore, #tpu.memory_space<semaphore_mem>>
        %dma_start3A_91 = arith.constant 0 : i32
        %dma_start3A_92 = tpu.memref_slice %arg6[%add3A_89, %dma_start3A_91] : memref<20000x128xf32, #tpu.memory_space<hbm>> -> memref<16x128xf32, #tpu.memory_space<hbm>>
        %dma_start3A_93 = arith.constant 9984 : i32
        %dma_start3A_94 = arith.constant 0 : i32
        %dma_start3A_95 = tpu.memref_slice %arg17[%dma_start3A_93, %dma_start3A_94] : memref<10000x128xf32, #tpu.memory_space<vmem_shared>> -> memref<16x128xf32, #tpu.memory_space<vmem_shared>>
        tpu.enqueue_dma source(%dma_start3A_95 : memref<16x128xf32, #tpu.memory_space<vmem_shared>>) target(%dma_start3A_92 : memref<16x128xf32, #tpu.memory_space<hbm>>) target_semaphore(%run_scoped3A_90 : memref<!tpu.dma_semaphore, #tpu.memory_space<semaphore_mem>>)
        %dma_wait3A_96 = arith.constant 0 : i32
        %dma_wait3A_97 = tpu.memref_slice %arg6[%add3A_89, %dma_wait3A_96] : memref<20000x128xf32, #tpu.memory_space<hbm>> -> memref<16x128xf32, #tpu.memory_space<hbm>>
        %dma_wait3A_98 = arith.constant 9984 : i32
        %dma_wait3A_99 = arith.constant 0 : i32
        %dma_wait3A_100 = tpu.memref_slice %arg17[%dma_wait3A_98, %dma_wait3A_99] : memref<10000x128xf32, #tpu.memory_space<vmem_shared>> -> memref<16x128xf32, #tpu.memory_space<vmem_shared>>
        tpu.wait_dma2 semaphore(%run_scoped3A_90 : memref<!tpu.dma_semaphore, #tpu.memory_space<semaphore_mem>>) src(%dma_wait3A_100 : memref<16x128xf32, #tpu.memory_space<vmem_shared>>) dst(%dma_wait3A_97 : memref<16x128xf32, #tpu.memory_space<hbm>>)
        tpu.yield
      }) : () -> ()
    } else {
    }
    return
  }
}

#map = affine_map<(d0, d1) -> (0, 0)>
#map1 = affine_map<(d0, d1) -> (0, 0, 0)>
#map2 = affine_map<(d0, d1) -> (0, 0, 0, 0)>
module attributes {stable_mosaic.version = 14 : i64} {
  func.func @_sc_agg_body(%arg0: i32, %arg1: i32, %arg2: memref<10000x128xf32, #tpu.memory_space<hbm>>, %arg3: memref<32x100x100xi32, #tpu.memory_space<hbm>>, %arg4: memref<32x100x1x100xi32, #tpu.memory_space<hbm>>, %arg5: memref<624x128xf32, #tpu.memory_space<hbm>>, %arg6: memref<20000x128xf32, #tpu.memory_space<hbm>>, %arg7: memref<100x100xi32, #tpu.memory_space<vmem>>, %arg8: memref<1x100xi32, #tpu.memory_space<vmem>>, %arg9: memref<1x100xi32, #tpu.memory_space<vmem>>, %arg10: memref<100x128xf32, #tpu.memory_space<vmem>>, %arg11: memref<100x128xf32, #tpu.memory_space<vmem>>, %arg12: memref<!tpu.dma_semaphore, #tpu.memory_space<semaphore_mem>>, %arg13: memref<!tpu.dma_semaphore, #tpu.memory_space<semaphore_mem>>, %arg14: memref<!tpu.dma_semaphore, #tpu.memory_space<semaphore_mem>>, %arg15: memref<!tpu.dma_semaphore, #tpu.memory_space<semaphore_mem>>, %arg16: memref<!tpu.dma_semaphore, #tpu.memory_space<semaphore_mem>>, %arg17: memref<10000x128xf32, #tpu.memory_space<vmem_shared>>) attributes {dimension_semantics = [#tpu.dimension_semantics<core_parallel>, #tpu.dimension_semantics<subcore_parallel>], iteration_bounds = array<i64: 2, 16>, scalar_prefetch = 0 : i64, scratch_operands = 11 : i64, tpu.core_type = #tpu.core_type<sc_vector_subcore>, window_params = [{transform_indices = #map}, {transform_indices = #map1}, {transform_indices = #map2}, {transform_indices = #map}, {transform_indices = #map}]} {
    %mul3A = arith.constant 16 : i32
    %mul3A_0 = arith.muli %arg0, %mul3A : i32
    %add3A = arith.addi %mul3A_0, %arg1 : i32
    %mul3A_1 = arith.constant 624 : i32
    %mul3A_2 = arith.muli %arg1, %mul3A_1 : i32
    %dma_start3A = arith.constant 0 : i32
    %dma_start3A_3 = tpu.memref_slice %arg17[%mul3A_2, %dma_start3A] : memref<10000x128xf32, #tpu.memory_space<vmem_shared>> -> memref<624x128xf32, #tpu.memory_space<vmem_shared>>
    %dma_start3A_4 = arith.constant 0 : i32
    %dma_start3A_5 = arith.constant 0 : i32
    %dma_start3A_6 = tpu.memref_slice %arg5[%dma_start3A_4, %dma_start3A_5] : memref<624x128xf32, #tpu.memory_space<hbm>> -> memref<624x128xf32, #tpu.memory_space<hbm>>
    tpu.enqueue_dma source(%dma_start3A_6 : memref<624x128xf32, #tpu.memory_space<hbm>>) target(%dma_start3A_3 : memref<624x128xf32, #tpu.memory_space<vmem_shared>>) target_semaphore(%arg16 : memref<!tpu.dma_semaphore, #tpu.memory_space<semaphore_mem>>)
    %eq3A = arith.constant 15 : i32
    %eq3A_7 = arith.cmpi eq, %arg1, %eq3A : i32
    %convert_element_type3A = arith.extui %eq3A_7 : i1 to i32
    %cond3A = arith.constant 0 : i32
    %cond3A_8 = arith.cmpi ne, %convert_element_type3A, %cond3A : i32
    scf.if %cond3A_8 {
      %dma_start3A_86 = arith.constant 9984 : i32
      %dma_start3A_87 = arith.constant 0 : i32
      %dma_start3A_88 = tpu.memref_slice %arg17[%dma_start3A_86, %dma_start3A_87] : memref<10000x128xf32, #tpu.memory_space<vmem_shared>> -> memref<16x128xf32, #tpu.memory_space<vmem_shared>>
      %dma_start3A_89 = arith.constant 0 : i32
      %dma_start3A_90 = arith.constant 0 : i32
      %dma_start3A_91 = tpu.memref_slice %arg5[%dma_start3A_89, %dma_start3A_90] : memref<624x128xf32, #tpu.memory_space<hbm>> -> memref<16x128xf32, #tpu.memory_space<hbm>>
      tpu.enqueue_dma source(%dma_start3A_91 : memref<16x128xf32, #tpu.memory_space<hbm>>) target(%dma_start3A_88 : memref<16x128xf32, #tpu.memory_space<vmem_shared>>) target_semaphore(%arg16 : memref<!tpu.dma_semaphore, #tpu.memory_space<semaphore_mem>>)
    } else {
    }
    "tpu.region"() ({
      %run_scoped3A_86 = tpu.sem_alloc : memref<!tpu.dma_semaphore, #tpu.memory_space<semaphore_mem>>
      %dma_start3A_87 = arith.constant 0 : i32
      %dma_start3A_88 = arith.constant 0 : i32
      %dma_start3A_89 = tpu.memref_slice %arg3[%add3A, %dma_start3A_87, %dma_start3A_88] : memref<32x100x100xi32, #tpu.memory_space<hbm>> -> memref<1x100x100xi32, #tpu.memory_space<hbm>>
      %dma_start3A_90 = tpu.memref_squeeze %dma_start3A_89 : memref<1x100x100xi32, #tpu.memory_space<hbm>> -> memref<100x100xi32, #tpu.memory_space<hbm>>
      %dma_start3A_91 = arith.constant 0 : i32
      %dma_start3A_92 = arith.constant 0 : i32
      %dma_start3A_93 = tpu.memref_slice %arg3[%add3A, %dma_start3A_91, %dma_start3A_92] : memref<32x100x100xi32, #tpu.memory_space<hbm>> -> memref<1x100x100xi32, #tpu.memory_space<hbm>>
      %dma_start3A_94 = tpu.memref_squeeze %dma_start3A_93 : memref<1x100x100xi32, #tpu.memory_space<hbm>> -> memref<100x100xi32, #tpu.memory_space<hbm>>
      tpu.enqueue_dma source(%dma_start3A_94 : memref<100x100xi32, #tpu.memory_space<hbm>>) target(%arg7 : memref<100x100xi32, #tpu.memory_space<vmem>>) target_semaphore(%run_scoped3A_86 : memref<!tpu.dma_semaphore, #tpu.memory_space<semaphore_mem>>)
      %dma_wait3A_95 = arith.constant 0 : i32
      %dma_wait3A_96 = arith.constant 0 : i32
      %dma_wait3A_97 = tpu.memref_slice %arg3[%add3A, %dma_wait3A_95, %dma_wait3A_96] : memref<32x100x100xi32, #tpu.memory_space<hbm>> -> memref<1x100x100xi32, #tpu.memory_space<hbm>>
      %dma_wait3A_98 = tpu.memref_squeeze %dma_wait3A_97 : memref<1x100x100xi32, #tpu.memory_space<hbm>> -> memref<100x100xi32, #tpu.memory_space<hbm>>
      %dma_wait3A_99 = arith.constant 0 : i32
      %dma_wait3A_100 = arith.constant 0 : i32
      %dma_wait3A_101 = tpu.memref_slice %arg3[%add3A, %dma_wait3A_99, %dma_wait3A_100] : memref<32x100x100xi32, #tpu.memory_space<hbm>> -> memref<1x100x100xi32, #tpu.memory_space<hbm>>
      %dma_wait3A_102 = tpu.memref_squeeze %dma_wait3A_101 : memref<1x100x100xi32, #tpu.memory_space<hbm>> -> memref<100x100xi32, #tpu.memory_space<hbm>>
      tpu.wait_dma2 semaphore(%run_scoped3A_86 : memref<!tpu.dma_semaphore, #tpu.memory_space<semaphore_mem>>) src(%dma_wait3A_102 : memref<100x100xi32, #tpu.memory_space<hbm>>) dst(%arg7 : memref<100x100xi32, #tpu.memory_space<vmem>>)
      tpu.yield
    }) : () -> ()
    %run_scoped3A = arith.constant 0 : i32
    "tpu.region"() ({
      %run_scoped3A_86 = tpu.sem_alloc : memref<!tpu.dma_semaphore, #tpu.memory_space<semaphore_mem>>
      %dma_start3A_87 = arith.constant 0 : i32
      %dma_start3A_88 = arith.constant 0 : i32
      %dma_start3A_89 = tpu.memref_slice %arg4[%add3A, %run_scoped3A, %dma_start3A_87, %dma_start3A_88] : memref<32x100x1x100xi32, #tpu.memory_space<hbm>> -> memref<1x1x1x100xi32, #tpu.memory_space<hbm>>
      %dma_start3A_90 = tpu.memref_squeeze %dma_start3A_89 : memref<1x1x1x100xi32, #tpu.memory_space<hbm>> -> memref<1x100xi32, #tpu.memory_space<hbm>>
      %dma_start3A_91 = arith.constant 0 : i32
      %dma_start3A_92 = arith.constant 0 : i32
      %dma_start3A_93 = tpu.memref_slice %arg4[%add3A, %run_scoped3A, %dma_start3A_91, %dma_start3A_92] : memref<32x100x1x100xi32, #tpu.memory_space<hbm>> -> memref<1x1x1x100xi32, #tpu.memory_space<hbm>>
      %dma_start3A_94 = tpu.memref_squeeze %dma_start3A_93 : memref<1x1x1x100xi32, #tpu.memory_space<hbm>> -> memref<1x100xi32, #tpu.memory_space<hbm>>
      tpu.enqueue_dma source(%dma_start3A_94 : memref<1x100xi32, #tpu.memory_space<hbm>>) target(%arg8 : memref<1x100xi32, #tpu.memory_space<vmem>>) target_semaphore(%run_scoped3A_86 : memref<!tpu.dma_semaphore, #tpu.memory_space<semaphore_mem>>)
      %dma_wait3A_95 = arith.constant 0 : i32
      %dma_wait3A_96 = arith.constant 0 : i32
      %dma_wait3A_97 = tpu.memref_slice %arg4[%add3A, %run_scoped3A, %dma_wait3A_95, %dma_wait3A_96] : memref<32x100x1x100xi32, #tpu.memory_space<hbm>> -> memref<1x1x1x100xi32, #tpu.memory_space<hbm>>
      %dma_wait3A_98 = tpu.memref_squeeze %dma_wait3A_97 : memref<1x1x1x100xi32, #tpu.memory_space<hbm>> -> memref<1x100xi32, #tpu.memory_space<hbm>>
      %dma_wait3A_99 = arith.constant 0 : i32
      %dma_wait3A_100 = arith.constant 0 : i32
      %dma_wait3A_101 = tpu.memref_slice %arg4[%add3A, %run_scoped3A, %dma_wait3A_99, %dma_wait3A_100] : memref<32x100x1x100xi32, #tpu.memory_space<hbm>> -> memref<1x1x1x100xi32, #tpu.memory_space<hbm>>
      %dma_wait3A_102 = tpu.memref_squeeze %dma_wait3A_101 : memref<1x1x1x100xi32, #tpu.memory_space<hbm>> -> memref<1x100xi32, #tpu.memory_space<hbm>>
      tpu.wait_dma2 semaphore(%run_scoped3A_86 : memref<!tpu.dma_semaphore, #tpu.memory_space<semaphore_mem>>) src(%dma_wait3A_102 : memref<1x100xi32, #tpu.memory_space<hbm>>) dst(%arg8 : memref<1x100xi32, #tpu.memory_space<vmem>>)
      tpu.yield
    }) : () -> ()
    %dma_start3A_9 = arith.constant 0 : i32
    %dma_start3A_10 = arith.constant 0 : i32
    %dma_start3A_11 = tpu.memref_slice %arg7[%dma_start3A_9, %dma_start3A_10] : memref<100x100xi32, #tpu.memory_space<vmem>> -> memref<1x100xi32, #tpu.memory_space<vmem>>
    %dma_start3A_12 = tpu.memref_squeeze %dma_start3A_11 : memref<1x100xi32, #tpu.memory_space<vmem>> -> memref<100xi32, #tpu.memory_space<vmem>>
    %dma_start3A_13 = arith.constant 0 : i32
    %dma_start3A_14 = arith.constant 0 : i32
    %dma_start3A_15 = tpu.memref_slice %arg2[%dma_start3A_13, %dma_start3A_14] : memref<10000x128xf32, #tpu.memory_space<hbm>> -> memref<10000x128xf32, #tpu.memory_space<hbm>>
    tpu.enqueue_indirect_dma source(%dma_start3A_15 : memref<10000x128xf32, #tpu.memory_space<hbm>>) target(%arg10 : memref<100x128xf32, #tpu.memory_space<vmem>>) offsets(%dma_start3A_12 : memref<100xi32, #tpu.memory_space<vmem>>) semaphore(%arg12 : memref<!tpu.dma_semaphore, #tpu.memory_space<semaphore_mem>>)
    %mul3A_16 = arith.constant 624 : i32
    %mul3A_17 = arith.muli %arg1, %mul3A_16 : i32
    %dma_wait3A = arith.constant 0 : i32
    %dma_wait3A_18 = tpu.memref_slice %arg17[%mul3A_17, %dma_wait3A] : memref<10000x128xf32, #tpu.memory_space<vmem_shared>> -> memref<624x128xf32, #tpu.memory_space<vmem_shared>>
    %dma_wait3A_19 = arith.constant 0 : i32
    %dma_wait3A_20 = arith.constant 0 : i32
    %dma_wait3A_21 = tpu.memref_slice %arg5[%dma_wait3A_19, %dma_wait3A_20] : memref<624x128xf32, #tpu.memory_space<hbm>> -> memref<624x128xf32, #tpu.memory_space<hbm>>
    tpu.wait_dma2 semaphore(%arg16 : memref<!tpu.dma_semaphore, #tpu.memory_space<semaphore_mem>>) src(%dma_wait3A_21 : memref<624x128xf32, #tpu.memory_space<hbm>>) dst(%dma_wait3A_18 : memref<624x128xf32, #tpu.memory_space<vmem_shared>>)
    %eq3A_22 = arith.constant 15 : i32
    %eq3A_23 = arith.cmpi eq, %arg1, %eq3A_22 : i32
    %convert_element_type3A_24 = arith.extui %eq3A_23 : i1 to i32
    %cond3A_25 = arith.constant 0 : i32
    %cond3A_26 = arith.cmpi ne, %convert_element_type3A_24, %cond3A_25 : i32
    scf.if %cond3A_26 {
      %dma_wait3A_86 = arith.constant 9984 : i32
      %dma_wait3A_87 = arith.constant 0 : i32
      %dma_wait3A_88 = tpu.memref_slice %arg17[%dma_wait3A_86, %dma_wait3A_87] : memref<10000x128xf32, #tpu.memory_space<vmem_shared>> -> memref<16x128xf32, #tpu.memory_space<vmem_shared>>
      %dma_wait3A_89 = arith.constant 0 : i32
      %dma_wait3A_90 = arith.constant 0 : i32
      %dma_wait3A_91 = tpu.memref_slice %arg5[%dma_wait3A_89, %dma_wait3A_90] : memref<624x128xf32, #tpu.memory_space<hbm>> -> memref<16x128xf32, #tpu.memory_space<hbm>>
      tpu.wait_dma2 semaphore(%arg16 : memref<!tpu.dma_semaphore, #tpu.memory_space<semaphore_mem>>) src(%dma_wait3A_91 : memref<16x128xf32, #tpu.memory_space<hbm>>) dst(%dma_wait3A_88 : memref<16x128xf32, #tpu.memory_space<vmem_shared>>)
    } else {
    }
    %barrier3A = arith.constant 0 : index
    tpu.barrier barrier_id(%barrier3A)
    %scan3A = arith.constant 0 : i32
    %scan3A_27 = arith.constant 0 : i32
    %scan3A_28 = arith.constant 49 : i32
    %scan3A_29 = arith.addi %scan3A_27, %scan3A_28 : i32
    %scan3A_30 = arith.constant 1 : i32
    scf.for %scan3A_86 = %scan3A_27 to %scan3A_29 step %scan3A_30  : i32 {
      %mul3A_87 = arith.constant 2 : i32
      %mul3A_88 = arith.muli %mul3A_87, %scan3A_86 : i32
      %add3A_89 = arith.constant 1 : i32
      %add3A_90 = arith.addi %mul3A_88, %add3A_89 : i32
      %dma_start3A_91 = arith.constant 0 : i32
      %dma_start3A_92 = tpu.memref_slice %arg7[%add3A_90, %dma_start3A_91] : memref<100x100xi32, #tpu.memory_space<vmem>> -> memref<1x100xi32, #tpu.memory_space<vmem>>
      %dma_start3A_93 = tpu.memref_squeeze %dma_start3A_92 : memref<1x100xi32, #tpu.memory_space<vmem>> -> memref<100xi32, #tpu.memory_space<vmem>>
      %dma_start3A_94 = arith.constant 0 : i32
      %dma_start3A_95 = arith.constant 0 : i32
      %dma_start3A_96 = tpu.memref_slice %arg2[%dma_start3A_94, %dma_start3A_95] : memref<10000x128xf32, #tpu.memory_space<hbm>> -> memref<10000x128xf32, #tpu.memory_space<hbm>>
      tpu.enqueue_indirect_dma source(%dma_start3A_96 : memref<10000x128xf32, #tpu.memory_space<hbm>>) target(%arg11 : memref<100x128xf32, #tpu.memory_space<vmem>>) offsets(%dma_start3A_93 : memref<100xi32, #tpu.memory_space<vmem>>) semaphore(%arg13 : memref<!tpu.dma_semaphore, #tpu.memory_space<semaphore_mem>>)
      %add3A_97 = arith.constant 1 : i32
      %add3A_98 = arith.addi %mul3A_88, %add3A_97 : i32
      %dma_start3A_99 = arith.constant 0 : i32
      %dma_start3A_100 = arith.constant 0 : i32
      %dma_start3A_101 = tpu.memref_slice %arg4[%add3A, %add3A_98, %dma_start3A_99, %dma_start3A_100] : memref<32x100x1x100xi32, #tpu.memory_space<hbm>> -> memref<1x1x1x100xi32, #tpu.memory_space<hbm>>
      %dma_start3A_102 = tpu.memref_squeeze %dma_start3A_101 : memref<1x1x1x100xi32, #tpu.memory_space<hbm>> -> memref<1x100xi32, #tpu.memory_space<hbm>>
      %dma_start3A_103 = arith.constant 0 : i32
      %dma_start3A_104 = arith.constant 0 : i32
      %dma_start3A_105 = tpu.memref_slice %arg4[%add3A, %add3A_98, %dma_start3A_103, %dma_start3A_104] : memref<32x100x1x100xi32, #tpu.memory_space<hbm>> -> memref<1x1x1x100xi32, #tpu.memory_space<hbm>>
      %dma_start3A_106 = tpu.memref_squeeze %dma_start3A_105 : memref<1x1x1x100xi32, #tpu.memory_space<hbm>> -> memref<1x100xi32, #tpu.memory_space<hbm>>
      tpu.enqueue_dma source(%dma_start3A_106 : memref<1x100xi32, #tpu.memory_space<hbm>>) target(%arg9 : memref<1x100xi32, #tpu.memory_space<vmem>>) target_semaphore(%arg15 : memref<!tpu.dma_semaphore, #tpu.memory_space<semaphore_mem>>)
      %dma_wait3A_107 = arith.constant 0 : i32
      %dma_wait3A_108 = tpu.memref_slice %arg7[%mul3A_88, %dma_wait3A_107] : memref<100x100xi32, #tpu.memory_space<vmem>> -> memref<1x100xi32, #tpu.memory_space<vmem>>
      %dma_wait3A_109 = tpu.memref_squeeze %dma_wait3A_108 : memref<1x100xi32, #tpu.memory_space<vmem>> -> memref<100xi32, #tpu.memory_space<vmem>>
      %dma_wait3A_110 = arith.constant 0 : i32
      %dma_wait3A_111 = arith.constant 0 : i32
      %dma_wait3A_112 = tpu.memref_slice %arg2[%dma_wait3A_110, %dma_wait3A_111] : memref<10000x128xf32, #tpu.memory_space<hbm>> -> memref<10000x128xf32, #tpu.memory_space<hbm>>
      tpu.wait_indirect_dma semaphore(%arg12 : memref<!tpu.dma_semaphore, #tpu.memory_space<semaphore_mem>>) src(%dma_wait3A_112 : memref<10000x128xf32, #tpu.memory_space<hbm>>) dst(%arg10 : memref<100x128xf32, #tpu.memory_space<vmem>>)
      %run_scoped3A_113 = arith.constant 0 : i32
      "tpu.region"() ({
        %run_scoped3A_161 = tpu.sem_alloc : memref<!tpu.dma_semaphore, #tpu.memory_space<semaphore_mem>>
        %dma_start3A_162 = arith.constant 0 : i32
        %dma_start3A_163 = tpu.memref_slice %arg8[%run_scoped3A_113, %dma_start3A_162] : memref<1x100xi32, #tpu.memory_space<vmem>> -> memref<1x100xi32, #tpu.memory_space<vmem>>
        %dma_start3A_164 = tpu.memref_squeeze %dma_start3A_163 : memref<1x100xi32, #tpu.memory_space<vmem>> -> memref<100xi32, #tpu.memory_space<vmem>>
        %dma_start3A_165 = arith.constant 0 : i32
        %dma_start3A_166 = arith.constant 0 : i32
        %dma_start3A_167 = tpu.memref_slice %arg17[%dma_start3A_165, %dma_start3A_166] : memref<10000x128xf32, #tpu.memory_space<vmem_shared>> -> memref<10000x128xf32, #tpu.memory_space<vmem_shared>>
        tpu.enqueue_indirect_dma source(%arg10 : memref<100x128xf32, #tpu.memory_space<vmem>>) target(%dma_start3A_167 : memref<10000x128xf32, #tpu.memory_space<vmem_shared>>) offsets(%dma_start3A_164 : memref<100xi32, #tpu.memory_space<vmem>>) semaphore(%run_scoped3A_161 : memref<!tpu.dma_semaphore, #tpu.memory_space<semaphore_mem>>) {add = true}
        %dma_wait3A_168 = arith.constant 0 : i32
        %dma_wait3A_169 = tpu.memref_slice %arg8[%run_scoped3A_113, %dma_wait3A_168] : memref<1x100xi32, #tpu.memory_space<vmem>> -> memref<1x100xi32, #tpu.memory_space<vmem>>
        %dma_wait3A_170 = tpu.memref_squeeze %dma_wait3A_169 : memref<1x100xi32, #tpu.memory_space<vmem>> -> memref<100xi32, #tpu.memory_space<vmem>>
        %dma_wait3A_171 = arith.constant 0 : i32
        %dma_wait3A_172 = arith.constant 0 : i32
        %dma_wait3A_173 = tpu.memref_slice %arg17[%dma_wait3A_171, %dma_wait3A_172] : memref<10000x128xf32, #tpu.memory_space<vmem_shared>> -> memref<10000x128xf32, #tpu.memory_space<vmem_shared>>
        tpu.wait_indirect_dma semaphore(%run_scoped3A_161 : memref<!tpu.dma_semaphore, #tpu.memory_space<semaphore_mem>>) src(%arg10 : memref<100x128xf32, #tpu.memory_space<vmem>>) dst(%dma_wait3A_173 : memref<10000x128xf32, #tpu.memory_space<vmem_shared>>)
        tpu.yield
      }) : () -> ()
      %add3A_114 = arith.constant 2 : i32
      %add3A_115 = arith.addi %mul3A_88, %add3A_114 : i32
      %dma_start3A_116 = arith.constant 0 : i32
      %dma_start3A_117 = tpu.memref_slice %arg7[%add3A_115, %dma_start3A_116] : memref<100x100xi32, #tpu.memory_space<vmem>> -> memref<1x100xi32, #tpu.memory_space<vmem>>
      %dma_start3A_118 = tpu.memref_squeeze %dma_start3A_117 : memref<1x100xi32, #tpu.memory_space<vmem>> -> memref<100xi32, #tpu.memory_space<vmem>>
      %dma_start3A_119 = arith.constant 0 : i32
      %dma_start3A_120 = arith.constant 0 : i32
      %dma_start3A_121 = tpu.memref_slice %arg2[%dma_start3A_119, %dma_start3A_120] : memref<10000x128xf32, #tpu.memory_space<hbm>> -> memref<10000x128xf32, #tpu.memory_space<hbm>>
      tpu.enqueue_indirect_dma source(%dma_start3A_121 : memref<10000x128xf32, #tpu.memory_space<hbm>>) target(%arg10 : memref<100x128xf32, #tpu.memory_space<vmem>>) offsets(%dma_start3A_118 : memref<100xi32, #tpu.memory_space<vmem>>) semaphore(%arg12 : memref<!tpu.dma_semaphore, #tpu.memory_space<semaphore_mem>>)
      %add3A_122 = arith.constant 2 : i32
      %add3A_123 = arith.addi %mul3A_88, %add3A_122 : i32
      %dma_start3A_124 = arith.constant 0 : i32
      %dma_start3A_125 = arith.constant 0 : i32
      %dma_start3A_126 = tpu.memref_slice %arg4[%add3A, %add3A_123, %dma_start3A_124, %dma_start3A_125] : memref<32x100x1x100xi32, #tpu.memory_space<hbm>> -> memref<1x1x1x100xi32, #tpu.memory_space<hbm>>
      %dma_start3A_127 = tpu.memref_squeeze %dma_start3A_126 : memref<1x1x1x100xi32, #tpu.memory_space<hbm>> -> memref<1x100xi32, #tpu.memory_space<hbm>>
      %dma_start3A_128 = arith.constant 0 : i32
      %dma_start3A_129 = arith.constant 0 : i32
      %dma_start3A_130 = tpu.memref_slice %arg4[%add3A, %add3A_123, %dma_start3A_128, %dma_start3A_129] : memref<32x100x1x100xi32, #tpu.memory_space<hbm>> -> memref<1x1x1x100xi32, #tpu.memory_space<hbm>>
      %dma_start3A_131 = tpu.memref_squeeze %dma_start3A_130 : memref<1x1x1x100xi32, #tpu.memory_space<hbm>> -> memref<1x100xi32, #tpu.memory_space<hbm>>
      tpu.enqueue_dma source(%dma_start3A_131 : memref<1x100xi32, #tpu.memory_space<hbm>>) target(%arg8 : memref<1x100xi32, #tpu.memory_space<vmem>>) target_semaphore(%arg14 : memref<!tpu.dma_semaphore, #tpu.memory_space<semaphore_mem>>)
      %add3A_132 = arith.constant 1 : i32
      %add3A_133 = arith.addi %mul3A_88, %add3A_132 : i32
      %dma_wait3A_134 = arith.constant 0 : i32
      %dma_wait3A_135 = tpu.memref_slice %arg7[%add3A_133, %dma_wait3A_134] : memref<100x100xi32, #tpu.memory_space<vmem>> -> memref<1x100xi32, #tpu.memory_space<vmem>>
      %dma_wait3A_136 = tpu.memref_squeeze %dma_wait3A_135 : memref<1x100xi32, #tpu.memory_space<vmem>> -> memref<100xi32, #tpu.memory_space<vmem>>
      %dma_wait3A_137 = arith.constant 0 : i32
      %dma_wait3A_138 = arith.constant 0 : i32
      %dma_wait3A_139 = tpu.memref_slice %arg2[%dma_wait3A_137, %dma_wait3A_138] : memref<10000x128xf32, #tpu.memory_space<hbm>> -> memref<10000x128xf32, #tpu.memory_space<hbm>>
      tpu.wait_indirect_dma semaphore(%arg13 : memref<!tpu.dma_semaphore, #tpu.memory_space<semaphore_mem>>) src(%dma_wait3A_139 : memref<10000x128xf32, #tpu.memory_space<hbm>>) dst(%arg11 : memref<100x128xf32, #tpu.memory_space<vmem>>)
      %add3A_140 = arith.constant 1 : i32
      %add3A_141 = arith.addi %mul3A_88, %add3A_140 : i32
      %dma_wait3A_142 = arith.constant 0 : i32
      %dma_wait3A_143 = arith.constant 0 : i32
      %dma_wait3A_144 = tpu.memref_slice %arg4[%add3A, %add3A_141, %dma_wait3A_142, %dma_wait3A_143] : memref<32x100x1x100xi32, #tpu.memory_space<hbm>> -> memref<1x1x1x100xi32, #tpu.memory_space<hbm>>
      %dma_wait3A_145 = tpu.memref_squeeze %dma_wait3A_144 : memref<1x1x1x100xi32, #tpu.memory_space<hbm>> -> memref<1x100xi32, #tpu.memory_space<hbm>>
      %dma_wait3A_146 = arith.constant 0 : i32
      %dma_wait3A_147 = arith.constant 0 : i32
      %dma_wait3A_148 = tpu.memref_slice %arg4[%add3A, %add3A_141, %dma_wait3A_146, %dma_wait3A_147] : memref<32x100x1x100xi32, #tpu.memory_space<hbm>> -> memref<1x1x1x100xi32, #tpu.memory_space<hbm>>
      %dma_wait3A_149 = tpu.memref_squeeze %dma_wait3A_148 : memref<1x1x1x100xi32, #tpu.memory_space<hbm>> -> memref<1x100xi32, #tpu.memory_space<hbm>>
      tpu.wait_dma2 semaphore(%arg15 : memref<!tpu.dma_semaphore, #tpu.memory_space<semaphore_mem>>) src(%dma_wait3A_149 : memref<1x100xi32, #tpu.memory_space<hbm>>) dst(%arg9 : memref<1x100xi32, #tpu.memory_space<vmem>>)
      %run_scoped3A_150 = arith.constant 0 : i32
      "tpu.region"() ({
        %run_scoped3A_161 = tpu.sem_alloc : memref<!tpu.dma_semaphore, #tpu.memory_space<semaphore_mem>>
        %dma_start3A_162 = arith.constant 0 : i32
        %dma_start3A_163 = tpu.memref_slice %arg9[%run_scoped3A_150, %dma_start3A_162] : memref<1x100xi32, #tpu.memory_space<vmem>> -> memref<1x100xi32, #tpu.memory_space<vmem>>
        %dma_start3A_164 = tpu.memref_squeeze %dma_start3A_163 : memref<1x100xi32, #tpu.memory_space<vmem>> -> memref<100xi32, #tpu.memory_space<vmem>>
        %dma_start3A_165 = arith.constant 0 : i32
        %dma_start3A_166 = arith.constant 0 : i32
        %dma_start3A_167 = tpu.memref_slice %arg17[%dma_start3A_165, %dma_start3A_166] : memref<10000x128xf32, #tpu.memory_space<vmem_shared>> -> memref<10000x128xf32, #tpu.memory_space<vmem_shared>>
        tpu.enqueue_indirect_dma source(%arg11 : memref<100x128xf32, #tpu.memory_space<vmem>>) target(%dma_start3A_167 : memref<10000x128xf32, #tpu.memory_space<vmem_shared>>) offsets(%dma_start3A_164 : memref<100xi32, #tpu.memory_space<vmem>>) semaphore(%run_scoped3A_161 : memref<!tpu.dma_semaphore, #tpu.memory_space<semaphore_mem>>) {add = true}
        %dma_wait3A_168 = arith.constant 0 : i32
        %dma_wait3A_169 = tpu.memref_slice %arg9[%run_scoped3A_150, %dma_wait3A_168] : memref<1x100xi32, #tpu.memory_space<vmem>> -> memref<1x100xi32, #tpu.memory_space<vmem>>
        %dma_wait3A_170 = tpu.memref_squeeze %dma_wait3A_169 : memref<1x100xi32, #tpu.memory_space<vmem>> -> memref<100xi32, #tpu.memory_space<vmem>>
        %dma_wait3A_171 = arith.constant 0 : i32
        %dma_wait3A_172 = arith.constant 0 : i32
        %dma_wait3A_173 = tpu.memref_slice %arg17[%dma_wait3A_171, %dma_wait3A_172] : memref<10000x128xf32, #tpu.memory_space<vmem_shared>> -> memref<10000x128xf32, #tpu.memory_space<vmem_shared>>
        tpu.wait_indirect_dma semaphore(%run_scoped3A_161 : memref<!tpu.dma_semaphore, #tpu.memory_space<semaphore_mem>>) src(%arg11 : memref<100x128xf32, #tpu.memory_space<vmem>>) dst(%dma_wait3A_173 : memref<10000x128xf32, #tpu.memory_space<vmem_shared>>)
        tpu.yield
      }) : () -> ()
      %add3A_151 = arith.constant 2 : i32
      %add3A_152 = arith.addi %mul3A_88, %add3A_151 : i32
      %dma_wait3A_153 = arith.constant 0 : i32
      %dma_wait3A_154 = arith.constant 0 : i32
      %dma_wait3A_155 = tpu.memref_slice %arg4[%add3A, %add3A_152, %dma_wait3A_153, %dma_wait3A_154] : memref<32x100x1x100xi32, #tpu.memory_space<hbm>> -> memref<1x1x1x100xi32, #tpu.memory_space<hbm>>
      %dma_wait3A_156 = tpu.memref_squeeze %dma_wait3A_155 : memref<1x1x1x100xi32, #tpu.memory_space<hbm>> -> memref<1x100xi32, #tpu.memory_space<hbm>>
      %dma_wait3A_157 = arith.constant 0 : i32
      %dma_wait3A_158 = arith.constant 0 : i32
      %dma_wait3A_159 = tpu.memref_slice %arg4[%add3A, %add3A_152, %dma_wait3A_157, %dma_wait3A_158] : memref<32x100x1x100xi32, #tpu.memory_space<hbm>> -> memref<1x1x1x100xi32, #tpu.memory_space<hbm>>
      %dma_wait3A_160 = tpu.memref_squeeze %dma_wait3A_159 : memref<1x1x1x100xi32, #tpu.memory_space<hbm>> -> memref<1x100xi32, #tpu.memory_space<hbm>>
      tpu.wait_dma2 semaphore(%arg14 : memref<!tpu.dma_semaphore, #tpu.memory_space<semaphore_mem>>) src(%dma_wait3A_160 : memref<1x100xi32, #tpu.memory_space<hbm>>) dst(%arg8 : memref<1x100xi32, #tpu.memory_space<vmem>>)
    }
    %scan3A_31 = arith.constant 49 : i32
    %dma_start3A_32 = arith.constant 99 : i32
    %dma_start3A_33 = arith.constant 0 : i32
    %dma_start3A_34 = tpu.memref_slice %arg7[%dma_start3A_32, %dma_start3A_33] : memref<100x100xi32, #tpu.memory_space<vmem>> -> memref<1x100xi32, #tpu.memory_space<vmem>>
    %dma_start3A_35 = tpu.memref_squeeze %dma_start3A_34 : memref<1x100xi32, #tpu.memory_space<vmem>> -> memref<100xi32, #tpu.memory_space<vmem>>
    %dma_start3A_36 = arith.constant 0 : i32
    %dma_start3A_37 = arith.constant 0 : i32
    %dma_start3A_38 = tpu.memref_slice %arg2[%dma_start3A_36, %dma_start3A_37] : memref<10000x128xf32, #tpu.memory_space<hbm>> -> memref<10000x128xf32, #tpu.memory_space<hbm>>
    tpu.enqueue_indirect_dma source(%dma_start3A_38 : memref<10000x128xf32, #tpu.memory_space<hbm>>) target(%arg11 : memref<100x128xf32, #tpu.memory_space<vmem>>) offsets(%dma_start3A_35 : memref<100xi32, #tpu.memory_space<vmem>>) semaphore(%arg13 : memref<!tpu.dma_semaphore, #tpu.memory_space<semaphore_mem>>)
    %dma_start3A_39 = arith.constant 99 : i32
    %dma_start3A_40 = arith.constant 0 : i32
    %dma_start3A_41 = arith.constant 0 : i32
    %dma_start3A_42 = tpu.memref_slice %arg4[%add3A, %dma_start3A_39, %dma_start3A_40, %dma_start3A_41] : memref<32x100x1x100xi32, #tpu.memory_space<hbm>> -> memref<1x1x1x100xi32, #tpu.memory_space<hbm>>
    %dma_start3A_43 = tpu.memref_squeeze %dma_start3A_42 : memref<1x1x1x100xi32, #tpu.memory_space<hbm>> -> memref<1x100xi32, #tpu.memory_space<hbm>>
    %dma_start3A_44 = arith.constant 0 : i32
    %dma_start3A_45 = arith.constant 0 : i32
    %dma_start3A_46 = tpu.memref_slice %arg4[%add3A, %dma_start3A_39, %dma_start3A_44, %dma_start3A_45] : memref<32x100x1x100xi32, #tpu.memory_space<hbm>> -> memref<1x1x1x100xi32, #tpu.memory_space<hbm>>
    %dma_start3A_47 = tpu.memref_squeeze %dma_start3A_46 : memref<1x1x1x100xi32, #tpu.memory_space<hbm>> -> memref<1x100xi32, #tpu.memory_space<hbm>>
    tpu.enqueue_dma source(%dma_start3A_47 : memref<1x100xi32, #tpu.memory_space<hbm>>) target(%arg9 : memref<1x100xi32, #tpu.memory_space<vmem>>) target_semaphore(%arg15 : memref<!tpu.dma_semaphore, #tpu.memory_space<semaphore_mem>>)
    %dma_wait3A_48 = arith.constant 98 : i32
    %dma_wait3A_49 = arith.constant 0 : i32
    %dma_wait3A_50 = tpu.memref_slice %arg7[%dma_wait3A_48, %dma_wait3A_49] : memref<100x100xi32, #tpu.memory_space<vmem>> -> memref<1x100xi32, #tpu.memory_space<vmem>>
    %dma_wait3A_51 = tpu.memref_squeeze %dma_wait3A_50 : memref<1x100xi32, #tpu.memory_space<vmem>> -> memref<100xi32, #tpu.memory_space<vmem>>
    %dma_wait3A_52 = arith.constant 0 : i32
    %dma_wait3A_53 = arith.constant 0 : i32
    %dma_wait3A_54 = tpu.memref_slice %arg2[%dma_wait3A_52, %dma_wait3A_53] : memref<10000x128xf32, #tpu.memory_space<hbm>> -> memref<10000x128xf32, #tpu.memory_space<hbm>>
    tpu.wait_indirect_dma semaphore(%arg12 : memref<!tpu.dma_semaphore, #tpu.memory_space<semaphore_mem>>) src(%dma_wait3A_54 : memref<10000x128xf32, #tpu.memory_space<hbm>>) dst(%arg10 : memref<100x128xf32, #tpu.memory_space<vmem>>)
    %run_scoped3A_55 = arith.constant 0 : i32
    "tpu.region"() ({
      %run_scoped3A_86 = tpu.sem_alloc : memref<!tpu.dma_semaphore, #tpu.memory_space<semaphore_mem>>
      %dma_start3A_87 = arith.constant 0 : i32
      %dma_start3A_88 = tpu.memref_slice %arg8[%run_scoped3A_55, %dma_start3A_87] : memref<1x100xi32, #tpu.memory_space<vmem>> -> memref<1x100xi32, #tpu.memory_space<vmem>>
      %dma_start3A_89 = tpu.memref_squeeze %dma_start3A_88 : memref<1x100xi32, #tpu.memory_space<vmem>> -> memref<100xi32, #tpu.memory_space<vmem>>
      %dma_start3A_90 = arith.constant 0 : i32
      %dma_start3A_91 = arith.constant 0 : i32
      %dma_start3A_92 = tpu.memref_slice %arg17[%dma_start3A_90, %dma_start3A_91] : memref<10000x128xf32, #tpu.memory_space<vmem_shared>> -> memref<10000x128xf32, #tpu.memory_space<vmem_shared>>
      tpu.enqueue_indirect_dma source(%arg10 : memref<100x128xf32, #tpu.memory_space<vmem>>) target(%dma_start3A_92 : memref<10000x128xf32, #tpu.memory_space<vmem_shared>>) offsets(%dma_start3A_89 : memref<100xi32, #tpu.memory_space<vmem>>) semaphore(%run_scoped3A_86 : memref<!tpu.dma_semaphore, #tpu.memory_space<semaphore_mem>>) {add = true}
      %dma_wait3A_93 = arith.constant 0 : i32
      %dma_wait3A_94 = tpu.memref_slice %arg8[%run_scoped3A_55, %dma_wait3A_93] : memref<1x100xi32, #tpu.memory_space<vmem>> -> memref<1x100xi32, #tpu.memory_space<vmem>>
      %dma_wait3A_95 = tpu.memref_squeeze %dma_wait3A_94 : memref<1x100xi32, #tpu.memory_space<vmem>> -> memref<100xi32, #tpu.memory_space<vmem>>
      %dma_wait3A_96 = arith.constant 0 : i32
      %dma_wait3A_97 = arith.constant 0 : i32
      %dma_wait3A_98 = tpu.memref_slice %arg17[%dma_wait3A_96, %dma_wait3A_97] : memref<10000x128xf32, #tpu.memory_space<vmem_shared>> -> memref<10000x128xf32, #tpu.memory_space<vmem_shared>>
      tpu.wait_indirect_dma semaphore(%run_scoped3A_86 : memref<!tpu.dma_semaphore, #tpu.memory_space<semaphore_mem>>) src(%arg10 : memref<100x128xf32, #tpu.memory_space<vmem>>) dst(%dma_wait3A_98 : memref<10000x128xf32, #tpu.memory_space<vmem_shared>>)
      tpu.yield
    }) : () -> ()
    %dma_wait3A_56 = arith.constant 99 : i32
    %dma_wait3A_57 = arith.constant 0 : i32
    %dma_wait3A_58 = tpu.memref_slice %arg7[%dma_wait3A_56, %dma_wait3A_57] : memref<100x100xi32, #tpu.memory_space<vmem>> -> memref<1x100xi32, #tpu.memory_space<vmem>>
    %dma_wait3A_59 = tpu.memref_squeeze %dma_wait3A_58 : memref<1x100xi32, #tpu.memory_space<vmem>> -> memref<100xi32, #tpu.memory_space<vmem>>
    %dma_wait3A_60 = arith.constant 0 : i32
    %dma_wait3A_61 = arith.constant 0 : i32
    %dma_wait3A_62 = tpu.memref_slice %arg2[%dma_wait3A_60, %dma_wait3A_61] : memref<10000x128xf32, #tpu.memory_space<hbm>> -> memref<10000x128xf32, #tpu.memory_space<hbm>>
    tpu.wait_indirect_dma semaphore(%arg13 : memref<!tpu.dma_semaphore, #tpu.memory_space<semaphore_mem>>) src(%dma_wait3A_62 : memref<10000x128xf32, #tpu.memory_space<hbm>>) dst(%arg11 : memref<100x128xf32, #tpu.memory_space<vmem>>)
    %dma_wait3A_63 = arith.constant 99 : i32
    %dma_wait3A_64 = arith.constant 0 : i32
    %dma_wait3A_65 = arith.constant 0 : i32
    %dma_wait3A_66 = tpu.memref_slice %arg4[%add3A, %dma_wait3A_63, %dma_wait3A_64, %dma_wait3A_65] : memref<32x100x1x100xi32, #tpu.memory_space<hbm>> -> memref<1x1x1x100xi32, #tpu.memory_space<hbm>>
    %dma_wait3A_67 = tpu.memref_squeeze %dma_wait3A_66 : memref<1x1x1x100xi32, #tpu.memory_space<hbm>> -> memref<1x100xi32, #tpu.memory_space<hbm>>
    %dma_wait3A_68 = arith.constant 0 : i32
    %dma_wait3A_69 = arith.constant 0 : i32
    %dma_wait3A_70 = tpu.memref_slice %arg4[%add3A, %dma_wait3A_63, %dma_wait3A_68, %dma_wait3A_69] : memref<32x100x1x100xi32, #tpu.memory_space<hbm>> -> memref<1x1x1x100xi32, #tpu.memory_space<hbm>>
    %dma_wait3A_71 = tpu.memref_squeeze %dma_wait3A_70 : memref<1x1x1x100xi32, #tpu.memory_space<hbm>> -> memref<1x100xi32, #tpu.memory_space<hbm>>
    tpu.wait_dma2 semaphore(%arg15 : memref<!tpu.dma_semaphore, #tpu.memory_space<semaphore_mem>>) src(%dma_wait3A_71 : memref<1x100xi32, #tpu.memory_space<hbm>>) dst(%arg9 : memref<1x100xi32, #tpu.memory_space<vmem>>)
    %run_scoped3A_72 = arith.constant 0 : i32
    "tpu.region"() ({
      %run_scoped3A_86 = tpu.sem_alloc : memref<!tpu.dma_semaphore, #tpu.memory_space<semaphore_mem>>
      %dma_start3A_87 = arith.constant 0 : i32
      %dma_start3A_88 = tpu.memref_slice %arg9[%run_scoped3A_72, %dma_start3A_87] : memref<1x100xi32, #tpu.memory_space<vmem>> -> memref<1x100xi32, #tpu.memory_space<vmem>>
      %dma_start3A_89 = tpu.memref_squeeze %dma_start3A_88 : memref<1x100xi32, #tpu.memory_space<vmem>> -> memref<100xi32, #tpu.memory_space<vmem>>
      %dma_start3A_90 = arith.constant 0 : i32
      %dma_start3A_91 = arith.constant 0 : i32
      %dma_start3A_92 = tpu.memref_slice %arg17[%dma_start3A_90, %dma_start3A_91] : memref<10000x128xf32, #tpu.memory_space<vmem_shared>> -> memref<10000x128xf32, #tpu.memory_space<vmem_shared>>
      tpu.enqueue_indirect_dma source(%arg11 : memref<100x128xf32, #tpu.memory_space<vmem>>) target(%dma_start3A_92 : memref<10000x128xf32, #tpu.memory_space<vmem_shared>>) offsets(%dma_start3A_89 : memref<100xi32, #tpu.memory_space<vmem>>) semaphore(%run_scoped3A_86 : memref<!tpu.dma_semaphore, #tpu.memory_space<semaphore_mem>>) {add = true}
      %dma_wait3A_93 = arith.constant 0 : i32
      %dma_wait3A_94 = tpu.memref_slice %arg9[%run_scoped3A_72, %dma_wait3A_93] : memref<1x100xi32, #tpu.memory_space<vmem>> -> memref<1x100xi32, #tpu.memory_space<vmem>>
      %dma_wait3A_95 = tpu.memref_squeeze %dma_wait3A_94 : memref<1x100xi32, #tpu.memory_space<vmem>> -> memref<100xi32, #tpu.memory_space<vmem>>
      %dma_wait3A_96 = arith.constant 0 : i32
      %dma_wait3A_97 = arith.constant 0 : i32
      %dma_wait3A_98 = tpu.memref_slice %arg17[%dma_wait3A_96, %dma_wait3A_97] : memref<10000x128xf32, #tpu.memory_space<vmem_shared>> -> memref<10000x128xf32, #tpu.memory_space<vmem_shared>>
      tpu.wait_indirect_dma semaphore(%run_scoped3A_86 : memref<!tpu.dma_semaphore, #tpu.memory_space<semaphore_mem>>) src(%arg11 : memref<100x128xf32, #tpu.memory_space<vmem>>) dst(%dma_wait3A_98 : memref<10000x128xf32, #tpu.memory_space<vmem_shared>>)
      tpu.yield
    }) : () -> ()
    %barrier3A_73 = arith.constant 0 : index
    tpu.barrier barrier_id(%barrier3A_73)
    %mul3A_74 = arith.constant 624 : i32
    %mul3A_75 = arith.muli %arg1, %mul3A_74 : i32
    %mul3A_76 = arith.constant 624 : i32
    %mul3A_77 = arith.muli %arg1, %mul3A_76 : i32
    %mul3A_78 = arith.constant 10000 : i32
    %mul3A_79 = arith.muli %arg0, %mul3A_78 : i32
    %add3A_80 = arith.addi %mul3A_79, %mul3A_77 : i32
    "tpu.region"() ({
      %run_scoped3A_86 = tpu.sem_alloc : memref<!tpu.dma_semaphore, #tpu.memory_space<semaphore_mem>>
      %dma_start3A_87 = arith.constant 0 : i32
      %dma_start3A_88 = tpu.memref_slice %arg6[%add3A_80, %dma_start3A_87] : memref<20000x128xf32, #tpu.memory_space<hbm>> -> memref<624x128xf32, #tpu.memory_space<hbm>>
      %dma_start3A_89 = arith.constant 0 : i32
      %dma_start3A_90 = tpu.memref_slice %arg17[%mul3A_75, %dma_start3A_89] : memref<10000x128xf32, #tpu.memory_space<vmem_shared>> -> memref<624x128xf32, #tpu.memory_space<vmem_shared>>
      tpu.enqueue_dma source(%dma_start3A_90 : memref<624x128xf32, #tpu.memory_space<vmem_shared>>) target(%dma_start3A_88 : memref<624x128xf32, #tpu.memory_space<hbm>>) target_semaphore(%run_scoped3A_86 : memref<!tpu.dma_semaphore, #tpu.memory_space<semaphore_mem>>)
      %dma_wait3A_91 = arith.constant 0 : i32
      %dma_wait3A_92 = tpu.memref_slice %arg6[%add3A_80, %dma_wait3A_91] : memref<20000x128xf32, #tpu.memory_space<hbm>> -> memref<624x128xf32, #tpu.memory_space<hbm>>
      %dma_wait3A_93 = arith.constant 0 : i32
      %dma_wait3A_94 = tpu.memref_slice %arg17[%mul3A_75, %dma_wait3A_93] : memref<10000x128xf32, #tpu.memory_space<vmem_shared>> -> memref<624x128xf32, #tpu.memory_space<vmem_shared>>
      tpu.wait_dma2 semaphore(%run_scoped3A_86 : memref<!tpu.dma_semaphore, #tpu.memory_space<semaphore_mem>>) src(%dma_wait3A_94 : memref<624x128xf32, #tpu.memory_space<vmem_shared>>) dst(%dma_wait3A_92 : memref<624x128xf32, #tpu.memory_space<hbm>>)
      tpu.yield
    }) : () -> ()
    %eq3A_81 = arith.constant 15 : i32
    %eq3A_82 = arith.cmpi eq, %arg1, %eq3A_81 : i32
    %convert_element_type3A_83 = arith.extui %eq3A_82 : i1 to i32
    %cond3A_84 = arith.constant 0 : i32
    %cond3A_85 = arith.cmpi ne, %convert_element_type3A_83, %cond3A_84 : i32
    scf.if %cond3A_85 {
      %mul3A_86 = arith.constant 10000 : i32
      %mul3A_87 = arith.muli %arg0, %mul3A_86 : i32
      %add3A_88 = arith.constant 9984 : i32
      %add3A_89 = arith.addi %mul3A_87, %add3A_88 : i32
      "tpu.region"() ({
        %run_scoped3A_90 = tpu.sem_alloc : memref<!tpu.dma_semaphore, #tpu.memory_space<semaphore_mem>>
        %dma_start3A_91 = arith.constant 0 : i32
        %dma_start3A_92 = tpu.memref_slice %arg6[%add3A_89, %dma_start3A_91] : memref<20000x128xf32, #tpu.memory_space<hbm>> -> memref<16x128xf32, #tpu.memory_space<hbm>>
        %dma_start3A_93 = arith.constant 9984 : i32
        %dma_start3A_94 = arith.constant 0 : i32
        %dma_start3A_95 = tpu.memref_slice %arg17[%dma_start3A_93, %dma_start3A_94] : memref<10000x128xf32, #tpu.memory_space<vmem_shared>> -> memref<16x128xf32, #tpu.memory_space<vmem_shared>>
        tpu.enqueue_dma source(%dma_start3A_95 : memref<16x128xf32, #tpu.memory_space<vmem_shared>>) target(%dma_start3A_92 : memref<16x128xf32, #tpu.memory_space<hbm>>) target_semaphore(%run_scoped3A_90 : memref<!tpu.dma_semaphore, #tpu.memory_space<semaphore_mem>>)
        %dma_wait3A_96 = arith.constant 0 : i32
        %dma_wait3A_97 = tpu.memref_slice %arg6[%add3A_89, %dma_wait3A_96] : memref<20000x128xf32, #tpu.memory_space<hbm>> -> memref<16x128xf32, #tpu.memory_space<hbm>>
        %dma_wait3A_98 = arith.constant 9984 : i32
        %dma_wait3A_99 = arith.constant 0 : i32
        %dma_wait3A_100 = tpu.memref_slice %arg17[%dma_wait3A_98, %dma_wait3A_99] : memref<10000x128xf32, #tpu.memory_space<vmem_shared>> -> memref<16x128xf32, #tpu.memory_space<vmem_shared>>
        tpu.wait_dma2 semaphore(%run_scoped3A_90 : memref<!tpu.dma_semaphore, #tpu.memory_space<semaphore_mem>>) src(%dma_wait3A_100 : memref<16x128xf32, #tpu.memory_space<vmem_shared>>) dst(%dma_wait3A_97 : memref<16x128xf32, #tpu.memory_space<hbm>>)
        tpu.yield
      }) : () -> ()
    } else {
    }
    return
  }
}

#map = affine_map<(d0, d1) -> (0, 0)>
#map1 = affine_map<(d0, d1) -> (0, 0, 0)>
#map2 = affine_map<(d0, d1) -> (0, 0, 0, 0)>
module attributes {stable_mosaic.version = 14 : i64} {
  func.func @_sc_agg_body(%arg0: i32, %arg1: i32, %arg2: memref<10000x128xf32, #tpu.memory_space<hbm>>, %arg3: memref<32x100x100xi32, #tpu.memory_space<hbm>>, %arg4: memref<32x100x1x100xi32, #tpu.memory_space<hbm>>, %arg5: memref<624x128xf32, #tpu.memory_space<hbm>>, %arg6: memref<20000x128xf32, #tpu.memory_space<hbm>>, %arg7: memref<100x100xi32, #tpu.memory_space<vmem>>, %arg8: memref<1x100xi32, #tpu.memory_space<vmem>>, %arg9: memref<1x100xi32, #tpu.memory_space<vmem>>, %arg10: memref<100x128xf32, #tpu.memory_space<vmem>>, %arg11: memref<100x128xf32, #tpu.memory_space<vmem>>, %arg12: memref<!tpu.dma_semaphore, #tpu.memory_space<semaphore_mem>>, %arg13: memref<!tpu.dma_semaphore, #tpu.memory_space<semaphore_mem>>, %arg14: memref<!tpu.dma_semaphore, #tpu.memory_space<semaphore_mem>>, %arg15: memref<!tpu.dma_semaphore, #tpu.memory_space<semaphore_mem>>, %arg16: memref<!tpu.dma_semaphore, #tpu.memory_space<semaphore_mem>>, %arg17: memref<10000x128xf32, #tpu.memory_space<vmem_shared>>) attributes {dimension_semantics = [#tpu.dimension_semantics<core_parallel>, #tpu.dimension_semantics<subcore_parallel>], iteration_bounds = array<i64: 2, 16>, scalar_prefetch = 0 : i64, scratch_operands = 11 : i64, tpu.core_type = #tpu.core_type<sc_vector_subcore>, window_params = [{transform_indices = #map}, {transform_indices = #map1}, {transform_indices = #map2}, {transform_indices = #map}, {transform_indices = #map}]} {
    %mul3A = arith.constant 16 : i32
    %mul3A_0 = arith.muli %arg0, %mul3A : i32
    %add3A = arith.addi %mul3A_0, %arg1 : i32
    %mul3A_1 = arith.constant 624 : i32
    %mul3A_2 = arith.muli %arg1, %mul3A_1 : i32
    %dma_start3A = arith.constant 0 : i32
    %dma_start3A_3 = tpu.memref_slice %arg17[%mul3A_2, %dma_start3A] : memref<10000x128xf32, #tpu.memory_space<vmem_shared>> -> memref<624x128xf32, #tpu.memory_space<vmem_shared>>
    %dma_start3A_4 = arith.constant 0 : i32
    %dma_start3A_5 = arith.constant 0 : i32
    %dma_start3A_6 = tpu.memref_slice %arg5[%dma_start3A_4, %dma_start3A_5] : memref<624x128xf32, #tpu.memory_space<hbm>> -> memref<624x128xf32, #tpu.memory_space<hbm>>
    tpu.enqueue_dma source(%dma_start3A_6 : memref<624x128xf32, #tpu.memory_space<hbm>>) target(%dma_start3A_3 : memref<624x128xf32, #tpu.memory_space<vmem_shared>>) target_semaphore(%arg16 : memref<!tpu.dma_semaphore, #tpu.memory_space<semaphore_mem>>)
    %eq3A = arith.constant 15 : i32
    %eq3A_7 = arith.cmpi eq, %arg1, %eq3A : i32
    %convert_element_type3A = arith.extui %eq3A_7 : i1 to i32
    %cond3A = arith.constant 0 : i32
    %cond3A_8 = arith.cmpi ne, %convert_element_type3A, %cond3A : i32
    scf.if %cond3A_8 {
      %dma_start3A_86 = arith.constant 9984 : i32
      %dma_start3A_87 = arith.constant 0 : i32
      %dma_start3A_88 = tpu.memref_slice %arg17[%dma_start3A_86, %dma_start3A_87] : memref<10000x128xf32, #tpu.memory_space<vmem_shared>> -> memref<16x128xf32, #tpu.memory_space<vmem_shared>>
      %dma_start3A_89 = arith.constant 0 : i32
      %dma_start3A_90 = arith.constant 0 : i32
      %dma_start3A_91 = tpu.memref_slice %arg5[%dma_start3A_89, %dma_start3A_90] : memref<624x128xf32, #tpu.memory_space<hbm>> -> memref<16x128xf32, #tpu.memory_space<hbm>>
      tpu.enqueue_dma source(%dma_start3A_91 : memref<16x128xf32, #tpu.memory_space<hbm>>) target(%dma_start3A_88 : memref<16x128xf32, #tpu.memory_space<vmem_shared>>) target_semaphore(%arg16 : memref<!tpu.dma_semaphore, #tpu.memory_space<semaphore_mem>>)
    } else {
    }
    "tpu.region"() ({
      %run_scoped3A_86 = tpu.sem_alloc : memref<!tpu.dma_semaphore, #tpu.memory_space<semaphore_mem>>
      %dma_start3A_87 = arith.constant 0 : i32
      %dma_start3A_88 = arith.constant 0 : i32
      %dma_start3A_89 = tpu.memref_slice %arg3[%add3A, %dma_start3A_87, %dma_start3A_88] : memref<32x100x100xi32, #tpu.memory_space<hbm>> -> memref<1x100x100xi32, #tpu.memory_space<hbm>>
      %dma_start3A_90 = tpu.memref_squeeze %dma_start3A_89 : memref<1x100x100xi32, #tpu.memory_space<hbm>> -> memref<100x100xi32, #tpu.memory_space<hbm>>
      %dma_start3A_91 = arith.constant 0 : i32
      %dma_start3A_92 = arith.constant 0 : i32
      %dma_start3A_93 = tpu.memref_slice %arg3[%add3A, %dma_start3A_91, %dma_start3A_92] : memref<32x100x100xi32, #tpu.memory_space<hbm>> -> memref<1x100x100xi32, #tpu.memory_space<hbm>>
      %dma_start3A_94 = tpu.memref_squeeze %dma_start3A_93 : memref<1x100x100xi32, #tpu.memory_space<hbm>> -> memref<100x100xi32, #tpu.memory_space<hbm>>
      tpu.enqueue_dma source(%dma_start3A_94 : memref<100x100xi32, #tpu.memory_space<hbm>>) target(%arg7 : memref<100x100xi32, #tpu.memory_space<vmem>>) target_semaphore(%run_scoped3A_86 : memref<!tpu.dma_semaphore, #tpu.memory_space<semaphore_mem>>)
      %dma_wait3A_95 = arith.constant 0 : i32
      %dma_wait3A_96 = arith.constant 0 : i32
      %dma_wait3A_97 = tpu.memref_slice %arg3[%add3A, %dma_wait3A_95, %dma_wait3A_96] : memref<32x100x100xi32, #tpu.memory_space<hbm>> -> memref<1x100x100xi32, #tpu.memory_space<hbm>>
      %dma_wait3A_98 = tpu.memref_squeeze %dma_wait3A_97 : memref<1x100x100xi32, #tpu.memory_space<hbm>> -> memref<100x100xi32, #tpu.memory_space<hbm>>
      %dma_wait3A_99 = arith.constant 0 : i32
      %dma_wait3A_100 = arith.constant 0 : i32
      %dma_wait3A_101 = tpu.memref_slice %arg3[%add3A, %dma_wait3A_99, %dma_wait3A_100] : memref<32x100x100xi32, #tpu.memory_space<hbm>> -> memref<1x100x100xi32, #tpu.memory_space<hbm>>
      %dma_wait3A_102 = tpu.memref_squeeze %dma_wait3A_101 : memref<1x100x100xi32, #tpu.memory_space<hbm>> -> memref<100x100xi32, #tpu.memory_space<hbm>>
      tpu.wait_dma2 semaphore(%run_scoped3A_86 : memref<!tpu.dma_semaphore, #tpu.memory_space<semaphore_mem>>) src(%dma_wait3A_102 : memref<100x100xi32, #tpu.memory_space<hbm>>) dst(%arg7 : memref<100x100xi32, #tpu.memory_space<vmem>>)
      tpu.yield
    }) : () -> ()
    %run_scoped3A = arith.constant 0 : i32
    "tpu.region"() ({
      %run_scoped3A_86 = tpu.sem_alloc : memref<!tpu.dma_semaphore, #tpu.memory_space<semaphore_mem>>
      %dma_start3A_87 = arith.constant 0 : i32
      %dma_start3A_88 = arith.constant 0 : i32
      %dma_start3A_89 = tpu.memref_slice %arg4[%add3A, %run_scoped3A, %dma_start3A_87, %dma_start3A_88] : memref<32x100x1x100xi32, #tpu.memory_space<hbm>> -> memref<1x1x1x100xi32, #tpu.memory_space<hbm>>
      %dma_start3A_90 = tpu.memref_squeeze %dma_start3A_89 : memref<1x1x1x100xi32, #tpu.memory_space<hbm>> -> memref<1x100xi32, #tpu.memory_space<hbm>>
      %dma_start3A_91 = arith.constant 0 : i32
      %dma_start3A_92 = arith.constant 0 : i32
      %dma_start3A_93 = tpu.memref_slice %arg4[%add3A, %run_scoped3A, %dma_start3A_91, %dma_start3A_92] : memref<32x100x1x100xi32, #tpu.memory_space<hbm>> -> memref<1x1x1x100xi32, #tpu.memory_space<hbm>>
      %dma_start3A_94 = tpu.memref_squeeze %dma_start3A_93 : memref<1x1x1x100xi32, #tpu.memory_space<hbm>> -> memref<1x100xi32, #tpu.memory_space<hbm>>
      tpu.enqueue_dma source(%dma_start3A_94 : memref<1x100xi32, #tpu.memory_space<hbm>>) target(%arg8 : memref<1x100xi32, #tpu.memory_space<vmem>>) target_semaphore(%run_scoped3A_86 : memref<!tpu.dma_semaphore, #tpu.memory_space<semaphore_mem>>)
      %dma_wait3A_95 = arith.constant 0 : i32
      %dma_wait3A_96 = arith.constant 0 : i32
      %dma_wait3A_97 = tpu.memref_slice %arg4[%add3A, %run_scoped3A, %dma_wait3A_95, %dma_wait3A_96] : memref<32x100x1x100xi32, #tpu.memory_space<hbm>> -> memref<1x1x1x100xi32, #tpu.memory_space<hbm>>
      %dma_wait3A_98 = tpu.memref_squeeze %dma_wait3A_97 : memref<1x1x1x100xi32, #tpu.memory_space<hbm>> -> memref<1x100xi32, #tpu.memory_space<hbm>>
      %dma_wait3A_99 = arith.constant 0 : i32
      %dma_wait3A_100 = arith.constant 0 : i32
      %dma_wait3A_101 = tpu.memref_slice %arg4[%add3A, %run_scoped3A, %dma_wait3A_99, %dma_wait3A_100] : memref<32x100x1x100xi32, #tpu.memory_space<hbm>> -> memref<1x1x1x100xi32, #tpu.memory_space<hbm>>
      %dma_wait3A_102 = tpu.memref_squeeze %dma_wait3A_101 : memref<1x1x1x100xi32, #tpu.memory_space<hbm>> -> memref<1x100xi32, #tpu.memory_space<hbm>>
      tpu.wait_dma2 semaphore(%run_scoped3A_86 : memref<!tpu.dma_semaphore, #tpu.memory_space<semaphore_mem>>) src(%dma_wait3A_102 : memref<1x100xi32, #tpu.memory_space<hbm>>) dst(%arg8 : memref<1x100xi32, #tpu.memory_space<vmem>>)
      tpu.yield
    }) : () -> ()
    %dma_start3A_9 = arith.constant 0 : i32
    %dma_start3A_10 = arith.constant 0 : i32
    %dma_start3A_11 = tpu.memref_slice %arg7[%dma_start3A_9, %dma_start3A_10] : memref<100x100xi32, #tpu.memory_space<vmem>> -> memref<1x100xi32, #tpu.memory_space<vmem>>
    %dma_start3A_12 = tpu.memref_squeeze %dma_start3A_11 : memref<1x100xi32, #tpu.memory_space<vmem>> -> memref<100xi32, #tpu.memory_space<vmem>>
    %dma_start3A_13 = arith.constant 0 : i32
    %dma_start3A_14 = arith.constant 0 : i32
    %dma_start3A_15 = tpu.memref_slice %arg2[%dma_start3A_13, %dma_start3A_14] : memref<10000x128xf32, #tpu.memory_space<hbm>> -> memref<10000x128xf32, #tpu.memory_space<hbm>>
    tpu.enqueue_indirect_dma source(%dma_start3A_15 : memref<10000x128xf32, #tpu.memory_space<hbm>>) target(%arg10 : memref<100x128xf32, #tpu.memory_space<vmem>>) offsets(%dma_start3A_12 : memref<100xi32, #tpu.memory_space<vmem>>) semaphore(%arg12 : memref<!tpu.dma_semaphore, #tpu.memory_space<semaphore_mem>>)
    %mul3A_16 = arith.constant 624 : i32
    %mul3A_17 = arith.muli %arg1, %mul3A_16 : i32
    %dma_wait3A = arith.constant 0 : i32
    %dma_wait3A_18 = tpu.memref_slice %arg17[%mul3A_17, %dma_wait3A] : memref<10000x128xf32, #tpu.memory_space<vmem_shared>> -> memref<624x128xf32, #tpu.memory_space<vmem_shared>>
    %dma_wait3A_19 = arith.constant 0 : i32
    %dma_wait3A_20 = arith.constant 0 : i32
    %dma_wait3A_21 = tpu.memref_slice %arg5[%dma_wait3A_19, %dma_wait3A_20] : memref<624x128xf32, #tpu.memory_space<hbm>> -> memref<624x128xf32, #tpu.memory_space<hbm>>
    tpu.wait_dma2 semaphore(%arg16 : memref<!tpu.dma_semaphore, #tpu.memory_space<semaphore_mem>>) src(%dma_wait3A_21 : memref<624x128xf32, #tpu.memory_space<hbm>>) dst(%dma_wait3A_18 : memref<624x128xf32, #tpu.memory_space<vmem_shared>>)
    %eq3A_22 = arith.constant 15 : i32
    %eq3A_23 = arith.cmpi eq, %arg1, %eq3A_22 : i32
    %convert_element_type3A_24 = arith.extui %eq3A_23 : i1 to i32
    %cond3A_25 = arith.constant 0 : i32
    %cond3A_26 = arith.cmpi ne, %convert_element_type3A_24, %cond3A_25 : i32
    scf.if %cond3A_26 {
      %dma_wait3A_86 = arith.constant 9984 : i32
      %dma_wait3A_87 = arith.constant 0 : i32
      %dma_wait3A_88 = tpu.memref_slice %arg17[%dma_wait3A_86, %dma_wait3A_87] : memref<10000x128xf32, #tpu.memory_space<vmem_shared>> -> memref<16x128xf32, #tpu.memory_space<vmem_shared>>
      %dma_wait3A_89 = arith.constant 0 : i32
      %dma_wait3A_90 = arith.constant 0 : i32
      %dma_wait3A_91 = tpu.memref_slice %arg5[%dma_wait3A_89, %dma_wait3A_90] : memref<624x128xf32, #tpu.memory_space<hbm>> -> memref<16x128xf32, #tpu.memory_space<hbm>>
      tpu.wait_dma2 semaphore(%arg16 : memref<!tpu.dma_semaphore, #tpu.memory_space<semaphore_mem>>) src(%dma_wait3A_91 : memref<16x128xf32, #tpu.memory_space<hbm>>) dst(%dma_wait3A_88 : memref<16x128xf32, #tpu.memory_space<vmem_shared>>)
    } else {
    }
    %barrier3A = arith.constant 0 : index
    tpu.barrier barrier_id(%barrier3A)
    %scan3A = arith.constant 0 : i32
    %scan3A_27 = arith.constant 0 : i32
    %scan3A_28 = arith.constant 49 : i32
    %scan3A_29 = arith.addi %scan3A_27, %scan3A_28 : i32
    %scan3A_30 = arith.constant 1 : i32
    scf.for %scan3A_86 = %scan3A_27 to %scan3A_29 step %scan3A_30  : i32 {
      %mul3A_87 = arith.constant 2 : i32
      %mul3A_88 = arith.muli %mul3A_87, %scan3A_86 : i32
      %add3A_89 = arith.constant 1 : i32
      %add3A_90 = arith.addi %mul3A_88, %add3A_89 : i32
      %dma_start3A_91 = arith.constant 0 : i32
      %dma_start3A_92 = tpu.memref_slice %arg7[%add3A_90, %dma_start3A_91] : memref<100x100xi32, #tpu.memory_space<vmem>> -> memref<1x100xi32, #tpu.memory_space<vmem>>
      %dma_start3A_93 = tpu.memref_squeeze %dma_start3A_92 : memref<1x100xi32, #tpu.memory_space<vmem>> -> memref<100xi32, #tpu.memory_space<vmem>>
      %dma_start3A_94 = arith.constant 0 : i32
      %dma_start3A_95 = arith.constant 0 : i32
      %dma_start3A_96 = tpu.memref_slice %arg2[%dma_start3A_94, %dma_start3A_95] : memref<10000x128xf32, #tpu.memory_space<hbm>> -> memref<10000x128xf32, #tpu.memory_space<hbm>>
      tpu.enqueue_indirect_dma source(%dma_start3A_96 : memref<10000x128xf32, #tpu.memory_space<hbm>>) target(%arg11 : memref<100x128xf32, #tpu.memory_space<vmem>>) offsets(%dma_start3A_93 : memref<100xi32, #tpu.memory_space<vmem>>) semaphore(%arg13 : memref<!tpu.dma_semaphore, #tpu.memory_space<semaphore_mem>>)
      %add3A_97 = arith.constant 1 : i32
      %add3A_98 = arith.addi %mul3A_88, %add3A_97 : i32
      %dma_start3A_99 = arith.constant 0 : i32
      %dma_start3A_100 = arith.constant 0 : i32
      %dma_start3A_101 = tpu.memref_slice %arg4[%add3A, %add3A_98, %dma_start3A_99, %dma_start3A_100] : memref<32x100x1x100xi32, #tpu.memory_space<hbm>> -> memref<1x1x1x100xi32, #tpu.memory_space<hbm>>
      %dma_start3A_102 = tpu.memref_squeeze %dma_start3A_101 : memref<1x1x1x100xi32, #tpu.memory_space<hbm>> -> memref<1x100xi32, #tpu.memory_space<hbm>>
      %dma_start3A_103 = arith.constant 0 : i32
      %dma_start3A_104 = arith.constant 0 : i32
      %dma_start3A_105 = tpu.memref_slice %arg4[%add3A, %add3A_98, %dma_start3A_103, %dma_start3A_104] : memref<32x100x1x100xi32, #tpu.memory_space<hbm>> -> memref<1x1x1x100xi32, #tpu.memory_space<hbm>>
      %dma_start3A_106 = tpu.memref_squeeze %dma_start3A_105 : memref<1x1x1x100xi32, #tpu.memory_space<hbm>> -> memref<1x100xi32, #tpu.memory_space<hbm>>
      tpu.enqueue_dma source(%dma_start3A_106 : memref<1x100xi32, #tpu.memory_space<hbm>>) target(%arg9 : memref<1x100xi32, #tpu.memory_space<vmem>>) target_semaphore(%arg15 : memref<!tpu.dma_semaphore, #tpu.memory_space<semaphore_mem>>)
      %dma_wait3A_107 = arith.constant 0 : i32
      %dma_wait3A_108 = tpu.memref_slice %arg7[%mul3A_88, %dma_wait3A_107] : memref<100x100xi32, #tpu.memory_space<vmem>> -> memref<1x100xi32, #tpu.memory_space<vmem>>
      %dma_wait3A_109 = tpu.memref_squeeze %dma_wait3A_108 : memref<1x100xi32, #tpu.memory_space<vmem>> -> memref<100xi32, #tpu.memory_space<vmem>>
      %dma_wait3A_110 = arith.constant 0 : i32
      %dma_wait3A_111 = arith.constant 0 : i32
      %dma_wait3A_112 = tpu.memref_slice %arg2[%dma_wait3A_110, %dma_wait3A_111] : memref<10000x128xf32, #tpu.memory_space<hbm>> -> memref<10000x128xf32, #tpu.memory_space<hbm>>
      tpu.wait_indirect_dma semaphore(%arg12 : memref<!tpu.dma_semaphore, #tpu.memory_space<semaphore_mem>>) src(%dma_wait3A_112 : memref<10000x128xf32, #tpu.memory_space<hbm>>) dst(%arg10 : memref<100x128xf32, #tpu.memory_space<vmem>>)
      %run_scoped3A_113 = arith.constant 0 : i32
      "tpu.region"() ({
        %run_scoped3A_161 = tpu.sem_alloc : memref<!tpu.dma_semaphore, #tpu.memory_space<semaphore_mem>>
        %dma_start3A_162 = arith.constant 0 : i32
        %dma_start3A_163 = tpu.memref_slice %arg8[%run_scoped3A_113, %dma_start3A_162] : memref<1x100xi32, #tpu.memory_space<vmem>> -> memref<1x100xi32, #tpu.memory_space<vmem>>
        %dma_start3A_164 = tpu.memref_squeeze %dma_start3A_163 : memref<1x100xi32, #tpu.memory_space<vmem>> -> memref<100xi32, #tpu.memory_space<vmem>>
        %dma_start3A_165 = arith.constant 0 : i32
        %dma_start3A_166 = arith.constant 0 : i32
        %dma_start3A_167 = tpu.memref_slice %arg17[%dma_start3A_165, %dma_start3A_166] : memref<10000x128xf32, #tpu.memory_space<vmem_shared>> -> memref<10000x128xf32, #tpu.memory_space<vmem_shared>>
        tpu.enqueue_indirect_dma source(%arg10 : memref<100x128xf32, #tpu.memory_space<vmem>>) target(%dma_start3A_167 : memref<10000x128xf32, #tpu.memory_space<vmem_shared>>) offsets(%dma_start3A_164 : memref<100xi32, #tpu.memory_space<vmem>>) semaphore(%run_scoped3A_161 : memref<!tpu.dma_semaphore, #tpu.memory_space<semaphore_mem>>) {add = true}
        %dma_wait3A_168 = arith.constant 0 : i32
        %dma_wait3A_169 = tpu.memref_slice %arg8[%run_scoped3A_113, %dma_wait3A_168] : memref<1x100xi32, #tpu.memory_space<vmem>> -> memref<1x100xi32, #tpu.memory_space<vmem>>
        %dma_wait3A_170 = tpu.memref_squeeze %dma_wait3A_169 : memref<1x100xi32, #tpu.memory_space<vmem>> -> memref<100xi32, #tpu.memory_space<vmem>>
        %dma_wait3A_171 = arith.constant 0 : i32
        %dma_wait3A_172 = arith.constant 0 : i32
        %dma_wait3A_173 = tpu.memref_slice %arg17[%dma_wait3A_171, %dma_wait3A_172] : memref<10000x128xf32, #tpu.memory_space<vmem_shared>> -> memref<10000x128xf32, #tpu.memory_space<vmem_shared>>
        tpu.wait_indirect_dma semaphore(%run_scoped3A_161 : memref<!tpu.dma_semaphore, #tpu.memory_space<semaphore_mem>>) src(%arg10 : memref<100x128xf32, #tpu.memory_space<vmem>>) dst(%dma_wait3A_173 : memref<10000x128xf32, #tpu.memory_space<vmem_shared>>)
        tpu.yield
      }) : () -> ()
      %add3A_114 = arith.constant 2 : i32
      %add3A_115 = arith.addi %mul3A_88, %add3A_114 : i32
      %dma_start3A_116 = arith.constant 0 : i32
      %dma_start3A_117 = tpu.memref_slice %arg7[%add3A_115, %dma_start3A_116] : memref<100x100xi32, #tpu.memory_space<vmem>> -> memref<1x100xi32, #tpu.memory_space<vmem>>
      %dma_start3A_118 = tpu.memref_squeeze %dma_start3A_117 : memref<1x100xi32, #tpu.memory_space<vmem>> -> memref<100xi32, #tpu.memory_space<vmem>>
      %dma_start3A_119 = arith.constant 0 : i32
      %dma_start3A_120 = arith.constant 0 : i32
      %dma_start3A_121 = tpu.memref_slice %arg2[%dma_start3A_119, %dma_start3A_120] : memref<10000x128xf32, #tpu.memory_space<hbm>> -> memref<10000x128xf32, #tpu.memory_space<hbm>>
      tpu.enqueue_indirect_dma source(%dma_start3A_121 : memref<10000x128xf32, #tpu.memory_space<hbm>>) target(%arg10 : memref<100x128xf32, #tpu.memory_space<vmem>>) offsets(%dma_start3A_118 : memref<100xi32, #tpu.memory_space<vmem>>) semaphore(%arg12 : memref<!tpu.dma_semaphore, #tpu.memory_space<semaphore_mem>>)
      %add3A_122 = arith.constant 2 : i32
      %add3A_123 = arith.addi %mul3A_88, %add3A_122 : i32
      %dma_start3A_124 = arith.constant 0 : i32
      %dma_start3A_125 = arith.constant 0 : i32
      %dma_start3A_126 = tpu.memref_slice %arg4[%add3A, %add3A_123, %dma_start3A_124, %dma_start3A_125] : memref<32x100x1x100xi32, #tpu.memory_space<hbm>> -> memref<1x1x1x100xi32, #tpu.memory_space<hbm>>
      %dma_start3A_127 = tpu.memref_squeeze %dma_start3A_126 : memref<1x1x1x100xi32, #tpu.memory_space<hbm>> -> memref<1x100xi32, #tpu.memory_space<hbm>>
      %dma_start3A_128 = arith.constant 0 : i32
      %dma_start3A_129 = arith.constant 0 : i32
      %dma_start3A_130 = tpu.memref_slice %arg4[%add3A, %add3A_123, %dma_start3A_128, %dma_start3A_129] : memref<32x100x1x100xi32, #tpu.memory_space<hbm>> -> memref<1x1x1x100xi32, #tpu.memory_space<hbm>>
      %dma_start3A_131 = tpu.memref_squeeze %dma_start3A_130 : memref<1x1x1x100xi32, #tpu.memory_space<hbm>> -> memref<1x100xi32, #tpu.memory_space<hbm>>
      tpu.enqueue_dma source(%dma_start3A_131 : memref<1x100xi32, #tpu.memory_space<hbm>>) target(%arg8 : memref<1x100xi32, #tpu.memory_space<vmem>>) target_semaphore(%arg14 : memref<!tpu.dma_semaphore, #tpu.memory_space<semaphore_mem>>)
      %add3A_132 = arith.constant 1 : i32
      %add3A_133 = arith.addi %mul3A_88, %add3A_132 : i32
      %dma_wait3A_134 = arith.constant 0 : i32
      %dma_wait3A_135 = tpu.memref_slice %arg7[%add3A_133, %dma_wait3A_134] : memref<100x100xi32, #tpu.memory_space<vmem>> -> memref<1x100xi32, #tpu.memory_space<vmem>>
      %dma_wait3A_136 = tpu.memref_squeeze %dma_wait3A_135 : memref<1x100xi32, #tpu.memory_space<vmem>> -> memref<100xi32, #tpu.memory_space<vmem>>
      %dma_wait3A_137 = arith.constant 0 : i32
      %dma_wait3A_138 = arith.constant 0 : i32
      %dma_wait3A_139 = tpu.memref_slice %arg2[%dma_wait3A_137, %dma_wait3A_138] : memref<10000x128xf32, #tpu.memory_space<hbm>> -> memref<10000x128xf32, #tpu.memory_space<hbm>>
      tpu.wait_indirect_dma semaphore(%arg13 : memref<!tpu.dma_semaphore, #tpu.memory_space<semaphore_mem>>) src(%dma_wait3A_139 : memref<10000x128xf32, #tpu.memory_space<hbm>>) dst(%arg11 : memref<100x128xf32, #tpu.memory_space<vmem>>)
      %add3A_140 = arith.constant 1 : i32
      %add3A_141 = arith.addi %mul3A_88, %add3A_140 : i32
      %dma_wait3A_142 = arith.constant 0 : i32
      %dma_wait3A_143 = arith.constant 0 : i32
      %dma_wait3A_144 = tpu.memref_slice %arg4[%add3A, %add3A_141, %dma_wait3A_142, %dma_wait3A_143] : memref<32x100x1x100xi32, #tpu.memory_space<hbm>> -> memref<1x1x1x100xi32, #tpu.memory_space<hbm>>
      %dma_wait3A_145 = tpu.memref_squeeze %dma_wait3A_144 : memref<1x1x1x100xi32, #tpu.memory_space<hbm>> -> memref<1x100xi32, #tpu.memory_space<hbm>>
      %dma_wait3A_146 = arith.constant 0 : i32
      %dma_wait3A_147 = arith.constant 0 : i32
      %dma_wait3A_148 = tpu.memref_slice %arg4[%add3A, %add3A_141, %dma_wait3A_146, %dma_wait3A_147] : memref<32x100x1x100xi32, #tpu.memory_space<hbm>> -> memref<1x1x1x100xi32, #tpu.memory_space<hbm>>
      %dma_wait3A_149 = tpu.memref_squeeze %dma_wait3A_148 : memref<1x1x1x100xi32, #tpu.memory_space<hbm>> -> memref<1x100xi32, #tpu.memory_space<hbm>>
      tpu.wait_dma2 semaphore(%arg15 : memref<!tpu.dma_semaphore, #tpu.memory_space<semaphore_mem>>) src(%dma_wait3A_149 : memref<1x100xi32, #tpu.memory_space<hbm>>) dst(%arg9 : memref<1x100xi32, #tpu.memory_space<vmem>>)
      %run_scoped3A_150 = arith.constant 0 : i32
      "tpu.region"() ({
        %run_scoped3A_161 = tpu.sem_alloc : memref<!tpu.dma_semaphore, #tpu.memory_space<semaphore_mem>>
        %dma_start3A_162 = arith.constant 0 : i32
        %dma_start3A_163 = tpu.memref_slice %arg9[%run_scoped3A_150, %dma_start3A_162] : memref<1x100xi32, #tpu.memory_space<vmem>> -> memref<1x100xi32, #tpu.memory_space<vmem>>
        %dma_start3A_164 = tpu.memref_squeeze %dma_start3A_163 : memref<1x100xi32, #tpu.memory_space<vmem>> -> memref<100xi32, #tpu.memory_space<vmem>>
        %dma_start3A_165 = arith.constant 0 : i32
        %dma_start3A_166 = arith.constant 0 : i32
        %dma_start3A_167 = tpu.memref_slice %arg17[%dma_start3A_165, %dma_start3A_166] : memref<10000x128xf32, #tpu.memory_space<vmem_shared>> -> memref<10000x128xf32, #tpu.memory_space<vmem_shared>>
        tpu.enqueue_indirect_dma source(%arg11 : memref<100x128xf32, #tpu.memory_space<vmem>>) target(%dma_start3A_167 : memref<10000x128xf32, #tpu.memory_space<vmem_shared>>) offsets(%dma_start3A_164 : memref<100xi32, #tpu.memory_space<vmem>>) semaphore(%run_scoped3A_161 : memref<!tpu.dma_semaphore, #tpu.memory_space<semaphore_mem>>) {add = true}
        %dma_wait3A_168 = arith.constant 0 : i32
        %dma_wait3A_169 = tpu.memref_slice %arg9[%run_scoped3A_150, %dma_wait3A_168] : memref<1x100xi32, #tpu.memory_space<vmem>> -> memref<1x100xi32, #tpu.memory_space<vmem>>
        %dma_wait3A_170 = tpu.memref_squeeze %dma_wait3A_169 : memref<1x100xi32, #tpu.memory_space<vmem>> -> memref<100xi32, #tpu.memory_space<vmem>>
        %dma_wait3A_171 = arith.constant 0 : i32
        %dma_wait3A_172 = arith.constant 0 : i32
        %dma_wait3A_173 = tpu.memref_slice %arg17[%dma_wait3A_171, %dma_wait3A_172] : memref<10000x128xf32, #tpu.memory_space<vmem_shared>> -> memref<10000x128xf32, #tpu.memory_space<vmem_shared>>
        tpu.wait_indirect_dma semaphore(%run_scoped3A_161 : memref<!tpu.dma_semaphore, #tpu.memory_space<semaphore_mem>>) src(%arg11 : memref<100x128xf32, #tpu.memory_space<vmem>>) dst(%dma_wait3A_173 : memref<10000x128xf32, #tpu.memory_space<vmem_shared>>)
        tpu.yield
      }) : () -> ()
      %add3A_151 = arith.constant 2 : i32
      %add3A_152 = arith.addi %mul3A_88, %add3A_151 : i32
      %dma_wait3A_153 = arith.constant 0 : i32
      %dma_wait3A_154 = arith.constant 0 : i32
      %dma_wait3A_155 = tpu.memref_slice %arg4[%add3A, %add3A_152, %dma_wait3A_153, %dma_wait3A_154] : memref<32x100x1x100xi32, #tpu.memory_space<hbm>> -> memref<1x1x1x100xi32, #tpu.memory_space<hbm>>
      %dma_wait3A_156 = tpu.memref_squeeze %dma_wait3A_155 : memref<1x1x1x100xi32, #tpu.memory_space<hbm>> -> memref<1x100xi32, #tpu.memory_space<hbm>>
      %dma_wait3A_157 = arith.constant 0 : i32
      %dma_wait3A_158 = arith.constant 0 : i32
      %dma_wait3A_159 = tpu.memref_slice %arg4[%add3A, %add3A_152, %dma_wait3A_157, %dma_wait3A_158] : memref<32x100x1x100xi32, #tpu.memory_space<hbm>> -> memref<1x1x1x100xi32, #tpu.memory_space<hbm>>
      %dma_wait3A_160 = tpu.memref_squeeze %dma_wait3A_159 : memref<1x1x1x100xi32, #tpu.memory_space<hbm>> -> memref<1x100xi32, #tpu.memory_space<hbm>>
      tpu.wait_dma2 semaphore(%arg14 : memref<!tpu.dma_semaphore, #tpu.memory_space<semaphore_mem>>) src(%dma_wait3A_160 : memref<1x100xi32, #tpu.memory_space<hbm>>) dst(%arg8 : memref<1x100xi32, #tpu.memory_space<vmem>>)
    }
    %scan3A_31 = arith.constant 49 : i32
    %dma_start3A_32 = arith.constant 99 : i32
    %dma_start3A_33 = arith.constant 0 : i32
    %dma_start3A_34 = tpu.memref_slice %arg7[%dma_start3A_32, %dma_start3A_33] : memref<100x100xi32, #tpu.memory_space<vmem>> -> memref<1x100xi32, #tpu.memory_space<vmem>>
    %dma_start3A_35 = tpu.memref_squeeze %dma_start3A_34 : memref<1x100xi32, #tpu.memory_space<vmem>> -> memref<100xi32, #tpu.memory_space<vmem>>
    %dma_start3A_36 = arith.constant 0 : i32
    %dma_start3A_37 = arith.constant 0 : i32
    %dma_start3A_38 = tpu.memref_slice %arg2[%dma_start3A_36, %dma_start3A_37] : memref<10000x128xf32, #tpu.memory_space<hbm>> -> memref<10000x128xf32, #tpu.memory_space<hbm>>
    tpu.enqueue_indirect_dma source(%dma_start3A_38 : memref<10000x128xf32, #tpu.memory_space<hbm>>) target(%arg11 : memref<100x128xf32, #tpu.memory_space<vmem>>) offsets(%dma_start3A_35 : memref<100xi32, #tpu.memory_space<vmem>>) semaphore(%arg13 : memref<!tpu.dma_semaphore, #tpu.memory_space<semaphore_mem>>)
    %dma_start3A_39 = arith.constant 99 : i32
    %dma_start3A_40 = arith.constant 0 : i32
    %dma_start3A_41 = arith.constant 0 : i32
    %dma_start3A_42 = tpu.memref_slice %arg4[%add3A, %dma_start3A_39, %dma_start3A_40, %dma_start3A_41] : memref<32x100x1x100xi32, #tpu.memory_space<hbm>> -> memref<1x1x1x100xi32, #tpu.memory_space<hbm>>
    %dma_start3A_43 = tpu.memref_squeeze %dma_start3A_42 : memref<1x1x1x100xi32, #tpu.memory_space<hbm>> -> memref<1x100xi32, #tpu.memory_space<hbm>>
    %dma_start3A_44 = arith.constant 0 : i32
    %dma_start3A_45 = arith.constant 0 : i32
    %dma_start3A_46 = tpu.memref_slice %arg4[%add3A, %dma_start3A_39, %dma_start3A_44, %dma_start3A_45] : memref<32x100x1x100xi32, #tpu.memory_space<hbm>> -> memref<1x1x1x100xi32, #tpu.memory_space<hbm>>
    %dma_start3A_47 = tpu.memref_squeeze %dma_start3A_46 : memref<1x1x1x100xi32, #tpu.memory_space<hbm>> -> memref<1x100xi32, #tpu.memory_space<hbm>>
    tpu.enqueue_dma source(%dma_start3A_47 : memref<1x100xi32, #tpu.memory_space<hbm>>) target(%arg9 : memref<1x100xi32, #tpu.memory_space<vmem>>) target_semaphore(%arg15 : memref<!tpu.dma_semaphore, #tpu.memory_space<semaphore_mem>>)
    %dma_wait3A_48 = arith.constant 98 : i32
    %dma_wait3A_49 = arith.constant 0 : i32
    %dma_wait3A_50 = tpu.memref_slice %arg7[%dma_wait3A_48, %dma_wait3A_49] : memref<100x100xi32, #tpu.memory_space<vmem>> -> memref<1x100xi32, #tpu.memory_space<vmem>>
    %dma_wait3A_51 = tpu.memref_squeeze %dma_wait3A_50 : memref<1x100xi32, #tpu.memory_space<vmem>> -> memref<100xi32, #tpu.memory_space<vmem>>
    %dma_wait3A_52 = arith.constant 0 : i32
    %dma_wait3A_53 = arith.constant 0 : i32
    %dma_wait3A_54 = tpu.memref_slice %arg2[%dma_wait3A_52, %dma_wait3A_53] : memref<10000x128xf32, #tpu.memory_space<hbm>> -> memref<10000x128xf32, #tpu.memory_space<hbm>>
    tpu.wait_indirect_dma semaphore(%arg12 : memref<!tpu.dma_semaphore, #tpu.memory_space<semaphore_mem>>) src(%dma_wait3A_54 : memref<10000x128xf32, #tpu.memory_space<hbm>>) dst(%arg10 : memref<100x128xf32, #tpu.memory_space<vmem>>)
    %run_scoped3A_55 = arith.constant 0 : i32
    "tpu.region"() ({
      %run_scoped3A_86 = tpu.sem_alloc : memref<!tpu.dma_semaphore, #tpu.memory_space<semaphore_mem>>
      %dma_start3A_87 = arith.constant 0 : i32
      %dma_start3A_88 = tpu.memref_slice %arg8[%run_scoped3A_55, %dma_start3A_87] : memref<1x100xi32, #tpu.memory_space<vmem>> -> memref<1x100xi32, #tpu.memory_space<vmem>>
      %dma_start3A_89 = tpu.memref_squeeze %dma_start3A_88 : memref<1x100xi32, #tpu.memory_space<vmem>> -> memref<100xi32, #tpu.memory_space<vmem>>
      %dma_start3A_90 = arith.constant 0 : i32
      %dma_start3A_91 = arith.constant 0 : i32
      %dma_start3A_92 = tpu.memref_slice %arg17[%dma_start3A_90, %dma_start3A_91] : memref<10000x128xf32, #tpu.memory_space<vmem_shared>> -> memref<10000x128xf32, #tpu.memory_space<vmem_shared>>
      tpu.enqueue_indirect_dma source(%arg10 : memref<100x128xf32, #tpu.memory_space<vmem>>) target(%dma_start3A_92 : memref<10000x128xf32, #tpu.memory_space<vmem_shared>>) offsets(%dma_start3A_89 : memref<100xi32, #tpu.memory_space<vmem>>) semaphore(%run_scoped3A_86 : memref<!tpu.dma_semaphore, #tpu.memory_space<semaphore_mem>>) {add = true}
      %dma_wait3A_93 = arith.constant 0 : i32
      %dma_wait3A_94 = tpu.memref_slice %arg8[%run_scoped3A_55, %dma_wait3A_93] : memref<1x100xi32, #tpu.memory_space<vmem>> -> memref<1x100xi32, #tpu.memory_space<vmem>>
      %dma_wait3A_95 = tpu.memref_squeeze %dma_wait3A_94 : memref<1x100xi32, #tpu.memory_space<vmem>> -> memref<100xi32, #tpu.memory_space<vmem>>
      %dma_wait3A_96 = arith.constant 0 : i32
      %dma_wait3A_97 = arith.constant 0 : i32
      %dma_wait3A_98 = tpu.memref_slice %arg17[%dma_wait3A_96, %dma_wait3A_97] : memref<10000x128xf32, #tpu.memory_space<vmem_shared>> -> memref<10000x128xf32, #tpu.memory_space<vmem_shared>>
      tpu.wait_indirect_dma semaphore(%run_scoped3A_86 : memref<!tpu.dma_semaphore, #tpu.memory_space<semaphore_mem>>) src(%arg10 : memref<100x128xf32, #tpu.memory_space<vmem>>) dst(%dma_wait3A_98 : memref<10000x128xf32, #tpu.memory_space<vmem_shared>>)
      tpu.yield
    }) : () -> ()
    %dma_wait3A_56 = arith.constant 99 : i32
    %dma_wait3A_57 = arith.constant 0 : i32
    %dma_wait3A_58 = tpu.memref_slice %arg7[%dma_wait3A_56, %dma_wait3A_57] : memref<100x100xi32, #tpu.memory_space<vmem>> -> memref<1x100xi32, #tpu.memory_space<vmem>>
    %dma_wait3A_59 = tpu.memref_squeeze %dma_wait3A_58 : memref<1x100xi32, #tpu.memory_space<vmem>> -> memref<100xi32, #tpu.memory_space<vmem>>
    %dma_wait3A_60 = arith.constant 0 : i32
    %dma_wait3A_61 = arith.constant 0 : i32
    %dma_wait3A_62 = tpu.memref_slice %arg2[%dma_wait3A_60, %dma_wait3A_61] : memref<10000x128xf32, #tpu.memory_space<hbm>> -> memref<10000x128xf32, #tpu.memory_space<hbm>>
    tpu.wait_indirect_dma semaphore(%arg13 : memref<!tpu.dma_semaphore, #tpu.memory_space<semaphore_mem>>) src(%dma_wait3A_62 : memref<10000x128xf32, #tpu.memory_space<hbm>>) dst(%arg11 : memref<100x128xf32, #tpu.memory_space<vmem>>)
    %dma_wait3A_63 = arith.constant 99 : i32
    %dma_wait3A_64 = arith.constant 0 : i32
    %dma_wait3A_65 = arith.constant 0 : i32
    %dma_wait3A_66 = tpu.memref_slice %arg4[%add3A, %dma_wait3A_63, %dma_wait3A_64, %dma_wait3A_65] : memref<32x100x1x100xi32, #tpu.memory_space<hbm>> -> memref<1x1x1x100xi32, #tpu.memory_space<hbm>>
    %dma_wait3A_67 = tpu.memref_squeeze %dma_wait3A_66 : memref<1x1x1x100xi32, #tpu.memory_space<hbm>> -> memref<1x100xi32, #tpu.memory_space<hbm>>
    %dma_wait3A_68 = arith.constant 0 : i32
    %dma_wait3A_69 = arith.constant 0 : i32
    %dma_wait3A_70 = tpu.memref_slice %arg4[%add3A, %dma_wait3A_63, %dma_wait3A_68, %dma_wait3A_69] : memref<32x100x1x100xi32, #tpu.memory_space<hbm>> -> memref<1x1x1x100xi32, #tpu.memory_space<hbm>>
    %dma_wait3A_71 = tpu.memref_squeeze %dma_wait3A_70 : memref<1x1x1x100xi32, #tpu.memory_space<hbm>> -> memref<1x100xi32, #tpu.memory_space<hbm>>
    tpu.wait_dma2 semaphore(%arg15 : memref<!tpu.dma_semaphore, #tpu.memory_space<semaphore_mem>>) src(%dma_wait3A_71 : memref<1x100xi32, #tpu.memory_space<hbm>>) dst(%arg9 : memref<1x100xi32, #tpu.memory_space<vmem>>)
    %run_scoped3A_72 = arith.constant 0 : i32
    "tpu.region"() ({
      %run_scoped3A_86 = tpu.sem_alloc : memref<!tpu.dma_semaphore, #tpu.memory_space<semaphore_mem>>
      %dma_start3A_87 = arith.constant 0 : i32
      %dma_start3A_88 = tpu.memref_slice %arg9[%run_scoped3A_72, %dma_start3A_87] : memref<1x100xi32, #tpu.memory_space<vmem>> -> memref<1x100xi32, #tpu.memory_space<vmem>>
      %dma_start3A_89 = tpu.memref_squeeze %dma_start3A_88 : memref<1x100xi32, #tpu.memory_space<vmem>> -> memref<100xi32, #tpu.memory_space<vmem>>
      %dma_start3A_90 = arith.constant 0 : i32
      %dma_start3A_91 = arith.constant 0 : i32
      %dma_start3A_92 = tpu.memref_slice %arg17[%dma_start3A_90, %dma_start3A_91] : memref<10000x128xf32, #tpu.memory_space<vmem_shared>> -> memref<10000x128xf32, #tpu.memory_space<vmem_shared>>
      tpu.enqueue_indirect_dma source(%arg11 : memref<100x128xf32, #tpu.memory_space<vmem>>) target(%dma_start3A_92 : memref<10000x128xf32, #tpu.memory_space<vmem_shared>>) offsets(%dma_start3A_89 : memref<100xi32, #tpu.memory_space<vmem>>) semaphore(%run_scoped3A_86 : memref<!tpu.dma_semaphore, #tpu.memory_space<semaphore_mem>>) {add = true}
      %dma_wait3A_93 = arith.constant 0 : i32
      %dma_wait3A_94 = tpu.memref_slice %arg9[%run_scoped3A_72, %dma_wait3A_93] : memref<1x100xi32, #tpu.memory_space<vmem>> -> memref<1x100xi32, #tpu.memory_space<vmem>>
      %dma_wait3A_95 = tpu.memref_squeeze %dma_wait3A_94 : memref<1x100xi32, #tpu.memory_space<vmem>> -> memref<100xi32, #tpu.memory_space<vmem>>
      %dma_wait3A_96 = arith.constant 0 : i32
      %dma_wait3A_97 = arith.constant 0 : i32
      %dma_wait3A_98 = tpu.memref_slice %arg17[%dma_wait3A_96, %dma_wait3A_97] : memref<10000x128xf32, #tpu.memory_space<vmem_shared>> -> memref<10000x128xf32, #tpu.memory_space<vmem_shared>>
      tpu.wait_indirect_dma semaphore(%run_scoped3A_86 : memref<!tpu.dma_semaphore, #tpu.memory_space<semaphore_mem>>) src(%arg11 : memref<100x128xf32, #tpu.memory_space<vmem>>) dst(%dma_wait3A_98 : memref<10000x128xf32, #tpu.memory_space<vmem_shared>>)
      tpu.yield
    }) : () -> ()
    %barrier3A_73 = arith.constant 0 : index
    tpu.barrier barrier_id(%barrier3A_73)
    %mul3A_74 = arith.constant 624 : i32
    %mul3A_75 = arith.muli %arg1, %mul3A_74 : i32
    %mul3A_76 = arith.constant 624 : i32
    %mul3A_77 = arith.muli %arg1, %mul3A_76 : i32
    %mul3A_78 = arith.constant 10000 : i32
    %mul3A_79 = arith.muli %arg0, %mul3A_78 : i32
    %add3A_80 = arith.addi %mul3A_79, %mul3A_77 : i32
    "tpu.region"() ({
      %run_scoped3A_86 = tpu.sem_alloc : memref<!tpu.dma_semaphore, #tpu.memory_space<semaphore_mem>>
      %dma_start3A_87 = arith.constant 0 : i32
      %dma_start3A_88 = tpu.memref_slice %arg6[%add3A_80, %dma_start3A_87] : memref<20000x128xf32, #tpu.memory_space<hbm>> -> memref<624x128xf32, #tpu.memory_space<hbm>>
      %dma_start3A_89 = arith.constant 0 : i32
      %dma_start3A_90 = tpu.memref_slice %arg17[%mul3A_75, %dma_start3A_89] : memref<10000x128xf32, #tpu.memory_space<vmem_shared>> -> memref<624x128xf32, #tpu.memory_space<vmem_shared>>
      tpu.enqueue_dma source(%dma_start3A_90 : memref<624x128xf32, #tpu.memory_space<vmem_shared>>) target(%dma_start3A_88 : memref<624x128xf32, #tpu.memory_space<hbm>>) target_semaphore(%run_scoped3A_86 : memref<!tpu.dma_semaphore, #tpu.memory_space<semaphore_mem>>)
      %dma_wait3A_91 = arith.constant 0 : i32
      %dma_wait3A_92 = tpu.memref_slice %arg6[%add3A_80, %dma_wait3A_91] : memref<20000x128xf32, #tpu.memory_space<hbm>> -> memref<624x128xf32, #tpu.memory_space<hbm>>
      %dma_wait3A_93 = arith.constant 0 : i32
      %dma_wait3A_94 = tpu.memref_slice %arg17[%mul3A_75, %dma_wait3A_93] : memref<10000x128xf32, #tpu.memory_space<vmem_shared>> -> memref<624x128xf32, #tpu.memory_space<vmem_shared>>
      tpu.wait_dma2 semaphore(%run_scoped3A_86 : memref<!tpu.dma_semaphore, #tpu.memory_space<semaphore_mem>>) src(%dma_wait3A_94 : memref<624x128xf32, #tpu.memory_space<vmem_shared>>) dst(%dma_wait3A_92 : memref<624x128xf32, #tpu.memory_space<hbm>>)
      tpu.yield
    }) : () -> ()
    %eq3A_81 = arith.constant 15 : i32
    %eq3A_82 = arith.cmpi eq, %arg1, %eq3A_81 : i32
    %convert_element_type3A_83 = arith.extui %eq3A_82 : i1 to i32
    %cond3A_84 = arith.constant 0 : i32
    %cond3A_85 = arith.cmpi ne, %convert_element_type3A_83, %cond3A_84 : i32
    scf.if %cond3A_85 {
      %mul3A_86 = arith.constant 10000 : i32
      %mul3A_87 = arith.muli %arg0, %mul3A_86 : i32
      %add3A_88 = arith.constant 9984 : i32
      %add3A_89 = arith.addi %mul3A_87, %add3A_88 : i32
      "tpu.region"() ({
        %run_scoped3A_90 = tpu.sem_alloc : memref<!tpu.dma_semaphore, #tpu.memory_space<semaphore_mem>>
        %dma_start3A_91 = arith.constant 0 : i32
        %dma_start3A_92 = tpu.memref_slice %arg6[%add3A_89, %dma_start3A_91] : memref<20000x128xf32, #tpu.memory_space<hbm>> -> memref<16x128xf32, #tpu.memory_space<hbm>>
        %dma_start3A_93 = arith.constant 9984 : i32
        %dma_start3A_94 = arith.constant 0 : i32
        %dma_start3A_95 = tpu.memref_slice %arg17[%dma_start3A_93, %dma_start3A_94] : memref<10000x128xf32, #tpu.memory_space<vmem_shared>> -> memref<16x128xf32, #tpu.memory_space<vmem_shared>>
        tpu.enqueue_dma source(%dma_start3A_95 : memref<16x128xf32, #tpu.memory_space<vmem_shared>>) target(%dma_start3A_92 : memref<16x128xf32, #tpu.memory_space<hbm>>) target_semaphore(%run_scoped3A_90 : memref<!tpu.dma_semaphore, #tpu.memory_space<semaphore_mem>>)
        %dma_wait3A_96 = arith.constant 0 : i32
        %dma_wait3A_97 = tpu.memref_slice %arg6[%add3A_89, %dma_wait3A_96] : memref<20000x128xf32, #tpu.memory_space<hbm>> -> memref<16x128xf32, #tpu.memory_space<hbm>>
        %dma_wait3A_98 = arith.constant 9984 : i32
        %dma_wait3A_99 = arith.constant 0 : i32
        %dma_wait3A_100 = tpu.memref_slice %arg17[%dma_wait3A_98, %dma_wait3A_99] : memref<10000x128xf32, #tpu.memory_space<vmem_shared>> -> memref<16x128xf32, #tpu.memory_space<vmem_shared>>
        tpu.wait_dma2 semaphore(%run_scoped3A_90 : memref<!tpu.dma_semaphore, #tpu.memory_space<semaphore_mem>>) src(%dma_wait3A_100 : memref<16x128xf32, #tpu.memory_space<vmem_shared>>) dst(%dma_wait3A_97 : memref<16x128xf32, #tpu.memory_space<hbm>>)
        tpu.yield
      }) : () -> ()
    } else {
    }
    return
  }
}

module attributes {stable_mosaic.version = 14 : i64} {
  func.func @_layer1_body(%arg0: i32, %arg1: memref<1000x128xf32, #tpu.memory_space<vmem>>, %arg2: memref<1000x128xf32, #tpu.memory_space<vmem>>, %arg3: memref<1000x128xf32, #tpu.memory_space<vmem>>, %arg4: memref<1000x128xf32, #tpu.memory_space<vmem>>, %arg5: memref<1000x128xf32, #tpu.memory_space<vmem>>, %arg6: memref<128x128xf32, #tpu.memory_space<vmem>>, %arg7: memref<1x128xf32, #tpu.memory_space<vmem>>, %arg8: memref<128x128xf32, #tpu.memory_space<vmem>>, %arg9: memref<1000x128xf32, #tpu.memory_space<vmem>>, %arg10: memref<1000x16xf32, #tpu.memory_space<vmem>>) attributes {dimension_semantics = [#tpu.dimension_semantics<arbitrary>], iteration_bounds = array<i64: 10>, scalar_prefetch = 0 : i64, scratch_operands = 0 : i64, tpu.core_type = #tpu.core_type<tc>, window_params = [{transform_indices = @transform_0, window_bounds = array<i64: 1000, 128>}, {transform_indices = @transform_1, window_bounds = array<i64: 1000, 128>}, {transform_indices = @transform_2, window_bounds = array<i64: 1000, 128>}, {transform_indices = @transform_3, window_bounds = array<i64: 1000, 128>}, {transform_indices = @transform_4, window_bounds = array<i64: 1000, 128>}, {pipeline_mode = #tpu.pipeline_mode<synchronous>, transform_indices = @transform_5, window_bounds = array<i64: 128, 128>}, {pipeline_mode = #tpu.pipeline_mode<synchronous>, transform_indices = @transform_6, window_bounds = array<i64: 1, 128>}, {pipeline_mode = #tpu.pipeline_mode<synchronous>, transform_indices = @transform_7, window_bounds = array<i64: 128, 128>}, {transform_indices = @transform_8, window_bounds = array<i64: 1000, 128>}, {transform_indices = @transform_9, window_bounds = array<i64: 1000, 16>}]} {
    %get3A = arith.constant 0 : index
    %get3A_0 = arith.constant 0 : index
    %get3A_1 = vector.load %arg4[%get3A, %get3A_0] : memref<1000x128xf32, #tpu.memory_space<vmem>>, vector<1000x1xf32>
    %get3A_2 = arith.constant 0 : index
    %get3A_3 = arith.constant 0 : index
    %get3A_4 = vector.load %arg5[%get3A_2, %get3A_3] : memref<1000x128xf32, #tpu.memory_space<vmem>>, vector<1000x1xf32>
    %add3A = arith.addf %get3A_1, %get3A_4 : vector<1000x1xf32>
    %max3A = arith.constant 1.000000e+00 : f32
    %max3A_5 = vector.broadcast %max3A : f32 to vector<1000x1xf32>
    %max3A_6 = arith.maximumf %add3A, %max3A_5 : vector<1000x1xf32>
    %div3A = arith.constant 1.000000e+00 : f32
    %div3A_7 = vector.broadcast %div3A : f32 to vector<1000x1xf32>
    %div3A_8 = arith.divf %div3A_7, %max3A_6 : vector<1000x1xf32>
    %broadcast_in_dim3A = vector.shape_cast %div3A_8 : vector<1000x1xf32> to vector<1000x1xf32>
    %broadcast_in_dim3A_9 = vector.broadcast %broadcast_in_dim3A : vector<1000x1xf32> to vector<1000x16xf32>
    %swap3A = arith.constant 0 : index
    %swap3A_10 = arith.constant 0 : index
    %swap3A_11 = vector.load %arg10[%swap3A, %swap3A_10] : memref<1000x16xf32, #tpu.memory_space<vmem>>, vector<1000x16xf32>
    tpu.vector_store %arg10[%swap3A, %swap3A_10], %broadcast_in_dim3A_9 {strides = array<i32>} : memref<1000x16xf32, #tpu.memory_space<vmem>>, vector<1000x16xf32>,
    %get3A_12 = arith.constant 0 : index
    %get3A_13 = arith.constant 0 : index
    %get3A_14 = vector.load %arg2[%get3A_12, %get3A_13] : memref<1000x128xf32, #tpu.memory_space<vmem>>, vector<1000x128xf32>
    %get3A_15 = arith.constant 0 : index
    %get3A_16 = arith.constant 0 : index
    %get3A_17 = vector.load %arg3[%get3A_15, %get3A_16] : memref<1000x128xf32, #tpu.memory_space<vmem>>, vector<1000x128xf32>
    %add3A_18 = arith.addf %get3A_14, %get3A_17 : vector<1000x128xf32>
    %mul3A = vector.broadcast %div3A_8 : vector<1000x1xf32> to vector<1000x128xf32>
    %mul3A_19 = arith.mulf %add3A_18, %mul3A : vector<1000x128xf32>
    %get3A_20 = arith.constant 0 : index
    %get3A_21 = arith.constant 0 : index
    %get3A_22 = vector.load %arg6[%get3A_20, %get3A_21] : memref<128x128xf32, #tpu.memory_space<vmem>>, vector<128x128xf32>
    %dot_general3A = arith.constant dense<0.000000e+00> : vector<1000x128xf32>
    %dot_general3A_23 = tpu.matmul %mul3A_19, %get3A_22, %dot_general3A {dimension_numbers = #tpu.dot_dimension_numbers<[1], [1], [0], [0], [0, 0, 1, 0], [], []>, transpose_lhs_hint = false} : vector<1000x128xf32>, vector<128x128xf32>, vector<1000x128xf32> -> vector<1000x128xf32>
    %get3A_24 = arith.constant 0 : index
    %get3A_25 = arith.constant 0 : index
    %get3A_26 = vector.load %arg1[%get3A_24, %get3A_25] : memref<1000x128xf32, #tpu.memory_space<vmem>>, vector<1000x128xf32>
    %get3A_27 = arith.constant 0 : index
    %get3A_28 = arith.constant 0 : index
    %get3A_29 = vector.load %arg8[%get3A_27, %get3A_28] : memref<128x128xf32, #tpu.memory_space<vmem>>, vector<128x128xf32>
    %dot_general3A_30 = arith.constant dense<0.000000e+00> : vector<1000x128xf32>
    %dot_general3A_31 = tpu.matmul %get3A_26, %get3A_29, %dot_general3A_30 {dimension_numbers = #tpu.dot_dimension_numbers<[1], [1], [0], [0], [0, 0, 1, 0], [], []>, transpose_lhs_hint = false} : vector<1000x128xf32>, vector<128x128xf32>, vector<1000x128xf32> -> vector<1000x128xf32>
    %add3A_32 = arith.addf %dot_general3A_23, %dot_general3A_31 : vector<1000x128xf32>
    %get3A_33 = arith.constant 0 : index
    %get3A_34 = arith.constant 0 : index
    %get3A_35 = vector.load %arg7[%get3A_33, %get3A_34] : memref<1x128xf32, #tpu.memory_space<vmem>>, vector<1x128xf32>
    %add3A_36 = vector.broadcast %get3A_35 : vector<1x128xf32> to vector<1000x128xf32>
    %add3A_37 = arith.addf %add3A_32, %add3A_36 : vector<1000x128xf32>
    %max3A_38 = arith.constant 0.000000e+00 : f32
    %max3A_39 = vector.broadcast %max3A_38 : f32 to vector<1000x128xf32>
    %max3A_40 = arith.maximumf %add3A_37, %max3A_39 : vector<1000x128xf32>
    %swap3A_41 = arith.constant 0 : index
    %swap3A_42 = arith.constant 0 : index
    %swap3A_43 = vector.load %arg9[%swap3A_41, %swap3A_42] : memref<1000x128xf32, #tpu.memory_space<vmem>>, vector<1000x128xf32>
    tpu.vector_store %arg9[%swap3A_41, %swap3A_42], %max3A_40 {strides = array<i32>} : memref<1000x128xf32, #tpu.memory_space<vmem>>, vector<1000x128xf32>,
    return
  }
  func.func @transform_0(%arg0: i32) -> (i32, i32) {
    %c0_i32 = arith.constant 0 : i32
    %c0_i32_0 = arith.constant 0 : i32
    return %arg0, %c0_i32 : i32, i32
  }
  func.func @transform_1(%arg0: i32) -> (i32, i32) {
    %add3A = arith.constant 0 : i32
    %add3A_0 = arith.addi %arg0, %add3A : i32
    %c0_i32 = arith.constant 0 : i32
    %c0_i32_1 = arith.constant 0 : i32
    return %add3A_0, %c0_i32 : i32, i32
  }
  func.func @transform_2(%arg0: i32) -> (i32, i32) {
    %add3A = arith.constant 10 : i32
    %add3A_0 = arith.addi %arg0, %add3A : i32
    %c0_i32 = arith.constant 0 : i32
    %c0_i32_1 = arith.constant 0 : i32
    return %add3A_0, %c0_i32 : i32, i32
  }
  func.func @transform_3(%arg0: i32) -> (i32, i32) {
    %add3A = arith.constant 0 : i32
    %add3A_0 = arith.addi %arg0, %add3A : i32
    %c0_i32 = arith.constant 0 : i32
    %c0_i32_1 = arith.constant 0 : i32
    return %add3A_0, %c0_i32 : i32, i32
  }
  func.func @transform_4(%arg0: i32) -> (i32, i32) {
    %add3A = arith.constant 10 : i32
    %add3A_0 = arith.addi %arg0, %add3A : i32
    %c0_i32 = arith.constant 0 : i32
    %c0_i32_1 = arith.constant 0 : i32
    return %add3A_0, %c0_i32 : i32, i32
  }
  func.func @transform_5(%arg0: i32) -> (i32, i32) {
    %c0_i32 = arith.constant 0 : i32
    %c0_i32_0 = arith.constant 0 : i32
    %c0_i32_1 = arith.constant 0 : i32
    return %c0_i32, %c0_i32_0 : i32, i32
  }
  func.func @transform_6(%arg0: i32) -> (i32, i32) {
    %c0_i32 = arith.constant 0 : i32
    %c0_i32_0 = arith.constant 0 : i32
    %c0_i32_1 = arith.constant 0 : i32
    return %c0_i32, %c0_i32_0 : i32, i32
  }
  func.func @transform_7(%arg0: i32) -> (i32, i32) {
    %c0_i32 = arith.constant 0 : i32
    %c0_i32_0 = arith.constant 0 : i32
    %c0_i32_1 = arith.constant 0 : i32
    return %c0_i32, %c0_i32_0 : i32, i32
  }
  func.func @transform_8(%arg0: i32) -> (i32, i32) {
    %c0_i32 = arith.constant 0 : i32
    %c0_i32_0 = arith.constant 0 : i32
    return %arg0, %c0_i32 : i32, i32
  }
  func.func @transform_9(%arg0: i32) -> (i32, i32) {
    %c0_i32 = arith.constant 0 : i32
    %c0_i32_0 = arith.constant 0 : i32
    return %arg0, %c0_i32 : i32, i32
  }
}

module attributes {stable_mosaic.version = 14 : i64} {
  func.func @_layerN_body(%arg0: i32, %arg1: memref<1000x128xf32, #tpu.memory_space<vmem>>, %arg2: memref<1000x128xf32, #tpu.memory_space<vmem>>, %arg3: memref<1000x128xf32, #tpu.memory_space<vmem>>, %arg4: memref<1000x16xf32, #tpu.memory_space<vmem>>, %arg5: memref<128x128xf32, #tpu.memory_space<vmem>>, %arg6: memref<1x128xf32, #tpu.memory_space<vmem>>, %arg7: memref<128x128xf32, #tpu.memory_space<vmem>>, %arg8: memref<1000x128xf32, #tpu.memory_space<vmem>>) attributes {dimension_semantics = [#tpu.dimension_semantics<arbitrary>], iteration_bounds = array<i64: 10>, scalar_prefetch = 0 : i64, scratch_operands = 0 : i64, tpu.core_type = #tpu.core_type<tc>, window_params = [{transform_indices = @transform_0, window_bounds = array<i64: 1000, 128>}, {transform_indices = @transform_1, window_bounds = array<i64: 1000, 128>}, {transform_indices = @transform_2, window_bounds = array<i64: 1000, 128>}, {transform_indices = @transform_3, window_bounds = array<i64: 1000, 16>}, {pipeline_mode = #tpu.pipeline_mode<synchronous>, transform_indices = @transform_4, window_bounds = array<i64: 128, 128>}, {pipeline_mode = #tpu.pipeline_mode<synchronous>, transform_indices = @transform_5, window_bounds = array<i64: 1, 128>}, {pipeline_mode = #tpu.pipeline_mode<synchronous>, transform_indices = @transform_6, window_bounds = array<i64: 128, 128>}, {transform_indices = @transform_7, window_bounds = array<i64: 1000, 128>}]} {
    %get3A = arith.constant 0 : index
    %get3A_0 = arith.constant 0 : index
    %get3A_1 = vector.load %arg4[%get3A, %get3A_0] : memref<1000x16xf32, #tpu.memory_space<vmem>>, vector<1000x1xf32>
    %get3A_2 = arith.constant 0 : index
    %get3A_3 = arith.constant 0 : index
    %get3A_4 = vector.load %arg2[%get3A_2, %get3A_3] : memref<1000x128xf32, #tpu.memory_space<vmem>>, vector<1000x128xf32>
    %get3A_5 = arith.constant 0 : index
    %get3A_6 = arith.constant 0 : index
    %get3A_7 = vector.load %arg3[%get3A_5, %get3A_6] : memref<1000x128xf32, #tpu.memory_space<vmem>>, vector<1000x128xf32>
    %add3A = arith.addf %get3A_4, %get3A_7 : vector<1000x128xf32>
    %mul3A = vector.broadcast %get3A_1 : vector<1000x1xf32> to vector<1000x128xf32>
    %mul3A_8 = arith.mulf %add3A, %mul3A : vector<1000x128xf32>
    %get3A_9 = arith.constant 0 : index
    %get3A_10 = arith.constant 0 : index
    %get3A_11 = vector.load %arg5[%get3A_9, %get3A_10] : memref<128x128xf32, #tpu.memory_space<vmem>>, vector<128x128xf32>
    %dot_general3A = arith.constant dense<0.000000e+00> : vector<1000x128xf32>
    %dot_general3A_12 = tpu.matmul %mul3A_8, %get3A_11, %dot_general3A {dimension_numbers = #tpu.dot_dimension_numbers<[1], [1], [0], [0], [0, 0, 1, 0], [], []>, transpose_lhs_hint = false} : vector<1000x128xf32>, vector<128x128xf32>, vector<1000x128xf32> -> vector<1000x128xf32>
    %get3A_13 = arith.constant 0 : index
    %get3A_14 = arith.constant 0 : index
    %get3A_15 = vector.load %arg1[%get3A_13, %get3A_14] : memref<1000x128xf32, #tpu.memory_space<vmem>>, vector<1000x128xf32>
    %get3A_16 = arith.constant 0 : index
    %get3A_17 = arith.constant 0 : index
    %get3A_18 = vector.load %arg7[%get3A_16, %get3A_17] : memref<128x128xf32, #tpu.memory_space<vmem>>, vector<128x128xf32>
    %dot_general3A_19 = arith.constant dense<0.000000e+00> : vector<1000x128xf32>
    %dot_general3A_20 = tpu.matmul %get3A_15, %get3A_18, %dot_general3A_19 {dimension_numbers = #tpu.dot_dimension_numbers<[1], [1], [0], [0], [0, 0, 1, 0], [], []>, transpose_lhs_hint = false} : vector<1000x128xf32>, vector<128x128xf32>, vector<1000x128xf32> -> vector<1000x128xf32>
    %add3A_21 = arith.addf %dot_general3A_12, %dot_general3A_20 : vector<1000x128xf32>
    %get3A_22 = arith.constant 0 : index
    %get3A_23 = arith.constant 0 : index
    %get3A_24 = vector.load %arg6[%get3A_22, %get3A_23] : memref<1x128xf32, #tpu.memory_space<vmem>>, vector<1x128xf32>
    %add3A_25 = vector.broadcast %get3A_24 : vector<1x128xf32> to vector<1000x128xf32>
    %add3A_26 = arith.addf %add3A_21, %add3A_25 : vector<1000x128xf32>
    %max3A = arith.constant 0.000000e+00 : f32
    %max3A_27 = vector.broadcast %max3A : f32 to vector<1000x128xf32>
    %max3A_28 = arith.maximumf %add3A_26, %max3A_27 : vector<1000x128xf32>
    %swap3A = arith.constant 0 : index
    %swap3A_29 = arith.constant 0 : index
    %swap3A_30 = vector.load %arg8[%swap3A, %swap3A_29] : memref<1000x128xf32, #tpu.memory_space<vmem>>, vector<1000x128xf32>
    tpu.vector_store %arg8[%swap3A, %swap3A_29], %max3A_28 {strides = array<i32>} : memref<1000x128xf32, #tpu.memory_space<vmem>>, vector<1000x128xf32>,
    return
  }
  func.func @transform_0(%arg0: i32) -> (i32, i32) {
    %c0_i32 = arith.constant 0 : i32
    %c0_i32_0 = arith.constant 0 : i32
    return %arg0, %c0_i32 : i32, i32
  }
  func.func @transform_1(%arg0: i32) -> (i32, i32) {
    %add3A = arith.constant 0 : i32
    %add3A_0 = arith.addi %arg0, %add3A : i32
    %c0_i32 = arith.constant 0 : i32
    %c0_i32_1 = arith.constant 0 : i32
    return %add3A_0, %c0_i32 : i32, i32
  }
  func.func @transform_2(%arg0: i32) -> (i32, i32) {
    %add3A = arith.constant 10 : i32
    %add3A_0 = arith.addi %arg0, %add3A : i32
    %c0_i32 = arith.constant 0 : i32
    %c0_i32_1 = arith.constant 0 : i32
    return %add3A_0, %c0_i32 : i32, i32
  }
  func.func @transform_3(%arg0: i32) -> (i32, i32) {
    %c0_i32 = arith.constant 0 : i32
    %c0_i32_0 = arith.constant 0 : i32
    return %arg0, %c0_i32 : i32, i32
  }
  func.func @transform_4(%arg0: i32) -> (i32, i32) {
    %c0_i32 = arith.constant 0 : i32
    %c0_i32_0 = arith.constant 0 : i32
    %c0_i32_1 = arith.constant 0 : i32
    return %c0_i32, %c0_i32_0 : i32, i32
  }
  func.func @transform_5(%arg0: i32) -> (i32, i32) {
    %c0_i32 = arith.constant 0 : i32
    %c0_i32_0 = arith.constant 0 : i32
    %c0_i32_1 = arith.constant 0 : i32
    return %c0_i32, %c0_i32_0 : i32, i32
  }
  func.func @transform_6(%arg0: i32) -> (i32, i32) {
    %c0_i32 = arith.constant 0 : i32
    %c0_i32_0 = arith.constant 0 : i32
    %c0_i32_1 = arith.constant 0 : i32
    return %c0_i32, %c0_i32_0 : i32, i32
  }
  func.func @transform_7(%arg0: i32) -> (i32, i32) {
    %c0_i32 = arith.constant 0 : i32
    %c0_i32_0 = arith.constant 0 : i32
    return %arg0, %c0_i32 : i32, i32
  }
}

module attributes {stable_mosaic.version = 14 : i64} {
  func.func @_layerN_body(%arg0: i32, %arg1: memref<1000x128xf32, #tpu.memory_space<vmem>>, %arg2: memref<1000x128xf32, #tpu.memory_space<vmem>>, %arg3: memref<1000x128xf32, #tpu.memory_space<vmem>>, %arg4: memref<1000x16xf32, #tpu.memory_space<vmem>>, %arg5: memref<128x128xf32, #tpu.memory_space<vmem>>, %arg6: memref<1x128xf32, #tpu.memory_space<vmem>>, %arg7: memref<128x128xf32, #tpu.memory_space<vmem>>, %arg8: memref<1000x128xf32, #tpu.memory_space<vmem>>) attributes {dimension_semantics = [#tpu.dimension_semantics<arbitrary>], iteration_bounds = array<i64: 10>, scalar_prefetch = 0 : i64, scratch_operands = 0 : i64, tpu.core_type = #tpu.core_type<tc>, window_params = [{transform_indices = @transform_0, window_bounds = array<i64: 1000, 128>}, {transform_indices = @transform_1, window_bounds = array<i64: 1000, 128>}, {transform_indices = @transform_2, window_bounds = array<i64: 1000, 128>}, {transform_indices = @transform_3, window_bounds = array<i64: 1000, 16>}, {pipeline_mode = #tpu.pipeline_mode<synchronous>, transform_indices = @transform_4, window_bounds = array<i64: 128, 128>}, {pipeline_mode = #tpu.pipeline_mode<synchronous>, transform_indices = @transform_5, window_bounds = array<i64: 1, 128>}, {pipeline_mode = #tpu.pipeline_mode<synchronous>, transform_indices = @transform_6, window_bounds = array<i64: 128, 128>}, {transform_indices = @transform_7, window_bounds = array<i64: 1000, 128>}]} {
    %get3A = arith.constant 0 : index
    %get3A_0 = arith.constant 0 : index
    %get3A_1 = vector.load %arg4[%get3A, %get3A_0] : memref<1000x16xf32, #tpu.memory_space<vmem>>, vector<1000x1xf32>
    %get3A_2 = arith.constant 0 : index
    %get3A_3 = arith.constant 0 : index
    %get3A_4 = vector.load %arg2[%get3A_2, %get3A_3] : memref<1000x128xf32, #tpu.memory_space<vmem>>, vector<1000x128xf32>
    %get3A_5 = arith.constant 0 : index
    %get3A_6 = arith.constant 0 : index
    %get3A_7 = vector.load %arg3[%get3A_5, %get3A_6] : memref<1000x128xf32, #tpu.memory_space<vmem>>, vector<1000x128xf32>
    %add3A = arith.addf %get3A_4, %get3A_7 : vector<1000x128xf32>
    %mul3A = vector.broadcast %get3A_1 : vector<1000x1xf32> to vector<1000x128xf32>
    %mul3A_8 = arith.mulf %add3A, %mul3A : vector<1000x128xf32>
    %get3A_9 = arith.constant 0 : index
    %get3A_10 = arith.constant 0 : index
    %get3A_11 = vector.load %arg5[%get3A_9, %get3A_10] : memref<128x128xf32, #tpu.memory_space<vmem>>, vector<128x128xf32>
    %dot_general3A = arith.constant dense<0.000000e+00> : vector<1000x128xf32>
    %dot_general3A_12 = tpu.matmul %mul3A_8, %get3A_11, %dot_general3A {dimension_numbers = #tpu.dot_dimension_numbers<[1], [1], [0], [0], [0, 0, 1, 0], [], []>, transpose_lhs_hint = false} : vector<1000x128xf32>, vector<128x128xf32>, vector<1000x128xf32> -> vector<1000x128xf32>
    %get3A_13 = arith.constant 0 : index
    %get3A_14 = arith.constant 0 : index
    %get3A_15 = vector.load %arg1[%get3A_13, %get3A_14] : memref<1000x128xf32, #tpu.memory_space<vmem>>, vector<1000x128xf32>
    %get3A_16 = arith.constant 0 : index
    %get3A_17 = arith.constant 0 : index
    %get3A_18 = vector.load %arg7[%get3A_16, %get3A_17] : memref<128x128xf32, #tpu.memory_space<vmem>>, vector<128x128xf32>
    %dot_general3A_19 = arith.constant dense<0.000000e+00> : vector<1000x128xf32>
    %dot_general3A_20 = tpu.matmul %get3A_15, %get3A_18, %dot_general3A_19 {dimension_numbers = #tpu.dot_dimension_numbers<[1], [1], [0], [0], [0, 0, 1, 0], [], []>, transpose_lhs_hint = false} : vector<1000x128xf32>, vector<128x128xf32>, vector<1000x128xf32> -> vector<1000x128xf32>
    %add3A_21 = arith.addf %dot_general3A_12, %dot_general3A_20 : vector<1000x128xf32>
    %get3A_22 = arith.constant 0 : index
    %get3A_23 = arith.constant 0 : index
    %get3A_24 = vector.load %arg6[%get3A_22, %get3A_23] : memref<1x128xf32, #tpu.memory_space<vmem>>, vector<1x128xf32>
    %add3A_25 = vector.broadcast %get3A_24 : vector<1x128xf32> to vector<1000x128xf32>
    %add3A_26 = arith.addf %add3A_21, %add3A_25 : vector<1000x128xf32>
    %swap3A = arith.constant 0 : index
    %swap3A_27 = arith.constant 0 : index
    %swap3A_28 = vector.load %arg8[%swap3A, %swap3A_27] : memref<1000x128xf32, #tpu.memory_space<vmem>>, vector<1000x128xf32>
    tpu.vector_store %arg8[%swap3A, %swap3A_27], %add3A_26 {strides = array<i32>} : memref<1000x128xf32, #tpu.memory_space<vmem>>, vector<1000x128xf32>,
    return
  }
  func.func @transform_0(%arg0: i32) -> (i32, i32) {
    %c0_i32 = arith.constant 0 : i32
    %c0_i32_0 = arith.constant 0 : i32
    return %arg0, %c0_i32 : i32, i32
  }
  func.func @transform_1(%arg0: i32) -> (i32, i32) {
    %add3A = arith.constant 0 : i32
    %add3A_0 = arith.addi %arg0, %add3A : i32
    %c0_i32 = arith.constant 0 : i32
    %c0_i32_1 = arith.constant 0 : i32
    return %add3A_0, %c0_i32 : i32, i32
  }
  func.func @transform_2(%arg0: i32) -> (i32, i32) {
    %add3A = arith.constant 10 : i32
    %add3A_0 = arith.addi %arg0, %add3A : i32
    %c0_i32 = arith.constant 0 : i32
    %c0_i32_1 = arith.constant 0 : i32
    return %add3A_0, %c0_i32 : i32, i32
  }
  func.func @transform_3(%arg0: i32) -> (i32, i32) {
    %c0_i32 = arith.constant 0 : i32
    %c0_i32_0 = arith.constant 0 : i32
    return %arg0, %c0_i32 : i32, i32
  }
  func.func @transform_4(%arg0: i32) -> (i32, i32) {
    %c0_i32 = arith.constant 0 : i32
    %c0_i32_0 = arith.constant 0 : i32
    %c0_i32_1 = arith.constant 0 : i32
    return %c0_i32, %c0_i32_0 : i32, i32
  }
  func.func @transform_5(%arg0: i32) -> (i32, i32) {
    %c0_i32 = arith.constant 0 : i32
    %c0_i32_0 = arith.constant 0 : i32
    %c0_i32_1 = arith.constant 0 : i32
    return %c0_i32, %c0_i32_0 : i32, i32
  }
  func.func @transform_6(%arg0: i32) -> (i32, i32) {
    %c0_i32 = arith.constant 0 : i32
    %c0_i32_0 = arith.constant 0 : i32
    %c0_i32_1 = arith.constant 0 : i32
    return %c0_i32, %c0_i32_0 : i32, i32
  }
  func.func @transform_7(%arg0: i32) -> (i32, i32) {
    %c0_i32 = arith.constant 0 : i32
    %c0_i32_0 = arith.constant 0 : i32
    return %arg0, %c0_i32 : i32, i32
  }
}

module attributes {stable_mosaic.version = 14 : i64} {
  func.func @_heads_body(%arg0: i32, %arg1: memref<1000x128xf32, #tpu.memory_space<vmem>>, %arg2: memref<64x128xf32, #tpu.memory_space<vmem>>, %arg3: memref<1x64xf32, #tpu.memory_space<vmem>>, %arg4: memref<64x64xf32, #tpu.memory_space<vmem>>, %arg5: memref<1x64xf32, #tpu.memory_space<vmem>>, %arg6: memref<64x128xf32, #tpu.memory_space<vmem>>, %arg7: memref<64x64xf32, #tpu.memory_space<vmem>>, %arg8: memref<1x64xf32, #tpu.memory_space<vmem>>, %arg9: memref<1x64xf32, #tpu.memory_space<vmem>>, %arg10: memref<1x1xf32, #tpu.memory_space<vmem>>, %arg11: memref<1000x128xf32, #tpu.memory_space<vmem>>, %arg12: memref<1000x64xf32, #tpu.memory_space<vmem>>, %arg13: memref<1000x1xf32, #tpu.memory_space<vmem>>) attributes {dimension_semantics = [#tpu.dimension_semantics<arbitrary>], iteration_bounds = array<i64: 20>, scalar_prefetch = 0 : i64, scratch_operands = 0 : i64, tpu.core_type = #tpu.core_type<tc>, window_params = [{transform_indices = @transform_0, window_bounds = array<i64: 1000, 128>}, {pipeline_mode = #tpu.pipeline_mode<synchronous>, transform_indices = @transform_1, window_bounds = array<i64: 64, 128>}, {pipeline_mode = #tpu.pipeline_mode<synchronous>, transform_indices = @transform_2, window_bounds = array<i64: 1, 64>}, {pipeline_mode = #tpu.pipeline_mode<synchronous>, transform_indices = @transform_3, window_bounds = array<i64: 64, 64>}, {pipeline_mode = #tpu.pipeline_mode<synchronous>, transform_indices = @transform_4, window_bounds = array<i64: 1, 64>}, {pipeline_mode = #tpu.pipeline_mode<synchronous>, transform_indices = @transform_5, window_bounds = array<i64: 64, 128>}, {pipeline_mode = #tpu.pipeline_mode<synchronous>, transform_indices = @transform_6, window_bounds = array<i64: 64, 64>}, {pipeline_mode = #tpu.pipeline_mode<synchronous>, transform_indices = @transform_7, window_bounds = array<i64: 1, 64>}, {pipeline_mode = #tpu.pipeline_mode<synchronous>, transform_indices = @transform_8, window_bounds = array<i64: 1, 64>}, {pipeline_mode = #tpu.pipeline_mode<synchronous>, transform_indices = @transform_9, window_bounds = array<i64: 1, 1>}, {transform_indices = @transform_10, window_bounds = array<i64: 1000, 128>}, {transform_indices = @transform_11, window_bounds = array<i64: 1000, 64>}, {transform_indices = @transform_12, window_bounds = array<i64: 1000, 1>}]} {
    %get3A = arith.constant 0 : index
    %get3A_0 = arith.constant 0 : index
    %get3A_1 = vector.load %arg1[%get3A, %get3A_0] : memref<1000x128xf32, #tpu.memory_space<vmem>>, vector<1000x128xf32>
    %get3A_2 = arith.constant 0 : index
    %get3A_3 = arith.constant 0 : index
    %get3A_4 = vector.load %arg2[%get3A_2, %get3A_3] : memref<64x128xf32, #tpu.memory_space<vmem>>, vector<64x128xf32>
    %dot_general3A = arith.constant dense<0.000000e+00> : vector<1000x64xf32>
    %dot_general3A_5 = tpu.matmul %get3A_1, %get3A_4, %dot_general3A {dimension_numbers = #tpu.dot_dimension_numbers<[1], [1], [0], [0], [0, 0, 1, 0], [], []>, transpose_lhs_hint = false} : vector<1000x128xf32>, vector<64x128xf32>, vector<1000x64xf32> -> vector<1000x64xf32>
    %get3A_6 = arith.constant 0 : index
    %get3A_7 = arith.constant 0 : index
    %get3A_8 = vector.load %arg3[%get3A_6, %get3A_7] : memref<1x64xf32, #tpu.memory_space<vmem>>, vector<1x64xf32>
    %add3A = vector.broadcast %get3A_8 : vector<1x64xf32> to vector<1000x64xf32>
    %add3A_9 = arith.addf %dot_general3A_5, %add3A : vector<1000x64xf32>
    %max3A = arith.constant 0.000000e+00 : f32
    %max3A_10 = vector.broadcast %max3A : f32 to vector<1000x64xf32>
    %max3A_11 = arith.maximumf %add3A_9, %max3A_10 : vector<1000x64xf32>
    %get3A_12 = arith.constant 0 : index
    %get3A_13 = arith.constant 0 : index
    %get3A_14 = vector.load %arg4[%get3A_12, %get3A_13] : memref<64x64xf32, #tpu.memory_space<vmem>>, vector<64x64xf32>
    %dot_general3A_15 = arith.constant dense<0.000000e+00> : vector<1000x64xf32>
    %dot_general3A_16 = tpu.matmul %max3A_11, %get3A_14, %dot_general3A_15 {dimension_numbers = #tpu.dot_dimension_numbers<[1], [1], [0], [0], [0, 0, 1, 0], [], []>, transpose_lhs_hint = false} : vector<1000x64xf32>, vector<64x64xf32>, vector<1000x64xf32> -> vector<1000x64xf32>
    %get3A_17 = arith.constant 0 : index
    %get3A_18 = arith.constant 0 : index
    %get3A_19 = vector.load %arg5[%get3A_17, %get3A_18] : memref<1x64xf32, #tpu.memory_space<vmem>>, vector<1x64xf32>
    %add3A_20 = vector.broadcast %get3A_19 : vector<1x64xf32> to vector<1000x64xf32>
    %add3A_21 = arith.addf %dot_general3A_16, %add3A_20 : vector<1000x64xf32>
    %mul3A = arith.mulf %add3A_21, %add3A_21 : vector<1000x64xf32>
    %reduce_sum3A = arith.constant dense<0.000000e+00> : vector<1000xf32>
    %reduce_sum3A_22 = vector.multi_reduction <add>, %mul3A, %reduce_sum3A [1] : vector<1000x64xf32> to vector<1000xf32>
    %broadcast_in_dim3A = vector.shape_cast %reduce_sum3A_22 : vector<1000xf32> to vector<1000x1xf32>
    %sqrt3A = math.sqrt %broadcast_in_dim3A : vector<1000x1xf32>
    %max3A_23 = arith.constant 9.99999996E-13 : f32
    %max3A_24 = vector.broadcast %max3A_23 : f32 to vector<1000x1xf32>
    %max3A_25 = arith.maximumf %sqrt3A, %max3A_24 : vector<1000x1xf32>
    %div3A = vector.broadcast %max3A_25 : vector<1000x1xf32> to vector<1000x64xf32>
    %div3A_26 = arith.divf %add3A_21, %div3A : vector<1000x64xf32>
    %get3A_27 = arith.constant 0 : index
    %get3A_28 = arith.constant 0 : index
    %get3A_29 = vector.load %arg6[%get3A_27, %get3A_28] : memref<64x128xf32, #tpu.memory_space<vmem>>, vector<64x128xf32>
    %dot_general3A_30 = arith.constant dense<0.000000e+00> : vector<1000x64xf32>
    %dot_general3A_31 = tpu.matmul %get3A_1, %get3A_29, %dot_general3A_30 {dimension_numbers = #tpu.dot_dimension_numbers<[1], [1], [0], [0], [0, 0, 1, 0], [], []>, transpose_lhs_hint = false} : vector<1000x128xf32>, vector<64x128xf32>, vector<1000x64xf32> -> vector<1000x64xf32>
    %get3A_32 = arith.constant 0 : index
    %get3A_33 = arith.constant 0 : index
    %get3A_34 = vector.load %arg7[%get3A_32, %get3A_33] : memref<64x64xf32, #tpu.memory_space<vmem>>, vector<64x64xf32>
    %dot_general3A_35 = arith.constant dense<0.000000e+00> : vector<1000x64xf32>
    %dot_general3A_36 = tpu.matmul %div3A_26, %get3A_34, %dot_general3A_35 {dimension_numbers = #tpu.dot_dimension_numbers<[1], [1], [0], [0], [0, 0, 1, 0], [], []>, transpose_lhs_hint = false} : vector<1000x64xf32>, vector<64x64xf32>, vector<1000x64xf32> -> vector<1000x64xf32>
    %add3A_37 = arith.addf %dot_general3A_31, %dot_general3A_36 : vector<1000x64xf32>
    %get3A_38 = arith.constant 0 : index
    %get3A_39 = arith.constant 0 : index
    %get3A_40 = vector.load %arg8[%get3A_38, %get3A_39] : memref<1x64xf32, #tpu.memory_space<vmem>>, vector<1x64xf32>
    %add3A_41 = vector.broadcast %get3A_40 : vector<1x64xf32> to vector<1000x64xf32>
    %add3A_42 = arith.addf %add3A_37, %add3A_41 : vector<1000x64xf32>
    %max3A_43 = arith.constant 0.000000e+00 : f32
    %max3A_44 = vector.broadcast %max3A_43 : f32 to vector<1000x64xf32>
    %max3A_45 = arith.maximumf %add3A_42, %max3A_44 : vector<1000x64xf32>
    %get3A_46 = arith.constant 0 : index
    %get3A_47 = arith.constant 0 : index
    %get3A_48 = vector.load %arg9[%get3A_46, %get3A_47] : memref<1x64xf32, #tpu.memory_space<vmem>>, vector<1x64xf32>
    %mul3A_49 = vector.broadcast %get3A_48 : vector<1x64xf32> to vector<1000x64xf32>
    %mul3A_50 = arith.mulf %max3A_45, %mul3A_49 : vector<1000x64xf32>
    %reduce_sum3A_51 = arith.constant dense<0.000000e+00> : vector<1000xf32>
    %reduce_sum3A_52 = vector.multi_reduction <add>, %mul3A_50, %reduce_sum3A_51 [1] : vector<1000x64xf32> to vector<1000xf32>
    %broadcast_in_dim3A_53 = vector.shape_cast %reduce_sum3A_52 : vector<1000xf32> to vector<1000x1xf32>
    %get3A_54 = arith.constant 0 : index
    %get3A_55 = arith.constant 0 : index
    %get3A_56 = vector.load %arg10[%get3A_54, %get3A_55] : memref<1x1xf32, #tpu.memory_space<vmem>>, vector<1x1xf32>
    %get3A_57 = vector.extract %get3A_56[0, 0] : f32 from vector<1x1xf32>
    %add3A_58 = vector.broadcast %get3A_57 : f32 to vector<1000x1xf32>
    %add3A_59 = arith.addf %broadcast_in_dim3A_53, %add3A_58 : vector<1000x1xf32>
    %swap3A = arith.constant 0 : index
    %swap3A_60 = arith.constant 0 : index
    %swap3A_61 = vector.load %arg13[%swap3A, %swap3A_60] : memref<1000x1xf32, #tpu.memory_space<vmem>>, vector<1000x1xf32>
    tpu.vector_store %arg13[%swap3A, %swap3A_60], %add3A_59 {strides = array<i32>} : memref<1000x1xf32, #tpu.memory_space<vmem>>, vector<1000x1xf32>,
    %mul3A_62 = arith.mulf %get3A_1, %get3A_1 : vector<1000x128xf32>
    %reduce_sum3A_63 = arith.constant dense<0.000000e+00> : vector<1000xf32>
    %reduce_sum3A_64 = vector.multi_reduction <add>, %mul3A_62, %reduce_sum3A_63 [1] : vector<1000x128xf32> to vector<1000xf32>
    %broadcast_in_dim3A_65 = vector.shape_cast %reduce_sum3A_64 : vector<1000xf32> to vector<1000x1xf32>
    %sqrt3A_66 = math.sqrt %broadcast_in_dim3A_65 : vector<1000x1xf32>
    %max3A_67 = arith.constant 9.99999996E-13 : f32
    %max3A_68 = vector.broadcast %max3A_67 : f32 to vector<1000x1xf32>
    %max3A_69 = arith.maximumf %sqrt3A_66, %max3A_68 : vector<1000x1xf32>
    %div3A_70 = vector.broadcast %max3A_69 : vector<1000x1xf32> to vector<1000x128xf32>
    %div3A_71 = arith.divf %get3A_1, %div3A_70 : vector<1000x128xf32>
    %swap3A_72 = arith.constant 0 : index
    %swap3A_73 = arith.constant 0 : index
    %swap3A_74 = vector.load %arg11[%swap3A_72, %swap3A_73] : memref<1000x128xf32, #tpu.memory_space<vmem>>, vector<1000x128xf32>
    tpu.vector_store %arg11[%swap3A_72, %swap3A_73], %div3A_71 {strides = array<i32>} : memref<1000x128xf32, #tpu.memory_space<vmem>>, vector<1000x128xf32>,
    %swap3A_75 = arith.constant 0 : index
    %swap3A_76 = arith.constant 0 : index
    %swap3A_77 = vector.load %arg12[%swap3A_75, %swap3A_76] : memref<1000x64xf32, #tpu.memory_space<vmem>>, vector<1000x64xf32>
    tpu.vector_store %arg12[%swap3A_75, %swap3A_76], %div3A_26 {strides = array<i32>} : memref<1000x64xf32, #tpu.memory_space<vmem>>, vector<1000x64xf32>,
    return
  }
  func.func @transform_0(%arg0: i32) -> (i32, i32) {
    %c0_i32 = arith.constant 0 : i32
    %c0_i32_0 = arith.constant 0 : i32
    return %arg0, %c0_i32 : i32, i32
  }
  func.func @transform_1(%arg0: i32) -> (i32, i32) {
    %c0_i32 = arith.constant 0 : i32
    %c0_i32_0 = arith.constant 0 : i32
    %c0_i32_1 = arith.constant 0 : i32
    return %c0_i32, %c0_i32_0 : i32, i32
  }
  func.func @transform_2(%arg0: i32) -> (i32, i32) {
    %c0_i32 = arith.constant 0 : i32
    %c0_i32_0 = arith.constant 0 : i32
    %c0_i32_1 = arith.constant 0 : i32
    return %c0_i32, %c0_i32_0 : i32, i32
  }
  func.func @transform_3(%arg0: i32) -> (i32, i32) {
    %c0_i32 = arith.constant 0 : i32
    %c0_i32_0 = arith.constant 0 : i32
    %c0_i32_1 = arith.constant 0 : i32
    return %c0_i32, %c0_i32_0 : i32, i32
  }
  func.func @transform_4(%arg0: i32) -> (i32, i32) {
    %c0_i32 = arith.constant 0 : i32
    %c0_i32_0 = arith.constant 0 : i32
    %c0_i32_1 = arith.constant 0 : i32
    return %c0_i32, %c0_i32_0 : i32, i32
  }
  func.func @transform_5(%arg0: i32) -> (i32, i32) {
    %c0_i32 = arith.constant 0 : i32
    %c0_i32_0 = arith.constant 0 : i32
    %c0_i32_1 = arith.constant 0 : i32
    return %c0_i32, %c0_i32_0 : i32, i32
  }
  func.func @transform_6(%arg0: i32) -> (i32, i32) {
    %c0_i32 = arith.constant 0 : i32
    %c0_i32_0 = arith.constant 0 : i32
    %c0_i32_1 = arith.constant 0 : i32
    return %c0_i32, %c0_i32_0 : i32, i32
  }
  func.func @transform_7(%arg0: i32) -> (i32, i32) {
    %c0_i32 = arith.constant 0 : i32
    %c0_i32_0 = arith.constant 0 : i32
    %c0_i32_1 = arith.constant 0 : i32
    return %c0_i32, %c0_i32_0 : i32, i32
  }
  func.func @transform_8(%arg0: i32) -> (i32, i32) {
    %c0_i32 = arith.constant 0 : i32
    %c0_i32_0 = arith.constant 0 : i32
    %c0_i32_1 = arith.constant 0 : i32
    return %c0_i32, %c0_i32_0 : i32, i32
  }
  func.func @transform_9(%arg0: i32) -> (i32, i32) {
    %c0_i32 = arith.constant 0 : i32
    %c0_i32_0 = arith.constant 0 : i32
    %c0_i32_1 = arith.constant 0 : i32
    return %c0_i32, %c0_i32_0 : i32, i32
  }
  func.func @transform_10(%arg0: i32) -> (i32, i32) {
    %c0_i32 = arith.constant 0 : i32
    %c0_i32_0 = arith.constant 0 : i32
    return %arg0, %c0_i32 : i32, i32
  }
  func.func @transform_11(%arg0: i32) -> (i32, i32) {
    %c0_i32 = arith.constant 0 : i32
    %c0_i32_0 = arith.constant 0 : i32
    return %arg0, %c0_i32 : i32, i32
  }
  func.func @transform_12(%arg0: i32) -> (i32, i32) {
    %c0_i32 = arith.constant 0 : i32
    %c0_i32_0 = arith.constant 0 : i32
    return %arg0, %c0_i32 : i32, i32
  }
}

</mosaic_0001>

<sc_bundles>
// kernel: kernel.17.cloned.1.call-start
scs
__scs_entry_jumppad:
0x0: {  	(pc) =	sbr.rel $0x88, $3  }
0x1: {  	(tag) =	ssettag $0x0;
	lr =	simm.s32 $0x1  }
0x2: {  	[smem:$0x3F8C] =	sst lr;
	_ =	strace $0xD0000000  }
0x3: {  	_ = 	snop  }
0x4: {  	_ = 	snop  }
0x5: {  	_ = 	snop  }
0x6: {  	_ = 	snop  }
0x7: {  	_ = 	snop  }
__scs_overlays_trampoline_lowered:
0x8: {  	[smem:$0x3F9B] =	sst s0  }
0x9: {  	[smem:$0x3F9C] =	sst s1  }
0xa: {  	[smem:$0x3F9D] =	sst s2  }
0xb: {  	[smem:$0x3F9E] =	sst s3  }
0xc: {  	[smem:$0x3F9F] =	sst s4  }
0xd: {  	[smem:$0x3FA0] =	sst s5  }
0xe: {  	[smem:$0x3FA1] =	sst s6  }
0xf: {  	[smem:$0x3FA2] =	sst s7  }
0x10: {  	[smem:$0x3FA3] =	sst s8  }
0x11: {  	[smem:$0x3FA4] =	sst s9;
	s0 =	simm.s32 @!p0 $0x0  }
0x12: {  	s1 =	sld [smem:$0x3F8A];
	s0 =	simm.s32 @p0 $0x1  }
0x13: {  	[smem:$0x3FA5] =	sst s0;
	s0 =	simm.s32 @!p1 $0x0  }
0x14: {  	s2 =	sld [smem:$0x3F89];
	s0 =	simm.s32 @p1 $0x1  }
0x15: {  	[smem:$0x3FA6] =	sst s0;
	s0 =	simm.s32 @!p2 $0x0  }
0x16: {  	s3 =	sld [smem:$0x3FDB];
	s0 =	simm.s32 @p2 $0x1  }
0x17: {  	s4 =	simm.s32 $0x1BF5;
	[smem:$0x3FA8] =	sst s0  }
0x18: {  	s0 =	sld [smem:$0x3F8B];
	_ =	swait.ge [sflag:s4], $0x0  }
0x19: {  	s7 =	sld [smem:$0x3F8C]  }
0x1a: {  	s8 =	sadd.s32 $0xFFFFE003, lr  }
0x1b: {  	s9 =	sadd.s32 $0xFFFFFEF7, lr;
	s5 =	simm.s32 $0xFFFFFFFF;
	p2 =	slt.u32 s8, $0xFFFFF086  }
0x1c: {  	p1 =	slt.u32 s9, $0xF7A;
	s5 =	simm.s32 @!p2 $0x0  }
0x1d: {  	s5 =	simm.s32 @p1 $0x1;
	p0 =	seq.s32 s7, s2  }
0x1e: {  	s7 =	smul.u32 @!p0 $0xF7A, s2;
	p2 =	seq.s32 @!p0 s5, $0x0  }
0x1f: {  	s9 =	smul.u32 $0xF7A, s1;
	s8 =	simm.s32 @!p0 $0x1BF5;
	p2 =	por !p2, p0  }
0x20: {  	[sflag:s8] =	ssyncset.s32 @!p0 $0xFFFFF086;
	s6 =	sadd.s32 @!p0 s3, s7;
	s7 =	simm.s32 @!p0 $0x108  }
0x21: {  	s3 =	sadd.s32 s3, s9;
	s6 =	sadd.s32 @!p0 $0x88, s6;
	s7 =	simm.s32 @p2 $0x1082  }
0x22: {  	[simem:s7], [sflag:s8] =	dma.local @!p0 [hbm:s6], $0xF7A  }
0x23: {  	s9 =	sor.u32 $0xD0000000, s2;
	s6 =	simm.s32 $0x108;
	_ =	swait.ge @!p0 [sflag:s8], $0x0  }
0x24: {  	s3 =	sadd.s32 $0x88, s3;
	s6 =	simm.s32 @!p1 $0x1082;
	[sflag:s4] =	ssyncset.s32 $0xFFFFF086  }
0x25: {  	[simem:s6], [sflag:s4] =	dma.local [hbm:s3], $0xF7A  }
0x26: {  	[smem:$0x3F8C] =	sst s1;
	(tag) =	ssettag s2;
	_ =	strace s9  }
0x27: {  	s1 =	sld [smem:$0x3F9C]  }
0x28: {  	s2 =	sld [smem:$0x3F9D]  }
0x29: {  	s4 =	sld [smem:$0x3F9F]  }
0x2a: {  	p0 =	seq.s32 s5, $0x0;
	s5 =	sld [smem:$0x3FA0]  }
0x2b: {  	s6 =	sld [smem:$0x3FA1]  }
0x2c: {  	s7 =	sld [smem:$0x3FA2]  }
0x2d: {  	s3 =	simm.s32 $0x108;
	s8 =	sld [smem:$0x3FA3]  }
0x2e: {  	s3 =	simm.s32 @!p0 $0x1082;
	s9 =	sld [smem:$0x3FA4]  }
0x2f: {  	lr =	sadd.s32 s0, s3;
	s0 =	sld [smem:$0x3F9B]  }
0x30: {  	s3 =	sld [smem:$0x3F9E]  }
0x31: {  	[smem:$0x3FA7] =	sst s10  }
0x32: {  	s10 =	sld [smem:$0x3FA5];
	_ =	sdelay $0x3  }
0x33: {  	p0 =	seq.s32 s10, $0x1;
	s10 =	sld [smem:$0x3FA7];
	_ =	sdelay $0x3  }
0x34: {  	[smem:$0x3FA7] =	sst s10  }
0x35: {  	s10 =	sld [smem:$0x3FA6];
	_ =	sdelay $0x3  }
0x36: {  	p1 =	seq.s32 s10, $0x1;
	s10 =	sld [smem:$0x3FA7];
	_ =	sdelay $0x3  }
0x37: {  	[smem:$0x3FA7] =	sst s10  }
0x38: {  	s10 =	sld [smem:$0x3FA8]  }
0x39: {  	_ = 	snop;
	(pc) =	sbr.ind lr, $3  }
0x3a: {  	_ = 	snop  }
0x3b: {  	_ = 	snop  }
0x3c: {  	p2 =	seq.s32 s10, $0x1;
	s10 =	sld [smem:$0x3FA7]  }
0x3d: {  	_ =	shalt  }
0x3e: {  	_ =	shalt  }
0x3f: {  	_ =	shalt  }
0x40: {  	_ =	shalt  }
0x41: {  	_ =	shalt  }
0x42: {  	_ =	shalt  }
0x43: {  	_ =	shalt  }
0x44: {  	_ =	shalt  }
0x45: {  	_ =	shalt  }
0x46: {  	_ =	shalt  }
0x47: {  	_ =	shalt  }
0x48: {  	_ =	shalt  }
0x49: {  	_ =	shalt  }
0x4a: {  	_ =	shalt  }
0x4b: {  	_ =	shalt  }
0x4c: {  	_ =	shalt  }
0x4d: {  	_ =	shalt  }
0x4e: {  	_ =	shalt  }
0x4f: {  	_ =	shalt  }
0x50: {  	_ =	shalt  }
0x51: {  	_ =	shalt  }
0x52: {  	_ =	shalt  }
0x53: {  	_ =	shalt  }
0x54: {  	_ =	shalt  }
0x55: {  	_ =	shalt  }
0x56: {  	_ =	shalt  }
0x57: {  	_ =	shalt  }
0x58: {  	_ =	shalt  }
0x59: {  	_ =	shalt  }
0x5a: {  	_ =	shalt  }
0x5b: {  	_ =	shalt  }
0x5c: {  	_ =	shalt  }
0x5d: {  	_ =	shalt  }
0x5e: {  	_ =	shalt  }
0x5f: {  	_ =	shalt  }
0x60: {  	_ =	shalt  }
0x61: {  	_ =	shalt  }
0x62: {  	_ =	shalt  }
0x63: {  	_ =	shalt  }
0x64: {  	_ =	shalt  }
0x65: {  	_ =	shalt  }
0x66: {  	_ =	shalt  }
0x67: {  	_ =	shalt  }
0x68: {  	_ =	shalt  }
0x69: {  	_ =	shalt  }
0x6a: {  	_ =	shalt  }
0x6b: {  	_ =	shalt  }
0x6c: {  	_ =	shalt  }
0x6d: {  	_ =	shalt  }
0x6e: {  	_ =	shalt  }
0x6f: {  	_ =	shalt  }
0x70: {  	_ =	shalt  }
0x71: {  	_ =	shalt  }
0x72: {  	_ =	shalt  }
0x73: {  	_ =	shalt  }
0x74: {  	_ =	shalt  }
0x75: {  	_ =	shalt  }
0x76: {  	_ =	shalt  }
0x77: {  	_ =	shalt  }
0x78: {  	_ =	shalt  }
0x79: {  	_ =	shalt  }
0x7a: {  	_ =	shalt  }
0x7b: {  	_ =	shalt  }
0x7c: {  	_ =	shalt  }
0x7d: {  	_ =	shalt  }
0x7e: {  	_ =	shalt  }
0x7f: {  	_ =	shalt  }
0x80: {  	_ =	shalt  }
0x81: {  	_ =	shalt  }
0x82: {  	_ =	shalt  }
0x83: {  	_ =	shalt  }
0x84: {  	_ =	shalt  }
0x85: {  	_ =	shalt  }
0x86: {  	_ =	shalt  }
0x87: {  	_ =	shalt  }
.Lfunc_end0:
.L_simem_size_0:
called_computation_lowered:
.L_overlay_start_0:
0x88: {  	s2 =	sld [smem:$0x3FD9]  }
0x89: {  	s3 =	sld [smem:$0x3FFE];
	_ =	sdelay $0x1  }
0x8a: {  	s1 =	srdreg.scid  }
0x8b: {  	s0 =	sand.u32 $0x1, s1  }
0x8c: {  	s15 =	sshll.u32 s0, $0xA;
	s2 =	sadd.s32 s3, s2  }
0x8d: {  	s2 =	sadd.s32 s2, s15  }
0x8e: {  	[smem:$0x3FB3] =	sst s2  }
0x8f: {  	_ = 	snop  }
0x90: {  	s2 =	sld [smem:$0x3FD0];
	_ =	sdelay $0x2  }
0x91: {  	s16 =	simm.s32 $0xD;
	s4 =	simm.s32 $0x10  }
0x92: {  	[smem:s4], [sflag:s16] =	dma.local [hbm:s2], $0x1  }
0x93: {  	_ =	swait.eq [sflag:s16], $0x1  }
0x94: {  	[sflag:s16] =	ssyncset.done $0x0  }
0x95: {  	[sflag:s16] =	ssyncadd.s32 $0xFFFFFFFF  }
0x96: {  	s17 =	sld [smem:$0x11];
	(tm) =	ssettm $0x1  }
0x97: {  	s18 =	sld [smem:$0x3FFB];
	_ =	sdelay $0x3  }
0x98: {  	_ =	strace s18  }
0x99: {  	s2 =	sld [smem:$0x3FFC];
	_ =	sdelay $0x3  }
0x9a: {  	_ =	strace s2  }
0x9b: {  	s2 =	sld [smem:$0x3FFD];
	_ =	sdelay $0x3  }
0x9c: {  	_ =	strace s2  }
0x9d: {  	_ =	strace $0x8FFFFFFF  }
0x9e: {  	s19 =	sld [smem:$0x3FDB];
	_ =	sdelay $0x1  }
0x9f: {  	s20 =	simm.s32 $_scs_section_size  }
0xa0: {  	s5 =	simm.s32 $_size__tile_overlayer_lowered;
	s6 =	simm.s32 $_tile_overlayer_lowered  }
0xa1: {  	s7 =	simm.s32 $0x1BFF;
	s21 =	sshll.u32 s6, $0x1;
	s4 =	sadd.s32 s20, s19  }
0xa2: {  	s22 =	simm.s32 $0x0;
	s5 =	sshll.u32 s5, $0x1;
	s6 =	sadd.s32 s21, s4  }
0xa3: {  	[timem:s22], [sflag:s7] =	dma.local [hbm:s6], s5  }
0xa4: {  	_ =	swait.ge [sflag:s7], s5  }
0xa5: {  	s5 =	ssub.s32 $0x0, s5;
	[sflag:s7] =	ssyncset.done $0x0  }
0xa6: {  	[sflag:s7] =	ssyncadd.s32 s5;
	_ =	sdelay $0x1  }
0xa7: {  	s23 =	simm.s32 $0x1B8B  }
0xa8: {  	_ =	swait.ge [sflag:s23], $0x1  }
0xa9: {  	[sflag:s23] =	ssyncset.done $0x0  }
0xaa: {  	[sflag:s23] =	ssyncadd.s32 $0xFFFFFFFF  }
0xab: {  	s5 =	sld [smem:$0x0]  }
0xac: {  	s6 =	sand.u32 $0xFFFFFFFE, s1  }
0xad: {  	p0 =	sne.s32 s1, s6  }
0xae: {  	s6 =	sshll.u32 @p0 s6, $0xE  }
0xaf: {  	s6 =	sadd.s32 @p0 $0x11B8D, s6;
	s7 =	sshll.u32 @p0 s5, $0x11  }
0xb0: {  	s6 =	sor.u32 @p0 s7, s6  }
0xb1: {  	[sflag:s6] =	ssyncadd.remote.s32 @p0 $0x1;
	_ =	sdelay $0x1  }
0xb2: {  	s6 =	simm.s32 @p0 $0x1B8D  }
0xb3: {  	_ =	swait.eq @p0 [sflag:s6], $0x1  }
0xb4: {  	[sflag:s6] =	ssyncadd.s32 @p0 $0xFFFFFFFF  }
0xb5: {  	s7 =	sshll.u32 @!p0 s1, $0xE  }
0xb6: {  	s7 =	sor.u32 @!p0 $0x4000, s7;
	s6 =	simm.s32 @!p0 $0x1B8D  }
0xb7: {  	s5 =	sshll.u32 @!p0 s5, $0x11;
	s7 =	sadd.s32 @!p0 $0x11B8D, s7;
	_ =	swait.eq @!p0 [sflag:s6], $0x1  }
0xb8: {  	s5 =	sor.u32 @!p0 s5, s7;
	[sflag:s6] =	ssyncadd.s32 @!p0 $0xFFFFFFFF  }
0xb9: {  	s25 =	simm.s32 $0x1B8E;
	s24 =	sld [smem:$0x3FFE];
	[sflag:s5] =	ssyncadd.remote.s32 @!p0 $0x1  }
0xba: {  	s26 =	simm.s32 $execute0_lowered;
	[smem:$0x3FD2] =	sst s25  }
0xbb: {  	s6 =	sshll.u32 s26, $0x1;
	_ =	strace $0x8000004F;
	[dreg:$0x1] =	wrdreg $0xFFFFFFFF  }
0xbc: {  	s28 =	simm.s32 $_size_execute0_lowered;
	s4 =	sadd.s32 s4, s6;
	[dreg:$0x0] =	wrdreg $0x0  }
0xbd: {  	s6 =	sshll.u32 s28, $0x1;
	[dreg:$0x2] =	wrdreg s4  }
0xbe: {  	[dreg:$0x3] =	wrdreg s6  }
0xbf: {  	[dreg:$0x4] =	wrdreg $0xC0  }
0xc0: {  	_ =	task [dreg:s22], $0x5FFFF  }
0xc1: {  	[dreg:$0x1] =	wrdreg $0xFFFFFFFF  }
0xc2: {  	[dreg:$0x0] =	wrdreg $0x60  }
0xc3: {  	[dreg:$0x2] =	wrdreg s17  }
0xc4: {  	[dreg:$0x3] =	wrdreg s24  }
0xc5: {  	[dreg:$0x4] =	wrdreg $0x68000  }
0xc6: {  	[dreg:$0x5] =	wrdreg $0x9  }
0xc7: {  	_ =	task.clear_ibuf [dreg:s22], $0x6FFFF;
	_ =	strace $0x9000004F  }
0xc8: {  	s29 =	simm.s32 $0x9;
	_ =	strace $0x80000051  }
0xc9: {  	_ =	swait.ge [sflag:s29], $0x1  }
0xca: {  	[sflag:s29] =	ssyncadd.s32 $0xFFFFFFFF  }
0xcb: {  	_ =	strace $0x90000051  }
0xcc: {  	_ =	sfence  }
0xcd: {  	s30 =	sld [smem:$0x0];
	_ =	sdelay $0x2  }
0xce: {  	s31 =	sshll.u32 s1, $0xD;
	s1 =	sshrl.u32 s1, $0x2  }
0xcf: {  	s4 =	sand.u32 $0x4000, s31;
	s1 =	sadd.s32 s1, s30  }
0xd0: {  	s0 =	sor.u32 s4, s0;
	s1 =	sshll.u32 s1, $0x11  }
0xd1: {  	s0 =	sor.u32 s1, s0  }
0xd2: {  	s0 =	sadd.s32 $0x8F2B, s0  }
0xd3: {  	[sflag:s0] =	ssyncadd.remote.s32 $0x1  }
0xd4: {  	_ =	sfence.sel $0xFFFF  }
0xd5: {  	[dreg:$0x0] =	wrdreg $0xFFFFFFFF;
	(pc) =	sbr.abs _section_cstart, $3  }
0xd6: {  	[dreg:$0x1] =	wrdreg $0xFFFFFFFF  }
0xd7: {  	_ =	task.clear_ibuf [dreg:s22], $0x2FFFF;
	_ =	strace $0x9FFFFFFF  }
0xd8: {  	(tm) =	ssettm $0x7FFFFFFF  }
0xd9: {  	_ =	shalt  }
tec
execute0_lowered:
.L_overlay_start_1:
0x0: {  	(tag) =	ssettag $0x1  }
0x1: {  	s7 =	rddreg [dreg:$0x0]  }
0x2: {  	s6 =	rddreg [dreg:$0x1]  }
0x3: {  	s1 =	rddreg [dreg:$0x2]  }
0x4: {  	s0 =	rddreg [dreg:$0x3];
	s2 =	simm.s32 $0x0;
	s8 =	srdreg.scid  }
0x5: {  	s3 =	stileid.u32;
	s16 =	simm.s32 $0x0;
	[smem:$0x7FF] =	sst s2  }
0x6: {  	s4 =	sadd.s32 $0x13C00, s6;
	s5 =	sadd.s32 $0x64600, s6;
	s10 =	smul.u32 $0x2700, s3  }
0x7: {  	s8 =	sand.u32 $0x1, s8;
	s9 =	sadd.s32 $0x10DA00, s6;
	s13 =	smul.u32 $0x4E000, s3  }
0x8: {  	s30 =	sshll.u32 s3, $0x6;
	p0 =	sne.s32 s3, $0xF;
	_ =	strace $0x80000050  }
0x9: {  	s28 =	ssub.s32 $0x2, s8;
	s12 =	sshll.u32 s8, $0x4;
	s14 =	smul.u32 $0x27100, s8  }
0xa: {  	s8 =	smul.u32 $0x138800, s8;
	s6 =	sor.u32 $0x1C01, s30;
	s11 =	sshrl.u32 s28, $0x1  }
0xb: {  	s12 =	sor.u32 s3, s12;
	s29 =	sshrl.u32 s13, $0x2;
	s13 =	sadd.s32 $0x138000, s1  }
0xc: {  	s11 =	ssub.s32 s28, s11;
	s15 =	sadd.s32 s29, s1;
	s12 =	smul.u32 $0x500, s12  }
0xd: {  	s10 =	sadd.s32 s10, s14;
	s31 =	sshrl.u32 s8, $0x3;
	s13 =	sshrl.u32 @!p0 s13, $0x3  }
0xe: {  	s14 =	simm.s32 $0x2800;
	s8 =	sadd.s32 s9, s10;
	s9 =	sadd.s32 s9, s31  }
0xf: {  	s10 =	smax.u32 s11, $0x1;
	s11 =	sshrl.u32 s15, $0x3;
	s15 =	simm.s32 $0x7D  }
0x10: {  	s7 =	sadd.s32 s7, s12;
	s9 =	sadd.s32 $0x27000, s9;
	s12 =	simm.s32 $0x1  }
.LBB2_1:
0x11: {  	[spmem:s11], [sflag:s6] =	dma.local [hbm:s4], $0x2700  }
0x12: {  	_ =	swait.ge [sflag:s12], $0x2700  }
0x13: {  	[sflag:s12] =	ssyncset.done $0x0  }
0x14: {  	s17 =	simm.s32 @!p0 $0x1;
	[sflag:s12] =	ssyncadd.s32 $0xFFFFD900  }
0x15: {  	[spmem:s13], [sflag:s6] =	dma.local @!p0 [hbm:s4], $0x100  }
0x16: {  	_ =	swait.ge @!p0 [sflag:s17], $0x100  }
0x17: {  	[sflag:s17] =	ssyncset.done @!p0 $0x0  }
0x18: {  	[sflag:s17] =	ssyncadd.s32 @!p0 $0xFFFFFF00  }
0x19: {  	[tilespmem:s14], [sflag:$0x1] =	stream.linear.gather [hbm4b:s5+s2], $0x3E80, $0x38;
	[tilespmem:$0x1A080] =	vst v63  }
0x1a: {  	_ =	swait.ge [sflag:s12], $0x3E80  }
0x1b: {  	[sflag:s12] =	ssyncset.done $0x0  }
0x1c: {  	[sflag:s12] =	ssyncadd.s32 $0xFFFFC180  }
0x1d: {  	[bflag:$0x0] =	sbarrier.arrive $0xFFFF  }
0x1e: {  	[tilespmem:s2], [sflag:$0x1] =	stream.linear.gather [hbm4b:s7+s2], $0x2800, $0x38;
	[tilespmem:$0x1A080] =	vst v63  }
0x1f: {  	_ =	swait.ge [sflag:s12], $0x2800  }
0x20: {  	[sflag:s12] =	ssyncset.done $0x0  }
0x21: {  	s31 =	simm.s32 $0x0;
	[sflag:s12] =	ssyncadd.s32 $0xFFFFD800  }
0x22: {  	[spmem:s1] =	stream.indirect.scatter.add.f32 [tilespmem:s14], [sflag:$0x1], $0x80, s31, s15, $0xb8;
	[tilespmem:$0x1A080] =	vst v63  }
0x23: {  	_ =	swait.ge [sflag:s12], $0x3E80  }
0x24: {  	s17 =	simm.s32 $0x200;
	[sflag:s12] =	ssyncset.done $0x0  }
.LBB2_2:
0x25: {  	s18 =	sshra.s32 s17, $0x2;
	[sflag:s12] =	ssyncadd.s32 $0xFFFFC180;
	p1 =	sne.s32 s17, $0x9E00  }
0x26: {  	[spmem:s1] =	stream.indirect.scatter.add.f32 [tilespmem:s14], [sflag:$0x1], $0x80, s18, s15, $0xb8;
	[tilespmem:$0x1A080] =	vst v63  }
.Ltmp0:
0x27: {  	_ = 	snop;
	(pc) =	sbr.rel @p1 .LBB2_2-.Ltmp0, $4  }
0x28: {  	_ = 	snop  }
0x29: {  	s17 =	sadd.s32 $0x200, s17  }
0x2a: {  	_ =	swait.ge [sflag:s12], $0x3E80  }
0x2b: {  	[sflag:s12] =	ssyncset.done $0x0  }
0x2c: {  	[sflag:s12] =	ssyncadd.s32 $0xFFFFC180  }
0x2d: {  	[bflag:$0x0] =	sbarrier.arrive $0xFFFF  }
0x2e: {  	[hbm:s8], [sflag:s6] =	dma.local [spmem:s11], $0x2700  }
0x2f: {  	s16 =	sadd.s32 $0x1, s16;
	_ =	swait.ge [sflag:s12], $0x2700  }
0x30: {  	p1 =	sne.s32 s16, s10;
	[sflag:s12] =	ssyncset.done $0x0  }
.Ltmp1:
0x31: {  	s17 =	simm.s32 @!p0 $0x1;
	[sflag:s12] =	ssyncadd.s32 $0xFFFFD900;
	(pc) =	sbr.rel @p1 .LBB2_1-.Ltmp1, $4  }
0x32: {  	[hbm:s9], [sflag:s6] =	dma.local @!p0 [spmem:s13], $0x100  }
0x33: {  	_ =	swait.ge @!p0 [sflag:s17], $0x100  }
0x34: {  	[sflag:s17] =	ssyncset.done @!p0 $0x0  }
0x35: {  	[sflag:s17] =	ssyncadd.s32 @!p0 $0xFFFFFF00  }
0x36: {  	_ =	sfence.sel $0x180000  }
0x37: {  	[bflag:$0x0] =	sbarrier.arrive $0xFFFF  }
0x38: {  	p0 =	sne.s32 s3, $0x0;
	_ =	strace $0x90000050  }
0x39: {  	s0 =	sadd.s32 @!p0 $0x100000, s0;
	[bflag:$0x2] =	sbarrier.arrive $0xFFFF  }
0x3a: {  	[sflag:s0] =	ssyncadd.tile.s32 @!p0 $0x1;
	_ =	shalt  }
.Lfunc_end2:
_tile_overlayer_lowered:
.L_overlay_start_2:
0x3b: {  	(tag) =	ssettag $0x2  }
0x3c: {  	s0 =	rddreg [dreg:$0x0];
	s2 =	stileid.u32  }
0x3d: {  	s1 =	rddreg [dreg:$0x1];
	p0 =	sne.s32 s2, $0x0  }
0x3e: {  	s3 =	rddreg [dreg:$0x2];
	[bflag:$0x3] =	sbarrier.arrive $0xFFFF;
	s2 =	simm.s32 @!p0 $0x1C01  }
0x3f: {  	[timem:s3], [sflag:s2] =	dma.local @!p0 [hbm:s0], s1  }
0x40: {  	s0 =	simm.s32 @!p0 $0x1  }
0x41: {  	_ =	swait.ge @!p0 [sflag:s0], s1  }
0x42: {  	s1 =	ssub.s32 @!p0 $0x0, s1;
	[sflag:s0] =	ssyncset.done @!p0 $0x0  }
0x43: {  	[sflag:s0] =	ssyncadd.s32 @!p0 s1  }
0x44: {  	[bflag:$0x3] =	sbarrier.arrive $0xFFFF  }
0x45: {  	_ =	shalt  }

// kernel: kernel.20.cloned.1.call-start
scs
__scs_entry_jumppad:
0x0: {  	(pc) =	sbr.rel $0x88, $3  }
0x1: {  	(tag) =	ssettag $0x0;
	lr =	simm.s32 $0x1  }
0x2: {  	[smem:$0x3F8C] =	sst lr;
	_ =	strace $0xD0000000  }
0x3: {  	_ = 	snop  }
0x4: {  	_ = 	snop  }
0x5: {  	_ = 	snop  }
0x6: {  	_ = 	snop  }
0x7: {  	_ = 	snop  }
__scs_overlays_trampoline_lowered:
0x8: {  	[smem:$0x3F9B] =	sst s0  }
0x9: {  	[smem:$0x3F9C] =	sst s1  }
0xa: {  	[smem:$0x3F9D] =	sst s2  }
0xb: {  	[smem:$0x3F9E] =	sst s3  }
0xc: {  	[smem:$0x3F9F] =	sst s4  }
0xd: {  	[smem:$0x3FA0] =	sst s5  }
0xe: {  	[smem:$0x3FA1] =	sst s6  }
0xf: {  	[smem:$0x3FA2] =	sst s7  }
0x10: {  	[smem:$0x3FA3] =	sst s8  }
0x11: {  	[smem:$0x3FA4] =	sst s9;
	s0 =	simm.s32 @!p0 $0x0  }
0x12: {  	s1 =	sld [smem:$0x3F8A];
	s0 =	simm.s32 @p0 $0x1  }
0x13: {  	[smem:$0x3FA5] =	sst s0;
	s0 =	simm.s32 @!p1 $0x0  }
0x14: {  	s2 =	sld [smem:$0x3F89];
	s0 =	simm.s32 @p1 $0x1  }
0x15: {  	[smem:$0x3FA6] =	sst s0;
	s0 =	simm.s32 @!p2 $0x0  }
0x16: {  	s3 =	sld [smem:$0x3FDB];
	s0 =	simm.s32 @p2 $0x1  }
0x17: {  	s4 =	simm.s32 $0x1BF5;
	[smem:$0x3FA8] =	sst s0  }
0x18: {  	s0 =	sld [smem:$0x3F8B];
	_ =	swait.ge [sflag:s4], $0x0  }
0x19: {  	s7 =	sld [smem:$0x3F8C]  }
0x1a: {  	s8 =	sadd.s32 $0xFFFFE003, lr  }
0x1b: {  	s9 =	sadd.s32 $0xFFFFFEF7, lr;
	s5 =	simm.s32 $0xFFFFFFFF;
	p2 =	slt.u32 s8, $0xFFFFF086  }
0x1c: {  	p1 =	slt.u32 s9, $0xF7A;
	s5 =	simm.s32 @!p2 $0x0  }
0x1d: {  	s5 =	simm.s32 @p1 $0x1;
	p0 =	seq.s32 s7, s2  }
0x1e: {  	s7 =	smul.u32 @!p0 $0xF7A, s2;
	p2 =	seq.s32 @!p0 s5, $0x0  }
0x1f: {  	s9 =	smul.u32 $0xF7A, s1;
	s8 =	simm.s32 @!p0 $0x1BF5;
	p2 =	por !p2, p0  }
0x20: {  	[sflag:s8] =	ssyncset.s32 @!p0 $0xFFFFF086;
	s6 =	sadd.s32 @!p0 s3, s7;
	s7 =	simm.s32 @!p0 $0x108  }
0x21: {  	s3 =	sadd.s32 s3, s9;
	s6 =	sadd.s32 @!p0 $0x88, s6;
	s7 =	simm.s32 @p2 $0x1082  }
0x22: {  	[simem:s7], [sflag:s8] =	dma.local @!p0 [hbm:s6], $0xF7A  }
0x23: {  	s9 =	sor.u32 $0xD0000000, s2;
	s6 =	simm.s32 $0x108;
	_ =	swait.ge @!p0 [sflag:s8], $0x0  }
0x24: {  	s3 =	sadd.s32 $0x88, s3;
	s6 =	simm.s32 @!p1 $0x1082;
	[sflag:s4] =	ssyncset.s32 $0xFFFFF086  }
0x25: {  	[simem:s6], [sflag:s4] =	dma.local [hbm:s3], $0xF7A  }
0x26: {  	[smem:$0x3F8C] =	sst s1;
	(tag) =	ssettag s2;
	_ =	strace s9  }
0x27: {  	s1 =	sld [smem:$0x3F9C]  }
0x28: {  	s2 =	sld [smem:$0x3F9D]  }
0x29: {  	s4 =	sld [smem:$0x3F9F]  }
0x2a: {  	p0 =	seq.s32 s5, $0x0;
	s5 =	sld [smem:$0x3FA0]  }
0x2b: {  	s6 =	sld [smem:$0x3FA1]  }
0x2c: {  	s7 =	sld [smem:$0x3FA2]  }
0x2d: {  	s3 =	simm.s32 $0x108;
	s8 =	sld [smem:$0x3FA3]  }
0x2e: {  	s3 =	simm.s32 @!p0 $0x1082;
	s9 =	sld [smem:$0x3FA4]  }
0x2f: {  	lr =	sadd.s32 s0, s3;
	s0 =	sld [smem:$0x3F9B]  }
0x30: {  	s3 =	sld [smem:$0x3F9E]  }
0x31: {  	[smem:$0x3FA7] =	sst s10  }
0x32: {  	s10 =	sld [smem:$0x3FA5];
	_ =	sdelay $0x3  }
0x33: {  	p0 =	seq.s32 s10, $0x1;
	s10 =	sld [smem:$0x3FA7];
	_ =	sdelay $0x3  }
0x34: {  	[smem:$0x3FA7] =	sst s10  }
0x35: {  	s10 =	sld [smem:$0x3FA6];
	_ =	sdelay $0x3  }
0x36: {  	p1 =	seq.s32 s10, $0x1;
	s10 =	sld [smem:$0x3FA7];
	_ =	sdelay $0x3  }
0x37: {  	[smem:$0x3FA7] =	sst s10  }
0x38: {  	s10 =	sld [smem:$0x3FA8]  }
0x39: {  	_ = 	snop;
	(pc) =	sbr.ind lr, $3  }
0x3a: {  	_ = 	snop  }
0x3b: {  	_ = 	snop  }
0x3c: {  	p2 =	seq.s32 s10, $0x1;
	s10 =	sld [smem:$0x3FA7]  }
0x3d: {  	_ =	shalt  }
0x3e: {  	_ =	shalt  }
0x3f: {  	_ =	shalt  }
0x40: {  	_ =	shalt  }
0x41: {  	_ =	shalt  }
0x42: {  	_ =	shalt  }
0x43: {  	_ =	shalt  }
0x44: {  	_ =	shalt  }
0x45: {  	_ =	shalt  }
0x46: {  	_ =	shalt  }
0x47: {  	_ =	shalt  }
0x48: {  	_ =	shalt  }
0x49: {  	_ =	shalt  }
0x4a: {  	_ =	shalt  }
0x4b: {  	_ =	shalt  }
0x4c: {  	_ =	shalt  }
0x4d: {  	_ =	shalt  }
0x4e: {  	_ =	shalt  }
0x4f: {  	_ =	shalt  }
0x50: {  	_ =	shalt  }
0x51: {  	_ =	shalt  }
0x52: {  	_ =	shalt  }
0x53: {  	_ =	shalt  }
0x54: {  	_ =	shalt  }
0x55: {  	_ =	shalt  }
0x56: {  	_ =	shalt  }
0x57: {  	_ =	shalt  }
0x58: {  	_ =	shalt  }
0x59: {  	_ =	shalt  }
0x5a: {  	_ =	shalt  }
0x5b: {  	_ =	shalt  }
0x5c: {  	_ =	shalt  }
0x5d: {  	_ =	shalt  }
0x5e: {  	_ =	shalt  }
0x5f: {  	_ =	shalt  }
0x60: {  	_ =	shalt  }
0x61: {  	_ =	shalt  }
0x62: {  	_ =	shalt  }
0x63: {  	_ =	shalt  }
0x64: {  	_ =	shalt  }
0x65: {  	_ =	shalt  }
0x66: {  	_ =	shalt  }
0x67: {  	_ =	shalt  }
0x68: {  	_ =	shalt  }
0x69: {  	_ =	shalt  }
0x6a: {  	_ =	shalt  }
0x6b: {  	_ =	shalt  }
0x6c: {  	_ =	shalt  }
0x6d: {  	_ =	shalt  }
0x6e: {  	_ =	shalt  }
0x6f: {  	_ =	shalt  }
0x70: {  	_ =	shalt  }
0x71: {  	_ =	shalt  }
0x72: {  	_ =	shalt  }
0x73: {  	_ =	shalt  }
0x74: {  	_ =	shalt  }
0x75: {  	_ =	shalt  }
0x76: {  	_ =	shalt  }
0x77: {  	_ =	shalt  }
0x78: {  	_ =	shalt  }
0x79: {  	_ =	shalt  }
0x7a: {  	_ =	shalt  }
0x7b: {  	_ =	shalt  }
0x7c: {  	_ =	shalt  }
0x7d: {  	_ =	shalt  }
0x7e: {  	_ =	shalt  }
0x7f: {  	_ =	shalt  }
0x80: {  	_ =	shalt  }
0x81: {  	_ =	shalt  }
0x82: {  	_ =	shalt  }
0x83: {  	_ =	shalt  }
0x84: {  	_ =	shalt  }
0x85: {  	_ =	shalt  }
0x86: {  	_ =	shalt  }
0x87: {  	_ =	shalt  }
.Lfunc_end0:
.L_simem_size_0:
called_computation.1_lowered:
.L_overlay_start_0:
0x88: {  	s2 =	sld [smem:$0x3FD9]  }
0x89: {  	s3 =	sld [smem:$0x3FFE];
	_ =	sdelay $0x1  }
0x8a: {  	s1 =	srdreg.scid  }
0x8b: {  	s0 =	sand.u32 $0x1, s1  }
0x8c: {  	s15 =	sshll.u32 s0, $0xA;
	s2 =	sadd.s32 s3, s2  }
0x8d: {  	s2 =	sadd.s32 s2, s15  }
0x8e: {  	[smem:$0x3FB3] =	sst s2  }
0x8f: {  	_ = 	snop  }
0x90: {  	s2 =	sld [smem:$0x3FD0];
	_ =	sdelay $0x2  }
0x91: {  	s16 =	simm.s32 $0xD;
	s4 =	simm.s32 $0x10  }
0x92: {  	[smem:s4], [sflag:s16] =	dma.local [hbm:s2], $0x1  }
0x93: {  	_ =	swait.eq [sflag:s16], $0x1  }
0x94: {  	[sflag:s16] =	ssyncset.done $0x0  }
0x95: {  	[sflag:s16] =	ssyncadd.s32 $0xFFFFFFFF  }
0x96: {  	s17 =	sld [smem:$0x10];
	(tm) =	ssettm $0x1  }
0x97: {  	s18 =	sld [smem:$0x3FFB];
	_ =	sdelay $0x3  }
0x98: {  	_ =	strace s18  }
0x99: {  	s2 =	sld [smem:$0x3FFC];
	_ =	sdelay $0x3  }
0x9a: {  	_ =	strace s2  }
0x9b: {  	s2 =	sld [smem:$0x3FFD];
	_ =	sdelay $0x3  }
0x9c: {  	_ =	strace s2  }
0x9d: {  	_ =	strace $0x8FFFFFFF  }
0x9e: {  	s19 =	sld [smem:$0x3FDB];
	_ =	sdelay $0x1  }
0x9f: {  	s20 =	simm.s32 $_scs_section_size  }
0xa0: {  	s5 =	simm.s32 $_size__tile_overlayer_lowered;
	s6 =	simm.s32 $_tile_overlayer_lowered  }
0xa1: {  	s7 =	simm.s32 $0x1BFF;
	s21 =	sshll.u32 s6, $0x1;
	s4 =	sadd.s32 s20, s19  }
0xa2: {  	s22 =	simm.s32 $0x0;
	s5 =	sshll.u32 s5, $0x1;
	s6 =	sadd.s32 s21, s4  }
0xa3: {  	[timem:s22], [sflag:s7] =	dma.local [hbm:s6], s5  }
0xa4: {  	_ =	swait.ge [sflag:s7], s5  }
0xa5: {  	s5 =	ssub.s32 $0x0, s5;
	[sflag:s7] =	ssyncset.done $0x0  }
0xa6: {  	[sflag:s7] =	ssyncadd.s32 s5;
	_ =	sdelay $0x1  }
0xa7: {  	s23 =	simm.s32 $0x1B8B  }
0xa8: {  	_ =	swait.ge [sflag:s23], $0x1  }
0xa9: {  	[sflag:s23] =	ssyncset.done $0x0  }
0xaa: {  	[sflag:s23] =	ssyncadd.s32 $0xFFFFFFFF  }
0xab: {  	s5 =	sld [smem:$0x0]  }
0xac: {  	s6 =	sand.u32 $0xFFFFFFFE, s1  }
0xad: {  	p0 =	sne.s32 s1, s6  }
0xae: {  	s6 =	sshll.u32 @p0 s6, $0xE  }
0xaf: {  	s6 =	sadd.s32 @p0 $0x11B8D, s6;
	s7 =	sshll.u32 @p0 s5, $0x11  }
0xb0: {  	s6 =	sor.u32 @p0 s7, s6  }
0xb1: {  	[sflag:s6] =	ssyncadd.remote.s32 @p0 $0x1;
	_ =	sdelay $0x1  }
0xb2: {  	s6 =	simm.s32 @p0 $0x1B8D  }
0xb3: {  	_ =	swait.eq @p0 [sflag:s6], $0x1  }
0xb4: {  	[sflag:s6] =	ssyncadd.s32 @p0 $0xFFFFFFFF  }
0xb5: {  	s7 =	sshll.u32 @!p0 s1, $0xE  }
0xb6: {  	s7 =	sor.u32 @!p0 $0x4000, s7;
	s6 =	simm.s32 @!p0 $0x1B8D  }
0xb7: {  	s5 =	sshll.u32 @!p0 s5, $0x11;
	s7 =	sadd.s32 @!p0 $0x11B8D, s7;
	_ =	swait.eq @!p0 [sflag:s6], $0x1  }
0xb8: {  	s5 =	sor.u32 @!p0 s5, s7;
	[sflag:s6] =	ssyncadd.s32 @!p0 $0xFFFFFFFF  }
0xb9: {  	s25 =	simm.s32 $0x1B8E;
	s24 =	sld [smem:$0x3FFE];
	[sflag:s5] =	ssyncadd.remote.s32 @!p0 $0x1  }
0xba: {  	s26 =	simm.s32 $execute0_lowered;
	[smem:$0x3FD2] =	sst s25  }
0xbb: {  	s6 =	sshll.u32 s26, $0x1;
	_ =	strace $0x80000049;
	[dreg:$0x1] =	wrdreg $0xFFFFFFFF  }
0xbc: {  	s28 =	simm.s32 $_size_execute0_lowered;
	s4 =	sadd.s32 s4, s6;
	[dreg:$0x0] =	wrdreg $0x0  }
0xbd: {  	s6 =	sshll.u32 s28, $0x1;
	[dreg:$0x2] =	wrdreg s4  }
0xbe: {  	[dreg:$0x3] =	wrdreg s6  }
0xbf: {  	[dreg:$0x4] =	wrdreg $0xC0  }
0xc0: {  	_ =	task [dreg:s22], $0x5FFFF  }
0xc1: {  	[dreg:$0x1] =	wrdreg $0xFFFFFFFF  }
0xc2: {  	[dreg:$0x0] =	wrdreg $0x60  }
0xc3: {  	[dreg:$0x2] =	wrdreg s17  }
0xc4: {  	[dreg:$0x3] =	wrdreg s24  }
0xc5: {  	[dreg:$0x4] =	wrdreg $0x68000  }
0xc6: {  	[dreg:$0x5] =	wrdreg $0xB  }
0xc7: {  	_ =	task.clear_ibuf [dreg:s22], $0x6FFFF;
	_ =	strace $0x90000049  }
0xc8: {  	s29 =	simm.s32 $0xB;
	_ =	strace $0x8000004B  }
0xc9: {  	_ =	swait.ge [sflag:s29], $0x1  }
0xca: {  	[sflag:s29] =	ssyncadd.s32 $0xFFFFFFFF  }
0xcb: {  	_ =	strace $0x9000004B  }
0xcc: {  	_ =	sfence  }
0xcd: {  	s30 =	sld [smem:$0x0];
	_ =	sdelay $0x2  }
0xce: {  	s31 =	sshll.u32 s1, $0xD;
	s1 =	sshrl.u32 s1, $0x2  }
0xcf: {  	s4 =	sand.u32 $0x4000, s31;
	s1 =	sadd.s32 s1, s30  }
0xd0: {  	s0 =	sor.u32 s4, s0;
	s1 =	sshll.u32 s1, $0x11  }
0xd1: {  	s0 =	sor.u32 s1, s0  }
0xd2: {  	s0 =	sadd.s32 $0x8F2B, s0  }
0xd3: {  	[sflag:s0] =	ssyncadd.remote.s32 $0x1  }
0xd4: {  	_ =	sfence.sel $0xFFFF  }
0xd5: {  	[dreg:$0x0] =	wrdreg $0xFFFFFFFF;
	(pc) =	sbr.abs _section_cstart, $3  }
0xd6: {  	[dreg:$0x1] =	wrdreg $0xFFFFFFFF  }
0xd7: {  	_ =	task.clear_ibuf [dreg:s22], $0x2FFFF;
	_ =	strace $0x9FFFFFFF  }
0xd8: {  	(tm) =	ssettm $0x7FFFFFFF  }
0xd9: {  	_ =	shalt  }
tec
execute0_lowered:
.L_overlay_start_1:
0x0: {  	(tag) =	ssettag $0x1  }
0x1: {  	s7 =	rddreg [dreg:$0x0]  }
0x2: {  	s6 =	rddreg [dreg:$0x1]  }
0x3: {  	s1 =	rddreg [dreg:$0x2]  }
0x4: {  	s0 =	rddreg [dreg:$0x3];
	s2 =	simm.s32 $0x0;
	s8 =	srdreg.scid  }
0x5: {  	s3 =	stileid.u32;
	s16 =	simm.s32 $0x0;
	[smem:$0x7FF] =	sst s2  }
0x6: {  	s4 =	sadd.s32 $0x13C00, s6;
	s5 =	sadd.s32 $0x64600, s6;
	s10 =	smul.u32 $0x2700, s3  }
0x7: {  	s8 =	sand.u32 $0x1, s8;
	s9 =	sadd.s32 $0x64E00, s6;
	s13 =	smul.u32 $0x4E000, s3  }
0x8: {  	s30 =	sshll.u32 s3, $0x6;
	p0 =	sne.s32 s3, $0xF;
	_ =	strace $0x8000004A  }
0x9: {  	s28 =	ssub.s32 $0x2, s8;
	s12 =	sshll.u32 s8, $0x4;
	s14 =	smul.u32 $0x27100, s8  }
0xa: {  	s8 =	smul.u32 $0x138800, s8;
	s6 =	sor.u32 $0x1C01, s30;
	s11 =	sshrl.u32 s28, $0x1  }
0xb: {  	s12 =	sor.u32 s3, s12;
	s29 =	sshrl.u32 s13, $0x2;
	s13 =	sadd.s32 $0x138000, s1  }
0xc: {  	s11 =	ssub.s32 s28, s11;
	s15 =	sadd.s32 s29, s1;
	s12 =	smul.u32 $0x500, s12  }
0xd: {  	s10 =	sadd.s32 s10, s14;
	s31 =	sshrl.u32 s8, $0x3;
	s13 =	sshrl.u32 @!p0 s13, $0x3  }
0xe: {  	s14 =	simm.s32 $0x2800;
	s8 =	sadd.s32 s9, s10;
	s9 =	sadd.s32 s9, s31  }
0xf: {  	s10 =	smax.u32 s11, $0x1;
	s11 =	sshrl.u32 s15, $0x3;
	s15 =	simm.s32 $0x7D  }
0x10: {  	s7 =	sadd.s32 s7, s12;
	s9 =	sadd.s32 $0x27000, s9;
	s12 =	simm.s32 $0x1  }
.LBB2_1:
0x11: {  	[spmem:s11], [sflag:s6] =	dma.local [hbm:s4], $0x2700  }
0x12: {  	_ =	swait.ge [sflag:s12], $0x2700  }
0x13: {  	[sflag:s12] =	ssyncset.done $0x0  }
0x14: {  	s17 =	simm.s32 @!p0 $0x1;
	[sflag:s12] =	ssyncadd.s32 $0xFFFFD900  }
0x15: {  	[spmem:s13], [sflag:s6] =	dma.local @!p0 [hbm:s4], $0x100  }
0x16: {  	_ =	swait.ge @!p0 [sflag:s17], $0x100  }
0x17: {  	[sflag:s17] =	ssyncset.done @!p0 $0x0  }
0x18: {  	[sflag:s17] =	ssyncadd.s32 @!p0 $0xFFFFFF00  }
0x19: {  	[tilespmem:s14], [sflag:$0x1] =	stream.linear.gather [hbm4b:s5+s2], $0x3E80, $0x38;
	[tilespmem:$0x1A080] =	vst v63  }
0x1a: {  	_ =	swait.ge [sflag:s12], $0x3E80  }
0x1b: {  	[sflag:s12] =	ssyncset.done $0x0  }
0x1c: {  	[sflag:s12] =	ssyncadd.s32 $0xFFFFC180  }
0x1d: {  	[bflag:$0x0] =	sbarrier.arrive $0xFFFF  }
0x1e: {  	[tilespmem:s2], [sflag:$0x1] =	stream.linear.gather [hbm4b:s7+s2], $0x2800, $0x38;
	[tilespmem:$0x1A080] =	vst v63  }
0x1f: {  	_ =	swait.ge [sflag:s12], $0x2800  }
0x20: {  	[sflag:s12] =	ssyncset.done $0x0  }
0x21: {  	s31 =	simm.s32 $0x0;
	[sflag:s12] =	ssyncadd.s32 $0xFFFFD800  }
0x22: {  	[spmem:s1] =	stream.indirect.scatter.add.f32 [tilespmem:s14], [sflag:$0x1], $0x80, s31, s15, $0xb8;
	[tilespmem:$0x1A080] =	vst v63  }
0x23: {  	_ =	swait.ge [sflag:s12], $0x3E80  }
0x24: {  	s17 =	simm.s32 $0x200;
	[sflag:s12] =	ssyncset.done $0x0  }
.LBB2_2:
0x25: {  	s18 =	sshra.s32 s17, $0x2;
	[sflag:s12] =	ssyncadd.s32 $0xFFFFC180;
	p1 =	sne.s32 s17, $0x9E00  }
0x26: {  	[spmem:s1] =	stream.indirect.scatter.add.f32 [tilespmem:s14], [sflag:$0x1], $0x80, s18, s15, $0xb8;
	[tilespmem:$0x1A080] =	vst v63  }
.Ltmp0:
0x27: {  	_ = 	snop;
	(pc) =	sbr.rel @p1 .LBB2_2-.Ltmp0, $4  }
0x28: {  	_ = 	snop  }
0x29: {  	s17 =	sadd.s32 $0x200, s17  }
0x2a: {  	_ =	swait.ge [sflag:s12], $0x3E80  }
0x2b: {  	[sflag:s12] =	ssyncset.done $0x0  }
0x2c: {  	[sflag:s12] =	ssyncadd.s32 $0xFFFFC180  }
0x2d: {  	[bflag:$0x0] =	sbarrier.arrive $0xFFFF  }
0x2e: {  	[hbm:s8], [sflag:s6] =	dma.local [spmem:s11], $0x2700  }
0x2f: {  	s16 =	sadd.s32 $0x1, s16;
	_ =	swait.ge [sflag:s12], $0x2700  }
0x30: {  	p1 =	sne.s32 s16, s10;
	[sflag:s12] =	ssyncset.done $0x0  }
.Ltmp1:
0x31: {  	s17 =	simm.s32 @!p0 $0x1;
	[sflag:s12] =	ssyncadd.s32 $0xFFFFD900;
	(pc) =	sbr.rel @p1 .LBB2_1-.Ltmp1, $4  }
0x32: {  	[hbm:s9], [sflag:s6] =	dma.local @!p0 [spmem:s13], $0x100  }
0x33: {  	_ =	swait.ge @!p0 [sflag:s17], $0x100  }
0x34: {  	[sflag:s17] =	ssyncset.done @!p0 $0x0  }
0x35: {  	[sflag:s17] =	ssyncadd.s32 @!p0 $0xFFFFFF00  }
0x36: {  	_ =	sfence.sel $0x180000  }
0x37: {  	[bflag:$0x0] =	sbarrier.arrive $0xFFFF  }
0x38: {  	p0 =	sne.s32 s3, $0x0;
	_ =	strace $0x9000004A  }
0x39: {  	s0 =	sadd.s32 @!p0 $0x100000, s0;
	[bflag:$0x2] =	sbarrier.arrive $0xFFFF  }
0x3a: {  	[sflag:s0] =	ssyncadd.tile.s32 @!p0 $0x1;
	_ =	shalt  }
.Lfunc_end2:
_tile_overlayer_lowered:
.L_overlay_start_2:
0x3b: {  	(tag) =	ssettag $0x2  }
0x3c: {  	s0 =	rddreg [dreg:$0x0];
	s2 =	stileid.u32  }
0x3d: {  	s1 =	rddreg [dreg:$0x1];
	p0 =	sne.s32 s2, $0x0  }
0x3e: {  	s3 =	rddreg [dreg:$0x2];
	[bflag:$0x3] =	sbarrier.arrive $0xFFFF;
	s2 =	simm.s32 @!p0 $0x1C01  }
0x3f: {  	[timem:s3], [sflag:s2] =	dma.local @!p0 [hbm:s0], s1  }
0x40: {  	s0 =	simm.s32 @!p0 $0x1  }
0x41: {  	_ =	swait.ge @!p0 [sflag:s0], s1  }
0x42: {  	s1 =	ssub.s32 @!p0 $0x0, s1;
	[sflag:s0] =	ssyncset.done @!p0 $0x0  }
0x43: {  	[sflag:s0] =	ssyncadd.s32 @!p0 s1  }
0x44: {  	[bflag:$0x3] =	sbarrier.arrive $0xFFFF  }
0x45: {  	_ =	shalt  }

// kernel: kernel.23.cloned.1.call-start
scs
__scs_entry_jumppad:
0x0: {  	(pc) =	sbr.rel $0x88, $3  }
0x1: {  	(tag) =	ssettag $0x0;
	lr =	simm.s32 $0x1  }
0x2: {  	[smem:$0x3F8C] =	sst lr;
	_ =	strace $0xD0000000  }
0x3: {  	_ = 	snop  }
0x4: {  	_ = 	snop  }
0x5: {  	_ = 	snop  }
0x6: {  	_ = 	snop  }
0x7: {  	_ = 	snop  }
__scs_overlays_trampoline_lowered:
0x8: {  	[smem:$0x3F9B] =	sst s0  }
0x9: {  	[smem:$0x3F9C] =	sst s1  }
0xa: {  	[smem:$0x3F9D] =	sst s2  }
0xb: {  	[smem:$0x3F9E] =	sst s3  }
0xc: {  	[smem:$0x3F9F] =	sst s4  }
0xd: {  	[smem:$0x3FA0] =	sst s5  }
0xe: {  	[smem:$0x3FA1] =	sst s6  }
0xf: {  	[smem:$0x3FA2] =	sst s7  }
0x10: {  	[smem:$0x3FA3] =	sst s8  }
0x11: {  	[smem:$0x3FA4] =	sst s9;
	s0 =	simm.s32 @!p0 $0x0  }
0x12: {  	s1 =	sld [smem:$0x3F8A];
	s0 =	simm.s32 @p0 $0x1  }
0x13: {  	[smem:$0x3FA5] =	sst s0;
	s0 =	simm.s32 @!p1 $0x0  }
0x14: {  	s2 =	sld [smem:$0x3F89];
	s0 =	simm.s32 @p1 $0x1  }
0x15: {  	[smem:$0x3FA6] =	sst s0;
	s0 =	simm.s32 @!p2 $0x0  }
0x16: {  	s3 =	sld [smem:$0x3FDB];
	s0 =	simm.s32 @p2 $0x1  }
0x17: {  	s4 =	simm.s32 $0x1BF5;
	[smem:$0x3FA8] =	sst s0  }
0x18: {  	s0 =	sld [smem:$0x3F8B];
	_ =	swait.ge [sflag:s4], $0x0  }
0x19: {  	s7 =	sld [smem:$0x3F8C]  }
0x1a: {  	s8 =	sadd.s32 $0xFFFFE003, lr  }
0x1b: {  	s9 =	sadd.s32 $0xFFFFFEF7, lr;
	s5 =	simm.s32 $0xFFFFFFFF;
	p2 =	slt.u32 s8, $0xFFFFF086  }
0x1c: {  	p1 =	slt.u32 s9, $0xF7A;
	s5 =	simm.s32 @!p2 $0x0  }
0x1d: {  	s5 =	simm.s32 @p1 $0x1;
	p0 =	seq.s32 s7, s2  }
0x1e: {  	s7 =	smul.u32 @!p0 $0xF7A, s2;
	p2 =	seq.s32 @!p0 s5, $0x0  }
0x1f: {  	s9 =	smul.u32 $0xF7A, s1;
	s8 =	simm.s32 @!p0 $0x1BF5;
	p2 =	por !p2, p0  }
0x20: {  	[sflag:s8] =	ssyncset.s32 @!p0 $0xFFFFF086;
	s6 =	sadd.s32 @!p0 s3, s7;
	s7 =	simm.s32 @!p0 $0x108  }
0x21: {  	s3 =	sadd.s32 s3, s9;
	s6 =	sadd.s32 @!p0 $0x88, s6;
	s7 =	simm.s32 @p2 $0x1082  }
0x22: {  	[simem:s7], [sflag:s8] =	dma.local @!p0 [hbm:s6], $0xF7A  }
0x23: {  	s9 =	sor.u32 $0xD0000000, s2;
	s6 =	simm.s32 $0x108;
	_ =	swait.ge @!p0 [sflag:s8], $0x0  }
0x24: {  	s3 =	sadd.s32 $0x88, s3;
	s6 =	simm.s32 @!p1 $0x1082;
	[sflag:s4] =	ssyncset.s32 $0xFFFFF086  }
0x25: {  	[simem:s6], [sflag:s4] =	dma.local [hbm:s3], $0xF7A  }
0x26: {  	[smem:$0x3F8C] =	sst s1;
	(tag) =	ssettag s2;
	_ =	strace s9  }
0x27: {  	s1 =	sld [smem:$0x3F9C]  }
0x28: {  	s2 =	sld [smem:$0x3F9D]  }
0x29: {  	s4 =	sld [smem:$0x3F9F]  }
0x2a: {  	p0 =	seq.s32 s5, $0x0;
	s5 =	sld [smem:$0x3FA0]  }
0x2b: {  	s6 =	sld [smem:$0x3FA1]  }
0x2c: {  	s7 =	sld [smem:$0x3FA2]  }
0x2d: {  	s3 =	simm.s32 $0x108;
	s8 =	sld [smem:$0x3FA3]  }
0x2e: {  	s3 =	simm.s32 @!p0 $0x1082;
	s9 =	sld [smem:$0x3FA4]  }
0x2f: {  	lr =	sadd.s32 s0, s3;
	s0 =	sld [smem:$0x3F9B]  }
0x30: {  	s3 =	sld [smem:$0x3F9E]  }
0x31: {  	[smem:$0x3FA7] =	sst s10  }
0x32: {  	s10 =	sld [smem:$0x3FA5];
	_ =	sdelay $0x3  }
0x33: {  	p0 =	seq.s32 s10, $0x1;
	s10 =	sld [smem:$0x3FA7];
	_ =	sdelay $0x3  }
0x34: {  	[smem:$0x3FA7] =	sst s10  }
0x35: {  	s10 =	sld [smem:$0x3FA6];
	_ =	sdelay $0x3  }
0x36: {  	p1 =	seq.s32 s10, $0x1;
	s10 =	sld [smem:$0x3FA7];
	_ =	sdelay $0x3  }
0x37: {  	[smem:$0x3FA7] =	sst s10  }
0x38: {  	s10 =	sld [smem:$0x3FA8]  }
0x39: {  	_ = 	snop;
	(pc) =	sbr.ind lr, $3  }
0x3a: {  	_ = 	snop  }
0x3b: {  	_ = 	snop  }
0x3c: {  	p2 =	seq.s32 s10, $0x1;
	s10 =	sld [smem:$0x3FA7]  }
0x3d: {  	_ =	shalt  }
0x3e: {  	_ =	shalt  }
0x3f: {  	_ =	shalt  }
0x40: {  	_ =	shalt  }
0x41: {  	_ =	shalt  }
0x42: {  	_ =	shalt  }
0x43: {  	_ =	shalt  }
0x44: {  	_ =	shalt  }
0x45: {  	_ =	shalt  }
0x46: {  	_ =	shalt  }
0x47: {  	_ =	shalt  }
0x48: {  	_ =	shalt  }
0x49: {  	_ =	shalt  }
0x4a: {  	_ =	shalt  }
0x4b: {  	_ =	shalt  }
0x4c: {  	_ =	shalt  }
0x4d: {  	_ =	shalt  }
0x4e: {  	_ =	shalt  }
0x4f: {  	_ =	shalt  }
0x50: {  	_ =	shalt  }
0x51: {  	_ =	shalt  }
0x52: {  	_ =	shalt  }
0x53: {  	_ =	shalt  }
0x54: {  	_ =	shalt  }
0x55: {  	_ =	shalt  }
0x56: {  	_ =	shalt  }
0x57: {  	_ =	shalt  }
0x58: {  	_ =	shalt  }
0x59: {  	_ =	shalt  }
0x5a: {  	_ =	shalt  }
0x5b: {  	_ =	shalt  }
0x5c: {  	_ =	shalt  }
0x5d: {  	_ =	shalt  }
0x5e: {  	_ =	shalt  }
0x5f: {  	_ =	shalt  }
0x60: {  	_ =	shalt  }
0x61: {  	_ =	shalt  }
0x62: {  	_ =	shalt  }
0x63: {  	_ =	shalt  }
0x64: {  	_ =	shalt  }
0x65: {  	_ =	shalt  }
0x66: {  	_ =	shalt  }
0x67: {  	_ =	shalt  }
0x68: {  	_ =	shalt  }
0x69: {  	_ =	shalt  }
0x6a: {  	_ =	shalt  }
0x6b: {  	_ =	shalt  }
0x6c: {  	_ =	shalt  }
0x6d: {  	_ =	shalt  }
0x6e: {  	_ =	shalt  }
0x6f: {  	_ =	shalt  }
0x70: {  	_ =	shalt  }
0x71: {  	_ =	shalt  }
0x72: {  	_ =	shalt  }
0x73: {  	_ =	shalt  }
0x74: {  	_ =	shalt  }
0x75: {  	_ =	shalt  }
0x76: {  	_ =	shalt  }
0x77: {  	_ =	shalt  }
0x78: {  	_ =	shalt  }
0x79: {  	_ =	shalt  }
0x7a: {  	_ =	shalt  }
0x7b: {  	_ =	shalt  }
0x7c: {  	_ =	shalt  }
0x7d: {  	_ =	shalt  }
0x7e: {  	_ =	shalt  }
0x7f: {  	_ =	shalt  }
0x80: {  	_ =	shalt  }
0x81: {  	_ =	shalt  }
0x82: {  	_ =	shalt  }
0x83: {  	_ =	shalt  }
0x84: {  	_ =	shalt  }
0x85: {  	_ =	shalt  }
0x86: {  	_ =	shalt  }
0x87: {  	_ =	shalt  }
.Lfunc_end0:
.L_simem_size_0:
called_computation.2_lowered:
.L_overlay_start_0:
0x88: {  	s2 =	sld [smem:$0x3FD9]  }
0x89: {  	s3 =	sld [smem:$0x3FFE];
	_ =	sdelay $0x1  }
0x8a: {  	s1 =	srdreg.scid  }
0x8b: {  	s0 =	sand.u32 $0x1, s1  }
0x8c: {  	s15 =	sshll.u32 s0, $0xA;
	s2 =	sadd.s32 s3, s2  }
0x8d: {  	s2 =	sadd.s32 s2, s15  }
0x8e: {  	[smem:$0x3FB3] =	sst s2  }
0x8f: {  	_ = 	snop  }
0x90: {  	s2 =	sld [smem:$0x3FD0];
	_ =	sdelay $0x2  }
0x91: {  	s4 =	simm.s32 $0xD;
	s5 =	simm.s32 $0x10;
	s16 =	sld [smem:$0x3FC9]  }
0x92: {  	[smem:s5], [sflag:s4] =	dma.local [hbm:s2], $0x1  }
0x93: {  	_ =	swait.eq [sflag:s4], $0x1  }
0x94: {  	[sflag:s4] =	ssyncset.done $0x0  }
0x95: {  	[sflag:s4] =	ssyncadd.s32 $0xFFFFFFFF  }
0x96: {  	s17 =	sld [smem:$0x12];
	(tm) =	ssettm $0x1  }
0x97: {  	s18 =	sld [smem:$0x3FFB];
	_ =	sdelay $0x3  }
0x98: {  	_ =	strace s18  }
0x99: {  	s2 =	sld [smem:$0x3FFC];
	_ =	sdelay $0x3  }
0x9a: {  	_ =	strace s2  }
0x9b: {  	s2 =	sld [smem:$0x3FFD];
	_ =	sdelay $0x3  }
0x9c: {  	_ =	strace s2  }
0x9d: {  	_ =	strace $0x8FFFFFFF  }
0x9e: {  	s19 =	sld [smem:$0x3FDB];
	_ =	sdelay $0x1  }
0x9f: {  	s20 =	simm.s32 $_scs_section_size  }
0xa0: {  	s6 =	simm.s32 $_size__tile_overlayer_lowered;
	s7 =	simm.s32 $_tile_overlayer_lowered  }
0xa1: {  	s8 =	simm.s32 $0x1BFF;
	s21 =	sshll.u32 s7, $0x1;
	s5 =	sadd.s32 s20, s19  }
0xa2: {  	s22 =	simm.s32 $0x0;
	s6 =	sshll.u32 s6, $0x1;
	s7 =	sadd.s32 s21, s5  }
0xa3: {  	[timem:s22], [sflag:s8] =	dma.local [hbm:s7], s6  }
0xa4: {  	_ =	swait.ge [sflag:s8], s6  }
0xa5: {  	s6 =	ssub.s32 $0x0, s6;
	[sflag:s8] =	ssyncset.done $0x0  }
0xa6: {  	[sflag:s8] =	ssyncadd.s32 s6;
	_ =	sdelay $0x1  }
0xa7: {  	s23 =	simm.s32 $0x1B8B  }
0xa8: {  	_ =	swait.ge [sflag:s23], $0x1  }
0xa9: {  	[sflag:s23] =	ssyncset.done $0x0  }
0xaa: {  	[sflag:s23] =	ssyncadd.s32 $0xFFFFFFFF  }
0xab: {  	s6 =	sld [smem:$0x0]  }
0xac: {  	s7 =	sand.u32 $0xFFFFFFFE, s1  }
0xad: {  	p0 =	sne.s32 s1, s7  }
0xae: {  	s7 =	sshll.u32 @p0 s7, $0xE  }
0xaf: {  	s7 =	sadd.s32 @p0 $0x11B8D, s7;
	s8 =	sshll.u32 @p0 s6, $0x11  }
0xb0: {  	s7 =	sor.u32 @p0 s8, s7  }
0xb1: {  	[sflag:s7] =	ssyncadd.remote.s32 @p0 $0x1;
	_ =	sdelay $0x1  }
0xb2: {  	s7 =	simm.s32 @p0 $0x1B8D  }
0xb3: {  	_ =	swait.eq @p0 [sflag:s7], $0x1  }
0xb4: {  	[sflag:s7] =	ssyncadd.s32 @p0 $0xFFFFFFFF  }
0xb5: {  	s8 =	sshll.u32 @!p0 s1, $0xE  }
0xb6: {  	s8 =	sor.u32 @!p0 $0x4000, s8;
	s7 =	simm.s32 @!p0 $0x1B8D  }
0xb7: {  	s6 =	sshll.u32 @!p0 s6, $0x11;
	s8 =	sadd.s32 @!p0 $0x11B8D, s8;
	_ =	swait.eq @!p0 [sflag:s7], $0x1  }
0xb8: {  	s6 =	sor.u32 @!p0 s6, s8;
	[sflag:s7] =	ssyncadd.s32 @!p0 $0xFFFFFFFF  }
0xb9: {  	s25 =	simm.s32 $0x1B8E;
	s24 =	sld [smem:$0x3FFE];
	[sflag:s6] =	ssyncadd.remote.s32 @!p0 $0x1  }
0xba: {  	s26 =	simm.s32 $execute0_lowered;
	[smem:$0x3FD2] =	sst s25  }
0xbb: {  	s7 =	sshll.u32 s26, $0x1;
	_ =	strace $0x8000004C;
	[dreg:$0x1] =	wrdreg $0xFFFFFFFF  }
0xbc: {  	s28 =	simm.s32 $_size_execute0_lowered;
	s5 =	sadd.s32 s5, s7;
	[dreg:$0x0] =	wrdreg $0x0  }
0xbd: {  	s7 =	sshll.u32 s28, $0x1;
	[dreg:$0x2] =	wrdreg s5  }
0xbe: {  	[dreg:$0x3] =	wrdreg s7  }
0xbf: {  	[dreg:$0x4] =	wrdreg $0xC0  }
0xc0: {  	_ =	task [dreg:s22], $0x5FFFF  }
0xc1: {  	[dreg:$0x1] =	wrdreg $0xFFFFFFFF  }
0xc2: {  	[dreg:$0x0] =	wrdreg $0x60  }
0xc3: {  	[dreg:$0x2] =	wrdreg s16  }
0xc4: {  	[dreg:$0x3] =	wrdreg s17  }
0xc5: {  	[dreg:$0x4] =	wrdreg s24  }
0xc6: {  	[dreg:$0x5] =	wrdreg $0x9D000  }
0xc7: {  	[dreg:$0x6] =	wrdreg $0xA  }
0xc8: {  	_ =	task.clear_ibuf [dreg:s22], $0x7FFFF;
	_ =	strace $0x9000004C  }
0xc9: {  	s29 =	simm.s32 $0xA;
	_ =	strace $0x8000004E  }
0xca: {  	_ =	swait.ge [sflag:s29], $0x1  }
0xcb: {  	[sflag:s29] =	ssyncadd.s32 $0xFFFFFFFF  }
0xcc: {  	_ =	strace $0x9000004E  }
0xcd: {  	_ =	sfence  }
0xce: {  	s30 =	sld [smem:$0x0];
	_ =	sdelay $0x2  }
0xcf: {  	s31 =	sshll.u32 s1, $0xD;
	s1 =	sshrl.u32 s1, $0x2  }
0xd0: {  	s4 =	sand.u32 $0x4000, s31;
	s1 =	sadd.s32 s1, s30  }
0xd1: {  	s0 =	sor.u32 s4, s0;
	s1 =	sshll.u32 s1, $0x11  }
0xd2: {  	s0 =	sor.u32 s1, s0  }
0xd3: {  	s0 =	sadd.s32 $0x8F2B, s0  }
0xd4: {  	[sflag:s0] =	ssyncadd.remote.s32 $0x1  }
0xd5: {  	_ =	sfence.sel $0xFFFF  }
0xd6: {  	[dreg:$0x0] =	wrdreg $0xFFFFFFFF;
	(pc) =	sbr.abs _section_cstart, $3  }
0xd7: {  	[dreg:$0x1] =	wrdreg $0xFFFFFFFF  }
0xd8: {  	_ =	task.clear_ibuf [dreg:s22], $0x2FFFF;
	_ =	strace $0x9FFFFFFF  }
0xd9: {  	(tm) =	ssettm $0x7FFFFFFF  }
tec
execute0_lowered:
.L_overlay_start_1:
0x0: {  	(tag) =	ssettag $0x1  }
0x1: {  	s1 =	rddreg [dreg:$0x0]  }
0x2: {  	s0 =	rddreg [dreg:$0x1]  }
0x3: {  	s3 =	rddreg [dreg:$0x2]  }
0x4: {  	s2 =	rddreg [dreg:$0x3];
	s4 =	simm.s32 $0x0  }
0x5: {  	s5 =	srdreg.scid;
	s20 =	stileid.u32;
	s28 =	simm.s32 $0x4  }
0x6: {  	s29 =	simm.s32 $0x3;
	s31 =	simm.s32 $0x0;
	s11 =	smul.u32 $0x2700, s20  }
0x7: {  	[smem:$0x7FF] =	sst s4;
	s8 =	sand.u32 $0x1, s5;
	s9 =	smul.u32 $0x4E000, s20  }
0x8: {  	s15 =	sadd.s32 $0xB3000, s3;
	s23 =	sshll.u32 s20, $0x6;
	s25 =	smul.u32 $0x3200, s20  }
0x9: {  	s18 =	sadd.s32 $0x138000, s2;
	p0 =	sne.s32 s20, $0xF;
	s14 =	smul.u32 $0x27100, s8  }
0xa: {  	_ =	strace $0x8000004D;
	s5 =	sshll.u32 s8, $0x4;
	s17 =	smul.u32 $0x138800, s8  }
0xb: {  	s6 =	ssub.s32 $0x2, s8;
	[dreg:$0x5] =	wrdreg s23;
	s19 =	smul.u32 $0x32000, s8  }
0xc: {  	s7 =	sor.u32 s20, s5;
	s5 =	sadd.s32 $0x13C00, s3;
	s10 =	sshrl.u32 s6, $0x1  }
0xd: {  	s3 =	sadd.s32 $0xBF800, s3;
	s22 =	sshrl.u32 s9, $0x2;
	s12 =	smul.u32 $0x680, s7  }
0xe: {  	s20 =	simm.s32 $0x64;
	s13 =	ssub.s32 s6, s10;
	s21 =	smul.u32 $0x3200, s7  }
0xf: {  	s16 =	sadd.s32 s22, s2;
	s7 =	sor.u32 $0x1C05, s23;
	s11 =	sadd.s32 s11, s14  }
0x10: {  	s26 =	sshrl.u32 s17, $0x3;
	s17 =	sshrl.u32 @!p0 s18, $0x3;
	s18 =	simm.s32 $0x6  }
0x11: {  	s22 =	simm.s32 $0x5;
	s23 =	simm.s32 $0x6900;
	s11 =	sadd.s32 s3, s11  }
0x12: {  	s3 =	sadd.s32 s3, s26;
	s13 =	smax.u32 s13, $0x1;
	s16 =	sshrl.u32 s16, $0x3  }
0x13: {  	s26 =	simm.s32 $0x2;
	s24 =	sshrl.u32 s21, $0x3;
	s0 =	sadd.s32 s0, s12  }
0x14: {  	s12 =	sadd.s32 $0x27000, s3;
	s21 =	simm.s32 $0x3500;
	[dreg:$0x6] =	wrdreg s0  }
0x15: {  	s9 =	sadd.s32 s15, s24;
	s0 =	sadd.s32 s25, s19;
	s19 =	simm.s32 $0x3400  }
0x16: {  	s24 =	simm.s32 $0x3480;
	s30 =	sor.u32 $0x100, s0;
	s0 =	sor.u32 $0x80, s0  }
0x17: {  	s25 =	simm.s32 $0x1;
	s3 =	sshrl.u32 s30, $0x3;
	s0 =	sshrl.u32 s0, $0x3  }
0x18: {  	s10 =	sadd.s32 $0x630, s9;
	s14 =	sadd.s32 s3, s15;
	s15 =	sadd.s32 s0, s15  }
.LBB2_1:
0x19: {  	[spmem:s16], [sflag:s7] =	dma.local [hbm:s5], $0x2700  }
0x1a: {  	[spmem:s17], [sflag:s7] =	dma.local @!p0 [hbm:s5], $0x100  }
0x1b: {  	s0 =	rddreg [dreg:$0x6]  }
0x1c: {  	[tilespmem:s4], [sflag:$0x6] =	stream.linear.gather [hbm4b:s0+s4], $0x3200, $0x38;
	[tilespmem:$0x1D580] =	vst v63  }
0x1d: {  	_ =	swait.ge [sflag:s18], $0x3200  }
0x1e: {  	[sflag:s18] =	ssyncset.done $0x0  }
0x1f: {  	[sflag:s18] =	ssyncadd.s32 $0xFFFFCE00  }
0x20: {  	[tilespmem:s19], [sflag:$0x6] =	stream.linear.gather [hbm4b:s9+s4], $0x80, $0x38;
	[tilespmem:$0x1D580] =	vst v63  }
0x21: {  	_ =	swait.ge [sflag:s18], $0x80  }
0x22: {  	[sflag:s18] =	ssyncset.done $0x0  }
0x23: {  	[sflag:s18] =	ssyncadd.s32 $0xFFFFFF80  }
0x24: {  	[tilespmem:s21], [sflag:$0x1] =	stream.indirect.gather [hbm4b:s1+s20], $0x80, s4, s20, $0xb8;
	[tilespmem:$0x1D580] =	vst v63  }
0x25: {  	_ =	swait.ge [sflag:s22], $0x2700  }
0x26: {  	[sflag:s22] =	ssyncset.done $0x0  }
0x27: {  	s0 =	simm.s32 @!p0 $0x5;
	[sflag:s22] =	ssyncadd.s32 $0xFFFFD900  }
0x28: {  	_ =	swait.ge @!p0 [sflag:s0], $0x100  }
0x29: {  	[sflag:s0] =	ssyncset.done @!p0 $0x0  }
0x2a: {  	[sflag:s0] =	ssyncadd.s32 @!p0 $0xFFFFFF00  }
0x2b: {  	s8 =	simm.s32 $0x80;
	[bflag:$0x0] =	sbarrier.arrive $0xFFFF  }
0x2c: {  	[tilespmem:s23], [sflag:$0x2] =	stream.indirect.gather [hbm4b:s1+s20], $0x80, s8, s20, $0xb8;
	[tilespmem:$0x1D580] =	vst v63  }
0x2d: {  	s3 =	sadd.s32 $0x0, s15  }
0x2e: {  	[tilespmem:s24], [sflag:$0x4] =	stream.linear.gather [hbm4b:s3+s4], $0x80, $0x38;
	[tilespmem:$0x1D580] =	vst v63  }
0x2f: {  	_ =	swait.ge [sflag:s25], $0x3200  }
0x30: {  	[sflag:s25] =	ssyncset.done $0x0  }
0x31: {  	[sflag:s25] =	ssyncadd.s32 $0xFFFFCE00  }
0x32: {  	[spmem:s2] =	stream.indirect.scatter.add.f32 [tilespmem:s21], [sflag:$0x6], $0x80, s19, s20, $0xb8;
	[tilespmem:$0x1D580] =	vst v63  }
0x33: {  	_ =	swait.ge [sflag:s18], $0x3200  }
0x34: {  	[sflag:s18] =	ssyncset.done $0x0  }
0x35: {  	s6 =	simm.s32 $0x100;
	[sflag:s18] =	ssyncadd.s32 $0xFFFFCE00  }
0x36: {  	[tilespmem:s21], [sflag:$0x1] =	stream.indirect.gather [hbm4b:s1+s20], $0x80, s6, s20, $0xb8;
	[tilespmem:$0x1D580] =	vst v63  }
0x37: {  	s8 =	sadd.s32 $0x0, s14  }
0x38: {  	[tilespmem:s19], [sflag:$0x3] =	stream.linear.gather [hbm4b:s8+s4], $0x80, $0x38;
	[tilespmem:$0x1D580] =	vst v63  }
0x39: {  	_ =	swait.ge [sflag:s26], $0x3200  }
0x3a: {  	[sflag:s26] =	ssyncset.done $0x0  }
0x3b: {  	[sflag:s26] =	ssyncadd.s32 $0xFFFFCE00  }
0x3c: {  	_ =	swait.ge [sflag:s28], $0x80  }
0x3d: {  	[sflag:s28] =	ssyncset.done $0x0  }
0x3e: {  	[sflag:s28] =	ssyncadd.s32 $0xFFFFFF80  }
0x3f: {  	[spmem:s2] =	stream.indirect.scatter.add.f32 [tilespmem:s23], [sflag:$0x6], $0x80, s24, s20, $0xb8;
	[tilespmem:$0x1D580] =	vst v63  }
0x40: {  	_ =	swait.ge [sflag:s18], $0x3200  }
0x41: {  	[sflag:s18] =	ssyncset.done $0x0  }
0x42: {  	[sflag:s18] =	ssyncadd.s32 $0xFFFFCE00  }
0x43: {  	s30 =	simm.s32 $0x40;
	_ =	swait.ge [sflag:s29], $0x80  }
0x44: {  	s0 =	simm.s32 $0x20;
	s3 =	simm.s32 $0x200;
	[sflag:s29] =	ssyncset.done $0x0  }
.LBB2_2:
0x45: {  	p1 =	sne.s32 s30, $0x600;
	s6 =	sadd.s32 $0xFFFFFF80, s3;
	[sflag:s29] =	ssyncadd.s32 $0xFFFFFF80  }
0x46: {  	[tilespmem:s23], [sflag:$0x2] =	stream.indirect.gather [hbm4b:s1+s20], $0x80, s6, s20, $0xb8;
	[tilespmem:$0x1D580] =	vst v63  }
0x47: {  	s8 =	smov.u32 s30;
	s30 =	sadd.s32 $0x20, s30;
	s6 =	sadd.s32 s0, s15  }
0x48: {  	[tilespmem:s24], [sflag:$0x4] =	stream.linear.gather [hbm4b:s6+s4], $0x80, $0x38;
	[tilespmem:$0x1D580] =	vst v63  }
0x49: {  	_ =	swait.ge [sflag:s25], $0x3200  }
0x4a: {  	[sflag:s25] =	ssyncset.done $0x0  }
0x4b: {  	[sflag:s25] =	ssyncadd.s32 $0xFFFFCE00  }
0x4c: {  	[spmem:s2] =	stream.indirect.scatter.add.f32 [tilespmem:s21], [sflag:$0x6], $0x80, s19, s20, $0xb8;
	[tilespmem:$0x1D580] =	vst v63  }
0x4d: {  	_ =	swait.ge [sflag:s18], $0x3200  }
0x4e: {  	[sflag:s18] =	ssyncset.done $0x0  }
0x4f: {  	[sflag:s18] =	ssyncadd.s32 $0xFFFFCE00  }
0x50: {  	[tilespmem:s21], [sflag:$0x1] =	stream.indirect.gather [hbm4b:s1+s20], $0x80, s3, s20, $0xb8;
	[tilespmem:$0x1D580] =	vst v63  }
0x51: {  	s6 =	sadd.s32 s0, s14;
	s0 =	smov.u32 s8  }
0x52: {  	[tilespmem:s19], [sflag:$0x3] =	stream.linear.gather [hbm4b:s6+s4], $0x80, $0x38;
	[tilespmem:$0x1D580] =	vst v63  }
0x53: {  	_ =	swait.ge [sflag:s26], $0x3200  }
0x54: {  	[sflag:s26] =	ssyncset.done $0x0  }
0x55: {  	[sflag:s26] =	ssyncadd.s32 $0xFFFFCE00  }
0x56: {  	_ =	swait.ge [sflag:s28], $0x80  }
0x57: {  	[sflag:s28] =	ssyncset.done $0x0  }
0x58: {  	[sflag:s28] =	ssyncadd.s32 $0xFFFFFF80  }
0x59: {  	[spmem:s2] =	stream.indirect.scatter.add.f32 [tilespmem:s23], [sflag:$0x6], $0x80, s24, s20, $0xb8;
	[tilespmem:$0x1D580] =	vst v63  }
.Ltmp0:
0x5a: {  	_ =	swait.ge [sflag:s18], $0x3200;
	(pc) =	sbr.rel @p1 .LBB2_2-.Ltmp0, $4  }
0x5b: {  	[sflag:s18] =	ssyncset.done $0x0  }
0x5c: {  	[sflag:s18] =	ssyncadd.s32 $0xFFFFCE00  }
0x5d: {  	_ =	swait.ge [sflag:s29], $0x80  }
0x5e: {  	s3 =	sadd.s32 $0x100, s3;
	[sflag:s29] =	ssyncset.done $0x0  }
0x5f: {  	s6 =	sadd.s32 $0xFFFFFF80, s3;
	[sflag:s29] =	ssyncadd.s32 $0xFFFFFF80  }
0x60: {  	[tilespmem:s23], [sflag:$0x2] =	stream.indirect.gather [hbm4b:s1+s20], $0x80, s6, s20, $0xb8;
	[tilespmem:$0x1D580] =	vst v63  }
0x61: {  	s30 =	sadd.s32 s0, s15  }
0x62: {  	[tilespmem:s24], [sflag:$0x4] =	stream.linear.gather [hbm4b:s30+s4], $0x80, $0x38;
	[tilespmem:$0x1D580] =	vst v63  }
0x63: {  	_ =	swait.ge [sflag:s25], $0x3200  }
0x64: {  	[sflag:s25] =	ssyncset.done $0x0  }
0x65: {  	[sflag:s25] =	ssyncadd.s32 $0xFFFFCE00  }
0x66: {  	[spmem:s2] =	stream.indirect.scatter.add.f32 [tilespmem:s21], [sflag:$0x6], $0x80, s19, s20, $0xb8;
	[tilespmem:$0x1D580] =	vst v63  }
0x67: {  	_ =	swait.ge [sflag:s18], $0x3200  }
0x68: {  	[sflag:s18] =	ssyncset.done $0x0  }
0x69: {  	[sflag:s18] =	ssyncadd.s32 $0xFFFFCE00  }
0x6a: {  	[tilespmem:s21], [sflag:$0x1] =	stream.indirect.gather [hbm4b:s1+s20], $0x80, s3, s20, $0xb8;
	[tilespmem:$0x1D580] =	vst v63  }
0x6b: {  	s6 =	sadd.s32 s0, s14  }
0x6c: {  	[tilespmem:s19], [sflag:$0x3] =	stream.linear.gather [hbm4b:s6+s4], $0x80, $0x38;
	[tilespmem:$0x1D580] =	vst v63  }
0x6d: {  	_ =	swait.ge [sflag:s26], $0x3200  }
0x6e: {  	[sflag:s26] =	ssyncset.done $0x0  }
0x6f: {  	[sflag:s26] =	ssyncadd.s32 $0xFFFFCE00  }
0x70: {  	_ =	swait.ge [sflag:s28], $0x80  }
0x71: {  	[sflag:s28] =	ssyncset.done $0x0  }
0x72: {  	[sflag:s28] =	ssyncadd.s32 $0xFFFFFF80  }
0x73: {  	[spmem:s2] =	stream.indirect.scatter.add.f32 [tilespmem:s23], [sflag:$0x6], $0x80, s24, s20, $0xb8;
	[tilespmem:$0x1D580] =	vst v63  }
0x74: {  	_ =	swait.ge [sflag:s18], $0x3200  }
0x75: {  	[sflag:s18] =	ssyncset.done $0x0  }
0x76: {  	[sflag:s18] =	ssyncadd.s32 $0xFFFFCE00  }
0x77: {  	_ =	swait.ge [sflag:s29], $0x80  }
0x78: {  	[sflag:s29] =	ssyncset.done $0x0  }
0x79: {  	s8 =	simm.s32 $0x3180;
	[sflag:s29] =	ssyncadd.s32 $0xFFFFFF80  }
0x7a: {  	[tilespmem:s23], [sflag:$0x2] =	stream.indirect.gather [hbm4b:s1+s20], $0x80, s8, s20, $0xb8;
	[tilespmem:$0x1D580] =	vst v63  }
0x7b: {  	_ = 	snop  }
0x7c: {  	[tilespmem:s24], [sflag:$0x4] =	stream.linear.gather [hbm4b:s10+s4], $0x80, $0x38;
	[tilespmem:$0x1D580] =	vst v63  }
0x7d: {  	_ =	swait.ge [sflag:s25], $0x3200  }
0x7e: {  	[sflag:s25] =	ssyncset.done $0x0  }
0x7f: {  	[sflag:s25] =	ssyncadd.s32 $0xFFFFCE00  }
0x80: {  	[spmem:s2] =	stream.indirect.scatter.add.f32 [tilespmem:s21], [sflag:$0x6], $0x80, s19, s20, $0xb8;
	[tilespmem:$0x1D580] =	vst v63  }
0x81: {  	_ =	swait.ge [sflag:s18], $0x3200  }
0x82: {  	[sflag:s18] =	ssyncset.done $0x0  }
0x83: {  	[sflag:s18] =	ssyncadd.s32 $0xFFFFCE00  }
0x84: {  	_ =	swait.ge [sflag:s26], $0x3200  }
0x85: {  	[sflag:s26] =	ssyncset.done $0x0  }
0x86: {  	[sflag:s26] =	ssyncadd.s32 $0xFFFFCE00  }
0x87: {  	_ =	swait.ge [sflag:s28], $0x80  }
0x88: {  	[sflag:s28] =	ssyncset.done $0x0  }
0x89: {  	[sflag:s28] =	ssyncadd.s32 $0xFFFFFF80  }
0x8a: {  	[spmem:s2] =	stream.indirect.scatter.add.f32 [tilespmem:s23], [sflag:$0x6], $0x80, s24, s20, $0xb8;
	[tilespmem:$0x1D580] =	vst v63  }
0x8b: {  	_ =	swait.ge [sflag:s18], $0x3200  }
0x8c: {  	[sflag:s18] =	ssyncset.done $0x0  }
0x8d: {  	[sflag:s18] =	ssyncadd.s32 $0xFFFFCE00  }
0x8e: {  	[bflag:$0x0] =	sbarrier.arrive $0xFFFF  }
0x8f: {  	s30 =	rddreg [dreg:$0x5]  }
0x90: {  	s0 =	sor.u32 $0x1C06, s30  }
0x91: {  	[hbm:s11], [sflag:s0] =	dma.local [spmem:s16], $0x2700  }
0x92: {  	_ =	swait.ge [sflag:s18], $0x2700  }
0x93: {  	s31 =	sadd.s32 $0x1, s31;
	[sflag:s18] =	ssyncset.done $0x0  }
0x94: {  	p1 =	sne.s32 s31, s13;
	[sflag:s18] =	ssyncadd.s32 $0xFFFFD900  }
0x95: {  	[hbm:s12], [sflag:s0] =	dma.local @!p0 [spmem:s17], $0x100  }
.Ltmp1:
0x96: {  	_ = 	snop;
	(pc) =	sbr.rel @p1 .LBB2_1-.Ltmp1, $4  }
0x97: {  	s0 =	simm.s32 @!p0 $0x6  }
0x98: {  	_ =	swait.ge @!p0 [sflag:s0], $0x100  }
0x99: {  	[sflag:s0] =	ssyncset.done @!p0 $0x0  }
0x9a: {  	[sflag:s0] =	ssyncadd.s32 @!p0 $0xFFFFFF00  }
0x9b: {  	_ =	sfence.sel $0x180000  }
0x9c: {  	[bflag:$0x0] =	sbarrier.arrive $0xFFFF  }
0x9d: {  	_ =	strace $0x9000004D  }
0x9e: {  	s0 =	stileid.u32;
	[bflag:$0x2] =	sbarrier.arrive $0xFFFF  }
0x9f: {  	p0 =	sne.s32 s0, $0x0;
	s0 =	rddreg [dreg:$0x4]  }
0xa0: {  	s0 =	sadd.s32 @!p0 $0x100000, s0  }
0xa1: {  	[sflag:s0] =	ssyncadd.tile.s32 @!p0 $0x1;
	_ =	shalt  }
.Lfunc_end2:
_tile_overlayer_lowered:
.L_overlay_start_2:
0xa2: {  	(tag) =	ssettag $0x2  }
0xa3: {  	s0 =	rddreg [dreg:$0x0];
	s2 =	stileid.u32  }
0xa4: {  	s1 =	rddreg [dreg:$0x1];
	p0 =	sne.s32 s2, $0x0  }
0xa5: {  	s3 =	rddreg [dreg:$0x2];
	[bflag:$0x3] =	sbarrier.arrive $0xFFFF;
	s2 =	simm.s32 @!p0 $0x1C06  }
0xa6: {  	[timem:s3], [sflag:s2] =	dma.local @!p0 [hbm:s0], s1  }
0xa7: {  	s0 =	simm.s32 @!p0 $0x6  }
0xa8: {  	_ =	swait.ge @!p0 [sflag:s0], s1  }
0xa9: {  	s1 =	ssub.s32 @!p0 $0x0, s1;
	[sflag:s0] =	ssyncset.done @!p0 $0x0  }
0xaa: {  	[sflag:s0] =	ssyncadd.s32 @!p0 s1  }
0xab: {  	[bflag:$0x3] =	sbarrier.arrive $0xFFFF  }
0xac: {  	_ =	shalt  }

// kernel: kernel.26.cloned.1.call-start
scs
__scs_entry_jumppad:
0x0: {  	(pc) =	sbr.rel $0x88, $3  }
0x1: {  	(tag) =	ssettag $0x0;
	lr =	simm.s32 $0x1  }
0x2: {  	[smem:$0x3F8C] =	sst lr;
	_ =	strace $0xD0000000  }
0x3: {  	_ = 	snop  }
0x4: {  	_ = 	snop  }
0x5: {  	_ = 	snop  }
0x6: {  	_ = 	snop  }
0x7: {  	_ = 	snop  }
__scs_overlays_trampoline_lowered:
0x8: {  	[smem:$0x3F9B] =	sst s0  }
0x9: {  	[smem:$0x3F9C] =	sst s1  }
0xa: {  	[smem:$0x3F9D] =	sst s2  }
0xb: {  	[smem:$0x3F9E] =	sst s3  }
0xc: {  	[smem:$0x3F9F] =	sst s4  }
0xd: {  	[smem:$0x3FA0] =	sst s5  }
0xe: {  	[smem:$0x3FA1] =	sst s6  }
0xf: {  	[smem:$0x3FA2] =	sst s7  }
0x10: {  	[smem:$0x3FA3] =	sst s8  }
0x11: {  	[smem:$0x3FA4] =	sst s9;
	s0 =	simm.s32 @!p0 $0x0  }
0x12: {  	s1 =	sld [smem:$0x3F8A];
	s0 =	simm.s32 @p0 $0x1  }
0x13: {  	[smem:$0x3FA5] =	sst s0;
	s0 =	simm.s32 @!p1 $0x0  }
0x14: {  	s2 =	sld [smem:$0x3F89];
	s0 =	simm.s32 @p1 $0x1  }
0x15: {  	[smem:$0x3FA6] =	sst s0;
	s0 =	simm.s32 @!p2 $0x0  }
0x16: {  	s3 =	sld [smem:$0x3FDB];
	s0 =	simm.s32 @p2 $0x1  }
0x17: {  	s4 =	simm.s32 $0x1BF5;
	[smem:$0x3FA8] =	sst s0  }
0x18: {  	s0 =	sld [smem:$0x3F8B];
	_ =	swait.ge [sflag:s4], $0x0  }
0x19: {  	s7 =	sld [smem:$0x3F8C]  }
0x1a: {  	s8 =	sadd.s32 $0xFFFFE003, lr  }
0x1b: {  	s9 =	sadd.s32 $0xFFFFFEF7, lr;
	s5 =	simm.s32 $0xFFFFFFFF;
	p2 =	slt.u32 s8, $0xFFFFF086  }
0x1c: {  	p1 =	slt.u32 s9, $0xF7A;
	s5 =	simm.s32 @!p2 $0x0  }
0x1d: {  	s5 =	simm.s32 @p1 $0x1;
	p0 =	seq.s32 s7, s2  }
0x1e: {  	s7 =	smul.u32 @!p0 $0xF7A, s2;
	p2 =	seq.s32 @!p0 s5, $0x0  }
0x1f: {  	s9 =	smul.u32 $0xF7A, s1;
	s8 =	simm.s32 @!p0 $0x1BF5;
	p2 =	por !p2, p0  }
0x20: {  	[sflag:s8] =	ssyncset.s32 @!p0 $0xFFFFF086;
	s6 =	sadd.s32 @!p0 s3, s7;
	s7 =	simm.s32 @!p0 $0x108  }
0x21: {  	s3 =	sadd.s32 s3, s9;
	s6 =	sadd.s32 @!p0 $0x88, s6;
	s7 =	simm.s32 @p2 $0x1082  }
0x22: {  	[simem:s7], [sflag:s8] =	dma.local @!p0 [hbm:s6], $0xF7A  }
0x23: {  	s9 =	sor.u32 $0xD0000000, s2;
	s6 =	simm.s32 $0x108;
	_ =	swait.ge @!p0 [sflag:s8], $0x0  }
0x24: {  	s3 =	sadd.s32 $0x88, s3;
	s6 =	simm.s32 @!p1 $0x1082;
	[sflag:s4] =	ssyncset.s32 $0xFFFFF086  }
0x25: {  	[simem:s6], [sflag:s4] =	dma.local [hbm:s3], $0xF7A  }
0x26: {  	[smem:$0x3F8C] =	sst s1;
	(tag) =	ssettag s2;
	_ =	strace s9  }
0x27: {  	s1 =	sld [smem:$0x3F9C]  }
0x28: {  	s2 =	sld [smem:$0x3F9D]  }
0x29: {  	s4 =	sld [smem:$0x3F9F]  }
0x2a: {  	p0 =	seq.s32 s5, $0x0;
	s5 =	sld [smem:$0x3FA0]  }
0x2b: {  	s6 =	sld [smem:$0x3FA1]  }
0x2c: {  	s7 =	sld [smem:$0x3FA2]  }
0x2d: {  	s3 =	simm.s32 $0x108;
	s8 =	sld [smem:$0x3FA3]  }
0x2e: {  	s3 =	simm.s32 @!p0 $0x1082;
	s9 =	sld [smem:$0x3FA4]  }
0x2f: {  	lr =	sadd.s32 s0, s3;
	s0 =	sld [smem:$0x3F9B]  }
0x30: {  	s3 =	sld [smem:$0x3F9E]  }
0x31: {  	[smem:$0x3FA7] =	sst s10  }
0x32: {  	s10 =	sld [smem:$0x3FA5];
	_ =	sdelay $0x3  }
0x33: {  	p0 =	seq.s32 s10, $0x1;
	s10 =	sld [smem:$0x3FA7];
	_ =	sdelay $0x3  }
0x34: {  	[smem:$0x3FA7] =	sst s10  }
0x35: {  	s10 =	sld [smem:$0x3FA6];
	_ =	sdelay $0x3  }
0x36: {  	p1 =	seq.s32 s10, $0x1;
	s10 =	sld [smem:$0x3FA7];
	_ =	sdelay $0x3  }
0x37: {  	[smem:$0x3FA7] =	sst s10  }
0x38: {  	s10 =	sld [smem:$0x3FA8]  }
0x39: {  	_ = 	snop;
	(pc) =	sbr.ind lr, $3  }
0x3a: {  	_ = 	snop  }
0x3b: {  	_ = 	snop  }
0x3c: {  	p2 =	seq.s32 s10, $0x1;
	s10 =	sld [smem:$0x3FA7]  }
0x3d: {  	_ =	shalt  }
0x3e: {  	_ =	shalt  }
0x3f: {  	_ =	shalt  }
0x40: {  	_ =	shalt  }
0x41: {  	_ =	shalt  }
0x42: {  	_ =	shalt  }
0x43: {  	_ =	shalt  }
0x44: {  	_ =	shalt  }
0x45: {  	_ =	shalt  }
0x46: {  	_ =	shalt  }
0x47: {  	_ =	shalt  }
0x48: {  	_ =	shalt  }
0x49: {  	_ =	shalt  }
0x4a: {  	_ =	shalt  }
0x4b: {  	_ =	shalt  }
0x4c: {  	_ =	shalt  }
0x4d: {  	_ =	shalt  }
0x4e: {  	_ =	shalt  }
0x4f: {  	_ =	shalt  }
0x50: {  	_ =	shalt  }
0x51: {  	_ =	shalt  }
0x52: {  	_ =	shalt  }
0x53: {  	_ =	shalt  }
0x54: {  	_ =	shalt  }
0x55: {  	_ =	shalt  }
0x56: {  	_ =	shalt  }
0x57: {  	_ =	shalt  }
0x58: {  	_ =	shalt  }
0x59: {  	_ =	shalt  }
0x5a: {  	_ =	shalt  }
0x5b: {  	_ =	shalt  }
0x5c: {  	_ =	shalt  }
0x5d: {  	_ =	shalt  }
0x5e: {  	_ =	shalt  }
0x5f: {  	_ =	shalt  }
0x60: {  	_ =	shalt  }
0x61: {  	_ =	shalt  }
0x62: {  	_ =	shalt  }
0x63: {  	_ =	shalt  }
0x64: {  	_ =	shalt  }
0x65: {  	_ =	shalt  }
0x66: {  	_ =	shalt  }
0x67: {  	_ =	shalt  }
0x68: {  	_ =	shalt  }
0x69: {  	_ =	shalt  }
0x6a: {  	_ =	shalt  }
0x6b: {  	_ =	shalt  }
0x6c: {  	_ =	shalt  }
0x6d: {  	_ =	shalt  }
0x6e: {  	_ =	shalt  }
0x6f: {  	_ =	shalt  }
0x70: {  	_ =	shalt  }
0x71: {  	_ =	shalt  }
0x72: {  	_ =	shalt  }
0x73: {  	_ =	shalt  }
0x74: {  	_ =	shalt  }
0x75: {  	_ =	shalt  }
0x76: {  	_ =	shalt  }
0x77: {  	_ =	shalt  }
0x78: {  	_ =	shalt  }
0x79: {  	_ =	shalt  }
0x7a: {  	_ =	shalt  }
0x7b: {  	_ =	shalt  }
0x7c: {  	_ =	shalt  }
0x7d: {  	_ =	shalt  }
0x7e: {  	_ =	shalt  }
0x7f: {  	_ =	shalt  }
0x80: {  	_ =	shalt  }
0x81: {  	_ =	shalt  }
0x82: {  	_ =	shalt  }
0x83: {  	_ =	shalt  }
0x84: {  	_ =	shalt  }
0x85: {  	_ =	shalt  }
0x86: {  	_ =	shalt  }
0x87: {  	_ =	shalt  }
.Lfunc_end0:
.L_simem_size_0:
called_computation.3_lowered:
.L_overlay_start_0:
0x88: {  	s2 =	sld [smem:$0x3FD9]  }
0x89: {  	s3 =	sld [smem:$0x3FFE];
	_ =	sdelay $0x1  }
0x8a: {  	s1 =	srdreg.scid  }
0x8b: {  	s0 =	sand.u32 $0x1, s1  }
0x8c: {  	s14 =	sshll.u32 s0, $0xA;
	s2 =	sadd.s32 s3, s2  }
0x8d: {  	s2 =	sadd.s32 s2, s14  }
0x8e: {  	[smem:$0x3FB3] =	sst s2  }
0x8f: {  	_ = 	snop  }
0x90: {  	s2 =	sld [smem:$0x3FD0];
	_ =	sdelay $0x2  }
0x91: {  	s4 =	simm.s32 $0xD;
	s5 =	simm.s32 $0x10;
	s15 =	sld [smem:$0x3FC8]  }
0x92: {  	[smem:s5], [sflag:s4] =	dma.local [hbm:s2], $0x1  }
0x93: {  	_ =	swait.eq [sflag:s4], $0x1  }
0x94: {  	[sflag:s4] =	ssyncset.done $0x0  }
0x95: {  	[sflag:s4] =	ssyncadd.s32 $0xFFFFFFFF  }
0x96: {  	s16 =	sld [smem:$0x13];
	(tm) =	ssettm $0x1  }
0x97: {  	s17 =	sld [smem:$0x3FFB];
	_ =	sdelay $0x3  }
0x98: {  	_ =	strace s17  }
0x99: {  	s4 =	sld [smem:$0x3FFC];
	_ =	sdelay $0x3  }
0x9a: {  	_ =	strace s4  }
0x9b: {  	s4 =	sld [smem:$0x3FFD];
	_ =	sdelay $0x3  }
0x9c: {  	_ =	strace s4  }
0x9d: {  	_ =	strace $0x8FFFFFFF  }
0x9e: {  	s18 =	sld [smem:$0x3FDB];
	_ =	sdelay $0x1  }
0x9f: {  	s19 =	simm.s32 $_scs_section_size  }
0xa0: {  	s6 =	simm.s32 $_size__tile_overlayer_lowered;
	s7 =	simm.s32 $_tile_overlayer_lowered  }
0xa1: {  	s22 =	simm.s32 $0x1BFF;
	s21 =	sshll.u32 s7, $0x1;
	s4 =	sadd.s32 s19, s18  }
0xa2: {  	s8 =	simm.s32 $0x0;
	s20 =	sshll.u32 s6, $0x1;
	s6 =	sadd.s32 s21, s4  }
0xa3: {  	[timem:s8], [sflag:s22] =	dma.local [hbm:s6], s20  }
0xa4: {  	_ =	swait.ge [sflag:s22], s20  }
0xa5: {  	s5 =	ssub.s32 $0x0, s20;
	[sflag:s22] =	ssyncset.done $0x0  }
0xa6: {  	[sflag:s22] =	ssyncadd.s32 s5;
	_ =	sdelay $0x1  }
0xa7: {  	s23 =	simm.s32 $0x1B8B  }
0xa8: {  	_ =	swait.ge [sflag:s23], $0x1  }
0xa9: {  	[sflag:s23] =	ssyncset.done $0x0  }
0xaa: {  	s25 =	simm.s32 $0x1B8E;
	s24 =	sld [smem:$0x3FFE];
	[sflag:s23] =	ssyncadd.s32 $0xFFFFFFFF  }
0xab: {  	s26 =	simm.s32 $execute0_lowered;
	[smem:$0x3FD2] =	sst s25  }
0xac: {  	s6 =	sshll.u32 s26, $0x1;
	_ =	strace $0x80000046;
	[dreg:$0x1] =	wrdreg $0xFFFFFFFF  }
0xad: {  	s28 =	simm.s32 $_size_execute0_lowered;
	s4 =	sadd.s32 s4, s6;
	[dreg:$0x0] =	wrdreg $0x0  }
0xae: {  	s6 =	sshll.u32 s28, $0x1;
	[dreg:$0x2] =	wrdreg s4  }
0xaf: {  	[dreg:$0x3] =	wrdreg s6  }
0xb0: {  	[dreg:$0x4] =	wrdreg $0xC0  }
0xb1: {  	_ =	task [dreg:s8], $0x5FFFF  }
0xb2: {  	[dreg:$0x1] =	wrdreg $0xFFFFFFFF  }
0xb3: {  	[dreg:$0x0] =	wrdreg $0x60  }
0xb4: {  	[dreg:$0x2] =	wrdreg s15  }
0xb5: {  	[dreg:$0x3] =	wrdreg s16  }
0xb6: {  	[dreg:$0x4] =	wrdreg s24  }
0xb7: {  	[dreg:$0x5] =	wrdreg $0x9D000  }
0xb8: {  	[dreg:$0x6] =	wrdreg $0xC  }
0xb9: {  	_ =	task.clear_ibuf [dreg:s8], $0x7FFFF;
	_ =	strace $0x90000046  }
0xba: {  	s29 =	simm.s32 $0xC;
	_ =	strace $0x80000048  }
0xbb: {  	_ =	swait.ge [sflag:s29], $0x1  }
0xbc: {  	[sflag:s29] =	ssyncadd.s32 $0xFFFFFFFF  }
0xbd: {  	_ =	strace $0x90000048  }
0xbe: {  	_ =	sfence  }
0xbf: {  	s30 =	sld [smem:$0x0];
	_ =	sdelay $0x2  }
0xc0: {  	s31 =	sshll.u32 s1, $0xD;
	s1 =	sshrl.u32 s1, $0x2  }
0xc1: {  	s3 =	sand.u32 $0x4000, s31;
	s1 =	sadd.s32 s1, s30  }
0xc2: {  	s0 =	sor.u32 s3, s0;
	s1 =	sshll.u32 s1, $0x11  }
0xc3: {  	s0 =	sor.u32 s1, s0  }
0xc4: {  	s0 =	sadd.s32 $0x8F2B, s0  }
0xc5: {  	[sflag:s0] =	ssyncadd.remote.s32 $0x1  }
0xc6: {  	_ =	sfence.sel $0xFFFF  }
0xc7: {  	[dreg:$0x0] =	wrdreg $0xFFFFFFFF;
	(pc) =	sbr.abs _section_cstart, $3  }
0xc8: {  	[dreg:$0x1] =	wrdreg $0xFFFFFFFF  }
0xc9: {  	_ =	task.clear_ibuf [dreg:s8], $0x2FFFF;
	_ =	strace $0x9FFFFFFF  }
0xca: {  	(tm) =	ssettm $0x7FFFFFFF  }
0xcb: {  	_ =	shalt  }
tec
execute0_lowered:
.L_overlay_start_1:
0x0: {  	(tag) =	ssettag $0x1  }
0x1: {  	s1 =	rddreg [dreg:$0x0]  }
0x2: {  	s0 =	rddreg [dreg:$0x1]  }
0x3: {  	s3 =	rddreg [dreg:$0x2]  }
0x4: {  	s2 =	rddreg [dreg:$0x3];
	s4 =	simm.s32 $0x0  }
0x5: {  	s5 =	srdreg.scid;
	s20 =	stileid.u32;
	s28 =	simm.s32 $0x4  }
0x6: {  	s29 =	simm.s32 $0x3;
	s31 =	simm.s32 $0x0;
	s11 =	smul.u32 $0x2700, s20  }
0x7: {  	[smem:$0x7FF] =	sst s4;
	s8 =	sand.u32 $0x1, s5;
	s9 =	smul.u32 $0x4E000, s20  }
0x8: {  	s15 =	sadd.s32 $0x7400, s3;
	s23 =	sshll.u32 s20, $0x6;
	s25 =	smul.u32 $0x3200, s20  }
0x9: {  	s18 =	sadd.s32 $0x138000, s2;
	p0 =	sne.s32 s20, $0xF;
	s14 =	smul.u32 $0x27100, s8  }
0xa: {  	_ =	strace $0x80000047;
	s5 =	sshll.u32 s8, $0x4;
	s17 =	smul.u32 $0x138800, s8  }
0xb: {  	s6 =	ssub.s32 $0x2, s8;
	[dreg:$0x5] =	wrdreg s23;
	s19 =	smul.u32 $0x32000, s8  }
0xc: {  	s7 =	sor.u32 s20, s5;
	s5 =	sadd.s32 $0x13C00, s3;
	s10 =	sshrl.u32 s6, $0x1  }
0xd: {  	s3 =	sadd.s32 $0x16400, s3;
	s22 =	sshrl.u32 s9, $0x2;
	s12 =	smul.u32 $0x680, s7  }
0xe: {  	s20 =	simm.s32 $0x64;
	s13 =	ssub.s32 s6, s10;
	s21 =	smul.u32 $0x3200, s7  }
0xf: {  	s16 =	sadd.s32 s22, s2;
	s7 =	sor.u32 $0x1C05, s23;
	s11 =	sadd.s32 s11, s14  }
0x10: {  	s26 =	sshrl.u32 s17, $0x3;
	s17 =	sshrl.u32 @!p0 s18, $0x3;
	s18 =	simm.s32 $0x6  }
0x11: {  	s22 =	simm.s32 $0x5;
	s23 =	simm.s32 $0x6900;
	s11 =	sadd.s32 s3, s11  }
0x12: {  	s3 =	sadd.s32 s3, s26;
	s13 =	smax.u32 s13, $0x1;
	s16 =	sshrl.u32 s16, $0x3  }
0x13: {  	s26 =	simm.s32 $0x2;
	s24 =	sshrl.u32 s21, $0x3;
	s0 =	sadd.s32 s0, s12  }
0x14: {  	s12 =	sadd.s32 $0x27000, s3;
	s21 =	simm.s32 $0x3500;
	[dreg:$0x6] =	wrdreg s0  }
0x15: {  	s9 =	sadd.s32 s15, s24;
	s0 =	sadd.s32 s25, s19;
	s19 =	simm.s32 $0x3400  }
0x16: {  	s24 =	simm.s32 $0x3480;
	s30 =	sor.u32 $0x100, s0;
	s0 =	sor.u32 $0x80, s0  }
0x17: {  	s25 =	simm.s32 $0x1;
	s3 =	sshrl.u32 s30, $0x3;
	s0 =	sshrl.u32 s0, $0x3  }
0x18: {  	s10 =	sadd.s32 $0x630, s9;
	s14 =	sadd.s32 s3, s15;
	s15 =	sadd.s32 s0, s15  }
.LBB2_1:
0x19: {  	[spmem:s16], [sflag:s7] =	dma.local [hbm:s5], $0x2700  }
0x1a: {  	[spmem:s17], [sflag:s7] =	dma.local @!p0 [hbm:s5], $0x100  }
0x1b: {  	s0 =	rddreg [dreg:$0x6]  }
0x1c: {  	[tilespmem:s4], [sflag:$0x6] =	stream.linear.gather [hbm4b:s0+s4], $0x3200, $0x38;
	[tilespmem:$0x1D580] =	vst v63  }
0x1d: {  	_ =	swait.ge [sflag:s18], $0x3200  }
0x1e: {  	[sflag:s18] =	ssyncset.done $0x0  }
0x1f: {  	[sflag:s18] =	ssyncadd.s32 $0xFFFFCE00  }
0x20: {  	[tilespmem:s19], [sflag:$0x6] =	stream.linear.gather [hbm4b:s9+s4], $0x80, $0x38;
	[tilespmem:$0x1D580] =	vst v63  }
0x21: {  	_ =	swait.ge [sflag:s18], $0x80  }
0x22: {  	[sflag:s18] =	ssyncset.done $0x0  }
0x23: {  	[sflag:s18] =	ssyncadd.s32 $0xFFFFFF80  }
0x24: {  	[tilespmem:s21], [sflag:$0x1] =	stream.indirect.gather [hbm4b:s1+s20], $0x80, s4, s20, $0xb8;
	[tilespmem:$0x1D580] =	vst v63  }
0x25: {  	_ =	swait.ge [sflag:s22], $0x2700  }
0x26: {  	[sflag:s22] =	ssyncset.done $0x0  }
0x27: {  	s0 =	simm.s32 @!p0 $0x5;
	[sflag:s22] =	ssyncadd.s32 $0xFFFFD900  }
0x28: {  	_ =	swait.ge @!p0 [sflag:s0], $0x100  }
0x29: {  	[sflag:s0] =	ssyncset.done @!p0 $0x0  }
0x2a: {  	[sflag:s0] =	ssyncadd.s32 @!p0 $0xFFFFFF00  }
0x2b: {  	s8 =	simm.s32 $0x80;
	[bflag:$0x0] =	sbarrier.arrive $0xFFFF  }
0x2c: {  	[tilespmem:s23], [sflag:$0x2] =	stream.indirect.gather [hbm4b:s1+s20], $0x80, s8, s20, $0xb8;
	[tilespmem:$0x1D580] =	vst v63  }
0x2d: {  	s3 =	sadd.s32 $0x0, s15  }
0x2e: {  	[tilespmem:s24], [sflag:$0x4] =	stream.linear.gather [hbm4b:s3+s4], $0x80, $0x38;
	[tilespmem:$0x1D580] =	vst v63  }
0x2f: {  	_ =	swait.ge [sflag:s25], $0x3200  }
0x30: {  	[sflag:s25] =	ssyncset.done $0x0  }
0x31: {  	[sflag:s25] =	ssyncadd.s32 $0xFFFFCE00  }
0x32: {  	[spmem:s2] =	stream.indirect.scatter.add.f32 [tilespmem:s21], [sflag:$0x6], $0x80, s19, s20, $0xb8;
	[tilespmem:$0x1D580] =	vst v63  }
0x33: {  	_ =	swait.ge [sflag:s18], $0x3200  }
0x34: {  	[sflag:s18] =	ssyncset.done $0x0  }
0x35: {  	s6 =	simm.s32 $0x100;
	[sflag:s18] =	ssyncadd.s32 $0xFFFFCE00  }
0x36: {  	[tilespmem:s21], [sflag:$0x1] =	stream.indirect.gather [hbm4b:s1+s20], $0x80, s6, s20, $0xb8;
	[tilespmem:$0x1D580] =	vst v63  }
0x37: {  	s8 =	sadd.s32 $0x0, s14  }
0x38: {  	[tilespmem:s19], [sflag:$0x3] =	stream.linear.gather [hbm4b:s8+s4], $0x80, $0x38;
	[tilespmem:$0x1D580] =	vst v63  }
0x39: {  	_ =	swait.ge [sflag:s26], $0x3200  }
0x3a: {  	[sflag:s26] =	ssyncset.done $0x0  }
0x3b: {  	[sflag:s26] =	ssyncadd.s32 $0xFFFFCE00  }
0x3c: {  	_ =	swait.ge [sflag:s28], $0x80  }
0x3d: {  	[sflag:s28] =	ssyncset.done $0x0  }
0x3e: {  	[sflag:s28] =	ssyncadd.s32 $0xFFFFFF80  }
0x3f: {  	[spmem:s2] =	stream.indirect.scatter.add.f32 [tilespmem:s23], [sflag:$0x6], $0x80, s24, s20, $0xb8;
	[tilespmem:$0x1D580] =	vst v63  }
0x40: {  	_ =	swait.ge [sflag:s18], $0x3200  }
0x41: {  	[sflag:s18] =	ssyncset.done $0x0  }
0x42: {  	[sflag:s18] =	ssyncadd.s32 $0xFFFFCE00  }
0x43: {  	s30 =	simm.s32 $0x40;
	_ =	swait.ge [sflag:s29], $0x80  }
0x44: {  	s0 =	simm.s32 $0x20;
	s3 =	simm.s32 $0x200;
	[sflag:s29] =	ssyncset.done $0x0  }
.LBB2_2:
0x45: {  	p1 =	sne.s32 s30, $0x600;
	s6 =	sadd.s32 $0xFFFFFF80, s3;
	[sflag:s29] =	ssyncadd.s32 $0xFFFFFF80  }
0x46: {  	[tilespmem:s23], [sflag:$0x2] =	stream.indirect.gather [hbm4b:s1+s20], $0x80, s6, s20, $0xb8;
	[tilespmem:$0x1D580] =	vst v63  }
0x47: {  	s8 =	smov.u32 s30;
	s30 =	sadd.s32 $0x20, s30;
	s6 =	sadd.s32 s0, s15  }
0x48: {  	[tilespmem:s24], [sflag:$0x4] =	stream.linear.gather [hbm4b:s6+s4], $0x80, $0x38;
	[tilespmem:$0x1D580] =	vst v63  }
0x49: {  	_ =	swait.ge [sflag:s25], $0x3200  }
0x4a: {  	[sflag:s25] =	ssyncset.done $0x0  }
0x4b: {  	[sflag:s25] =	ssyncadd.s32 $0xFFFFCE00  }
0x4c: {  	[spmem:s2] =	stream.indirect.scatter.add.f32 [tilespmem:s21], [sflag:$0x6], $0x80, s19, s20, $0xb8;
	[tilespmem:$0x1D580] =	vst v63  }
0x4d: {  	_ =	swait.ge [sflag:s18], $0x3200  }
0x4e: {  	[sflag:s18] =	ssyncset.done $0x0  }
0x4f: {  	[sflag:s18] =	ssyncadd.s32 $0xFFFFCE00  }
0x50: {  	[tilespmem:s21], [sflag:$0x1] =	stream.indirect.gather [hbm4b:s1+s20], $0x80, s3, s20, $0xb8;
	[tilespmem:$0x1D580] =	vst v63  }
0x51: {  	s6 =	sadd.s32 s0, s14;
	s0 =	smov.u32 s8  }
0x52: {  	[tilespmem:s19], [sflag:$0x3] =	stream.linear.gather [hbm4b:s6+s4], $0x80, $0x38;
	[tilespmem:$0x1D580] =	vst v63  }
0x53: {  	_ =	swait.ge [sflag:s26], $0x3200  }
0x54: {  	[sflag:s26] =	ssyncset.done $0x0  }
0x55: {  	[sflag:s26] =	ssyncadd.s32 $0xFFFFCE00  }
0x56: {  	_ =	swait.ge [sflag:s28], $0x80  }
0x57: {  	[sflag:s28] =	ssyncset.done $0x0  }
0x58: {  	[sflag:s28] =	ssyncadd.s32 $0xFFFFFF80  }
0x59: {  	[spmem:s2] =	stream.indirect.scatter.add.f32 [tilespmem:s23], [sflag:$0x6], $0x80, s24, s20, $0xb8;
	[tilespmem:$0x1D580] =	vst v63  }
.Ltmp0:
0x5a: {  	_ =	swait.ge [sflag:s18], $0x3200;
	(pc) =	sbr.rel @p1 .LBB2_2-.Ltmp0, $4  }
0x5b: {  	[sflag:s18] =	ssyncset.done $0x0  }
0x5c: {  	[sflag:s18] =	ssyncadd.s32 $0xFFFFCE00  }
0x5d: {  	_ =	swait.ge [sflag:s29], $0x80  }
0x5e: {  	s3 =	sadd.s32 $0x100, s3;
	[sflag:s29] =	ssyncset.done $0x0  }
0x5f: {  	s6 =	sadd.s32 $0xFFFFFF80, s3;
	[sflag:s29] =	ssyncadd.s32 $0xFFFFFF80  }
0x60: {  	[tilespmem:s23], [sflag:$0x2] =	stream.indirect.gather [hbm4b:s1+s20], $0x80, s6, s20, $0xb8;
	[tilespmem:$0x1D580] =	vst v63  }
0x61: {  	s30 =	sadd.s32 s0, s15  }
0x62: {  	[tilespmem:s24], [sflag:$0x4] =	stream.linear.gather [hbm4b:s30+s4], $0x80, $0x38;
	[tilespmem:$0x1D580] =	vst v63  }
0x63: {  	_ =	swait.ge [sflag:s25], $0x3200  }
0x64: {  	[sflag:s25] =	ssyncset.done $0x0  }
0x65: {  	[sflag:s25] =	ssyncadd.s32 $0xFFFFCE00  }
0x66: {  	[spmem:s2] =	stream.indirect.scatter.add.f32 [tilespmem:s21], [sflag:$0x6], $0x80, s19, s20, $0xb8;
	[tilespmem:$0x1D580] =	vst v63  }
0x67: {  	_ =	swait.ge [sflag:s18], $0x3200  }
0x68: {  	[sflag:s18] =	ssyncset.done $0x0  }
0x69: {  	[sflag:s18] =	ssyncadd.s32 $0xFFFFCE00  }
0x6a: {  	[tilespmem:s21], [sflag:$0x1] =	stream.indirect.gather [hbm4b:s1+s20], $0x80, s3, s20, $0xb8;
	[tilespmem:$0x1D580] =	vst v63  }
0x6b: {  	s6 =	sadd.s32 s0, s14  }
0x6c: {  	[tilespmem:s19], [sflag:$0x3] =	stream.linear.gather [hbm4b:s6+s4], $0x80, $0x38;
	[tilespmem:$0x1D580] =	vst v63  }
0x6d: {  	_ =	swait.ge [sflag:s26], $0x3200  }
0x6e: {  	[sflag:s26] =	ssyncset.done $0x0  }
0x6f: {  	[sflag:s26] =	ssyncadd.s32 $0xFFFFCE00  }
0x70: {  	_ =	swait.ge [sflag:s28], $0x80  }
0x71: {  	[sflag:s28] =	ssyncset.done $0x0  }
0x72: {  	[sflag:s28] =	ssyncadd.s32 $0xFFFFFF80  }
0x73: {  	[spmem:s2] =	stream.indirect.scatter.add.f32 [tilespmem:s23], [sflag:$0x6], $0x80, s24, s20, $0xb8;
	[tilespmem:$0x1D580] =	vst v63  }
0x74: {  	_ =	swait.ge [sflag:s18], $0x3200  }
0x75: {  	[sflag:s18] =	ssyncset.done $0x0  }
0x76: {  	[sflag:s18] =	ssyncadd.s32 $0xFFFFCE00  }
0x77: {  	_ =	swait.ge [sflag:s29], $0x80  }
0x78: {  	[sflag:s29] =	ssyncset.done $0x0  }
0x79: {  	s8 =	simm.s32 $0x3180;
	[sflag:s29] =	ssyncadd.s32 $0xFFFFFF80  }
0x7a: {  	[tilespmem:s23], [sflag:$0x2] =	stream.indirect.gather [hbm4b:s1+s20], $0x80, s8, s20, $0xb8;
	[tilespmem:$0x1D580] =	vst v63  }
0x7b: {  	_ = 	snop  }
0x7c: {  	[tilespmem:s24], [sflag:$0x4] =	stream.linear.gather [hbm4b:s10+s4], $0x80, $0x38;
	[tilespmem:$0x1D580] =	vst v63  }
0x7d: {  	_ =	swait.ge [sflag:s25], $0x3200  }
0x7e: {  	[sflag:s25] =	ssyncset.done $0x0  }
0x7f: {  	[sflag:s25] =	ssyncadd.s32 $0xFFFFCE00  }
0x80: {  	[spmem:s2] =	stream.indirect.scatter.add.f32 [tilespmem:s21], [sflag:$0x6], $0x80, s19, s20, $0xb8;
	[tilespmem:$0x1D580] =	vst v63  }
0x81: {  	_ =	swait.ge [sflag:s18], $0x3200  }
0x82: {  	[sflag:s18] =	ssyncset.done $0x0  }
0x83: {  	[sflag:s18] =	ssyncadd.s32 $0xFFFFCE00  }
0x84: {  	_ =	swait.ge [sflag:s26], $0x3200  }
0x85: {  	[sflag:s26] =	ssyncset.done $0x0  }
0x86: {  	[sflag:s26] =	ssyncadd.s32 $0xFFFFCE00  }
0x87: {  	_ =	swait.ge [sflag:s28], $0x80  }
0x88: {  	[sflag:s28] =	ssyncset.done $0x0  }
0x89: {  	[sflag:s28] =	ssyncadd.s32 $0xFFFFFF80  }
0x8a: {  	[spmem:s2] =	stream.indirect.scatter.add.f32 [tilespmem:s23], [sflag:$0x6], $0x80, s24, s20, $0xb8;
	[tilespmem:$0x1D580] =	vst v63  }
0x8b: {  	_ =	swait.ge [sflag:s18], $0x3200  }
0x8c: {  	[sflag:s18] =	ssyncset.done $0x0  }
0x8d: {  	[sflag:s18] =	ssyncadd.s32 $0xFFFFCE00  }
0x8e: {  	[bflag:$0x0] =	sbarrier.arrive $0xFFFF  }
0x8f: {  	s30 =	rddreg [dreg:$0x5]  }
0x90: {  	s0 =	sor.u32 $0x1C06, s30  }
0x91: {  	[hbm:s11], [sflag:s0] =	dma.local [spmem:s16], $0x2700  }
0x92: {  	_ =	swait.ge [sflag:s18], $0x2700  }
0x93: {  	s31 =	sadd.s32 $0x1, s31;
	[sflag:s18] =	ssyncset.done $0x0  }
0x94: {  	p1 =	sne.s32 s31, s13;
	[sflag:s18] =	ssyncadd.s32 $0xFFFFD900  }
0x95: {  	[hbm:s12], [sflag:s0] =	dma.local @!p0 [spmem:s17], $0x100  }
.Ltmp1:
0x96: {  	_ = 	snop;
	(pc) =	sbr.rel @p1 .LBB2_1-.Ltmp1, $4  }
0x97: {  	s0 =	simm.s32 @!p0 $0x6  }
0x98: {  	_ =	swait.ge @!p0 [sflag:s0], $0x100  }
0x99: {  	[sflag:s0] =	ssyncset.done @!p0 $0x0  }
0x9a: {  	[sflag:s0] =	ssyncadd.s32 @!p0 $0xFFFFFF00  }
0x9b: {  	_ =	sfence.sel $0x180000  }
0x9c: {  	[bflag:$0x0] =	sbarrier.arrive $0xFFFF  }
0x9d: {  	_ =	strace $0x90000047  }
0x9e: {  	s0 =	stileid.u32;
	[bflag:$0x2] =	sbarrier.arrive $0xFFFF  }
0x9f: {  	p0 =	sne.s32 s0, $0x0;
	s0 =	rddreg [dreg:$0x4]  }
0xa0: {  	s0 =	sadd.s32 @!p0 $0x100000, s0  }
0xa1: {  	[sflag:s0] =	ssyncadd.tile.s32 @!p0 $0x1;
	_ =	shalt  }
.Lfunc_end2:
_tile_overlayer_lowered:
.L_overlay_start_2:
0xa2: {  	(tag) =	ssettag $0x2  }
0xa3: {  	s0 =	rddreg [dreg:$0x0];
	s2 =	stileid.u32  }
0xa4: {  	s1 =	rddreg [dreg:$0x1];
	p0 =	sne.s32 s2, $0x0  }
0xa5: {  	s3 =	rddreg [dreg:$0x2];
	[bflag:$0x3] =	sbarrier.arrive $0xFFFF;
	s2 =	simm.s32 @!p0 $0x1C06  }
0xa6: {  	[timem:s3], [sflag:s2] =	dma.local @!p0 [hbm:s0], s1  }
0xa7: {  	s0 =	simm.s32 @!p0 $0x6  }
0xa8: {  	_ =	swait.ge @!p0 [sflag:s0], s1  }
0xa9: {  	s1 =	ssub.s32 @!p0 $0x0, s1;
	[sflag:s0] =	ssyncset.done @!p0 $0x0  }
0xaa: {  	[sflag:s0] =	ssyncadd.s32 @!p0 s1  }
0xab: {  	[bflag:$0x3] =	sbarrier.arrive $0xFFFF  }
0xac: {  	_ =	shalt  }

// kernel: kernel.29.cloned.1.call-start
scs
__scs_entry_jumppad:
0x0: {  	(pc) =	sbr.rel $0x88, $3  }
0x1: {  	(tag) =	ssettag $0x0;
	lr =	simm.s32 $0x1  }
0x2: {  	[smem:$0x3F8C] =	sst lr;
	_ =	strace $0xD0000000  }
0x3: {  	_ = 	snop  }
0x4: {  	_ = 	snop  }
0x5: {  	_ = 	snop  }
0x6: {  	_ = 	snop  }
0x7: {  	_ = 	snop  }
__scs_overlays_trampoline_lowered:
0x8: {  	[smem:$0x3F9B] =	sst s0  }
0x9: {  	[smem:$0x3F9C] =	sst s1  }
0xa: {  	[smem:$0x3F9D] =	sst s2  }
0xb: {  	[smem:$0x3F9E] =	sst s3  }
0xc: {  	[smem:$0x3F9F] =	sst s4  }
0xd: {  	[smem:$0x3FA0] =	sst s5  }
0xe: {  	[smem:$0x3FA1] =	sst s6  }
0xf: {  	[smem:$0x3FA2] =	sst s7  }
0x10: {  	[smem:$0x3FA3] =	sst s8  }
0x11: {  	[smem:$0x3FA4] =	sst s9;
	s0 =	simm.s32 @!p0 $0x0  }
0x12: {  	s1 =	sld [smem:$0x3F8A];
	s0 =	simm.s32 @p0 $0x1  }
0x13: {  	[smem:$0x3FA5] =	sst s0;
	s0 =	simm.s32 @!p1 $0x0  }
0x14: {  	s2 =	sld [smem:$0x3F89];
	s0 =	simm.s32 @p1 $0x1  }
0x15: {  	[smem:$0x3FA6] =	sst s0;
	s0 =	simm.s32 @!p2 $0x0  }
0x16: {  	s3 =	sld [smem:$0x3FDB];
	s0 =	simm.s32 @p2 $0x1  }
0x17: {  	s4 =	simm.s32 $0x1BF5;
	[smem:$0x3FA8] =	sst s0  }
0x18: {  	s0 =	sld [smem:$0x3F8B];
	_ =	swait.ge [sflag:s4], $0x0  }
0x19: {  	s7 =	sld [smem:$0x3F8C]  }
0x1a: {  	s8 =	sadd.s32 $0xFFFFE003, lr  }
0x1b: {  	s9 =	sadd.s32 $0xFFFFFEF7, lr;
	s5 =	simm.s32 $0xFFFFFFFF;
	p2 =	slt.u32 s8, $0xFFFFF086  }
0x1c: {  	p1 =	slt.u32 s9, $0xF7A;
	s5 =	simm.s32 @!p2 $0x0  }
0x1d: {  	s5 =	simm.s32 @p1 $0x1;
	p0 =	seq.s32 s7, s2  }
0x1e: {  	s7 =	smul.u32 @!p0 $0xF7A, s2;
	p2 =	seq.s32 @!p0 s5, $0x0  }
0x1f: {  	s9 =	smul.u32 $0xF7A, s1;
	s8 =	simm.s32 @!p0 $0x1BF5;
	p2 =	por !p2, p0  }
0x20: {  	[sflag:s8] =	ssyncset.s32 @!p0 $0xFFFFF086;
	s6 =	sadd.s32 @!p0 s3, s7;
	s7 =	simm.s32 @!p0 $0x108  }
0x21: {  	s3 =	sadd.s32 s3, s9;
	s6 =	sadd.s32 @!p0 $0x88, s6;
	s7 =	simm.s32 @p2 $0x1082  }
0x22: {  	[simem:s7], [sflag:s8] =	dma.local @!p0 [hbm:s6], $0xF7A  }
0x23: {  	s9 =	sor.u32 $0xD0000000, s2;
	s6 =	simm.s32 $0x108;
	_ =	swait.ge @!p0 [sflag:s8], $0x0  }
0x24: {  	s3 =	sadd.s32 $0x88, s3;
	s6 =	simm.s32 @!p1 $0x1082;
	[sflag:s4] =	ssyncset.s32 $0xFFFFF086  }
0x25: {  	[simem:s6], [sflag:s4] =	dma.local [hbm:s3], $0xF7A  }
0x26: {  	[smem:$0x3F8C] =	sst s1;
	(tag) =	ssettag s2;
	_ =	strace s9  }
0x27: {  	s1 =	sld [smem:$0x3F9C]  }
0x28: {  	s2 =	sld [smem:$0x3F9D]  }
0x29: {  	s4 =	sld [smem:$0x3F9F]  }
0x2a: {  	p0 =	seq.s32 s5, $0x0;
	s5 =	sld [smem:$0x3FA0]  }
0x2b: {  	s6 =	sld [smem:$0x3FA1]  }
0x2c: {  	s7 =	sld [smem:$0x3FA2]  }
0x2d: {  	s3 =	simm.s32 $0x108;
	s8 =	sld [smem:$0x3FA3]  }
0x2e: {  	s3 =	simm.s32 @!p0 $0x1082;
	s9 =	sld [smem:$0x3FA4]  }
0x2f: {  	lr =	sadd.s32 s0, s3;
	s0 =	sld [smem:$0x3F9B]  }
0x30: {  	s3 =	sld [smem:$0x3F9E]  }
0x31: {  	[smem:$0x3FA7] =	sst s10  }
0x32: {  	s10 =	sld [smem:$0x3FA5];
	_ =	sdelay $0x3  }
0x33: {  	p0 =	seq.s32 s10, $0x1;
	s10 =	sld [smem:$0x3FA7];
	_ =	sdelay $0x3  }
0x34: {  	[smem:$0x3FA7] =	sst s10  }
0x35: {  	s10 =	sld [smem:$0x3FA6];
	_ =	sdelay $0x3  }
0x36: {  	p1 =	seq.s32 s10, $0x1;
	s10 =	sld [smem:$0x3FA7];
	_ =	sdelay $0x3  }
0x37: {  	[smem:$0x3FA7] =	sst s10  }
0x38: {  	s10 =	sld [smem:$0x3FA8]  }
0x39: {  	_ = 	snop;
	(pc) =	sbr.ind lr, $3  }
0x3a: {  	_ = 	snop  }
0x3b: {  	_ = 	snop  }
0x3c: {  	p2 =	seq.s32 s10, $0x1;
	s10 =	sld [smem:$0x3FA7]  }
0x3d: {  	_ =	shalt  }
0x3e: {  	_ =	shalt  }
0x3f: {  	_ =	shalt  }
0x40: {  	_ =	shalt  }
0x41: {  	_ =	shalt  }
0x42: {  	_ =	shalt  }
0x43: {  	_ =	shalt  }
0x44: {  	_ =	shalt  }
0x45: {  	_ =	shalt  }
0x46: {  	_ =	shalt  }
0x47: {  	_ =	shalt  }
0x48: {  	_ =	shalt  }
0x49: {  	_ =	shalt  }
0x4a: {  	_ =	shalt  }
0x4b: {  	_ =	shalt  }
0x4c: {  	_ =	shalt  }
0x4d: {  	_ =	shalt  }
0x4e: {  	_ =	shalt  }
0x4f: {  	_ =	shalt  }
0x50: {  	_ =	shalt  }
0x51: {  	_ =	shalt  }
0x52: {  	_ =	shalt  }
0x53: {  	_ =	shalt  }
0x54: {  	_ =	shalt  }
0x55: {  	_ =	shalt  }
0x56: {  	_ =	shalt  }
0x57: {  	_ =	shalt  }
0x58: {  	_ =	shalt  }
0x59: {  	_ =	shalt  }
0x5a: {  	_ =	shalt  }
0x5b: {  	_ =	shalt  }
0x5c: {  	_ =	shalt  }
0x5d: {  	_ =	shalt  }
0x5e: {  	_ =	shalt  }
0x5f: {  	_ =	shalt  }
0x60: {  	_ =	shalt  }
0x61: {  	_ =	shalt  }
0x62: {  	_ =	shalt  }
0x63: {  	_ =	shalt  }
0x64: {  	_ =	shalt  }
0x65: {  	_ =	shalt  }
0x66: {  	_ =	shalt  }
0x67: {  	_ =	shalt  }
0x68: {  	_ =	shalt  }
0x69: {  	_ =	shalt  }
0x6a: {  	_ =	shalt  }
0x6b: {  	_ =	shalt  }
0x6c: {  	_ =	shalt  }
0x6d: {  	_ =	shalt  }
0x6e: {  	_ =	shalt  }
0x6f: {  	_ =	shalt  }
0x70: {  	_ =	shalt  }
0x71: {  	_ =	shalt  }
0x72: {  	_ =	shalt  }
0x73: {  	_ =	shalt  }
0x74: {  	_ =	shalt  }
0x75: {  	_ =	shalt  }
0x76: {  	_ =	shalt  }
0x77: {  	_ =	shalt  }
0x78: {  	_ =	shalt  }
0x79: {  	_ =	shalt  }
0x7a: {  	_ =	shalt  }
0x7b: {  	_ =	shalt  }
0x7c: {  	_ =	shalt  }
0x7d: {  	_ =	shalt  }
0x7e: {  	_ =	shalt  }
0x7f: {  	_ =	shalt  }
0x80: {  	_ =	shalt  }
0x81: {  	_ =	shalt  }
0x82: {  	_ =	shalt  }
0x83: {  	_ =	shalt  }
0x84: {  	_ =	shalt  }
0x85: {  	_ =	shalt  }
0x86: {  	_ =	shalt  }
0x87: {  	_ =	shalt  }
.Lfunc_end0:
.L_simem_size_0:
called_computation.4_lowered:
.L_overlay_start_0:
0x88: {  	s2 =	sld [smem:$0x3FD9]  }
0x89: {  	s3 =	sld [smem:$0x3FFE];
	_ =	sdelay $0x1  }
0x8a: {  	s1 =	srdreg.scid  }
0x8b: {  	s0 =	sand.u32 $0x1, s1  }
0x8c: {  	s15 =	sshll.u32 s0, $0xA;
	s2 =	sadd.s32 s3, s2  }
0x8d: {  	s2 =	sadd.s32 s2, s15  }
0x8e: {  	[smem:$0x3FB3] =	sst s2  }
0x8f: {  	_ = 	snop  }
0x90: {  	s2 =	sld [smem:$0x3FD0];
	_ =	sdelay $0x2  }
0x91: {  	s4 =	simm.s32 $0xD;
	s16 =	simm.s32 $0x10  }
0x92: {  	[smem:s16], [sflag:s4] =	dma.local [hbm:s2], $0x1  }
0x93: {  	_ =	swait.eq [sflag:s4], $0x1  }
0x94: {  	[sflag:s4] =	ssyncset.done $0x0  }
0x95: {  	s17 =	sld [smem:$0x11];
	[sflag:s4] =	ssyncadd.s32 $0xFFFFFFFF  }
0x96: {  	s18 =	sld [smem:$0x12];
	(tm) =	ssettm $0x1  }
0x97: {  	s19 =	sld [smem:$0x3FFB];
	_ =	sdelay $0x3  }
0x98: {  	_ =	strace s19  }
0x99: {  	s2 =	sld [smem:$0x3FFC];
	_ =	sdelay $0x3  }
0x9a: {  	_ =	strace s2  }
0x9b: {  	s2 =	sld [smem:$0x3FFD];
	_ =	sdelay $0x3  }
0x9c: {  	_ =	strace s2  }
0x9d: {  	_ =	strace $0x8FFFFFFF  }
0x9e: {  	s20 =	sld [smem:$0x3FDB];
	_ =	sdelay $0x1  }
0x9f: {  	s5 =	simm.s32 $_scs_section_size  }
0xa0: {  	s6 =	simm.s32 $_size__tile_overlayer_lowered;
	s7 =	simm.s32 $_tile_overlayer_lowered  }
0xa1: {  	s8 =	simm.s32 $0x1BFF;
	s21 =	sshll.u32 s7, $0x1;
	s5 =	sadd.s32 s5, s20  }
0xa2: {  	s22 =	simm.s32 $0x0;
	s6 =	sshll.u32 s6, $0x1;
	s7 =	sadd.s32 s21, s5  }
0xa3: {  	[timem:s22], [sflag:s8] =	dma.local [hbm:s7], s6  }
0xa4: {  	_ =	swait.ge [sflag:s8], s6  }
0xa5: {  	s6 =	ssub.s32 $0x0, s6;
	[sflag:s8] =	ssyncset.done $0x0  }
0xa6: {  	[sflag:s8] =	ssyncadd.s32 s6;
	_ =	sdelay $0x1  }
0xa7: {  	s23 =	simm.s32 $0x1B8B  }
0xa8: {  	_ =	swait.ge [sflag:s23], $0x1  }
0xa9: {  	[sflag:s23] =	ssyncset.done $0x0  }
0xaa: {  	[sflag:s23] =	ssyncadd.s32 $0xFFFFFFFF  }
0xab: {  	s6 =	sld [smem:$0x0]  }
0xac: {  	s7 =	sand.u32 $0xFFFFFFFE, s1  }
0xad: {  	p0 =	sne.s32 s1, s7  }
0xae: {  	s7 =	sshll.u32 @p0 s7, $0xE  }
0xaf: {  	s7 =	sadd.s32 @p0 $0x11B8D, s7;
	s8 =	sshll.u32 @p0 s6, $0x11  }
0xb0: {  	s7 =	sor.u32 @p0 s8, s7  }
0xb1: {  	[sflag:s7] =	ssyncadd.remote.s32 @p0 $0x1;
	_ =	sdelay $0x1  }
0xb2: {  	s7 =	simm.s32 @p0 $0x1B8D  }
0xb3: {  	_ =	swait.eq @p0 [sflag:s7], $0x1  }
0xb4: {  	[sflag:s7] =	ssyncadd.s32 @p0 $0xFFFFFFFF  }
0xb5: {  	s8 =	sshll.u32 @!p0 s1, $0xE  }
0xb6: {  	s8 =	sor.u32 @!p0 $0x4000, s8;
	s7 =	simm.s32 @!p0 $0x1B8D  }
0xb7: {  	s6 =	sshll.u32 @!p0 s6, $0x11;
	s8 =	sadd.s32 @!p0 $0x11B8D, s8;
	_ =	swait.eq @!p0 [sflag:s7], $0x1  }
0xb8: {  	s6 =	sor.u32 @!p0 s6, s8;
	[sflag:s7] =	ssyncadd.s32 @!p0 $0xFFFFFFFF  }
0xb9: {  	s25 =	simm.s32 $0x1B8E;
	s24 =	sld [smem:$0x3FFE];
	[sflag:s6] =	ssyncadd.remote.s32 @!p0 $0x1  }
0xba: {  	s26 =	simm.s32 $execute0_lowered;
	[smem:$0x3FD2] =	sst s25  }
0xbb: {  	s7 =	sshll.u32 s26, $0x1;
	_ =	strace $0x80000055;
	[dreg:$0x1] =	wrdreg $0xFFFFFFFF  }
0xbc: {  	s28 =	simm.s32 $_size_execute0_lowered;
	s5 =	sadd.s32 s5, s7;
	[dreg:$0x0] =	wrdreg $0x0  }
0xbd: {  	s7 =	sshll.u32 s28, $0x1;
	[dreg:$0x2] =	wrdreg s5  }
0xbe: {  	[dreg:$0x3] =	wrdreg s7  }
0xbf: {  	[dreg:$0x4] =	wrdreg $0xC0  }
0xc0: {  	_ =	task [dreg:s22], $0x5FFFF  }
0xc1: {  	[dreg:$0x1] =	wrdreg $0xFFFFFFFF  }
0xc2: {  	[dreg:$0x0] =	wrdreg $0x60  }
0xc3: {  	[dreg:$0x2] =	wrdreg s17  }
0xc4: {  	[dreg:$0x3] =	wrdreg s18  }
0xc5: {  	[dreg:$0x4] =	wrdreg s24  }
0xc6: {  	[dreg:$0x5] =	wrdreg $0x9D000  }
0xc7: {  	[dreg:$0x6] =	wrdreg $0x9  }
0xc8: {  	_ =	task.clear_ibuf [dreg:s22], $0x7FFFF;
	_ =	strace $0x90000055  }
0xc9: {  	s29 =	simm.s32 $0x9;
	_ =	strace $0x80000057  }
0xca: {  	_ =	swait.ge [sflag:s29], $0x1  }
0xcb: {  	[sflag:s29] =	ssyncadd.s32 $0xFFFFFFFF  }
0xcc: {  	_ =	strace $0x90000057  }
0xcd: {  	_ =	sfence  }
0xce: {  	s30 =	sld [smem:$0x0];
	_ =	sdelay $0x2  }
0xcf: {  	s31 =	sshll.u32 s1, $0xD;
	s1 =	sshrl.u32 s1, $0x2  }
0xd0: {  	s4 =	sand.u32 $0x4000, s31;
	s1 =	sadd.s32 s1, s30  }
0xd1: {  	s0 =	sor.u32 s4, s0;
	s1 =	sshll.u32 s1, $0x11  }
0xd2: {  	s0 =	sor.u32 s1, s0  }
0xd3: {  	s0 =	sadd.s32 $0x8F2B, s0  }
0xd4: {  	[sflag:s0] =	ssyncadd.remote.s32 $0x1  }
0xd5: {  	_ =	sfence.sel $0xFFFF  }
0xd6: {  	[dreg:$0x0] =	wrdreg $0xFFFFFFFF;
	(pc) =	sbr.abs _section_cstart, $3  }
0xd7: {  	[dreg:$0x1] =	wrdreg $0xFFFFFFFF  }
0xd8: {  	_ =	task.clear_ibuf [dreg:s22], $0x2FFFF;
	_ =	strace $0x9FFFFFFF  }
0xd9: {  	(tm) =	ssettm $0x7FFFFFFF  }
tec
execute0_lowered:
.L_overlay_start_1:
0x0: {  	(tag) =	ssettag $0x1  }
0x1: {  	s1 =	rddreg [dreg:$0x0]  }
0x2: {  	s0 =	rddreg [dreg:$0x1]  }
0x3: {  	s3 =	rddreg [dreg:$0x2]  }
0x4: {  	s2 =	rddreg [dreg:$0x3];
	s4 =	simm.s32 $0x0  }
0x5: {  	s5 =	srdreg.scid;
	s20 =	stileid.u32;
	s28 =	simm.s32 $0x4  }
0x6: {  	s29 =	simm.s32 $0x3;
	s31 =	simm.s32 $0x0;
	s11 =	smul.u32 $0x2700, s20  }
0x7: {  	[smem:$0x7FF] =	sst s4;
	s8 =	sand.u32 $0x1, s5;
	s9 =	smul.u32 $0x4E000, s20  }
0x8: {  	s15 =	sadd.s32 $0xB3000, s3;
	s23 =	sshll.u32 s20, $0x6;
	s25 =	smul.u32 $0x3200, s20  }
0x9: {  	s18 =	sadd.s32 $0x138000, s2;
	p0 =	sne.s32 s20, $0xF;
	s14 =	smul.u32 $0x27100, s8  }
0xa: {  	_ =	strace $0x80000056;
	s5 =	sshll.u32 s8, $0x4;
	s17 =	smul.u32 $0x138800, s8  }
0xb: {  	s6 =	ssub.s32 $0x2, s8;
	[dreg:$0x5] =	wrdreg s23;
	s19 =	smul.u32 $0x32000, s8  }
0xc: {  	s7 =	sor.u32 s20, s5;
	s5 =	sadd.s32 $0x13C00, s3;
	s10 =	sshrl.u32 s6, $0x1  }
0xd: {  	s3 =	sadd.s32 $0xBF800, s3;
	s22 =	sshrl.u32 s9, $0x2;
	s12 =	smul.u32 $0x680, s7  }
0xe: {  	s20 =	simm.s32 $0x64;
	s13 =	ssub.s32 s6, s10;
	s21 =	smul.u32 $0x3200, s7  }
0xf: {  	s16 =	sadd.s32 s22, s2;
	s7 =	sor.u32 $0x1C05, s23;
	s11 =	sadd.s32 s11, s14  }
0x10: {  	s26 =	sshrl.u32 s17, $0x3;
	s17 =	sshrl.u32 @!p0 s18, $0x3;
	s18 =	simm.s32 $0x6  }
0x11: {  	s22 =	simm.s32 $0x5;
	s23 =	simm.s32 $0x6900;
	s11 =	sadd.s32 s3, s11  }
0x12: {  	s3 =	sadd.s32 s3, s26;
	s13 =	smax.u32 s13, $0x1;
	s16 =	sshrl.u32 s16, $0x3  }
0x13: {  	s26 =	simm.s32 $0x2;
	s24 =	sshrl.u32 s21, $0x3;
	s0 =	sadd.s32 s0, s12  }
0x14: {  	s12 =	sadd.s32 $0x27000, s3;
	s21 =	simm.s32 $0x3500;
	[dreg:$0x6] =	wrdreg s0  }
0x15: {  	s9 =	sadd.s32 s15, s24;
	s0 =	sadd.s32 s25, s19;
	s19 =	simm.s32 $0x3400  }
0x16: {  	s24 =	simm.s32 $0x3480;
	s30 =	sor.u32 $0x100, s0;
	s0 =	sor.u32 $0x80, s0  }
0x17: {  	s25 =	simm.s32 $0x1;
	s3 =	sshrl.u32 s30, $0x3;
	s0 =	sshrl.u32 s0, $0x3  }
0x18: {  	s10 =	sadd.s32 $0x630, s9;
	s14 =	sadd.s32 s3, s15;
	s15 =	sadd.s32 s0, s15  }
.LBB2_1:
0x19: {  	[spmem:s16], [sflag:s7] =	dma.local [hbm:s5], $0x2700  }
0x1a: {  	[spmem:s17], [sflag:s7] =	dma.local @!p0 [hbm:s5], $0x100  }
0x1b: {  	s0 =	rddreg [dreg:$0x6]  }
0x1c: {  	[tilespmem:s4], [sflag:$0x6] =	stream.linear.gather [hbm4b:s0+s4], $0x3200, $0x38;
	[tilespmem:$0x1D580] =	vst v63  }
0x1d: {  	_ =	swait.ge [sflag:s18], $0x3200  }
0x1e: {  	[sflag:s18] =	ssyncset.done $0x0  }
0x1f: {  	[sflag:s18] =	ssyncadd.s32 $0xFFFFCE00  }
0x20: {  	[tilespmem:s19], [sflag:$0x6] =	stream.linear.gather [hbm4b:s9+s4], $0x80, $0x38;
	[tilespmem:$0x1D580] =	vst v63  }
0x21: {  	_ =	swait.ge [sflag:s18], $0x80  }
0x22: {  	[sflag:s18] =	ssyncset.done $0x0  }
0x23: {  	[sflag:s18] =	ssyncadd.s32 $0xFFFFFF80  }
0x24: {  	[tilespmem:s21], [sflag:$0x1] =	stream.indirect.gather [hbm4b:s1+s20], $0x80, s4, s20, $0xb8;
	[tilespmem:$0x1D580] =	vst v63  }
0x25: {  	_ =	swait.ge [sflag:s22], $0x2700  }
0x26: {  	[sflag:s22] =	ssyncset.done $0x0  }
0x27: {  	s0 =	simm.s32 @!p0 $0x5;
	[sflag:s22] =	ssyncadd.s32 $0xFFFFD900  }
0x28: {  	_ =	swait.ge @!p0 [sflag:s0], $0x100  }
0x29: {  	[sflag:s0] =	ssyncset.done @!p0 $0x0  }
0x2a: {  	[sflag:s0] =	ssyncadd.s32 @!p0 $0xFFFFFF00  }
0x2b: {  	s8 =	simm.s32 $0x80;
	[bflag:$0x0] =	sbarrier.arrive $0xFFFF  }
0x2c: {  	[tilespmem:s23], [sflag:$0x2] =	stream.indirect.gather [hbm4b:s1+s20], $0x80, s8, s20, $0xb8;
	[tilespmem:$0x1D580] =	vst v63  }
0x2d: {  	s3 =	sadd.s32 $0x0, s15  }
0x2e: {  	[tilespmem:s24], [sflag:$0x4] =	stream.linear.gather [hbm4b:s3+s4], $0x80, $0x38;
	[tilespmem:$0x1D580] =	vst v63  }
0x2f: {  	_ =	swait.ge [sflag:s25], $0x3200  }
0x30: {  	[sflag:s25] =	ssyncset.done $0x0  }
0x31: {  	[sflag:s25] =	ssyncadd.s32 $0xFFFFCE00  }
0x32: {  	[spmem:s2] =	stream.indirect.scatter.add.f32 [tilespmem:s21], [sflag:$0x6], $0x80, s19, s20, $0xb8;
	[tilespmem:$0x1D580] =	vst v63  }
0x33: {  	_ =	swait.ge [sflag:s18], $0x3200  }
0x34: {  	[sflag:s18] =	ssyncset.done $0x0  }
0x35: {  	s6 =	simm.s32 $0x100;
	[sflag:s18] =	ssyncadd.s32 $0xFFFFCE00  }
0x36: {  	[tilespmem:s21], [sflag:$0x1] =	stream.indirect.gather [hbm4b:s1+s20], $0x80, s6, s20, $0xb8;
	[tilespmem:$0x1D580] =	vst v63  }
0x37: {  	s8 =	sadd.s32 $0x0, s14  }
0x38: {  	[tilespmem:s19], [sflag:$0x3] =	stream.linear.gather [hbm4b:s8+s4], $0x80, $0x38;
	[tilespmem:$0x1D580] =	vst v63  }
0x39: {  	_ =	swait.ge [sflag:s26], $0x3200  }
0x3a: {  	[sflag:s26] =	ssyncset.done $0x0  }
0x3b: {  	[sflag:s26] =	ssyncadd.s32 $0xFFFFCE00  }
0x3c: {  	_ =	swait.ge [sflag:s28], $0x80  }
0x3d: {  	[sflag:s28] =	ssyncset.done $0x0  }
0x3e: {  	[sflag:s28] =	ssyncadd.s32 $0xFFFFFF80  }
0x3f: {  	[spmem:s2] =	stream.indirect.scatter.add.f32 [tilespmem:s23], [sflag:$0x6], $0x80, s24, s20, $0xb8;
	[tilespmem:$0x1D580] =	vst v63  }
0x40: {  	_ =	swait.ge [sflag:s18], $0x3200  }
0x41: {  	[sflag:s18] =	ssyncset.done $0x0  }
0x42: {  	[sflag:s18] =	ssyncadd.s32 $0xFFFFCE00  }
0x43: {  	s30 =	simm.s32 $0x40;
	_ =	swait.ge [sflag:s29], $0x80  }
0x44: {  	s0 =	simm.s32 $0x20;
	s3 =	simm.s32 $0x200;
	[sflag:s29] =	ssyncset.done $0x0  }
.LBB2_2:
0x45: {  	p1 =	sne.s32 s30, $0x600;
	s6 =	sadd.s32 $0xFFFFFF80, s3;
	[sflag:s29] =	ssyncadd.s32 $0xFFFFFF80  }
0x46: {  	[tilespmem:s23], [sflag:$0x2] =	stream.indirect.gather [hbm4b:s1+s20], $0x80, s6, s20, $0xb8;
	[tilespmem:$0x1D580] =	vst v63  }
0x47: {  	s8 =	smov.u32 s30;
	s30 =	sadd.s32 $0x20, s30;
	s6 =	sadd.s32 s0, s15  }
0x48: {  	[tilespmem:s24], [sflag:$0x4] =	stream.linear.gather [hbm4b:s6+s4], $0x80, $0x38;
	[tilespmem:$0x1D580] =	vst v63  }
0x49: {  	_ =	swait.ge [sflag:s25], $0x3200  }
0x4a: {  	[sflag:s25] =	ssyncset.done $0x0  }
0x4b: {  	[sflag:s25] =	ssyncadd.s32 $0xFFFFCE00  }
0x4c: {  	[spmem:s2] =	stream.indirect.scatter.add.f32 [tilespmem:s21], [sflag:$0x6], $0x80, s19, s20, $0xb8;
	[tilespmem:$0x1D580] =	vst v63  }
0x4d: {  	_ =	swait.ge [sflag:s18], $0x3200  }
0x4e: {  	[sflag:s18] =	ssyncset.done $0x0  }
0x4f: {  	[sflag:s18] =	ssyncadd.s32 $0xFFFFCE00  }
0x50: {  	[tilespmem:s21], [sflag:$0x1] =	stream.indirect.gather [hbm4b:s1+s20], $0x80, s3, s20, $0xb8;
	[tilespmem:$0x1D580] =	vst v63  }
0x51: {  	s6 =	sadd.s32 s0, s14;
	s0 =	smov.u32 s8  }
0x52: {  	[tilespmem:s19], [sflag:$0x3] =	stream.linear.gather [hbm4b:s6+s4], $0x80, $0x38;
	[tilespmem:$0x1D580] =	vst v63  }
0x53: {  	_ =	swait.ge [sflag:s26], $0x3200  }
0x54: {  	[sflag:s26] =	ssyncset.done $0x0  }
0x55: {  	[sflag:s26] =	ssyncadd.s32 $0xFFFFCE00  }
0x56: {  	_ =	swait.ge [sflag:s28], $0x80  }
0x57: {  	[sflag:s28] =	ssyncset.done $0x0  }
0x58: {  	[sflag:s28] =	ssyncadd.s32 $0xFFFFFF80  }
0x59: {  	[spmem:s2] =	stream.indirect.scatter.add.f32 [tilespmem:s23], [sflag:$0x6], $0x80, s24, s20, $0xb8;
	[tilespmem:$0x1D580] =	vst v63  }
.Ltmp0:
0x5a: {  	_ =	swait.ge [sflag:s18], $0x3200;
	(pc) =	sbr.rel @p1 .LBB2_2-.Ltmp0, $4  }
0x5b: {  	[sflag:s18] =	ssyncset.done $0x0  }
0x5c: {  	[sflag:s18] =	ssyncadd.s32 $0xFFFFCE00  }
0x5d: {  	_ =	swait.ge [sflag:s29], $0x80  }
0x5e: {  	s3 =	sadd.s32 $0x100, s3;
	[sflag:s29] =	ssyncset.done $0x0  }
0x5f: {  	s6 =	sadd.s32 $0xFFFFFF80, s3;
	[sflag:s29] =	ssyncadd.s32 $0xFFFFFF80  }
0x60: {  	[tilespmem:s23], [sflag:$0x2] =	stream.indirect.gather [hbm4b:s1+s20], $0x80, s6, s20, $0xb8;
	[tilespmem:$0x1D580] =	vst v63  }
0x61: {  	s30 =	sadd.s32 s0, s15  }
0x62: {  	[tilespmem:s24], [sflag:$0x4] =	stream.linear.gather [hbm4b:s30+s4], $0x80, $0x38;
	[tilespmem:$0x1D580] =	vst v63  }
0x63: {  	_ =	swait.ge [sflag:s25], $0x3200  }
0x64: {  	[sflag:s25] =	ssyncset.done $0x0  }
0x65: {  	[sflag:s25] =	ssyncadd.s32 $0xFFFFCE00  }
0x66: {  	[spmem:s2] =	stream.indirect.scatter.add.f32 [tilespmem:s21], [sflag:$0x6], $0x80, s19, s20, $0xb8;
	[tilespmem:$0x1D580] =	vst v63  }
0x67: {  	_ =	swait.ge [sflag:s18], $0x3200  }
0x68: {  	[sflag:s18] =	ssyncset.done $0x0  }
0x69: {  	[sflag:s18] =	ssyncadd.s32 $0xFFFFCE00  }
0x6a: {  	[tilespmem:s21], [sflag:$0x1] =	stream.indirect.gather [hbm4b:s1+s20], $0x80, s3, s20, $0xb8;
	[tilespmem:$0x1D580] =	vst v63  }
0x6b: {  	s6 =	sadd.s32 s0, s14  }
0x6c: {  	[tilespmem:s19], [sflag:$0x3] =	stream.linear.gather [hbm4b:s6+s4], $0x80, $0x38;
	[tilespmem:$0x1D580] =	vst v63  }
0x6d: {  	_ =	swait.ge [sflag:s26], $0x3200  }
0x6e: {  	[sflag:s26] =	ssyncset.done $0x0  }
0x6f: {  	[sflag:s26] =	ssyncadd.s32 $0xFFFFCE00  }
0x70: {  	_ =	swait.ge [sflag:s28], $0x80  }
0x71: {  	[sflag:s28] =	ssyncset.done $0x0  }
0x72: {  	[sflag:s28] =	ssyncadd.s32 $0xFFFFFF80  }
0x73: {  	[spmem:s2] =	stream.indirect.scatter.add.f32 [tilespmem:s23], [sflag:$0x6], $0x80, s24, s20, $0xb8;
	[tilespmem:$0x1D580] =	vst v63  }
0x74: {  	_ =	swait.ge [sflag:s18], $0x3200  }
0x75: {  	[sflag:s18] =	ssyncset.done $0x0  }
0x76: {  	[sflag:s18] =	ssyncadd.s32 $0xFFFFCE00  }
0x77: {  	_ =	swait.ge [sflag:s29], $0x80  }
0x78: {  	[sflag:s29] =	ssyncset.done $0x0  }
0x79: {  	s8 =	simm.s32 $0x3180;
	[sflag:s29] =	ssyncadd.s32 $0xFFFFFF80  }
0x7a: {  	[tilespmem:s23], [sflag:$0x2] =	stream.indirect.gather [hbm4b:s1+s20], $0x80, s8, s20, $0xb8;
	[tilespmem:$0x1D580] =	vst v63  }
0x7b: {  	_ = 	snop  }
0x7c: {  	[tilespmem:s24], [sflag:$0x4] =	stream.linear.gather [hbm4b:s10+s4], $0x80, $0x38;
	[tilespmem:$0x1D580] =	vst v63  }
0x7d: {  	_ =	swait.ge [sflag:s25], $0x3200  }
0x7e: {  	[sflag:s25] =	ssyncset.done $0x0  }
0x7f: {  	[sflag:s25] =	ssyncadd.s32 $0xFFFFCE00  }
0x80: {  	[spmem:s2] =	stream.indirect.scatter.add.f32 [tilespmem:s21], [sflag:$0x6], $0x80, s19, s20, $0xb8;
	[tilespmem:$0x1D580] =	vst v63  }
0x81: {  	_ =	swait.ge [sflag:s18], $0x3200  }
0x82: {  	[sflag:s18] =	ssyncset.done $0x0  }
0x83: {  	[sflag:s18] =	ssyncadd.s32 $0xFFFFCE00  }
0x84: {  	_ =	swait.ge [sflag:s26], $0x3200  }
0x85: {  	[sflag:s26] =	ssyncset.done $0x0  }
0x86: {  	[sflag:s26] =	ssyncadd.s32 $0xFFFFCE00  }
0x87: {  	_ =	swait.ge [sflag:s28], $0x80  }
0x88: {  	[sflag:s28] =	ssyncset.done $0x0  }
0x89: {  	[sflag:s28] =	ssyncadd.s32 $0xFFFFFF80  }
0x8a: {  	[spmem:s2] =	stream.indirect.scatter.add.f32 [tilespmem:s23], [sflag:$0x6], $0x80, s24, s20, $0xb8;
	[tilespmem:$0x1D580] =	vst v63  }
0x8b: {  	_ =	swait.ge [sflag:s18], $0x3200  }
0x8c: {  	[sflag:s18] =	ssyncset.done $0x0  }
0x8d: {  	[sflag:s18] =	ssyncadd.s32 $0xFFFFCE00  }
0x8e: {  	[bflag:$0x0] =	sbarrier.arrive $0xFFFF  }
0x8f: {  	s30 =	rddreg [dreg:$0x5]  }
0x90: {  	s0 =	sor.u32 $0x1C06, s30  }
0x91: {  	[hbm:s11], [sflag:s0] =	dma.local [spmem:s16], $0x2700  }
0x92: {  	_ =	swait.ge [sflag:s18], $0x2700  }
0x93: {  	s31 =	sadd.s32 $0x1, s31;
	[sflag:s18] =	ssyncset.done $0x0  }
0x94: {  	p1 =	sne.s32 s31, s13;
	[sflag:s18] =	ssyncadd.s32 $0xFFFFD900  }
0x95: {  	[hbm:s12], [sflag:s0] =	dma.local @!p0 [spmem:s17], $0x100  }
.Ltmp1:
0x96: {  	_ = 	snop;
	(pc) =	sbr.rel @p1 .LBB2_1-.Ltmp1, $4  }
0x97: {  	s0 =	simm.s32 @!p0 $0x6  }
0x98: {  	_ =	swait.ge @!p0 [sflag:s0], $0x100  }
0x99: {  	[sflag:s0] =	ssyncset.done @!p0 $0x0  }
0x9a: {  	[sflag:s0] =	ssyncadd.s32 @!p0 $0xFFFFFF00  }
0x9b: {  	_ =	sfence.sel $0x180000  }
0x9c: {  	[bflag:$0x0] =	sbarrier.arrive $0xFFFF  }
0x9d: {  	_ =	strace $0x90000056  }
0x9e: {  	s0 =	stileid.u32;
	[bflag:$0x2] =	sbarrier.arrive $0xFFFF  }
0x9f: {  	p0 =	sne.s32 s0, $0x0;
	s0 =	rddreg [dreg:$0x4]  }
0xa0: {  	s0 =	sadd.s32 @!p0 $0x100000, s0  }
0xa1: {  	[sflag:s0] =	ssyncadd.tile.s32 @!p0 $0x1;
	_ =	shalt  }
.Lfunc_end2:
_tile_overlayer_lowered:
.L_overlay_start_2:
0xa2: {  	(tag) =	ssettag $0x2  }
0xa3: {  	s0 =	rddreg [dreg:$0x0];
	s2 =	stileid.u32  }
0xa4: {  	s1 =	rddreg [dreg:$0x1];
	p0 =	sne.s32 s2, $0x0  }
0xa5: {  	s3 =	rddreg [dreg:$0x2];
	[bflag:$0x3] =	sbarrier.arrive $0xFFFF;
	s2 =	simm.s32 @!p0 $0x1C06  }
0xa6: {  	[timem:s3], [sflag:s2] =	dma.local @!p0 [hbm:s0], s1  }
0xa7: {  	s0 =	simm.s32 @!p0 $0x6  }
0xa8: {  	_ =	swait.ge @!p0 [sflag:s0], s1  }
0xa9: {  	s1 =	ssub.s32 @!p0 $0x0, s1;
	[sflag:s0] =	ssyncset.done @!p0 $0x0  }
0xaa: {  	[sflag:s0] =	ssyncadd.s32 @!p0 s1  }
0xab: {  	[bflag:$0x3] =	sbarrier.arrive $0xFFFF  }
0xac: {  	_ =	shalt  }

// kernel: kernel.32.cloned.1.call-start
scs
__scs_entry_jumppad:
0x0: {  	(pc) =	sbr.rel $0x88, $3  }
0x1: {  	(tag) =	ssettag $0x0;
	lr =	simm.s32 $0x1  }
0x2: {  	[smem:$0x3F8C] =	sst lr;
	_ =	strace $0xD0000000  }
0x3: {  	_ = 	snop  }
0x4: {  	_ = 	snop  }
0x5: {  	_ = 	snop  }
0x6: {  	_ = 	snop  }
0x7: {  	_ = 	snop  }
__scs_overlays_trampoline_lowered:
0x8: {  	[smem:$0x3F9B] =	sst s0  }
0x9: {  	[smem:$0x3F9C] =	sst s1  }
0xa: {  	[smem:$0x3F9D] =	sst s2  }
0xb: {  	[smem:$0x3F9E] =	sst s3  }
0xc: {  	[smem:$0x3F9F] =	sst s4  }
0xd: {  	[smem:$0x3FA0] =	sst s5  }
0xe: {  	[smem:$0x3FA1] =	sst s6  }
0xf: {  	[smem:$0x3FA2] =	sst s7  }
0x10: {  	[smem:$0x3FA3] =	sst s8  }
0x11: {  	[smem:$0x3FA4] =	sst s9;
	s0 =	simm.s32 @!p0 $0x0  }
0x12: {  	s1 =	sld [smem:$0x3F8A];
	s0 =	simm.s32 @p0 $0x1  }
0x13: {  	[smem:$0x3FA5] =	sst s0;
	s0 =	simm.s32 @!p1 $0x0  }
0x14: {  	s2 =	sld [smem:$0x3F89];
	s0 =	simm.s32 @p1 $0x1  }
0x15: {  	[smem:$0x3FA6] =	sst s0;
	s0 =	simm.s32 @!p2 $0x0  }
0x16: {  	s3 =	sld [smem:$0x3FDB];
	s0 =	simm.s32 @p2 $0x1  }
0x17: {  	s4 =	simm.s32 $0x1BF5;
	[smem:$0x3FA8] =	sst s0  }
0x18: {  	s0 =	sld [smem:$0x3F8B];
	_ =	swait.ge [sflag:s4], $0x0  }
0x19: {  	s7 =	sld [smem:$0x3F8C]  }
0x1a: {  	s8 =	sadd.s32 $0xFFFFE003, lr  }
0x1b: {  	s9 =	sadd.s32 $0xFFFFFEF7, lr;
	s5 =	simm.s32 $0xFFFFFFFF;
	p2 =	slt.u32 s8, $0xFFFFF086  }
0x1c: {  	p1 =	slt.u32 s9, $0xF7A;
	s5 =	simm.s32 @!p2 $0x0  }
0x1d: {  	s5 =	simm.s32 @p1 $0x1;
	p0 =	seq.s32 s7, s2  }
0x1e: {  	s7 =	smul.u32 @!p0 $0xF7A, s2;
	p2 =	seq.s32 @!p0 s5, $0x0  }
0x1f: {  	s9 =	smul.u32 $0xF7A, s1;
	s8 =	simm.s32 @!p0 $0x1BF5;
	p2 =	por !p2, p0  }
0x20: {  	[sflag:s8] =	ssyncset.s32 @!p0 $0xFFFFF086;
	s6 =	sadd.s32 @!p0 s3, s7;
	s7 =	simm.s32 @!p0 $0x108  }
0x21: {  	s3 =	sadd.s32 s3, s9;
	s6 =	sadd.s32 @!p0 $0x88, s6;
	s7 =	simm.s32 @p2 $0x1082  }
0x22: {  	[simem:s7], [sflag:s8] =	dma.local @!p0 [hbm:s6], $0xF7A  }
0x23: {  	s9 =	sor.u32 $0xD0000000, s2;
	s6 =	simm.s32 $0x108;
	_ =	swait.ge @!p0 [sflag:s8], $0x0  }
0x24: {  	s3 =	sadd.s32 $0x88, s3;
	s6 =	simm.s32 @!p1 $0x1082;
	[sflag:s4] =	ssyncset.s32 $0xFFFFF086  }
0x25: {  	[simem:s6], [sflag:s4] =	dma.local [hbm:s3], $0xF7A  }
0x26: {  	[smem:$0x3F8C] =	sst s1;
	(tag) =	ssettag s2;
	_ =	strace s9  }
0x27: {  	s1 =	sld [smem:$0x3F9C]  }
0x28: {  	s2 =	sld [smem:$0x3F9D]  }
0x29: {  	s4 =	sld [smem:$0x3F9F]  }
0x2a: {  	p0 =	seq.s32 s5, $0x0;
	s5 =	sld [smem:$0x3FA0]  }
0x2b: {  	s6 =	sld [smem:$0x3FA1]  }
0x2c: {  	s7 =	sld [smem:$0x3FA2]  }
0x2d: {  	s3 =	simm.s32 $0x108;
	s8 =	sld [smem:$0x3FA3]  }
0x2e: {  	s3 =	simm.s32 @!p0 $0x1082;
	s9 =	sld [smem:$0x3FA4]  }
0x2f: {  	lr =	sadd.s32 s0, s3;
	s0 =	sld [smem:$0x3F9B]  }
0x30: {  	s3 =	sld [smem:$0x3F9E]  }
0x31: {  	[smem:$0x3FA7] =	sst s10  }
0x32: {  	s10 =	sld [smem:$0x3FA5];
	_ =	sdelay $0x3  }
0x33: {  	p0 =	seq.s32 s10, $0x1;
	s10 =	sld [smem:$0x3FA7];
	_ =	sdelay $0x3  }
0x34: {  	[smem:$0x3FA7] =	sst s10  }
0x35: {  	s10 =	sld [smem:$0x3FA6];
	_ =	sdelay $0x3  }
0x36: {  	p1 =	seq.s32 s10, $0x1;
	s10 =	sld [smem:$0x3FA7];
	_ =	sdelay $0x3  }
0x37: {  	[smem:$0x3FA7] =	sst s10  }
0x38: {  	s10 =	sld [smem:$0x3FA8]  }
0x39: {  	_ = 	snop;
	(pc) =	sbr.ind lr, $3  }
0x3a: {  	_ = 	snop  }
0x3b: {  	_ = 	snop  }
0x3c: {  	p2 =	seq.s32 s10, $0x1;
	s10 =	sld [smem:$0x3FA7]  }
0x3d: {  	_ =	shalt  }
0x3e: {  	_ =	shalt  }
0x3f: {  	_ =	shalt  }
0x40: {  	_ =	shalt  }
0x41: {  	_ =	shalt  }
0x42: {  	_ =	shalt  }
0x43: {  	_ =	shalt  }
0x44: {  	_ =	shalt  }
0x45: {  	_ =	shalt  }
0x46: {  	_ =	shalt  }
0x47: {  	_ =	shalt  }
0x48: {  	_ =	shalt  }
0x49: {  	_ =	shalt  }
0x4a: {  	_ =	shalt  }
0x4b: {  	_ =	shalt  }
0x4c: {  	_ =	shalt  }
0x4d: {  	_ =	shalt  }
0x4e: {  	_ =	shalt  }
0x4f: {  	_ =	shalt  }
0x50: {  	_ =	shalt  }
0x51: {  	_ =	shalt  }
0x52: {  	_ =	shalt  }
0x53: {  	_ =	shalt  }
0x54: {  	_ =	shalt  }
0x55: {  	_ =	shalt  }
0x56: {  	_ =	shalt  }
0x57: {  	_ =	shalt  }
0x58: {  	_ =	shalt  }
0x59: {  	_ =	shalt  }
0x5a: {  	_ =	shalt  }
0x5b: {  	_ =	shalt  }
0x5c: {  	_ =	shalt  }
0x5d: {  	_ =	shalt  }
0x5e: {  	_ =	shalt  }
0x5f: {  	_ =	shalt  }
0x60: {  	_ =	shalt  }
0x61: {  	_ =	shalt  }
0x62: {  	_ =	shalt  }
0x63: {  	_ =	shalt  }
0x64: {  	_ =	shalt  }
0x65: {  	_ =	shalt  }
0x66: {  	_ =	shalt  }
0x67: {  	_ =	shalt  }
0x68: {  	_ =	shalt  }
0x69: {  	_ =	shalt  }
0x6a: {  	_ =	shalt  }
0x6b: {  	_ =	shalt  }
0x6c: {  	_ =	shalt  }
0x6d: {  	_ =	shalt  }
0x6e: {  	_ =	shalt  }
0x6f: {  	_ =	shalt  }
0x70: {  	_ =	shalt  }
0x71: {  	_ =	shalt  }
0x72: {  	_ =	shalt  }
0x73: {  	_ =	shalt  }
0x74: {  	_ =	shalt  }
0x75: {  	_ =	shalt  }
0x76: {  	_ =	shalt  }
0x77: {  	_ =	shalt  }
0x78: {  	_ =	shalt  }
0x79: {  	_ =	shalt  }
0x7a: {  	_ =	shalt  }
0x7b: {  	_ =	shalt  }
0x7c: {  	_ =	shalt  }
0x7d: {  	_ =	shalt  }
0x7e: {  	_ =	shalt  }
0x7f: {  	_ =	shalt  }
0x80: {  	_ =	shalt  }
0x81: {  	_ =	shalt  }
0x82: {  	_ =	shalt  }
0x83: {  	_ =	shalt  }
0x84: {  	_ =	shalt  }
0x85: {  	_ =	shalt  }
0x86: {  	_ =	shalt  }
0x87: {  	_ =	shalt  }
.Lfunc_end0:
.L_simem_size_0:
called_computation.5_lowered:
.L_overlay_start_0:
0x88: {  	s2 =	sld [smem:$0x3FD9]  }
0x89: {  	s3 =	sld [smem:$0x3FFE];
	_ =	sdelay $0x1  }
0x8a: {  	s1 =	srdreg.scid  }
0x8b: {  	s0 =	sand.u32 $0x1, s1  }
0x8c: {  	s15 =	sshll.u32 s0, $0xA;
	s2 =	sadd.s32 s3, s2  }
0x8d: {  	s2 =	sadd.s32 s2, s15  }
0x8e: {  	[smem:$0x3FB3] =	sst s2  }
0x8f: {  	_ = 	snop  }
0x90: {  	s2 =	sld [smem:$0x3FD0];
	_ =	sdelay $0x2  }
0x91: {  	s4 =	simm.s32 $0xD;
	s16 =	simm.s32 $0x10  }
0x92: {  	[smem:s16], [sflag:s4] =	dma.local [hbm:s2], $0x1  }
0x93: {  	_ =	swait.eq [sflag:s4], $0x1  }
0x94: {  	[sflag:s4] =	ssyncset.done $0x0  }
0x95: {  	s17 =	sld [smem:$0x10];
	[sflag:s4] =	ssyncadd.s32 $0xFFFFFFFF  }
0x96: {  	s18 =	sld [smem:$0x13];
	(tm) =	ssettm $0x1  }
0x97: {  	s19 =	sld [smem:$0x3FFB];
	_ =	sdelay $0x3  }
0x98: {  	_ =	strace s19  }
0x99: {  	s2 =	sld [smem:$0x3FFC];
	_ =	sdelay $0x3  }
0x9a: {  	_ =	strace s2  }
0x9b: {  	s2 =	sld [smem:$0x3FFD];
	_ =	sdelay $0x3  }
0x9c: {  	_ =	strace s2  }
0x9d: {  	_ =	strace $0x8FFFFFFF  }
0x9e: {  	s20 =	sld [smem:$0x3FDB];
	_ =	sdelay $0x1  }
0x9f: {  	s5 =	simm.s32 $_scs_section_size  }
0xa0: {  	s6 =	simm.s32 $_size__tile_overlayer_lowered;
	s7 =	simm.s32 $_tile_overlayer_lowered  }
0xa1: {  	s8 =	simm.s32 $0x1BFF;
	s21 =	sshll.u32 s7, $0x1;
	s5 =	sadd.s32 s5, s20  }
0xa2: {  	s22 =	simm.s32 $0x0;
	s6 =	sshll.u32 s6, $0x1;
	s7 =	sadd.s32 s21, s5  }
0xa3: {  	[timem:s22], [sflag:s8] =	dma.local [hbm:s7], s6  }
0xa4: {  	_ =	swait.ge [sflag:s8], s6  }
0xa5: {  	s6 =	ssub.s32 $0x0, s6;
	[sflag:s8] =	ssyncset.done $0x0  }
0xa6: {  	[sflag:s8] =	ssyncadd.s32 s6;
	_ =	sdelay $0x1  }
0xa7: {  	s23 =	simm.s32 $0x1B8B  }
0xa8: {  	_ =	swait.ge [sflag:s23], $0x1  }
0xa9: {  	[sflag:s23] =	ssyncset.done $0x0  }
0xaa: {  	[sflag:s23] =	ssyncadd.s32 $0xFFFFFFFF  }
0xab: {  	s6 =	sld [smem:$0x0]  }
0xac: {  	s7 =	sand.u32 $0xFFFFFFFE, s1  }
0xad: {  	p0 =	sne.s32 s1, s7  }
0xae: {  	s7 =	sshll.u32 @p0 s7, $0xE  }
0xaf: {  	s7 =	sadd.s32 @p0 $0x11B8D, s7;
	s8 =	sshll.u32 @p0 s6, $0x11  }
0xb0: {  	s7 =	sor.u32 @p0 s8, s7  }
0xb1: {  	[sflag:s7] =	ssyncadd.remote.s32 @p0 $0x1;
	_ =	sdelay $0x1  }
0xb2: {  	s7 =	simm.s32 @p0 $0x1B8D  }
0xb3: {  	_ =	swait.eq @p0 [sflag:s7], $0x1  }
0xb4: {  	[sflag:s7] =	ssyncadd.s32 @p0 $0xFFFFFFFF  }
0xb5: {  	s8 =	sshll.u32 @!p0 s1, $0xE  }
0xb6: {  	s8 =	sor.u32 @!p0 $0x4000, s8;
	s7 =	simm.s32 @!p0 $0x1B8D  }
0xb7: {  	s6 =	sshll.u32 @!p0 s6, $0x11;
	s8 =	sadd.s32 @!p0 $0x11B8D, s8;
	_ =	swait.eq @!p0 [sflag:s7], $0x1  }
0xb8: {  	s6 =	sor.u32 @!p0 s6, s8;
	[sflag:s7] =	ssyncadd.s32 @!p0 $0xFFFFFFFF  }
0xb9: {  	s25 =	simm.s32 $0x1B8E;
	s24 =	sld [smem:$0x3FFE];
	[sflag:s6] =	ssyncadd.remote.s32 @!p0 $0x1  }
0xba: {  	s26 =	simm.s32 $execute0_lowered;
	[smem:$0x3FD2] =	sst s25  }
0xbb: {  	s7 =	sshll.u32 s26, $0x1;
	_ =	strace $0x80000052;
	[dreg:$0x1] =	wrdreg $0xFFFFFFFF  }
0xbc: {  	s28 =	simm.s32 $_size_execute0_lowered;
	s5 =	sadd.s32 s5, s7;
	[dreg:$0x0] =	wrdreg $0x0  }
0xbd: {  	s7 =	sshll.u32 s28, $0x1;
	[dreg:$0x2] =	wrdreg s5  }
0xbe: {  	[dreg:$0x3] =	wrdreg s7  }
0xbf: {  	[dreg:$0x4] =	wrdreg $0xC0  }
0xc0: {  	_ =	task [dreg:s22], $0x5FFFF  }
0xc1: {  	[dreg:$0x1] =	wrdreg $0xFFFFFFFF  }
0xc2: {  	[dreg:$0x0] =	wrdreg $0x60  }
0xc3: {  	[dreg:$0x2] =	wrdreg s17  }
0xc4: {  	[dreg:$0x3] =	wrdreg s18  }
0xc5: {  	[dreg:$0x4] =	wrdreg s24  }
0xc6: {  	[dreg:$0x5] =	wrdreg $0x9D000  }
0xc7: {  	[dreg:$0x6] =	wrdreg $0xB  }
0xc8: {  	_ =	task.clear_ibuf [dreg:s22], $0x7FFFF;
	_ =	strace $0x90000052  }
0xc9: {  	s29 =	simm.s32 $0xB;
	_ =	strace $0x80000054  }
0xca: {  	_ =	swait.ge [sflag:s29], $0x1  }
0xcb: {  	[sflag:s29] =	ssyncadd.s32 $0xFFFFFFFF  }
0xcc: {  	_ =	strace $0x90000054  }
0xcd: {  	_ =	sfence  }
0xce: {  	s30 =	sld [smem:$0x0];
	_ =	sdelay $0x2  }
0xcf: {  	s31 =	sshll.u32 s1, $0xD;
	s1 =	sshrl.u32 s1, $0x2  }
0xd0: {  	s4 =	sand.u32 $0x4000, s31;
	s1 =	sadd.s32 s1, s30  }
0xd1: {  	s0 =	sor.u32 s4, s0;
	s1 =	sshll.u32 s1, $0x11  }
0xd2: {  	s0 =	sor.u32 s1, s0  }
0xd3: {  	s0 =	sadd.s32 $0x8F2B, s0  }
0xd4: {  	[sflag:s0] =	ssyncadd.remote.s32 $0x1  }
0xd5: {  	_ =	sfence.sel $0xFFFF  }
0xd6: {  	[dreg:$0x0] =	wrdreg $0xFFFFFFFF;
	(pc) =	sbr.abs _section_cstart, $3  }
0xd7: {  	[dreg:$0x1] =	wrdreg $0xFFFFFFFF  }
0xd8: {  	_ =	task.clear_ibuf [dreg:s22], $0x2FFFF;
	_ =	strace $0x9FFFFFFF  }
0xd9: {  	(tm) =	ssettm $0x7FFFFFFF  }
tec
execute0_lowered:
.L_overlay_start_1:
0x0: {  	(tag) =	ssettag $0x1  }
0x1: {  	s1 =	rddreg [dreg:$0x0]  }
0x2: {  	s0 =	rddreg [dreg:$0x1]  }
0x3: {  	s3 =	rddreg [dreg:$0x2]  }
0x4: {  	s2 =	rddreg [dreg:$0x3];
	s4 =	simm.s32 $0x0  }
0x5: {  	s5 =	srdreg.scid;
	s20 =	stileid.u32;
	s28 =	simm.s32 $0x4  }
0x6: {  	s29 =	simm.s32 $0x3;
	s31 =	simm.s32 $0x0;
	s11 =	smul.u32 $0x2700, s20  }
0x7: {  	[smem:$0x7FF] =	sst s4;
	s8 =	sand.u32 $0x1, s5;
	s9 =	smul.u32 $0x4E000, s20  }
0x8: {  	s15 =	sadd.s32 $0x7400, s3;
	s23 =	sshll.u32 s20, $0x6;
	s25 =	smul.u32 $0x3200, s20  }
0x9: {  	s18 =	sadd.s32 $0x138000, s2;
	p0 =	sne.s32 s20, $0xF;
	s14 =	smul.u32 $0x27100, s8  }
0xa: {  	_ =	strace $0x80000053;
	s5 =	sshll.u32 s8, $0x4;
	s17 =	smul.u32 $0x138800, s8  }
0xb: {  	s6 =	ssub.s32 $0x2, s8;
	[dreg:$0x5] =	wrdreg s23;
	s19 =	smul.u32 $0x32000, s8  }
0xc: {  	s7 =	sor.u32 s20, s5;
	s5 =	sadd.s32 $0x13C00, s3;
	s10 =	sshrl.u32 s6, $0x1  }
0xd: {  	s3 =	sadd.s32 $0x16400, s3;
	s22 =	sshrl.u32 s9, $0x2;
	s12 =	smul.u32 $0x680, s7  }
0xe: {  	s20 =	simm.s32 $0x64;
	s13 =	ssub.s32 s6, s10;
	s21 =	smul.u32 $0x3200, s7  }
0xf: {  	s16 =	sadd.s32 s22, s2;
	s7 =	sor.u32 $0x1C05, s23;
	s11 =	sadd.s32 s11, s14  }
0x10: {  	s26 =	sshrl.u32 s17, $0x3;
	s17 =	sshrl.u32 @!p0 s18, $0x3;
	s18 =	simm.s32 $0x6  }
0x11: {  	s22 =	simm.s32 $0x5;
	s23 =	simm.s32 $0x6900;
	s11 =	sadd.s32 s3, s11  }
0x12: {  	s3 =	sadd.s32 s3, s26;
	s13 =	smax.u32 s13, $0x1;
	s16 =	sshrl.u32 s16, $0x3  }
0x13: {  	s26 =	simm.s32 $0x2;
	s24 =	sshrl.u32 s21, $0x3;
	s0 =	sadd.s32 s0, s12  }
0x14: {  	s12 =	sadd.s32 $0x27000, s3;
	s21 =	simm.s32 $0x3500;
	[dreg:$0x6] =	wrdreg s0  }
0x15: {  	s9 =	sadd.s32 s15, s24;
	s0 =	sadd.s32 s25, s19;
	s19 =	simm.s32 $0x3400  }
0x16: {  	s24 =	simm.s32 $0x3480;
	s30 =	sor.u32 $0x100, s0;
	s0 =	sor.u32 $0x80, s0  }
0x17: {  	s25 =	simm.s32 $0x1;
	s3 =	sshrl.u32 s30, $0x3;
	s0 =	sshrl.u32 s0, $0x3  }
0x18: {  	s10 =	sadd.s32 $0x630, s9;
	s14 =	sadd.s32 s3, s15;
	s15 =	sadd.s32 s0, s15  }
.LBB2_1:
0x19: {  	[spmem:s16], [sflag:s7] =	dma.local [hbm:s5], $0x2700  }
0x1a: {  	[spmem:s17], [sflag:s7] =	dma.local @!p0 [hbm:s5], $0x100  }
0x1b: {  	s0 =	rddreg [dreg:$0x6]  }
0x1c: {  	[tilespmem:s4], [sflag:$0x6] =	stream.linear.gather [hbm4b:s0+s4], $0x3200, $0x38;
	[tilespmem:$0x1D580] =	vst v63  }
0x1d: {  	_ =	swait.ge [sflag:s18], $0x3200  }
0x1e: {  	[sflag:s18] =	ssyncset.done $0x0  }
0x1f: {  	[sflag:s18] =	ssyncadd.s32 $0xFFFFCE00  }
0x20: {  	[tilespmem:s19], [sflag:$0x6] =	stream.linear.gather [hbm4b:s9+s4], $0x80, $0x38;
	[tilespmem:$0x1D580] =	vst v63  }
0x21: {  	_ =	swait.ge [sflag:s18], $0x80  }
0x22: {  	[sflag:s18] =	ssyncset.done $0x0  }
0x23: {  	[sflag:s18] =	ssyncadd.s32 $0xFFFFFF80  }
0x24: {  	[tilespmem:s21], [sflag:$0x1] =	stream.indirect.gather [hbm4b:s1+s20], $0x80, s4, s20, $0xb8;
	[tilespmem:$0x1D580] =	vst v63  }
0x25: {  	_ =	swait.ge [sflag:s22], $0x2700  }
0x26: {  	[sflag:s22] =	ssyncset.done $0x0  }
0x27: {  	s0 =	simm.s32 @!p0 $0x5;
	[sflag:s22] =	ssyncadd.s32 $0xFFFFD900  }
0x28: {  	_ =	swait.ge @!p0 [sflag:s0], $0x100  }
0x29: {  	[sflag:s0] =	ssyncset.done @!p0 $0x0  }
0x2a: {  	[sflag:s0] =	ssyncadd.s32 @!p0 $0xFFFFFF00  }
0x2b: {  	s8 =	simm.s32 $0x80;
	[bflag:$0x0] =	sbarrier.arrive $0xFFFF  }
0x2c: {  	[tilespmem:s23], [sflag:$0x2] =	stream.indirect.gather [hbm4b:s1+s20], $0x80, s8, s20, $0xb8;
	[tilespmem:$0x1D580] =	vst v63  }
0x2d: {  	s3 =	sadd.s32 $0x0, s15  }
0x2e: {  	[tilespmem:s24], [sflag:$0x4] =	stream.linear.gather [hbm4b:s3+s4], $0x80, $0x38;
	[tilespmem:$0x1D580] =	vst v63  }
0x2f: {  	_ =	swait.ge [sflag:s25], $0x3200  }
0x30: {  	[sflag:s25] =	ssyncset.done $0x0  }
0x31: {  	[sflag:s25] =	ssyncadd.s32 $0xFFFFCE00  }
0x32: {  	[spmem:s2] =	stream.indirect.scatter.add.f32 [tilespmem:s21], [sflag:$0x6], $0x80, s19, s20, $0xb8;
	[tilespmem:$0x1D580] =	vst v63  }
0x33: {  	_ =	swait.ge [sflag:s18], $0x3200  }
0x34: {  	[sflag:s18] =	ssyncset.done $0x0  }
0x35: {  	s6 =	simm.s32 $0x100;
	[sflag:s18] =	ssyncadd.s32 $0xFFFFCE00  }
0x36: {  	[tilespmem:s21], [sflag:$0x1] =	stream.indirect.gather [hbm4b:s1+s20], $0x80, s6, s20, $0xb8;
	[tilespmem:$0x1D580] =	vst v63  }
0x37: {  	s8 =	sadd.s32 $0x0, s14  }
0x38: {  	[tilespmem:s19], [sflag:$0x3] =	stream.linear.gather [hbm4b:s8+s4], $0x80, $0x38;
	[tilespmem:$0x1D580] =	vst v63  }
0x39: {  	_ =	swait.ge [sflag:s26], $0x3200  }
0x3a: {  	[sflag:s26] =	ssyncset.done $0x0  }
0x3b: {  	[sflag:s26] =	ssyncadd.s32 $0xFFFFCE00  }
0x3c: {  	_ =	swait.ge [sflag:s28], $0x80  }
0x3d: {  	[sflag:s28] =	ssyncset.done $0x0  }
0x3e: {  	[sflag:s28] =	ssyncadd.s32 $0xFFFFFF80  }
0x3f: {  	[spmem:s2] =	stream.indirect.scatter.add.f32 [tilespmem:s23], [sflag:$0x6], $0x80, s24, s20, $0xb8;
	[tilespmem:$0x1D580] =	vst v63  }
0x40: {  	_ =	swait.ge [sflag:s18], $0x3200  }
0x41: {  	[sflag:s18] =	ssyncset.done $0x0  }
0x42: {  	[sflag:s18] =	ssyncadd.s32 $0xFFFFCE00  }
0x43: {  	s30 =	simm.s32 $0x40;
	_ =	swait.ge [sflag:s29], $0x80  }
0x44: {  	s0 =	simm.s32 $0x20;
	s3 =	simm.s32 $0x200;
	[sflag:s29] =	ssyncset.done $0x0  }
.LBB2_2:
0x45: {  	p1 =	sne.s32 s30, $0x600;
	s6 =	sadd.s32 $0xFFFFFF80, s3;
	[sflag:s29] =	ssyncadd.s32 $0xFFFFFF80  }
0x46: {  	[tilespmem:s23], [sflag:$0x2] =	stream.indirect.gather [hbm4b:s1+s20], $0x80, s6, s20, $0xb8;
	[tilespmem:$0x1D580] =	vst v63  }
0x47: {  	s8 =	smov.u32 s30;
	s30 =	sadd.s32 $0x20, s30;
	s6 =	sadd.s32 s0, s15  }
0x48: {  	[tilespmem:s24], [sflag:$0x4] =	stream.linear.gather [hbm4b:s6+s4], $0x80, $0x38;
	[tilespmem:$0x1D580] =	vst v63  }
0x49: {  	_ =	swait.ge [sflag:s25], $0x3200  }
0x4a: {  	[sflag:s25] =	ssyncset.done $0x0  }
0x4b: {  	[sflag:s25] =	ssyncadd.s32 $0xFFFFCE00  }
0x4c: {  	[spmem:s2] =	stream.indirect.scatter.add.f32 [tilespmem:s21], [sflag:$0x6], $0x80, s19, s20, $0xb8;
	[tilespmem:$0x1D580] =	vst v63  }
0x4d: {  	_ =	swait.ge [sflag:s18], $0x3200  }
0x4e: {  	[sflag:s18] =	ssyncset.done $0x0  }
0x4f: {  	[sflag:s18] =	ssyncadd.s32 $0xFFFFCE00  }
0x50: {  	[tilespmem:s21], [sflag:$0x1] =	stream.indirect.gather [hbm4b:s1+s20], $0x80, s3, s20, $0xb8;
	[tilespmem:$0x1D580] =	vst v63  }
0x51: {  	s6 =	sadd.s32 s0, s14;
	s0 =	smov.u32 s8  }
0x52: {  	[tilespmem:s19], [sflag:$0x3] =	stream.linear.gather [hbm4b:s6+s4], $0x80, $0x38;
	[tilespmem:$0x1D580] =	vst v63  }
0x53: {  	_ =	swait.ge [sflag:s26], $0x3200  }
0x54: {  	[sflag:s26] =	ssyncset.done $0x0  }
0x55: {  	[sflag:s26] =	ssyncadd.s32 $0xFFFFCE00  }
0x56: {  	_ =	swait.ge [sflag:s28], $0x80  }
0x57: {  	[sflag:s28] =	ssyncset.done $0x0  }
0x58: {  	[sflag:s28] =	ssyncadd.s32 $0xFFFFFF80  }
0x59: {  	[spmem:s2] =	stream.indirect.scatter.add.f32 [tilespmem:s23], [sflag:$0x6], $0x80, s24, s20, $0xb8;
	[tilespmem:$0x1D580] =	vst v63  }
.Ltmp0:
0x5a: {  	_ =	swait.ge [sflag:s18], $0x3200;
	(pc) =	sbr.rel @p1 .LBB2_2-.Ltmp0, $4  }
0x5b: {  	[sflag:s18] =	ssyncset.done $0x0  }
0x5c: {  	[sflag:s18] =	ssyncadd.s32 $0xFFFFCE00  }
0x5d: {  	_ =	swait.ge [sflag:s29], $0x80  }
0x5e: {  	s3 =	sadd.s32 $0x100, s3;
	[sflag:s29] =	ssyncset.done $0x0  }
0x5f: {  	s6 =	sadd.s32 $0xFFFFFF80, s3;
	[sflag:s29] =	ssyncadd.s32 $0xFFFFFF80  }
0x60: {  	[tilespmem:s23], [sflag:$0x2] =	stream.indirect.gather [hbm4b:s1+s20], $0x80, s6, s20, $0xb8;
	[tilespmem:$0x1D580] =	vst v63  }
0x61: {  	s30 =	sadd.s32 s0, s15  }
0x62: {  	[tilespmem:s24], [sflag:$0x4] =	stream.linear.gather [hbm4b:s30+s4], $0x80, $0x38;
	[tilespmem:$0x1D580] =	vst v63  }
0x63: {  	_ =	swait.ge [sflag:s25], $0x3200  }
0x64: {  	[sflag:s25] =	ssyncset.done $0x0  }
0x65: {  	[sflag:s25] =	ssyncadd.s32 $0xFFFFCE00  }
0x66: {  	[spmem:s2] =	stream.indirect.scatter.add.f32 [tilespmem:s21], [sflag:$0x6], $0x80, s19, s20, $0xb8;
	[tilespmem:$0x1D580] =	vst v63  }
0x67: {  	_ =	swait.ge [sflag:s18], $0x3200  }
0x68: {  	[sflag:s18] =	ssyncset.done $0x0  }
0x69: {  	[sflag:s18] =	ssyncadd.s32 $0xFFFFCE00  }
0x6a: {  	[tilespmem:s21], [sflag:$0x1] =	stream.indirect.gather [hbm4b:s1+s20], $0x80, s3, s20, $0xb8;
	[tilespmem:$0x1D580] =	vst v63  }
0x6b: {  	s6 =	sadd.s32 s0, s14  }
0x6c: {  	[tilespmem:s19], [sflag:$0x3] =	stream.linear.gather [hbm4b:s6+s4], $0x80, $0x38;
	[tilespmem:$0x1D580] =	vst v63  }
0x6d: {  	_ =	swait.ge [sflag:s26], $0x3200  }
0x6e: {  	[sflag:s26] =	ssyncset.done $0x0  }
0x6f: {  	[sflag:s26] =	ssyncadd.s32 $0xFFFFCE00  }
0x70: {  	_ =	swait.ge [sflag:s28], $0x80  }
0x71: {  	[sflag:s28] =	ssyncset.done $0x0  }
0x72: {  	[sflag:s28] =	ssyncadd.s32 $0xFFFFFF80  }
0x73: {  	[spmem:s2] =	stream.indirect.scatter.add.f32 [tilespmem:s23], [sflag:$0x6], $0x80, s24, s20, $0xb8;
	[tilespmem:$0x1D580] =	vst v63  }
0x74: {  	_ =	swait.ge [sflag:s18], $0x3200  }
0x75: {  	[sflag:s18] =	ssyncset.done $0x0  }
0x76: {  	[sflag:s18] =	ssyncadd.s32 $0xFFFFCE00  }
0x77: {  	_ =	swait.ge [sflag:s29], $0x80  }
0x78: {  	[sflag:s29] =	ssyncset.done $0x0  }
0x79: {  	s8 =	simm.s32 $0x3180;
	[sflag:s29] =	ssyncadd.s32 $0xFFFFFF80  }
0x7a: {  	[tilespmem:s23], [sflag:$0x2] =	stream.indirect.gather [hbm4b:s1+s20], $0x80, s8, s20, $0xb8;
	[tilespmem:$0x1D580] =	vst v63  }
0x7b: {  	_ = 	snop  }
0x7c: {  	[tilespmem:s24], [sflag:$0x4] =	stream.linear.gather [hbm4b:s10+s4], $0x80, $0x38;
	[tilespmem:$0x1D580] =	vst v63  }
0x7d: {  	_ =	swait.ge [sflag:s25], $0x3200  }
0x7e: {  	[sflag:s25] =	ssyncset.done $0x0  }
0x7f: {  	[sflag:s25] =	ssyncadd.s32 $0xFFFFCE00  }
0x80: {  	[spmem:s2] =	stream.indirect.scatter.add.f32 [tilespmem:s21], [sflag:$0x6], $0x80, s19, s20, $0xb8;
	[tilespmem:$0x1D580] =	vst v63  }
0x81: {  	_ =	swait.ge [sflag:s18], $0x3200  }
0x82: {  	[sflag:s18] =	ssyncset.done $0x0  }
0x83: {  	[sflag:s18] =	ssyncadd.s32 $0xFFFFCE00  }
0x84: {  	_ =	swait.ge [sflag:s26], $0x3200  }
0x85: {  	[sflag:s26] =	ssyncset.done $0x0  }
0x86: {  	[sflag:s26] =	ssyncadd.s32 $0xFFFFCE00  }
0x87: {  	_ =	swait.ge [sflag:s28], $0x80  }
0x88: {  	[sflag:s28] =	ssyncset.done $0x0  }
0x89: {  	[sflag:s28] =	ssyncadd.s32 $0xFFFFFF80  }
0x8a: {  	[spmem:s2] =	stream.indirect.scatter.add.f32 [tilespmem:s23], [sflag:$0x6], $0x80, s24, s20, $0xb8;
	[tilespmem:$0x1D580] =	vst v63  }
0x8b: {  	_ =	swait.ge [sflag:s18], $0x3200  }
0x8c: {  	[sflag:s18] =	ssyncset.done $0x0  }
0x8d: {  	[sflag:s18] =	ssyncadd.s32 $0xFFFFCE00  }
0x8e: {  	[bflag:$0x0] =	sbarrier.arrive $0xFFFF  }
0x8f: {  	s30 =	rddreg [dreg:$0x5]  }
0x90: {  	s0 =	sor.u32 $0x1C06, s30  }
0x91: {  	[hbm:s11], [sflag:s0] =	dma.local [spmem:s16], $0x2700  }
0x92: {  	_ =	swait.ge [sflag:s18], $0x2700  }
0x93: {  	s31 =	sadd.s32 $0x1, s31;
	[sflag:s18] =	ssyncset.done $0x0  }
0x94: {  	p1 =	sne.s32 s31, s13;
	[sflag:s18] =	ssyncadd.s32 $0xFFFFD900  }
0x95: {  	[hbm:s12], [sflag:s0] =	dma.local @!p0 [spmem:s17], $0x100  }
.Ltmp1:
0x96: {  	_ = 	snop;
	(pc) =	sbr.rel @p1 .LBB2_1-.Ltmp1, $4  }
0x97: {  	s0 =	simm.s32 @!p0 $0x6  }
0x98: {  	_ =	swait.ge @!p0 [sflag:s0], $0x100  }
0x99: {  	[sflag:s0] =	ssyncset.done @!p0 $0x0  }
0x9a: {  	[sflag:s0] =	ssyncadd.s32 @!p0 $0xFFFFFF00  }
0x9b: {  	_ =	sfence.sel $0x180000  }
0x9c: {  	[bflag:$0x0] =	sbarrier.arrive $0xFFFF  }
0x9d: {  	_ =	strace $0x90000053  }
0x9e: {  	s0 =	stileid.u32;
	[bflag:$0x2] =	sbarrier.arrive $0xFFFF  }
0x9f: {  	p0 =	sne.s32 s0, $0x0;
	s0 =	rddreg [dreg:$0x4]  }
0xa0: {  	s0 =	sadd.s32 @!p0 $0x100000, s0  }
0xa1: {  	[sflag:s0] =	ssyncadd.tile.s32 @!p0 $0x1;
	_ =	shalt  }
.Lfunc_end2:
_tile_overlayer_lowered:
.L_overlay_start_2:
0xa2: {  	(tag) =	ssettag $0x2  }
0xa3: {  	s0 =	rddreg [dreg:$0x0];
	s2 =	stileid.u32  }
0xa4: {  	s1 =	rddreg [dreg:$0x1];
	p0 =	sne.s32 s2, $0x0  }
0xa5: {  	s3 =	rddreg [dreg:$0x2];
	[bflag:$0x3] =	sbarrier.arrive $0xFFFF;
	s2 =	simm.s32 @!p0 $0x1C06  }
0xa6: {  	[timem:s3], [sflag:s2] =	dma.local @!p0 [hbm:s0], s1  }
0xa7: {  	s0 =	simm.s32 @!p0 $0x6  }
0xa8: {  	_ =	swait.ge @!p0 [sflag:s0], s1  }
0xa9: {  	s1 =	ssub.s32 @!p0 $0x0, s1;
	[sflag:s0] =	ssyncset.done @!p0 $0x0  }
0xaa: {  	[sflag:s0] =	ssyncadd.s32 @!p0 s1  }
0xab: {  	[bflag:$0x3] =	sbarrier.arrive $0xFFFF  }
0xac: {  	_ =	shalt  }

// kernel: kernel.35.cloned.1.call-start
scs
__scs_entry_jumppad:
0x0: {  	(pc) =	sbr.rel $0x88, $3  }
0x1: {  	(tag) =	ssettag $0x0;
	lr =	simm.s32 $0x1  }
0x2: {  	[smem:$0x3F8C] =	sst lr;
	_ =	strace $0xD0000000  }
0x3: {  	_ = 	snop  }
0x4: {  	_ = 	snop  }
0x5: {  	_ = 	snop  }
0x6: {  	_ = 	snop  }
0x7: {  	_ = 	snop  }
__scs_overlays_trampoline_lowered:
0x8: {  	[smem:$0x3F9B] =	sst s0  }
0x9: {  	[smem:$0x3F9C] =	sst s1  }
0xa: {  	[smem:$0x3F9D] =	sst s2  }
0xb: {  	[smem:$0x3F9E] =	sst s3  }
0xc: {  	[smem:$0x3F9F] =	sst s4  }
0xd: {  	[smem:$0x3FA0] =	sst s5  }
0xe: {  	[smem:$0x3FA1] =	sst s6  }
0xf: {  	[smem:$0x3FA2] =	sst s7  }
0x10: {  	[smem:$0x3FA3] =	sst s8  }
0x11: {  	[smem:$0x3FA4] =	sst s9;
	s0 =	simm.s32 @!p0 $0x0  }
0x12: {  	s1 =	sld [smem:$0x3F8A];
	s0 =	simm.s32 @p0 $0x1  }
0x13: {  	[smem:$0x3FA5] =	sst s0;
	s0 =	simm.s32 @!p1 $0x0  }
0x14: {  	s2 =	sld [smem:$0x3F89];
	s0 =	simm.s32 @p1 $0x1  }
0x15: {  	[smem:$0x3FA6] =	sst s0;
	s0 =	simm.s32 @!p2 $0x0  }
0x16: {  	s3 =	sld [smem:$0x3FDB];
	s0 =	simm.s32 @p2 $0x1  }
0x17: {  	s4 =	simm.s32 $0x1BF5;
	[smem:$0x3FA8] =	sst s0  }
0x18: {  	s0 =	sld [smem:$0x3F8B];
	_ =	swait.ge [sflag:s4], $0x0  }
0x19: {  	s7 =	sld [smem:$0x3F8C]  }
0x1a: {  	s8 =	sadd.s32 $0xFFFFE003, lr  }
0x1b: {  	s9 =	sadd.s32 $0xFFFFFEF7, lr;
	s5 =	simm.s32 $0xFFFFFFFF;
	p2 =	slt.u32 s8, $0xFFFFF086  }
0x1c: {  	p1 =	slt.u32 s9, $0xF7A;
	s5 =	simm.s32 @!p2 $0x0  }
0x1d: {  	s5 =	simm.s32 @p1 $0x1;
	p0 =	seq.s32 s7, s2  }
0x1e: {  	s7 =	smul.u32 @!p0 $0xF7A, s2;
	p2 =	seq.s32 @!p0 s5, $0x0  }
0x1f: {  	s9 =	smul.u32 $0xF7A, s1;
	s8 =	simm.s32 @!p0 $0x1BF5;
	p2 =	por !p2, p0  }
0x20: {  	[sflag:s8] =	ssyncset.s32 @!p0 $0xFFFFF086;
	s6 =	sadd.s32 @!p0 s3, s7;
	s7 =	simm.s32 @!p0 $0x108  }
0x21: {  	s3 =	sadd.s32 s3, s9;
	s6 =	sadd.s32 @!p0 $0x88, s6;
	s7 =	simm.s32 @p2 $0x1082  }
0x22: {  	[simem:s7], [sflag:s8] =	dma.local @!p0 [hbm:s6], $0xF7A  }
0x23: {  	s9 =	sor.u32 $0xD0000000, s2;
	s6 =	simm.s32 $0x108;
	_ =	swait.ge @!p0 [sflag:s8], $0x0  }
0x24: {  	s3 =	sadd.s32 $0x88, s3;
	s6 =	simm.s32 @!p1 $0x1082;
	[sflag:s4] =	ssyncset.s32 $0xFFFFF086  }
0x25: {  	[simem:s6], [sflag:s4] =	dma.local [hbm:s3], $0xF7A  }
0x26: {  	[smem:$0x3F8C] =	sst s1;
	(tag) =	ssettag s2;
	_ =	strace s9  }
0x27: {  	s1 =	sld [smem:$0x3F9C]  }
0x28: {  	s2 =	sld [smem:$0x3F9D]  }
0x29: {  	s4 =	sld [smem:$0x3F9F]  }
0x2a: {  	p0 =	seq.s32 s5, $0x0;
	s5 =	sld [smem:$0x3FA0]  }
0x2b: {  	s6 =	sld [smem:$0x3FA1]  }
0x2c: {  	s7 =	sld [smem:$0x3FA2]  }
0x2d: {  	s3 =	simm.s32 $0x108;
	s8 =	sld [smem:$0x3FA3]  }
0x2e: {  	s3 =	simm.s32 @!p0 $0x1082;
	s9 =	sld [smem:$0x3FA4]  }
0x2f: {  	lr =	sadd.s32 s0, s3;
	s0 =	sld [smem:$0x3F9B]  }
0x30: {  	s3 =	sld [smem:$0x3F9E]  }
0x31: {  	[smem:$0x3FA7] =	sst s10  }
0x32: {  	s10 =	sld [smem:$0x3FA5];
	_ =	sdelay $0x3  }
0x33: {  	p0 =	seq.s32 s10, $0x1;
	s10 =	sld [smem:$0x3FA7];
	_ =	sdelay $0x3  }
0x34: {  	[smem:$0x3FA7] =	sst s10  }
0x35: {  	s10 =	sld [smem:$0x3FA6];
	_ =	sdelay $0x3  }
0x36: {  	p1 =	seq.s32 s10, $0x1;
	s10 =	sld [smem:$0x3FA7];
	_ =	sdelay $0x3  }
0x37: {  	[smem:$0x3FA7] =	sst s10  }
0x38: {  	s10 =	sld [smem:$0x3FA8]  }
0x39: {  	_ = 	snop;
	(pc) =	sbr.ind lr, $3  }
0x3a: {  	_ = 	snop  }
0x3b: {  	_ = 	snop  }
0x3c: {  	p2 =	seq.s32 s10, $0x1;
	s10 =	sld [smem:$0x3FA7]  }
0x3d: {  	_ =	shalt  }
0x3e: {  	_ =	shalt  }
0x3f: {  	_ =	shalt  }
0x40: {  	_ =	shalt  }
0x41: {  	_ =	shalt  }
0x42: {  	_ =	shalt  }
0x43: {  	_ =	shalt  }
0x44: {  	_ =	shalt  }
0x45: {  	_ =	shalt  }
0x46: {  	_ =	shalt  }
0x47: {  	_ =	shalt  }
0x48: {  	_ =	shalt  }
0x49: {  	_ =	shalt  }
0x4a: {  	_ =	shalt  }
0x4b: {  	_ =	shalt  }
0x4c: {  	_ =	shalt  }
0x4d: {  	_ =	shalt  }
0x4e: {  	_ =	shalt  }
0x4f: {  	_ =	shalt  }
0x50: {  	_ =	shalt  }
0x51: {  	_ =	shalt  }
0x52: {  	_ =	shalt  }
0x53: {  	_ =	shalt  }
0x54: {  	_ =	shalt  }
0x55: {  	_ =	shalt  }
0x56: {  	_ =	shalt  }
0x57: {  	_ =	shalt  }
0x58: {  	_ =	shalt  }
0x59: {  	_ =	shalt  }
0x5a: {  	_ =	shalt  }
0x5b: {  	_ =	shalt  }
0x5c: {  	_ =	shalt  }
0x5d: {  	_ =	shalt  }
0x5e: {  	_ =	shalt  }
0x5f: {  	_ =	shalt  }
0x60: {  	_ =	shalt  }
0x61: {  	_ =	shalt  }
0x62: {  	_ =	shalt  }
0x63: {  	_ =	shalt  }
0x64: {  	_ =	shalt  }
0x65: {  	_ =	shalt  }
0x66: {  	_ =	shalt  }
0x67: {  	_ =	shalt  }
0x68: {  	_ =	shalt  }
0x69: {  	_ =	shalt  }
0x6a: {  	_ =	shalt  }
0x6b: {  	_ =	shalt  }
0x6c: {  	_ =	shalt  }
0x6d: {  	_ =	shalt  }
0x6e: {  	_ =	shalt  }
0x6f: {  	_ =	shalt  }
0x70: {  	_ =	shalt  }
0x71: {  	_ =	shalt  }
0x72: {  	_ =	shalt  }
0x73: {  	_ =	shalt  }
0x74: {  	_ =	shalt  }
0x75: {  	_ =	shalt  }
0x76: {  	_ =	shalt  }
0x77: {  	_ =	shalt  }
0x78: {  	_ =	shalt  }
0x79: {  	_ =	shalt  }
0x7a: {  	_ =	shalt  }
0x7b: {  	_ =	shalt  }
0x7c: {  	_ =	shalt  }
0x7d: {  	_ =	shalt  }
0x7e: {  	_ =	shalt  }
0x7f: {  	_ =	shalt  }
0x80: {  	_ =	shalt  }
0x81: {  	_ =	shalt  }
0x82: {  	_ =	shalt  }
0x83: {  	_ =	shalt  }
0x84: {  	_ =	shalt  }
0x85: {  	_ =	shalt  }
0x86: {  	_ =	shalt  }
0x87: {  	_ =	shalt  }
.Lfunc_end0:
.L_simem_size_0:
called_computation.6_lowered:
.L_overlay_start_0:
0x88: {  	s2 =	sld [smem:$0x3FD9]  }
0x89: {  	s3 =	sld [smem:$0x3FFE];
	_ =	sdelay $0x1  }
0x8a: {  	s1 =	srdreg.scid  }
0x8b: {  	s0 =	sand.u32 $0x1, s1  }
0x8c: {  	s15 =	sshll.u32 s0, $0xA;
	s2 =	sadd.s32 s3, s2  }
0x8d: {  	s2 =	sadd.s32 s2, s15  }
0x8e: {  	[smem:$0x3FB3] =	sst s2  }
0x8f: {  	_ = 	snop  }
0x90: {  	s2 =	sld [smem:$0x3FD0];
	_ =	sdelay $0x2  }
0x91: {  	s4 =	simm.s32 $0xD;
	s16 =	simm.s32 $0x10  }
0x92: {  	[smem:s16], [sflag:s4] =	dma.local [hbm:s2], $0x1  }
0x93: {  	_ =	swait.eq [sflag:s4], $0x1  }
0x94: {  	[sflag:s4] =	ssyncset.done $0x0  }
0x95: {  	s17 =	sld [smem:$0x11];
	[sflag:s4] =	ssyncadd.s32 $0xFFFFFFFF  }
0x96: {  	s18 =	sld [smem:$0x12];
	(tm) =	ssettm $0x1  }
0x97: {  	s19 =	sld [smem:$0x3FFB];
	_ =	sdelay $0x3  }
0x98: {  	_ =	strace s19  }
0x99: {  	s2 =	sld [smem:$0x3FFC];
	_ =	sdelay $0x3  }
0x9a: {  	_ =	strace s2  }
0x9b: {  	s2 =	sld [smem:$0x3FFD];
	_ =	sdelay $0x3  }
0x9c: {  	_ =	strace s2  }
0x9d: {  	_ =	strace $0x8FFFFFFF  }
0x9e: {  	s20 =	sld [smem:$0x3FDB];
	_ =	sdelay $0x1  }
0x9f: {  	s5 =	simm.s32 $_scs_section_size  }
0xa0: {  	s6 =	simm.s32 $_size__tile_overlayer_lowered;
	s7 =	simm.s32 $_tile_overlayer_lowered  }
0xa1: {  	s8 =	simm.s32 $0x1BFF;
	s21 =	sshll.u32 s7, $0x1;
	s5 =	sadd.s32 s5, s20  }
0xa2: {  	s22 =	simm.s32 $0x0;
	s6 =	sshll.u32 s6, $0x1;
	s7 =	sadd.s32 s21, s5  }
0xa3: {  	[timem:s22], [sflag:s8] =	dma.local [hbm:s7], s6  }
0xa4: {  	_ =	swait.ge [sflag:s8], s6  }
0xa5: {  	s6 =	ssub.s32 $0x0, s6;
	[sflag:s8] =	ssyncset.done $0x0  }
0xa6: {  	[sflag:s8] =	ssyncadd.s32 s6;
	_ =	sdelay $0x1  }
0xa7: {  	s23 =	simm.s32 $0x1B8B  }
0xa8: {  	_ =	swait.ge [sflag:s23], $0x1  }
0xa9: {  	[sflag:s23] =	ssyncset.done $0x0  }
0xaa: {  	[sflag:s23] =	ssyncadd.s32 $0xFFFFFFFF  }
0xab: {  	s6 =	sld [smem:$0x0]  }
0xac: {  	s7 =	sand.u32 $0xFFFFFFFE, s1  }
0xad: {  	p0 =	sne.s32 s1, s7  }
0xae: {  	s7 =	sshll.u32 @p0 s7, $0xE  }
0xaf: {  	s7 =	sadd.s32 @p0 $0x11B8D, s7;
	s8 =	sshll.u32 @p0 s6, $0x11  }
0xb0: {  	s7 =	sor.u32 @p0 s8, s7  }
0xb1: {  	[sflag:s7] =	ssyncadd.remote.s32 @p0 $0x1;
	_ =	sdelay $0x1  }
0xb2: {  	s7 =	simm.s32 @p0 $0x1B8D  }
0xb3: {  	_ =	swait.eq @p0 [sflag:s7], $0x1  }
0xb4: {  	[sflag:s7] =	ssyncadd.s32 @p0 $0xFFFFFFFF  }
0xb5: {  	s8 =	sshll.u32 @!p0 s1, $0xE  }
0xb6: {  	s8 =	sor.u32 @!p0 $0x4000, s8;
	s7 =	simm.s32 @!p0 $0x1B8D  }
0xb7: {  	s6 =	sshll.u32 @!p0 s6, $0x11;
	s8 =	sadd.s32 @!p0 $0x11B8D, s8;
	_ =	swait.eq @!p0 [sflag:s7], $0x1  }
0xb8: {  	s6 =	sor.u32 @!p0 s6, s8;
	[sflag:s7] =	ssyncadd.s32 @!p0 $0xFFFFFFFF  }
0xb9: {  	s25 =	simm.s32 $0x1B8E;
	s24 =	sld [smem:$0x3FFE];
	[sflag:s6] =	ssyncadd.remote.s32 @!p0 $0x1  }
0xba: {  	s26 =	simm.s32 $execute0_lowered;
	[smem:$0x3FD2] =	sst s25  }
0xbb: {  	s7 =	sshll.u32 s26, $0x1;
	_ =	strace $0x8000005B;
	[dreg:$0x1] =	wrdreg $0xFFFFFFFF  }
0xbc: {  	s28 =	simm.s32 $_size_execute0_lowered;
	s5 =	sadd.s32 s5, s7;
	[dreg:$0x0] =	wrdreg $0x0  }
0xbd: {  	s7 =	sshll.u32 s28, $0x1;
	[dreg:$0x2] =	wrdreg s5  }
0xbe: {  	[dreg:$0x3] =	wrdreg s7  }
0xbf: {  	[dreg:$0x4] =	wrdreg $0xC0  }
0xc0: {  	_ =	task [dreg:s22], $0x5FFFF  }
0xc1: {  	[dreg:$0x1] =	wrdreg $0xFFFFFFFF  }
0xc2: {  	[dreg:$0x0] =	wrdreg $0x60  }
0xc3: {  	[dreg:$0x2] =	wrdreg s17  }
0xc4: {  	[dreg:$0x3] =	wrdreg s18  }
0xc5: {  	[dreg:$0x4] =	wrdreg s24  }
0xc6: {  	[dreg:$0x5] =	wrdreg $0x9D000  }
0xc7: {  	[dreg:$0x6] =	wrdreg $0x9  }
0xc8: {  	_ =	task.clear_ibuf [dreg:s22], $0x7FFFF;
	_ =	strace $0x9000005B  }
0xc9: {  	s29 =	simm.s32 $0x9;
	_ =	strace $0x8000005D  }
0xca: {  	_ =	swait.ge [sflag:s29], $0x1  }
0xcb: {  	[sflag:s29] =	ssyncadd.s32 $0xFFFFFFFF  }
0xcc: {  	_ =	strace $0x9000005D  }
0xcd: {  	_ =	sfence  }
0xce: {  	s30 =	sld [smem:$0x0];
	_ =	sdelay $0x2  }
0xcf: {  	s31 =	sshll.u32 s1, $0xD;
	s1 =	sshrl.u32 s1, $0x2  }
0xd0: {  	s4 =	sand.u32 $0x4000, s31;
	s1 =	sadd.s32 s1, s30  }
0xd1: {  	s0 =	sor.u32 s4, s0;
	s1 =	sshll.u32 s1, $0x11  }
0xd2: {  	s0 =	sor.u32 s1, s0  }
0xd3: {  	s0 =	sadd.s32 $0x8F2B, s0  }
0xd4: {  	[sflag:s0] =	ssyncadd.remote.s32 $0x1  }
0xd5: {  	_ =	sfence.sel $0xFFFF  }
0xd6: {  	[dreg:$0x0] =	wrdreg $0xFFFFFFFF;
	(pc) =	sbr.abs _section_cstart, $3  }
0xd7: {  	[dreg:$0x1] =	wrdreg $0xFFFFFFFF  }
0xd8: {  	_ =	task.clear_ibuf [dreg:s22], $0x2FFFF;
	_ =	strace $0x9FFFFFFF  }
0xd9: {  	(tm) =	ssettm $0x7FFFFFFF  }
tec
execute0_lowered:
.L_overlay_start_1:
0x0: {  	(tag) =	ssettag $0x1  }
0x1: {  	s1 =	rddreg [dreg:$0x0]  }
0x2: {  	s0 =	rddreg [dreg:$0x1]  }
0x3: {  	s3 =	rddreg [dreg:$0x2]  }
0x4: {  	s2 =	rddreg [dreg:$0x3];
	s4 =	simm.s32 $0x0  }
0x5: {  	s5 =	srdreg.scid;
	s20 =	stileid.u32;
	s28 =	simm.s32 $0x4  }
0x6: {  	s29 =	simm.s32 $0x3;
	s31 =	simm.s32 $0x0;
	s11 =	smul.u32 $0x2700, s20  }
0x7: {  	[smem:$0x7FF] =	sst s4;
	s8 =	sand.u32 $0x1, s5;
	s9 =	smul.u32 $0x4E000, s20  }
0x8: {  	s15 =	sadd.s32 $0xB3000, s3;
	s23 =	sshll.u32 s20, $0x6;
	s25 =	smul.u32 $0x3200, s20  }
0x9: {  	s18 =	sadd.s32 $0x138000, s2;
	p0 =	sne.s32 s20, $0xF;
	s14 =	smul.u32 $0x27100, s8  }
0xa: {  	_ =	strace $0x8000005C;
	s5 =	sshll.u32 s8, $0x4;
	s17 =	smul.u32 $0x138800, s8  }
0xb: {  	s6 =	ssub.s32 $0x2, s8;
	[dreg:$0x5] =	wrdreg s23;
	s19 =	smul.u32 $0x32000, s8  }
0xc: {  	s7 =	sor.u32 s20, s5;
	s5 =	sadd.s32 $0x13C00, s3;
	s10 =	sshrl.u32 s6, $0x1  }
0xd: {  	s3 =	sadd.s32 $0xBF800, s3;
	s22 =	sshrl.u32 s9, $0x2;
	s12 =	smul.u32 $0x680, s7  }
0xe: {  	s20 =	simm.s32 $0x64;
	s13 =	ssub.s32 s6, s10;
	s21 =	smul.u32 $0x3200, s7  }
0xf: {  	s16 =	sadd.s32 s22, s2;
	s7 =	sor.u32 $0x1C05, s23;
	s11 =	sadd.s32 s11, s14  }
0x10: {  	s26 =	sshrl.u32 s17, $0x3;
	s17 =	sshrl.u32 @!p0 s18, $0x3;
	s18 =	simm.s32 $0x6  }
0x11: {  	s22 =	simm.s32 $0x5;
	s23 =	simm.s32 $0x6900;
	s11 =	sadd.s32 s3, s11  }
0x12: {  	s3 =	sadd.s32 s3, s26;
	s13 =	smax.u32 s13, $0x1;
	s16 =	sshrl.u32 s16, $0x3  }
0x13: {  	s26 =	simm.s32 $0x2;
	s24 =	sshrl.u32 s21, $0x3;
	s0 =	sadd.s32 s0, s12  }
0x14: {  	s12 =	sadd.s32 $0x27000, s3;
	s21 =	simm.s32 $0x3500;
	[dreg:$0x6] =	wrdreg s0  }
0x15: {  	s9 =	sadd.s32 s15, s24;
	s0 =	sadd.s32 s25, s19;
	s19 =	simm.s32 $0x3400  }
0x16: {  	s24 =	simm.s32 $0x3480;
	s30 =	sor.u32 $0x100, s0;
	s0 =	sor.u32 $0x80, s0  }
0x17: {  	s25 =	simm.s32 $0x1;
	s3 =	sshrl.u32 s30, $0x3;
	s0 =	sshrl.u32 s0, $0x3  }
0x18: {  	s10 =	sadd.s32 $0x630, s9;
	s14 =	sadd.s32 s3, s15;
	s15 =	sadd.s32 s0, s15  }
.LBB2_1:
0x19: {  	[spmem:s16], [sflag:s7] =	dma.local [hbm:s5], $0x2700  }
0x1a: {  	[spmem:s17], [sflag:s7] =	dma.local @!p0 [hbm:s5], $0x100  }
0x1b: {  	s0 =	rddreg [dreg:$0x6]  }
0x1c: {  	[tilespmem:s4], [sflag:$0x6] =	stream.linear.gather [hbm4b:s0+s4], $0x3200, $0x38;
	[tilespmem:$0x1D580] =	vst v63  }
0x1d: {  	_ =	swait.ge [sflag:s18], $0x3200  }
0x1e: {  	[sflag:s18] =	ssyncset.done $0x0  }
0x1f: {  	[sflag:s18] =	ssyncadd.s32 $0xFFFFCE00  }
0x20: {  	[tilespmem:s19], [sflag:$0x6] =	stream.linear.gather [hbm4b:s9+s4], $0x80, $0x38;
	[tilespmem:$0x1D580] =	vst v63  }
0x21: {  	_ =	swait.ge [sflag:s18], $0x80  }
0x22: {  	[sflag:s18] =	ssyncset.done $0x0  }
0x23: {  	[sflag:s18] =	ssyncadd.s32 $0xFFFFFF80  }
0x24: {  	[tilespmem:s21], [sflag:$0x1] =	stream.indirect.gather [hbm4b:s1+s20], $0x80, s4, s20, $0xb8;
	[tilespmem:$0x1D580] =	vst v63  }
0x25: {  	_ =	swait.ge [sflag:s22], $0x2700  }
0x26: {  	[sflag:s22] =	ssyncset.done $0x0  }
0x27: {  	s0 =	simm.s32 @!p0 $0x5;
	[sflag:s22] =	ssyncadd.s32 $0xFFFFD900  }
0x28: {  	_ =	swait.ge @!p0 [sflag:s0], $0x100  }
0x29: {  	[sflag:s0] =	ssyncset.done @!p0 $0x0  }
0x2a: {  	[sflag:s0] =	ssyncadd.s32 @!p0 $0xFFFFFF00  }
0x2b: {  	s8 =	simm.s32 $0x80;
	[bflag:$0x0] =	sbarrier.arrive $0xFFFF  }
0x2c: {  	[tilespmem:s23], [sflag:$0x2] =	stream.indirect.gather [hbm4b:s1+s20], $0x80, s8, s20, $0xb8;
	[tilespmem:$0x1D580] =	vst v63  }
0x2d: {  	s3 =	sadd.s32 $0x0, s15  }
0x2e: {  	[tilespmem:s24], [sflag:$0x4] =	stream.linear.gather [hbm4b:s3+s4], $0x80, $0x38;
	[tilespmem:$0x1D580] =	vst v63  }
0x2f: {  	_ =	swait.ge [sflag:s25], $0x3200  }
0x30: {  	[sflag:s25] =	ssyncset.done $0x0  }
0x31: {  	[sflag:s25] =	ssyncadd.s32 $0xFFFFCE00  }
0x32: {  	[spmem:s2] =	stream.indirect.scatter.add.f32 [tilespmem:s21], [sflag:$0x6], $0x80, s19, s20, $0xb8;
	[tilespmem:$0x1D580] =	vst v63  }
0x33: {  	_ =	swait.ge [sflag:s18], $0x3200  }
0x34: {  	[sflag:s18] =	ssyncset.done $0x0  }
0x35: {  	s6 =	simm.s32 $0x100;
	[sflag:s18] =	ssyncadd.s32 $0xFFFFCE00  }
0x36: {  	[tilespmem:s21], [sflag:$0x1] =	stream.indirect.gather [hbm4b:s1+s20], $0x80, s6, s20, $0xb8;
	[tilespmem:$0x1D580] =	vst v63  }
0x37: {  	s8 =	sadd.s32 $0x0, s14  }
0x38: {  	[tilespmem:s19], [sflag:$0x3] =	stream.linear.gather [hbm4b:s8+s4], $0x80, $0x38;
	[tilespmem:$0x1D580] =	vst v63  }
0x39: {  	_ =	swait.ge [sflag:s26], $0x3200  }
0x3a: {  	[sflag:s26] =	ssyncset.done $0x0  }
0x3b: {  	[sflag:s26] =	ssyncadd.s32 $0xFFFFCE00  }
0x3c: {  	_ =	swait.ge [sflag:s28], $0x80  }
0x3d: {  	[sflag:s28] =	ssyncset.done $0x0  }
0x3e: {  	[sflag:s28] =	ssyncadd.s32 $0xFFFFFF80  }
0x3f: {  	[spmem:s2] =	stream.indirect.scatter.add.f32 [tilespmem:s23], [sflag:$0x6], $0x80, s24, s20, $0xb8;
	[tilespmem:$0x1D580] =	vst v63  }
0x40: {  	_ =	swait.ge [sflag:s18], $0x3200  }
0x41: {  	[sflag:s18] =	ssyncset.done $0x0  }
0x42: {  	[sflag:s18] =	ssyncadd.s32 $0xFFFFCE00  }
0x43: {  	s30 =	simm.s32 $0x40;
	_ =	swait.ge [sflag:s29], $0x80  }
0x44: {  	s0 =	simm.s32 $0x20;
	s3 =	simm.s32 $0x200;
	[sflag:s29] =	ssyncset.done $0x0  }
.LBB2_2:
0x45: {  	p1 =	sne.s32 s30, $0x600;
	s6 =	sadd.s32 $0xFFFFFF80, s3;
	[sflag:s29] =	ssyncadd.s32 $0xFFFFFF80  }
0x46: {  	[tilespmem:s23], [sflag:$0x2] =	stream.indirect.gather [hbm4b:s1+s20], $0x80, s6, s20, $0xb8;
	[tilespmem:$0x1D580] =	vst v63  }
0x47: {  	s8 =	smov.u32 s30;
	s30 =	sadd.s32 $0x20, s30;
	s6 =	sadd.s32 s0, s15  }
0x48: {  	[tilespmem:s24], [sflag:$0x4] =	stream.linear.gather [hbm4b:s6+s4], $0x80, $0x38;
	[tilespmem:$0x1D580] =	vst v63  }
0x49: {  	_ =	swait.ge [sflag:s25], $0x3200  }
0x4a: {  	[sflag:s25] =	ssyncset.done $0x0  }
0x4b: {  	[sflag:s25] =	ssyncadd.s32 $0xFFFFCE00  }
0x4c: {  	[spmem:s2] =	stream.indirect.scatter.add.f32 [tilespmem:s21], [sflag:$0x6], $0x80, s19, s20, $0xb8;
	[tilespmem:$0x1D580] =	vst v63  }
0x4d: {  	_ =	swait.ge [sflag:s18], $0x3200  }
0x4e: {  	[sflag:s18] =	ssyncset.done $0x0  }
0x4f: {  	[sflag:s18] =	ssyncadd.s32 $0xFFFFCE00  }
0x50: {  	[tilespmem:s21], [sflag:$0x1] =	stream.indirect.gather [hbm4b:s1+s20], $0x80, s3, s20, $0xb8;
	[tilespmem:$0x1D580] =	vst v63  }
0x51: {  	s6 =	sadd.s32 s0, s14;
	s0 =	smov.u32 s8  }
0x52: {  	[tilespmem:s19], [sflag:$0x3] =	stream.linear.gather [hbm4b:s6+s4], $0x80, $0x38;
	[tilespmem:$0x1D580] =	vst v63  }
0x53: {  	_ =	swait.ge [sflag:s26], $0x3200  }
0x54: {  	[sflag:s26] =	ssyncset.done $0x0  }
0x55: {  	[sflag:s26] =	ssyncadd.s32 $0xFFFFCE00  }
0x56: {  	_ =	swait.ge [sflag:s28], $0x80  }
0x57: {  	[sflag:s28] =	ssyncset.done $0x0  }
0x58: {  	[sflag:s28] =	ssyncadd.s32 $0xFFFFFF80  }
0x59: {  	[spmem:s2] =	stream.indirect.scatter.add.f32 [tilespmem:s23], [sflag:$0x6], $0x80, s24, s20, $0xb8;
	[tilespmem:$0x1D580] =	vst v63  }
.Ltmp0:
0x5a: {  	_ =	swait.ge [sflag:s18], $0x3200;
	(pc) =	sbr.rel @p1 .LBB2_2-.Ltmp0, $4  }
0x5b: {  	[sflag:s18] =	ssyncset.done $0x0  }
0x5c: {  	[sflag:s18] =	ssyncadd.s32 $0xFFFFCE00  }
0x5d: {  	_ =	swait.ge [sflag:s29], $0x80  }
0x5e: {  	s3 =	sadd.s32 $0x100, s3;
	[sflag:s29] =	ssyncset.done $0x0  }
0x5f: {  	s6 =	sadd.s32 $0xFFFFFF80, s3;
	[sflag:s29] =	ssyncadd.s32 $0xFFFFFF80  }
0x60: {  	[tilespmem:s23], [sflag:$0x2] =	stream.indirect.gather [hbm4b:s1+s20], $0x80, s6, s20, $0xb8;
	[tilespmem:$0x1D580] =	vst v63  }
0x61: {  	s30 =	sadd.s32 s0, s15  }
0x62: {  	[tilespmem:s24], [sflag:$0x4] =	stream.linear.gather [hbm4b:s30+s4], $0x80, $0x38;
	[tilespmem:$0x1D580] =	vst v63  }
0x63: {  	_ =	swait.ge [sflag:s25], $0x3200  }
0x64: {  	[sflag:s25] =	ssyncset.done $0x0  }
0x65: {  	[sflag:s25] =	ssyncadd.s32 $0xFFFFCE00  }
0x66: {  	[spmem:s2] =	stream.indirect.scatter.add.f32 [tilespmem:s21], [sflag:$0x6], $0x80, s19, s20, $0xb8;
	[tilespmem:$0x1D580] =	vst v63  }
0x67: {  	_ =	swait.ge [sflag:s18], $0x3200  }
0x68: {  	[sflag:s18] =	ssyncset.done $0x0  }
0x69: {  	[sflag:s18] =	ssyncadd.s32 $0xFFFFCE00  }
0x6a: {  	[tilespmem:s21], [sflag:$0x1] =	stream.indirect.gather [hbm4b:s1+s20], $0x80, s3, s20, $0xb8;
	[tilespmem:$0x1D580] =	vst v63  }
0x6b: {  	s6 =	sadd.s32 s0, s14  }
0x6c: {  	[tilespmem:s19], [sflag:$0x3] =	stream.linear.gather [hbm4b:s6+s4], $0x80, $0x38;
	[tilespmem:$0x1D580] =	vst v63  }
0x6d: {  	_ =	swait.ge [sflag:s26], $0x3200  }
0x6e: {  	[sflag:s26] =	ssyncset.done $0x0  }
0x6f: {  	[sflag:s26] =	ssyncadd.s32 $0xFFFFCE00  }
0x70: {  	_ =	swait.ge [sflag:s28], $0x80  }
0x71: {  	[sflag:s28] =	ssyncset.done $0x0  }
0x72: {  	[sflag:s28] =	ssyncadd.s32 $0xFFFFFF80  }
0x73: {  	[spmem:s2] =	stream.indirect.scatter.add.f32 [tilespmem:s23], [sflag:$0x6], $0x80, s24, s20, $0xb8;
	[tilespmem:$0x1D580] =	vst v63  }
0x74: {  	_ =	swait.ge [sflag:s18], $0x3200  }
0x75: {  	[sflag:s18] =	ssyncset.done $0x0  }
0x76: {  	[sflag:s18] =	ssyncadd.s32 $0xFFFFCE00  }
0x77: {  	_ =	swait.ge [sflag:s29], $0x80  }
0x78: {  	[sflag:s29] =	ssyncset.done $0x0  }
0x79: {  	s8 =	simm.s32 $0x3180;
	[sflag:s29] =	ssyncadd.s32 $0xFFFFFF80  }
0x7a: {  	[tilespmem:s23], [sflag:$0x2] =	stream.indirect.gather [hbm4b:s1+s20], $0x80, s8, s20, $0xb8;
	[tilespmem:$0x1D580] =	vst v63  }
0x7b: {  	_ = 	snop  }
0x7c: {  	[tilespmem:s24], [sflag:$0x4] =	stream.linear.gather [hbm4b:s10+s4], $0x80, $0x38;
	[tilespmem:$0x1D580] =	vst v63  }
0x7d: {  	_ =	swait.ge [sflag:s25], $0x3200  }
0x7e: {  	[sflag:s25] =	ssyncset.done $0x0  }
0x7f: {  	[sflag:s25] =	ssyncadd.s32 $0xFFFFCE00  }
0x80: {  	[spmem:s2] =	stream.indirect.scatter.add.f32 [tilespmem:s21], [sflag:$0x6], $0x80, s19, s20, $0xb8;
	[tilespmem:$0x1D580] =	vst v63  }
0x81: {  	_ =	swait.ge [sflag:s18], $0x3200  }
0x82: {  	[sflag:s18] =	ssyncset.done $0x0  }
0x83: {  	[sflag:s18] =	ssyncadd.s32 $0xFFFFCE00  }
0x84: {  	_ =	swait.ge [sflag:s26], $0x3200  }
0x85: {  	[sflag:s26] =	ssyncset.done $0x0  }
0x86: {  	[sflag:s26] =	ssyncadd.s32 $0xFFFFCE00  }
0x87: {  	_ =	swait.ge [sflag:s28], $0x80  }
0x88: {  	[sflag:s28] =	ssyncset.done $0x0  }
0x89: {  	[sflag:s28] =	ssyncadd.s32 $0xFFFFFF80  }
0x8a: {  	[spmem:s2] =	stream.indirect.scatter.add.f32 [tilespmem:s23], [sflag:$0x6], $0x80, s24, s20, $0xb8;
	[tilespmem:$0x1D580] =	vst v63  }
0x8b: {  	_ =	swait.ge [sflag:s18], $0x3200  }
0x8c: {  	[sflag:s18] =	ssyncset.done $0x0  }
0x8d: {  	[sflag:s18] =	ssyncadd.s32 $0xFFFFCE00  }
0x8e: {  	[bflag:$0x0] =	sbarrier.arrive $0xFFFF  }
0x8f: {  	s30 =	rddreg [dreg:$0x5]  }
0x90: {  	s0 =	sor.u32 $0x1C06, s30  }
0x91: {  	[hbm:s11], [sflag:s0] =	dma.local [spmem:s16], $0x2700  }
0x92: {  	_ =	swait.ge [sflag:s18], $0x2700  }
0x93: {  	s31 =	sadd.s32 $0x1, s31;
	[sflag:s18] =	ssyncset.done $0x0  }
0x94: {  	p1 =	sne.s32 s31, s13;
	[sflag:s18] =	ssyncadd.s32 $0xFFFFD900  }
0x95: {  	[hbm:s12], [sflag:s0] =	dma.local @!p0 [spmem:s17], $0x100  }
.Ltmp1:
0x96: {  	_ = 	snop;
	(pc) =	sbr.rel @p1 .LBB2_1-.Ltmp1, $4  }
0x97: {  	s0 =	simm.s32 @!p0 $0x6  }
0x98: {  	_ =	swait.ge @!p0 [sflag:s0], $0x100  }
0x99: {  	[sflag:s0] =	ssyncset.done @!p0 $0x0  }
0x9a: {  	[sflag:s0] =	ssyncadd.s32 @!p0 $0xFFFFFF00  }
0x9b: {  	_ =	sfence.sel $0x180000  }
0x9c: {  	[bflag:$0x0] =	sbarrier.arrive $0xFFFF  }
0x9d: {  	_ =	strace $0x9000005C  }
0x9e: {  	s0 =	stileid.u32;
	[bflag:$0x2] =	sbarrier.arrive $0xFFFF  }
0x9f: {  	p0 =	sne.s32 s0, $0x0;
	s0 =	rddreg [dreg:$0x4]  }
0xa0: {  	s0 =	sadd.s32 @!p0 $0x100000, s0  }
0xa1: {  	[sflag:s0] =	ssyncadd.tile.s32 @!p0 $0x1;
	_ =	shalt  }
.Lfunc_end2:
_tile_overlayer_lowered:
.L_overlay_start_2:
0xa2: {  	(tag) =	ssettag $0x2  }
0xa3: {  	s0 =	rddreg [dreg:$0x0];
	s2 =	stileid.u32  }
0xa4: {  	s1 =	rddreg [dreg:$0x1];
	p0 =	sne.s32 s2, $0x0  }
0xa5: {  	s3 =	rddreg [dreg:$0x2];
	[bflag:$0x3] =	sbarrier.arrive $0xFFFF;
	s2 =	simm.s32 @!p0 $0x1C06  }
0xa6: {  	[timem:s3], [sflag:s2] =	dma.local @!p0 [hbm:s0], s1  }
0xa7: {  	s0 =	simm.s32 @!p0 $0x6  }
0xa8: {  	_ =	swait.ge @!p0 [sflag:s0], s1  }
0xa9: {  	s1 =	ssub.s32 @!p0 $0x0, s1;
	[sflag:s0] =	ssyncset.done @!p0 $0x0  }
0xaa: {  	[sflag:s0] =	ssyncadd.s32 @!p0 s1  }
0xab: {  	[bflag:$0x3] =	sbarrier.arrive $0xFFFF  }
0xac: {  	_ =	shalt  }

// kernel: kernel.38.cloned.1.call-start
scs
__scs_entry_jumppad:
0x0: {  	(pc) =	sbr.rel $0x88, $3  }
0x1: {  	(tag) =	ssettag $0x0;
	lr =	simm.s32 $0x1  }
0x2: {  	[smem:$0x3F8C] =	sst lr;
	_ =	strace $0xD0000000  }
0x3: {  	_ = 	snop  }
0x4: {  	_ = 	snop  }
0x5: {  	_ = 	snop  }
0x6: {  	_ = 	snop  }
0x7: {  	_ = 	snop  }
__scs_overlays_trampoline_lowered:
0x8: {  	[smem:$0x3F9B] =	sst s0  }
0x9: {  	[smem:$0x3F9C] =	sst s1  }
0xa: {  	[smem:$0x3F9D] =	sst s2  }
0xb: {  	[smem:$0x3F9E] =	sst s3  }
0xc: {  	[smem:$0x3F9F] =	sst s4  }
0xd: {  	[smem:$0x3FA0] =	sst s5  }
0xe: {  	[smem:$0x3FA1] =	sst s6  }
0xf: {  	[smem:$0x3FA2] =	sst s7  }
0x10: {  	[smem:$0x3FA3] =	sst s8  }
0x11: {  	[smem:$0x3FA4] =	sst s9;
	s0 =	simm.s32 @!p0 $0x0  }
0x12: {  	s1 =	sld [smem:$0x3F8A];
	s0 =	simm.s32 @p0 $0x1  }
0x13: {  	[smem:$0x3FA5] =	sst s0;
	s0 =	simm.s32 @!p1 $0x0  }
0x14: {  	s2 =	sld [smem:$0x3F89];
	s0 =	simm.s32 @p1 $0x1  }
0x15: {  	[smem:$0x3FA6] =	sst s0;
	s0 =	simm.s32 @!p2 $0x0  }
0x16: {  	s3 =	sld [smem:$0x3FDB];
	s0 =	simm.s32 @p2 $0x1  }
0x17: {  	s4 =	simm.s32 $0x1BF5;
	[smem:$0x3FA8] =	sst s0  }
0x18: {  	s0 =	sld [smem:$0x3F8B];
	_ =	swait.ge [sflag:s4], $0x0  }
0x19: {  	s7 =	sld [smem:$0x3F8C]  }
0x1a: {  	s8 =	sadd.s32 $0xFFFFE003, lr  }
0x1b: {  	s9 =	sadd.s32 $0xFFFFFEF7, lr;
	s5 =	simm.s32 $0xFFFFFFFF;
	p2 =	slt.u32 s8, $0xFFFFF086  }
0x1c: {  	p1 =	slt.u32 s9, $0xF7A;
	s5 =	simm.s32 @!p2 $0x0  }
0x1d: {  	s5 =	simm.s32 @p1 $0x1;
	p0 =	seq.s32 s7, s2  }
0x1e: {  	s7 =	smul.u32 @!p0 $0xF7A, s2;
	p2 =	seq.s32 @!p0 s5, $0x0  }
0x1f: {  	s9 =	smul.u32 $0xF7A, s1;
	s8 =	simm.s32 @!p0 $0x1BF5;
	p2 =	por !p2, p0  }
0x20: {  	[sflag:s8] =	ssyncset.s32 @!p0 $0xFFFFF086;
	s6 =	sadd.s32 @!p0 s3, s7;
	s7 =	simm.s32 @!p0 $0x108  }
0x21: {  	s3 =	sadd.s32 s3, s9;
	s6 =	sadd.s32 @!p0 $0x88, s6;
	s7 =	simm.s32 @p2 $0x1082  }
0x22: {  	[simem:s7], [sflag:s8] =	dma.local @!p0 [hbm:s6], $0xF7A  }
0x23: {  	s9 =	sor.u32 $0xD0000000, s2;
	s6 =	simm.s32 $0x108;
	_ =	swait.ge @!p0 [sflag:s8], $0x0  }
0x24: {  	s3 =	sadd.s32 $0x88, s3;
	s6 =	simm.s32 @!p1 $0x1082;
	[sflag:s4] =	ssyncset.s32 $0xFFFFF086  }
0x25: {  	[simem:s6], [sflag:s4] =	dma.local [hbm:s3], $0xF7A  }
0x26: {  	[smem:$0x3F8C] =	sst s1;
	(tag) =	ssettag s2;
	_ =	strace s9  }
0x27: {  	s1 =	sld [smem:$0x3F9C]  }
0x28: {  	s2 =	sld [smem:$0x3F9D]  }
0x29: {  	s4 =	sld [smem:$0x3F9F]  }
0x2a: {  	p0 =	seq.s32 s5, $0x0;
	s5 =	sld [smem:$0x3FA0]  }
0x2b: {  	s6 =	sld [smem:$0x3FA1]  }
0x2c: {  	s7 =	sld [smem:$0x3FA2]  }
0x2d: {  	s3 =	simm.s32 $0x108;
	s8 =	sld [smem:$0x3FA3]  }
0x2e: {  	s3 =	simm.s32 @!p0 $0x1082;
	s9 =	sld [smem:$0x3FA4]  }
0x2f: {  	lr =	sadd.s32 s0, s3;
	s0 =	sld [smem:$0x3F9B]  }
0x30: {  	s3 =	sld [smem:$0x3F9E]  }
0x31: {  	[smem:$0x3FA7] =	sst s10  }
0x32: {  	s10 =	sld [smem:$0x3FA5];
	_ =	sdelay $0x3  }
0x33: {  	p0 =	seq.s32 s10, $0x1;
	s10 =	sld [smem:$0x3FA7];
	_ =	sdelay $0x3  }
0x34: {  	[smem:$0x3FA7] =	sst s10  }
0x35: {  	s10 =	sld [smem:$0x3FA6];
	_ =	sdelay $0x3  }
0x36: {  	p1 =	seq.s32 s10, $0x1;
	s10 =	sld [smem:$0x3FA7];
	_ =	sdelay $0x3  }
0x37: {  	[smem:$0x3FA7] =	sst s10  }
0x38: {  	s10 =	sld [smem:$0x3FA8]  }
0x39: {  	_ = 	snop;
	(pc) =	sbr.ind lr, $3  }
0x3a: {  	_ = 	snop  }
0x3b: {  	_ = 	snop  }
0x3c: {  	p2 =	seq.s32 s10, $0x1;
	s10 =	sld [smem:$0x3FA7]  }
0x3d: {  	_ =	shalt  }
0x3e: {  	_ =	shalt  }
0x3f: {  	_ =	shalt  }
0x40: {  	_ =	shalt  }
0x41: {  	_ =	shalt  }
0x42: {  	_ =	shalt  }
0x43: {  	_ =	shalt  }
0x44: {  	_ =	shalt  }
0x45: {  	_ =	shalt  }
0x46: {  	_ =	shalt  }
0x47: {  	_ =	shalt  }
0x48: {  	_ =	shalt  }
0x49: {  	_ =	shalt  }
0x4a: {  	_ =	shalt  }
0x4b: {  	_ =	shalt  }
0x4c: {  	_ =	shalt  }
0x4d: {  	_ =	shalt  }
0x4e: {  	_ =	shalt  }
0x4f: {  	_ =	shalt  }
0x50: {  	_ =	shalt  }
0x51: {  	_ =	shalt  }
0x52: {  	_ =	shalt  }
0x53: {  	_ =	shalt  }
0x54: {  	_ =	shalt  }
0x55: {  	_ =	shalt  }
0x56: {  	_ =	shalt  }
0x57: {  	_ =	shalt  }
0x58: {  	_ =	shalt  }
0x59: {  	_ =	shalt  }
0x5a: {  	_ =	shalt  }
0x5b: {  	_ =	shalt  }
0x5c: {  	_ =	shalt  }
0x5d: {  	_ =	shalt  }
0x5e: {  	_ =	shalt  }
0x5f: {  	_ =	shalt  }
0x60: {  	_ =	shalt  }
0x61: {  	_ =	shalt  }
0x62: {  	_ =	shalt  }
0x63: {  	_ =	shalt  }
0x64: {  	_ =	shalt  }
0x65: {  	_ =	shalt  }
0x66: {  	_ =	shalt  }
0x67: {  	_ =	shalt  }
0x68: {  	_ =	shalt  }
0x69: {  	_ =	shalt  }
0x6a: {  	_ =	shalt  }
0x6b: {  	_ =	shalt  }
0x6c: {  	_ =	shalt  }
0x6d: {  	_ =	shalt  }
0x6e: {  	_ =	shalt  }
0x6f: {  	_ =	shalt  }
0x70: {  	_ =	shalt  }
0x71: {  	_ =	shalt  }
0x72: {  	_ =	shalt  }
0x73: {  	_ =	shalt  }
0x74: {  	_ =	shalt  }
0x75: {  	_ =	shalt  }
0x76: {  	_ =	shalt  }
0x77: {  	_ =	shalt  }
0x78: {  	_ =	shalt  }
0x79: {  	_ =	shalt  }
0x7a: {  	_ =	shalt  }
0x7b: {  	_ =	shalt  }
0x7c: {  	_ =	shalt  }
0x7d: {  	_ =	shalt  }
0x7e: {  	_ =	shalt  }
0x7f: {  	_ =	shalt  }
0x80: {  	_ =	shalt  }
0x81: {  	_ =	shalt  }
0x82: {  	_ =	shalt  }
0x83: {  	_ =	shalt  }
0x84: {  	_ =	shalt  }
0x85: {  	_ =	shalt  }
0x86: {  	_ =	shalt  }
0x87: {  	_ =	shalt  }
.Lfunc_end0:
.L_simem_size_0:
called_computation.7_lowered:
.L_overlay_start_0:
0x88: {  	s2 =	sld [smem:$0x3FD9]  }
0x89: {  	s3 =	sld [smem:$0x3FFE];
	_ =	sdelay $0x1  }
0x8a: {  	s1 =	srdreg.scid  }
0x8b: {  	s0 =	sand.u32 $0x1, s1  }
0x8c: {  	s15 =	sshll.u32 s0, $0xA;
	s2 =	sadd.s32 s3, s2  }
0x8d: {  	s2 =	sadd.s32 s2, s15  }
0x8e: {  	[smem:$0x3FB3] =	sst s2  }
0x8f: {  	_ = 	snop  }
0x90: {  	s2 =	sld [smem:$0x3FD0];
	_ =	sdelay $0x2  }
0x91: {  	s4 =	simm.s32 $0xD;
	s16 =	simm.s32 $0x10  }
0x92: {  	[smem:s16], [sflag:s4] =	dma.local [hbm:s2], $0x1  }
0x93: {  	_ =	swait.eq [sflag:s4], $0x1  }
0x94: {  	[sflag:s4] =	ssyncset.done $0x0  }
0x95: {  	s17 =	sld [smem:$0x10];
	[sflag:s4] =	ssyncadd.s32 $0xFFFFFFFF  }
0x96: {  	s18 =	sld [smem:$0x13];
	(tm) =	ssettm $0x1  }
0x97: {  	s19 =	sld [smem:$0x3FFB];
	_ =	sdelay $0x3  }
0x98: {  	_ =	strace s19  }
0x99: {  	s2 =	sld [smem:$0x3FFC];
	_ =	sdelay $0x3  }
0x9a: {  	_ =	strace s2  }
0x9b: {  	s2 =	sld [smem:$0x3FFD];
	_ =	sdelay $0x3  }
0x9c: {  	_ =	strace s2  }
0x9d: {  	_ =	strace $0x8FFFFFFF  }
0x9e: {  	s20 =	sld [smem:$0x3FDB];
	_ =	sdelay $0x1  }
0x9f: {  	s5 =	simm.s32 $_scs_section_size  }
0xa0: {  	s6 =	simm.s32 $_size__tile_overlayer_lowered;
	s7 =	simm.s32 $_tile_overlayer_lowered  }
0xa1: {  	s8 =	simm.s32 $0x1BFF;
	s21 =	sshll.u32 s7, $0x1;
	s5 =	sadd.s32 s5, s20  }
0xa2: {  	s22 =	simm.s32 $0x0;
	s6 =	sshll.u32 s6, $0x1;
	s7 =	sadd.s32 s21, s5  }
0xa3: {  	[timem:s22], [sflag:s8] =	dma.local [hbm:s7], s6  }
0xa4: {  	_ =	swait.ge [sflag:s8], s6  }
0xa5: {  	s6 =	ssub.s32 $0x0, s6;
	[sflag:s8] =	ssyncset.done $0x0  }
0xa6: {  	[sflag:s8] =	ssyncadd.s32 s6;
	_ =	sdelay $0x1  }
0xa7: {  	s23 =	simm.s32 $0x1B8B  }
0xa8: {  	_ =	swait.ge [sflag:s23], $0x1  }
0xa9: {  	[sflag:s23] =	ssyncset.done $0x0  }
0xaa: {  	[sflag:s23] =	ssyncadd.s32 $0xFFFFFFFF  }
0xab: {  	s6 =	sld [smem:$0x0]  }
0xac: {  	s7 =	sand.u32 $0xFFFFFFFE, s1  }
0xad: {  	p0 =	sne.s32 s1, s7  }
0xae: {  	s7 =	sshll.u32 @p0 s7, $0xE  }
0xaf: {  	s7 =	sadd.s32 @p0 $0x11B8D, s7;
	s8 =	sshll.u32 @p0 s6, $0x11  }
0xb0: {  	s7 =	sor.u32 @p0 s8, s7  }
0xb1: {  	[sflag:s7] =	ssyncadd.remote.s32 @p0 $0x1;
	_ =	sdelay $0x1  }
0xb2: {  	s7 =	simm.s32 @p0 $0x1B8D  }
0xb3: {  	_ =	swait.eq @p0 [sflag:s7], $0x1  }
0xb4: {  	[sflag:s7] =	ssyncadd.s32 @p0 $0xFFFFFFFF  }
0xb5: {  	s8 =	sshll.u32 @!p0 s1, $0xE  }
0xb6: {  	s8 =	sor.u32 @!p0 $0x4000, s8;
	s7 =	simm.s32 @!p0 $0x1B8D  }
0xb7: {  	s6 =	sshll.u32 @!p0 s6, $0x11;
	s8 =	sadd.s32 @!p0 $0x11B8D, s8;
	_ =	swait.eq @!p0 [sflag:s7], $0x1  }
0xb8: {  	s6 =	sor.u32 @!p0 s6, s8;
	[sflag:s7] =	ssyncadd.s32 @!p0 $0xFFFFFFFF  }
0xb9: {  	s25 =	simm.s32 $0x1B8E;
	s24 =	sld [smem:$0x3FFE];
	[sflag:s6] =	ssyncadd.remote.s32 @!p0 $0x1  }
0xba: {  	s26 =	simm.s32 $execute0_lowered;
	[smem:$0x3FD2] =	sst s25  }
0xbb: {  	s7 =	sshll.u32 s26, $0x1;
	_ =	strace $0x80000058;
	[dreg:$0x1] =	wrdreg $0xFFFFFFFF  }
0xbc: {  	s28 =	simm.s32 $_size_execute0_lowered;
	s5 =	sadd.s32 s5, s7;
	[dreg:$0x0] =	wrdreg $0x0  }
0xbd: {  	s7 =	sshll.u32 s28, $0x1;
	[dreg:$0x2] =	wrdreg s5  }
0xbe: {  	[dreg:$0x3] =	wrdreg s7  }
0xbf: {  	[dreg:$0x4] =	wrdreg $0xC0  }
0xc0: {  	_ =	task [dreg:s22], $0x5FFFF  }
0xc1: {  	[dreg:$0x1] =	wrdreg $0xFFFFFFFF  }
0xc2: {  	[dreg:$0x0] =	wrdreg $0x60  }
0xc3: {  	[dreg:$0x2] =	wrdreg s17  }
0xc4: {  	[dreg:$0x3] =	wrdreg s18  }
0xc5: {  	[dreg:$0x4] =	wrdreg s24  }
0xc6: {  	[dreg:$0x5] =	wrdreg $0x9D000  }
0xc7: {  	[dreg:$0x6] =	wrdreg $0xA  }
0xc8: {  	_ =	task.clear_ibuf [dreg:s22], $0x7FFFF;
	_ =	strace $0x90000058  }
0xc9: {  	s29 =	simm.s32 $0xA;
	_ =	strace $0x8000005A  }
0xca: {  	_ =	swait.ge [sflag:s29], $0x1  }
0xcb: {  	[sflag:s29] =	ssyncadd.s32 $0xFFFFFFFF  }
0xcc: {  	_ =	strace $0x9000005A  }
0xcd: {  	_ =	sfence  }
0xce: {  	s30 =	sld [smem:$0x0];
	_ =	sdelay $0x2  }
0xcf: {  	s31 =	sshll.u32 s1, $0xD;
	s1 =	sshrl.u32 s1, $0x2  }
0xd0: {  	s4 =	sand.u32 $0x4000, s31;
	s1 =	sadd.s32 s1, s30  }
0xd1: {  	s0 =	sor.u32 s4, s0;
	s1 =	sshll.u32 s1, $0x11  }
0xd2: {  	s0 =	sor.u32 s1, s0  }
0xd3: {  	s0 =	sadd.s32 $0x8F2B, s0  }
0xd4: {  	[sflag:s0] =	ssyncadd.remote.s32 $0x1  }
0xd5: {  	_ =	sfence.sel $0xFFFF  }
0xd6: {  	[dreg:$0x0] =	wrdreg $0xFFFFFFFF;
	(pc) =	sbr.abs _section_cstart, $3  }
0xd7: {  	[dreg:$0x1] =	wrdreg $0xFFFFFFFF  }
0xd8: {  	_ =	task.clear_ibuf [dreg:s22], $0x2FFFF;
	_ =	strace $0x9FFFFFFF  }
0xd9: {  	(tm) =	ssettm $0x7FFFFFFF  }
tec
execute0_lowered:
.L_overlay_start_1:
0x0: {  	(tag) =	ssettag $0x1  }
0x1: {  	s1 =	rddreg [dreg:$0x0]  }
0x2: {  	s0 =	rddreg [dreg:$0x1]  }
0x3: {  	s3 =	rddreg [dreg:$0x2]  }
0x4: {  	s2 =	rddreg [dreg:$0x3];
	s4 =	simm.s32 $0x0  }
0x5: {  	s5 =	srdreg.scid;
	s20 =	stileid.u32;
	s28 =	simm.s32 $0x4  }
0x6: {  	s29 =	simm.s32 $0x3;
	s31 =	simm.s32 $0x0;
	s11 =	smul.u32 $0x2700, s20  }
0x7: {  	[smem:$0x7FF] =	sst s4;
	s8 =	sand.u32 $0x1, s5;
	s9 =	smul.u32 $0x4E000, s20  }
0x8: {  	s15 =	sadd.s32 $0x7400, s3;
	s23 =	sshll.u32 s20, $0x6;
	s25 =	smul.u32 $0x3200, s20  }
0x9: {  	s18 =	sadd.s32 $0x138000, s2;
	p0 =	sne.s32 s20, $0xF;
	s14 =	smul.u32 $0x27100, s8  }
0xa: {  	_ =	strace $0x80000059;
	s5 =	sshll.u32 s8, $0x4;
	s17 =	smul.u32 $0x138800, s8  }
0xb: {  	s6 =	ssub.s32 $0x2, s8;
	[dreg:$0x5] =	wrdreg s23;
	s19 =	smul.u32 $0x32000, s8  }
0xc: {  	s7 =	sor.u32 s20, s5;
	s5 =	sadd.s32 $0x13C00, s3;
	s10 =	sshrl.u32 s6, $0x1  }
0xd: {  	s3 =	sadd.s32 $0x16400, s3;
	s22 =	sshrl.u32 s9, $0x2;
	s12 =	smul.u32 $0x680, s7  }
0xe: {  	s20 =	simm.s32 $0x64;
	s13 =	ssub.s32 s6, s10;
	s21 =	smul.u32 $0x3200, s7  }
0xf: {  	s16 =	sadd.s32 s22, s2;
	s7 =	sor.u32 $0x1C05, s23;
	s11 =	sadd.s32 s11, s14  }
0x10: {  	s26 =	sshrl.u32 s17, $0x3;
	s17 =	sshrl.u32 @!p0 s18, $0x3;
	s18 =	simm.s32 $0x6  }
0x11: {  	s22 =	simm.s32 $0x5;
	s23 =	simm.s32 $0x6900;
	s11 =	sadd.s32 s3, s11  }
0x12: {  	s3 =	sadd.s32 s3, s26;
	s13 =	smax.u32 s13, $0x1;
	s16 =	sshrl.u32 s16, $0x3  }
0x13: {  	s26 =	simm.s32 $0x2;
	s24 =	sshrl.u32 s21, $0x3;
	s0 =	sadd.s32 s0, s12  }
0x14: {  	s12 =	sadd.s32 $0x27000, s3;
	s21 =	simm.s32 $0x3500;
	[dreg:$0x6] =	wrdreg s0  }
0x15: {  	s9 =	sadd.s32 s15, s24;
	s0 =	sadd.s32 s25, s19;
	s19 =	simm.s32 $0x3400  }
0x16: {  	s24 =	simm.s32 $0x3480;
	s30 =	sor.u32 $0x100, s0;
	s0 =	sor.u32 $0x80, s0  }
0x17: {  	s25 =	simm.s32 $0x1;
	s3 =	sshrl.u32 s30, $0x3;
	s0 =	sshrl.u32 s0, $0x3  }
0x18: {  	s10 =	sadd.s32 $0x630, s9;
	s14 =	sadd.s32 s3, s15;
	s15 =	sadd.s32 s0, s15  }
.LBB2_1:
0x19: {  	[spmem:s16], [sflag:s7] =	dma.local [hbm:s5], $0x2700  }
0x1a: {  	[spmem:s17], [sflag:s7] =	dma.local @!p0 [hbm:s5], $0x100  }
0x1b: {  	s0 =	rddreg [dreg:$0x6]  }
0x1c: {  	[tilespmem:s4], [sflag:$0x6] =	stream.linear.gather [hbm4b:s0+s4], $0x3200, $0x38;
	[tilespmem:$0x1D580] =	vst v63  }
0x1d: {  	_ =	swait.ge [sflag:s18], $0x3200  }
0x1e: {  	[sflag:s18] =	ssyncset.done $0x0  }
0x1f: {  	[sflag:s18] =	ssyncadd.s32 $0xFFFFCE00  }
0x20: {  	[tilespmem:s19], [sflag:$0x6] =	stream.linear.gather [hbm4b:s9+s4], $0x80, $0x38;
	[tilespmem:$0x1D580] =	vst v63  }
0x21: {  	_ =	swait.ge [sflag:s18], $0x80  }
0x22: {  	[sflag:s18] =	ssyncset.done $0x0  }
0x23: {  	[sflag:s18] =	ssyncadd.s32 $0xFFFFFF80  }
0x24: {  	[tilespmem:s21], [sflag:$0x1] =	stream.indirect.gather [hbm4b:s1+s20], $0x80, s4, s20, $0xb8;
	[tilespmem:$0x1D580] =	vst v63  }
0x25: {  	_ =	swait.ge [sflag:s22], $0x2700  }
0x26: {  	[sflag:s22] =	ssyncset.done $0x0  }
0x27: {  	s0 =	simm.s32 @!p0 $0x5;
	[sflag:s22] =	ssyncadd.s32 $0xFFFFD900  }
0x28: {  	_ =	swait.ge @!p0 [sflag:s0], $0x100  }
0x29: {  	[sflag:s0] =	ssyncset.done @!p0 $0x0  }
0x2a: {  	[sflag:s0] =	ssyncadd.s32 @!p0 $0xFFFFFF00  }
0x2b: {  	s8 =	simm.s32 $0x80;
	[bflag:$0x0] =	sbarrier.arrive $0xFFFF  }
0x2c: {  	[tilespmem:s23], [sflag:$0x2] =	stream.indirect.gather [hbm4b:s1+s20], $0x80, s8, s20, $0xb8;
	[tilespmem:$0x1D580] =	vst v63  }
0x2d: {  	s3 =	sadd.s32 $0x0, s15  }
0x2e: {  	[tilespmem:s24], [sflag:$0x4] =	stream.linear.gather [hbm4b:s3+s4], $0x80, $0x38;
	[tilespmem:$0x1D580] =	vst v63  }
0x2f: {  	_ =	swait.ge [sflag:s25], $0x3200  }
0x30: {  	[sflag:s25] =	ssyncset.done $0x0  }
0x31: {  	[sflag:s25] =	ssyncadd.s32 $0xFFFFCE00  }
0x32: {  	[spmem:s2] =	stream.indirect.scatter.add.f32 [tilespmem:s21], [sflag:$0x6], $0x80, s19, s20, $0xb8;
	[tilespmem:$0x1D580] =	vst v63  }
0x33: {  	_ =	swait.ge [sflag:s18], $0x3200  }
0x34: {  	[sflag:s18] =	ssyncset.done $0x0  }
0x35: {  	s6 =	simm.s32 $0x100;
	[sflag:s18] =	ssyncadd.s32 $0xFFFFCE00  }
0x36: {  	[tilespmem:s21], [sflag:$0x1] =	stream.indirect.gather [hbm4b:s1+s20], $0x80, s6, s20, $0xb8;
	[tilespmem:$0x1D580] =	vst v63  }
0x37: {  	s8 =	sadd.s32 $0x0, s14  }
0x38: {  	[tilespmem:s19], [sflag:$0x3] =	stream.linear.gather [hbm4b:s8+s4], $0x80, $0x38;
	[tilespmem:$0x1D580] =	vst v63  }
0x39: {  	_ =	swait.ge [sflag:s26], $0x3200  }
0x3a: {  	[sflag:s26] =	ssyncset.done $0x0  }
0x3b: {  	[sflag:s26] =	ssyncadd.s32 $0xFFFFCE00  }
0x3c: {  	_ =	swait.ge [sflag:s28], $0x80  }
0x3d: {  	[sflag:s28] =	ssyncset.done $0x0  }
0x3e: {  	[sflag:s28] =	ssyncadd.s32 $0xFFFFFF80  }
0x3f: {  	[spmem:s2] =	stream.indirect.scatter.add.f32 [tilespmem:s23], [sflag:$0x6], $0x80, s24, s20, $0xb8;
	[tilespmem:$0x1D580] =	vst v63  }
0x40: {  	_ =	swait.ge [sflag:s18], $0x3200  }
0x41: {  	[sflag:s18] =	ssyncset.done $0x0  }
0x42: {  	[sflag:s18] =	ssyncadd.s32 $0xFFFFCE00  }
0x43: {  	s30 =	simm.s32 $0x40;
	_ =	swait.ge [sflag:s29], $0x80  }
0x44: {  	s0 =	simm.s32 $0x20;
	s3 =	simm.s32 $0x200;
	[sflag:s29] =	ssyncset.done $0x0  }
.LBB2_2:
0x45: {  	p1 =	sne.s32 s30, $0x600;
	s6 =	sadd.s32 $0xFFFFFF80, s3;
	[sflag:s29] =	ssyncadd.s32 $0xFFFFFF80  }
0x46: {  	[tilespmem:s23], [sflag:$0x2] =	stream.indirect.gather [hbm4b:s1+s20], $0x80, s6, s20, $0xb8;
	[tilespmem:$0x1D580] =	vst v63  }
0x47: {  	s8 =	smov.u32 s30;
	s30 =	sadd.s32 $0x20, s30;
	s6 =	sadd.s32 s0, s15  }
0x48: {  	[tilespmem:s24], [sflag:$0x4] =	stream.linear.gather [hbm4b:s6+s4], $0x80, $0x38;
	[tilespmem:$0x1D580] =	vst v63  }
0x49: {  	_ =	swait.ge [sflag:s25], $0x3200  }
0x4a: {  	[sflag:s25] =	ssyncset.done $0x0  }
0x4b: {  	[sflag:s25] =	ssyncadd.s32 $0xFFFFCE00  }
0x4c: {  	[spmem:s2] =	stream.indirect.scatter.add.f32 [tilespmem:s21], [sflag:$0x6], $0x80, s19, s20, $0xb8;
	[tilespmem:$0x1D580] =	vst v63  }
0x4d: {  	_ =	swait.ge [sflag:s18], $0x3200  }
0x4e: {  	[sflag:s18] =	ssyncset.done $0x0  }
0x4f: {  	[sflag:s18] =	ssyncadd.s32 $0xFFFFCE00  }
0x50: {  	[tilespmem:s21], [sflag:$0x1] =	stream.indirect.gather [hbm4b:s1+s20], $0x80, s3, s20, $0xb8;
	[tilespmem:$0x1D580] =	vst v63  }
0x51: {  	s6 =	sadd.s32 s0, s14;
	s0 =	smov.u32 s8  }
0x52: {  	[tilespmem:s19], [sflag:$0x3] =	stream.linear.gather [hbm4b:s6+s4], $0x80, $0x38;
	[tilespmem:$0x1D580] =	vst v63  }
0x53: {  	_ =	swait.ge [sflag:s26], $0x3200  }
0x54: {  	[sflag:s26] =	ssyncset.done $0x0  }
0x55: {  	[sflag:s26] =	ssyncadd.s32 $0xFFFFCE00  }
0x56: {  	_ =	swait.ge [sflag:s28], $0x80  }
0x57: {  	[sflag:s28] =	ssyncset.done $0x0  }
0x58: {  	[sflag:s28] =	ssyncadd.s32 $0xFFFFFF80  }
0x59: {  	[spmem:s2] =	stream.indirect.scatter.add.f32 [tilespmem:s23], [sflag:$0x6], $0x80, s24, s20, $0xb8;
	[tilespmem:$0x1D580] =	vst v63  }
.Ltmp0:
0x5a: {  	_ =	swait.ge [sflag:s18], $0x3200;
	(pc) =	sbr.rel @p1 .LBB2_2-.Ltmp0, $4  }
0x5b: {  	[sflag:s18] =	ssyncset.done $0x0  }
0x5c: {  	[sflag:s18] =	ssyncadd.s32 $0xFFFFCE00  }
0x5d: {  	_ =	swait.ge [sflag:s29], $0x80  }
0x5e: {  	s3 =	sadd.s32 $0x100, s3;
	[sflag:s29] =	ssyncset.done $0x0  }
0x5f: {  	s6 =	sadd.s32 $0xFFFFFF80, s3;
	[sflag:s29] =	ssyncadd.s32 $0xFFFFFF80  }
0x60: {  	[tilespmem:s23], [sflag:$0x2] =	stream.indirect.gather [hbm4b:s1+s20], $0x80, s6, s20, $0xb8;
	[tilespmem:$0x1D580] =	vst v63  }
0x61: {  	s30 =	sadd.s32 s0, s15  }
0x62: {  	[tilespmem:s24], [sflag:$0x4] =	stream.linear.gather [hbm4b:s30+s4], $0x80, $0x38;
	[tilespmem:$0x1D580] =	vst v63  }
0x63: {  	_ =	swait.ge [sflag:s25], $0x3200  }
0x64: {  	[sflag:s25] =	ssyncset.done $0x0  }
0x65: {  	[sflag:s25] =	ssyncadd.s32 $0xFFFFCE00  }
0x66: {  	[spmem:s2] =	stream.indirect.scatter.add.f32 [tilespmem:s21], [sflag:$0x6], $0x80, s19, s20, $0xb8;
	[tilespmem:$0x1D580] =	vst v63  }
0x67: {  	_ =	swait.ge [sflag:s18], $0x3200  }
0x68: {  	[sflag:s18] =	ssyncset.done $0x0  }
0x69: {  	[sflag:s18] =	ssyncadd.s32 $0xFFFFCE00  }
0x6a: {  	[tilespmem:s21], [sflag:$0x1] =	stream.indirect.gather [hbm4b:s1+s20], $0x80, s3, s20, $0xb8;
	[tilespmem:$0x1D580] =	vst v63  }
0x6b: {  	s6 =	sadd.s32 s0, s14  }
0x6c: {  	[tilespmem:s19], [sflag:$0x3] =	stream.linear.gather [hbm4b:s6+s4], $0x80, $0x38;
	[tilespmem:$0x1D580] =	vst v63  }
0x6d: {  	_ =	swait.ge [sflag:s26], $0x3200  }
0x6e: {  	[sflag:s26] =	ssyncset.done $0x0  }
0x6f: {  	[sflag:s26] =	ssyncadd.s32 $0xFFFFCE00  }
0x70: {  	_ =	swait.ge [sflag:s28], $0x80  }
0x71: {  	[sflag:s28] =	ssyncset.done $0x0  }
0x72: {  	[sflag:s28] =	ssyncadd.s32 $0xFFFFFF80  }
0x73: {  	[spmem:s2] =	stream.indirect.scatter.add.f32 [tilespmem:s23], [sflag:$0x6], $0x80, s24, s20, $0xb8;
	[tilespmem:$0x1D580] =	vst v63  }
0x74: {  	_ =	swait.ge [sflag:s18], $0x3200  }
0x75: {  	[sflag:s18] =	ssyncset.done $0x0  }
0x76: {  	[sflag:s18] =	ssyncadd.s32 $0xFFFFCE00  }
0x77: {  	_ =	swait.ge [sflag:s29], $0x80  }
0x78: {  	[sflag:s29] =	ssyncset.done $0x0  }
0x79: {  	s8 =	simm.s32 $0x3180;
	[sflag:s29] =	ssyncadd.s32 $0xFFFFFF80  }
0x7a: {  	[tilespmem:s23], [sflag:$0x2] =	stream.indirect.gather [hbm4b:s1+s20], $0x80, s8, s20, $0xb8;
	[tilespmem:$0x1D580] =	vst v63  }
0x7b: {  	_ = 	snop  }
0x7c: {  	[tilespmem:s24], [sflag:$0x4] =	stream.linear.gather [hbm4b:s10+s4], $0x80, $0x38;
	[tilespmem:$0x1D580] =	vst v63  }
0x7d: {  	_ =	swait.ge [sflag:s25], $0x3200  }
0x7e: {  	[sflag:s25] =	ssyncset.done $0x0  }
0x7f: {  	[sflag:s25] =	ssyncadd.s32 $0xFFFFCE00  }
0x80: {  	[spmem:s2] =	stream.indirect.scatter.add.f32 [tilespmem:s21], [sflag:$0x6], $0x80, s19, s20, $0xb8;
	[tilespmem:$0x1D580] =	vst v63  }
0x81: {  	_ =	swait.ge [sflag:s18], $0x3200  }
0x82: {  	[sflag:s18] =	ssyncset.done $0x0  }
0x83: {  	[sflag:s18] =	ssyncadd.s32 $0xFFFFCE00  }
0x84: {  	_ =	swait.ge [sflag:s26], $0x3200  }
0x85: {  	[sflag:s26] =	ssyncset.done $0x0  }
0x86: {  	[sflag:s26] =	ssyncadd.s32 $0xFFFFCE00  }
0x87: {  	_ =	swait.ge [sflag:s28], $0x80  }
0x88: {  	[sflag:s28] =	ssyncset.done $0x0  }
0x89: {  	[sflag:s28] =	ssyncadd.s32 $0xFFFFFF80  }
0x8a: {  	[spmem:s2] =	stream.indirect.scatter.add.f32 [tilespmem:s23], [sflag:$0x6], $0x80, s24, s20, $0xb8;
	[tilespmem:$0x1D580] =	vst v63  }
0x8b: {  	_ =	swait.ge [sflag:s18], $0x3200  }
0x8c: {  	[sflag:s18] =	ssyncset.done $0x0  }
0x8d: {  	[sflag:s18] =	ssyncadd.s32 $0xFFFFCE00  }
0x8e: {  	[bflag:$0x0] =	sbarrier.arrive $0xFFFF  }
0x8f: {  	s30 =	rddreg [dreg:$0x5]  }
0x90: {  	s0 =	sor.u32 $0x1C06, s30  }
0x91: {  	[hbm:s11], [sflag:s0] =	dma.local [spmem:s16], $0x2700  }
0x92: {  	_ =	swait.ge [sflag:s18], $0x2700  }
0x93: {  	s31 =	sadd.s32 $0x1, s31;
	[sflag:s18] =	ssyncset.done $0x0  }
0x94: {  	p1 =	sne.s32 s31, s13;
	[sflag:s18] =	ssyncadd.s32 $0xFFFFD900  }
0x95: {  	[hbm:s12], [sflag:s0] =	dma.local @!p0 [spmem:s17], $0x100  }
.Ltmp1:
0x96: {  	_ = 	snop;
	(pc) =	sbr.rel @p1 .LBB2_1-.Ltmp1, $4  }
0x97: {  	s0 =	simm.s32 @!p0 $0x6  }
0x98: {  	_ =	swait.ge @!p0 [sflag:s0], $0x100  }
0x99: {  	[sflag:s0] =	ssyncset.done @!p0 $0x0  }
0x9a: {  	[sflag:s0] =	ssyncadd.s32 @!p0 $0xFFFFFF00  }
0x9b: {  	_ =	sfence.sel $0x180000  }
0x9c: {  	[bflag:$0x0] =	sbarrier.arrive $0xFFFF  }
0x9d: {  	_ =	strace $0x90000059  }
0x9e: {  	s0 =	stileid.u32;
	[bflag:$0x2] =	sbarrier.arrive $0xFFFF  }
0x9f: {  	p0 =	sne.s32 s0, $0x0;
	s0 =	rddreg [dreg:$0x4]  }
0xa0: {  	s0 =	sadd.s32 @!p0 $0x100000, s0  }
0xa1: {  	[sflag:s0] =	ssyncadd.tile.s32 @!p0 $0x1;
	_ =	shalt  }
.Lfunc_end2:
_tile_overlayer_lowered:
.L_overlay_start_2:
0xa2: {  	(tag) =	ssettag $0x2  }
0xa3: {  	s0 =	rddreg [dreg:$0x0];
	s2 =	stileid.u32  }
0xa4: {  	s1 =	rddreg [dreg:$0x1];
	p0 =	sne.s32 s2, $0x0  }
0xa5: {  	s3 =	rddreg [dreg:$0x2];
	[bflag:$0x3] =	sbarrier.arrive $0xFFFF;
	s2 =	simm.s32 @!p0 $0x1C06  }
0xa6: {  	[timem:s3], [sflag:s2] =	dma.local @!p0 [hbm:s0], s1  }
0xa7: {  	s0 =	simm.s32 @!p0 $0x6  }
0xa8: {  	_ =	swait.ge @!p0 [sflag:s0], s1  }
0xa9: {  	s1 =	ssub.s32 @!p0 $0x0, s1;
	[sflag:s0] =	ssyncset.done @!p0 $0x0  }
0xaa: {  	[sflag:s0] =	ssyncadd.s32 @!p0 s1  }
0xab: {  	[bflag:$0x3] =	sbarrier.arrive $0xFFFF  }
0xac: {  	_ =	shalt  }

</sc_bundles>
